<compile_context>
chip_gen: v7x
topology: tpu7x:2x2x1
jax: 0.10.2.dev20260603
libtpu: 0.0.44.dev20260713+nightly
codegen_flags: <defaults>
</compile_context>

<pallas_src>
import functools

import jax
import jax.numpy as jnp
from jax import lax
from jax.experimental import pallas as pl
from jax.experimental.pallas import tpu as pltpu
from jax.experimental.pallas import tpu_sc as plsc

_N, _E, _D, _C = 10000, 320000, 128, 4
_NC, _NS = 2, 16
_NW = _NC * _NS
_CH = 80
_NCHT = _E // (_NW * _CH)
_ET = _E // _NW
_ZT = 10
_NPT = _N // _ZT
_GB = 5
_NG = _NCHT // _GB
_ROWB = 1000
_EB = 2000

_HIGH = lax.Precision.HIGHEST


def _mesh():
    return plsc.VectorSubcoreMesh(core_axis_name="c", subcore_axis_name="s")




_FCH = 128
_FNC = 80
_FBLK = 8
_FNB = _FNC // _FBLK
_SCH = 128
_SRB = 2
_SPR = _FCH // _SCH
_SPB = _FBLK * _SPR
_AHD = _SRB // 2


def _sc_degree(dstf, zeros_bf, ones_bf):
    @functools.partial(
        pl.kernel,
        out_type=jax.ShapeDtypeStruct((_NC, _N, _D), jnp.float32),
        mesh=_mesh(),
        scratch_types=[
            pltpu.VMEM((_FNC, _FCH), jnp.int32),
            pltpu.VMEM((_FCH, _D), jnp.float32),
            pltpu.VMEM_SHARED((_N + 8, _D), jnp.float32),
        ] + [pltpu.SemaphoreType.DMA] * 4,
    )
    def k(dstf_hbm, zeros_hbm, ones_hbm, out_hbm, dstv, ones_v, acc, *sems):
        c = lax.axis_index("c")
        s = lax.axis_index("s")
        tid = c * _NS + s
        pltpu.sync_copy(ones_hbm, ones_v)
        pltpu.sync_copy(dstf_hbm.at[tid], dstv)

        @pl.when(s < _ZT)
        def _():
            pltpu.sync_copy(zeros_hbm.at[pl.ds(s * _NPT, _NPT)],
                            acc.at[pl.ds(s * _NPT, _NPT)])

        plsc.subcore_barrier()

        @pl.loop(0, _FNC // 4)
        def _(g):
            hs = [pltpu.async_copy(ones_v, acc.at[dstv.at[g * 4 + b]],
                                   sems[b], add=True)
                  for b in range(4)]
            for h in hs:
                h.wait()

        plsc.subcore_barrier()

        @pl.when(s < _ZT)
        def _():
            pltpu.sync_copy(acc.at[pl.ds(s * _NPT, _NPT)],
                            out_hbm.at[c, pl.ds(s * _NPT, _NPT)])

    return k(dstf, zeros_bf, ones_bf)


def _sc_segsum(y, srcf, dstf, zeros):
    @functools.partial(
        pl.kernel,
        out_type=jax.ShapeDtypeStruct((_NC, _N, _D), jnp.float32),
        mesh=_mesh(),
        scratch_types=[
            pltpu.VMEM((_FNC, _FCH), jnp.int32),
            pltpu.VMEM((_FBLK, _FCH), jnp.int32),
        ] + [pltpu.VMEM((_SCH, _D), jnp.float32)] * _SRB
          + [pltpu.VMEM_SHARED((_N + 8, _D), jnp.float32)]
          + [pltpu.SemaphoreType.DMA] * (2 * _SRB),
    )
    def k(y_hbm, srcf_hbm, dstf_hbm, zeros_hbm, out_hbm,
          srcv, dbuf, *rest):
        rows = rest[:_SRB]
        acc = rest[_SRB]
        gsem = rest[_SRB + 1:2 * _SRB + 1]
        ssem = rest[2 * _SRB + 1:]
        c = lax.axis_index("c")
        s = lax.axis_index("s")
        tid = c * _NS + s
        pltpu.sync_copy(srcf_hbm.at[tid], srcv)

        @pl.when(s < _ZT)
        def _():
            pltpu.sync_copy(zeros_hbm.at[pl.ds(s * _NPT, _NPT)],
                            acc.at[pl.ds(s * _NPT, _NPT)])

        plsc.subcore_barrier()

        def gather(blk, i, b):
            return pltpu.async_copy(
                y_hbm.at[srcv.at[blk * _FBLK + i // _SPR,
                                 pl.ds((i % _SPR) * _SCH, _SCH)]],
                rows[b], gsem[b])

        @pl.loop(0, _FNB)
        def _(blk):
            pltpu.sync_copy(dstf_hbm.at[tid, pl.ds(blk * _FBLK, _FBLK)], dbuf)
            ghs = {}
            shs = {}
            for i in range(_AHD):
                ghs[i] = gather(blk, i, i % _SRB)
            for i in range(_SPB):
                b = i % _SRB
                if i + _AHD < _SPB:
                    b2 = (i + _AHD) % _SRB
                    if i >= _AHD:
                        shs[i - _AHD].wait()
                    ghs[i + _AHD] = gather(blk, i + _AHD, b2)
                ghs[i].wait()
                shs[i] = pltpu.async_copy(
                    rows[b],
                    acc.at[dbuf.at[i // _SPR, pl.ds((i % _SPR) * _SCH, _SCH)]],
                    ssem[b], add=True)
            for j in range(_SPB - _SRB, _SPB):
                shs[j].wait()

        plsc.subcore_barrier()

        @pl.when(s < _ZT)
        def _():
            pltpu.sync_copy(acc.at[pl.ds(s * _NPT, _NPT)],
                            out_hbm.at[c, pl.ds(s * _NPT, _NPT)])

    return k(y, srcf, dstf, zeros)


_NCH2 = _E // (_NS * _CH)
_NG2 = _NCH2 // _GB


def _sc_gather2(hA, hB, src2, dst2):
    @functools.partial(
        pl.kernel,
        out_type=[jax.ShapeDtypeStruct((_E, _D), jnp.float32),
                  jax.ShapeDtypeStruct((_E, _D), jnp.float32)],
        mesh=_mesh(),
        scratch_types=[pltpu.VMEM((_NCH2, _CH), jnp.int32)]
          + [pltpu.VMEM((_CH, _D), jnp.float32)] * _GB
          + [pltpu.SemaphoreType.DMA] * _GB,
    )
    def k(hA_hbm, hB_hbm, src2_hbm, dst2_hbm, gA_hbm, gB_hbm, idxv, *rest):
        rows = rest[:_GB]
        sems = rest[_GB:]
        c = lax.axis_index("c")
        s = lax.axis_index("s")
        ebase = s * (_E // _NS)

        def run(tab_hbm, idx_hbm, out_hbm):
            pltpu.sync_copy(idx_hbm.at[s], idxv)

            @pl.loop(0, _NG2)
            def _(g):
                j0 = g * _GB
                ghs = [pltpu.async_copy(tab_hbm.at[idxv.at[j0 + b]],
                                        rows[b], sems[b])
                       for b in range(_GB)]
                for b in range(_GB):
                    ghs[b].wait()
                    pltpu.sync_copy(
                        rows[b],
                        out_hbm.at[pl.ds(ebase + (j0 + b) * _CH, _CH)])

        @pl.when(c == 0)
        def _():
            run(hA_hbm, src2_hbm, gA_hbm)

        @pl.when(c == 1)
        def _():
            run(hB_hbm, dst2_hbm, gB_hbm)

    return k(hA, hB, src2, dst2)




def _tc_first(x, W0, degp):
    def body(x_ref, w_ref, degp_ref, y_ref, dinv_ref):
        deg = degp_ref[0, :, 0:1] + degp_ref[1, :, 0:1] + 1.0
        dinv = lax.rsqrt(deg)
        dinv_ref[...] = jnp.broadcast_to(dinv, (x_ref.shape[0], _D))
        xw = jnp.dot(x_ref[...], w_ref[...], precision=_HIGH,
                     preferred_element_type=jnp.float32)
        y_ref[...] = dinv * xw

    grid = (_N // _ROWB,)
    return pl.pallas_call(
        body,
        grid=grid,
        in_specs=[
            pl.BlockSpec((_ROWB, _D), lambda i: (i, 0)),
            pl.BlockSpec((_D, _D), lambda i: (0, 0)),
            pl.BlockSpec((_NC, _ROWB, _D), lambda i: (0, i, 0)),
        ],
        out_specs=[
            pl.BlockSpec((_ROWB, _D), lambda i: (i, 0)),
            pl.BlockSpec((_ROWB, _D), lambda i: (i, 0)),
        ],
        out_shape=[jax.ShapeDtypeStruct((_N, _D), jnp.float32),
                   jax.ShapeDtypeStruct((_N, _D), jnp.float32)],
    )(x, W0, degp)


def _tc_mid(y, p, dinv, W, b):
    def body(y_ref, p_ref, dinv_ref, w_ref, b_ref, o_ref):
        z = y_ref[...] + p_ref[0] + p_ref[1]
        h = jnp.maximum(dinv_ref[...] * z + b_ref[...], 0.0)
        o_ref[...] = dinv_ref[...] * jnp.dot(
            h, w_ref[...], precision=_HIGH, preferred_element_type=jnp.float32)

    grid = (_N // _ROWB,)
    return pl.pallas_call(
        body,
        grid=grid,
        in_specs=[
            pl.BlockSpec((_ROWB, _D), lambda i: (i, 0)),
            pl.BlockSpec((_NC, _ROWB, _D), lambda i: (0, i, 0)),
            pl.BlockSpec((_ROWB, _D), lambda i: (i, 0)),
            pl.BlockSpec((_D, _D), lambda i: (0, 0)),
            pl.BlockSpec((1, _D), lambda i: (0, 0)),
        ],
        out_specs=pl.BlockSpec((_ROWB, _D), lambda i: (i, 0)),
        out_shape=jax.ShapeDtypeStruct((_N, _D), jnp.float32),
    )(y, p, dinv, W, b.reshape(1, _D))


def _tc_last(y, p, dinv, b3, WlT, WlB, bl1):
    def body(y_ref, p_ref, dinv_ref, b_ref, wt_ref, wb_ref, bl_ref,
             a_ref, bout_ref):
        z = y_ref[...] + p_ref[0] + p_ref[1]
        h = dinv_ref[...] * z + b_ref[...]
        a_ref[...] = jnp.dot(h, wt_ref[...], precision=_HIGH,
                             preferred_element_type=jnp.float32) + bl_ref[...]
        bout_ref[...] = jnp.dot(h, wb_ref[...], precision=_HIGH,
                                preferred_element_type=jnp.float32)

    grid = (_N // _ROWB,)
    return pl.pallas_call(
        body,
        grid=grid,
        in_specs=[
            pl.BlockSpec((_ROWB, _D), lambda i: (i, 0)),
            pl.BlockSpec((_NC, _ROWB, _D), lambda i: (0, i, 0)),
            pl.BlockSpec((_ROWB, _D), lambda i: (i, 0)),
            pl.BlockSpec((1, _D), lambda i: (0, 0)),
            pl.BlockSpec((_D, _D), lambda i: (0, 0)),
            pl.BlockSpec((_D, _D), lambda i: (0, 0)),
            pl.BlockSpec((1, _D), lambda i: (0, 0)),
        ],
        out_specs=[
            pl.BlockSpec((_ROWB, _D), lambda i: (i, 0)),
            pl.BlockSpec((_ROWB, _D), lambda i: (i, 0)),
        ],
        out_shape=[jax.ShapeDtypeStruct((_N, _D), jnp.float32),
                   jax.ShapeDtypeStruct((_N, _D), jnp.float32)],
    )(y, p, dinv, b3.reshape(1, _D), WlT, WlB, bl1.reshape(1, _D))


def _tc_head(gA, gB, Wl2, bl2):
    def body(ga_ref, gb_ref, w_ref, b_ref, o_ref):
        e = jnp.maximum(ga_ref[...] + gb_ref[...], 0.0)
        logits = jnp.dot(e, w_ref[...], precision=_HIGH,
                         preferred_element_type=jnp.float32) + b_ref[...]
        m = jnp.max(logits, axis=-1, keepdims=True)
        ex = jnp.exp(logits - m)
        o_ref[...] = (logits - m) - jnp.log(jnp.sum(ex, axis=-1, keepdims=True))

    grid = (_E // _EB,)
    return pl.pallas_call(
        body,
        grid=grid,
        in_specs=[
            pl.BlockSpec((_EB, _D), lambda i: (i, 0)),
            pl.BlockSpec((_EB, _D), lambda i: (i, 0)),
            pl.BlockSpec((_D, _C), lambda i: (0, 0)),
            pl.BlockSpec((1, _C), lambda i: (0, 0)),
        ],
        out_specs=pl.BlockSpec((_EB, _C), lambda i: (i, 0)),
        out_shape=jax.ShapeDtypeStruct((_E, _C), jnp.float32),
    )(gA, gB, Wl2, bl2.reshape(1, _C))




def kernel(x, edge_index, W0, b0, W1, b1, W2, b2, W3, b3, Wl1, bl1, Wl2, bl2):
    pad = _FNC * _FCH - _ET
    srcf = jnp.pad(edge_index[0].reshape(_NW, _ET),
                   ((0, 0), (0, pad))).reshape(_NW, _FNC, _FCH)
    dstf = jnp.pad(edge_index[1].reshape(_NW, _ET), ((0, 0), (0, pad)),
                   constant_values=_N).reshape(_NW, _FNC, _FCH)
    zeros = jnp.zeros((_N, _D), jnp.float32)

    degp = _sc_degree(dstf, zeros, jnp.ones((_FCH, _D), jnp.float32))
    y, dinv = _tc_first(x, W0, degp)

    p = _sc_segsum(y, srcf, dstf, zeros)
    y = _tc_mid(y, p, dinv, W1, b0)
    p = _sc_segsum(y, srcf, dstf, zeros)
    y = _tc_mid(y, p, dinv, W2, b1)
    p = _sc_segsum(y, srcf, dstf, zeros)
    y = _tc_mid(y, p, dinv, W3, b2)
    p = _sc_segsum(y, srcf, dstf, zeros)

    hA, hB = _tc_last(y, p, dinv, b3, Wl1[:_D, :], Wl1[_D:, :], bl1)
    src2 = edge_index[0].reshape(_NS, _NCH2, _CH)
    dst2 = edge_index[1].reshape(_NS, _NCH2, _CH)
    gA, gB = _sc_gather2(hA, hB, src2, dst2)
    return _tc_head(gA, gB, Wl2, bl2)

# --- scband reference (transcript-rebuilt; emitter-appended) ---
"""Pipeline reference for scband-ba-shapes-gcn-edge-classification-26371099198064 (READ-ONLY COPY).

The authoritative reference and input builder live on the scoring server;
editing this copy changes nothing except your own understanding.
"""

import jax, jax.numpy as jnp
import numpy as np

N, E, D, H, C = 10000, 320000, 128, 128, 4


def gcn_conv(x, edge_index, W, b):
    n = x.shape[0]
    loop = jnp.arange(n, dtype=edge_index.dtype)
    src = jnp.concatenate([edge_index[0], loop])
    dst = jnp.concatenate([edge_index[1], loop])
    ones = jnp.ones(src.shape[0], dtype=x.dtype)
    deg = jax.ops.segment_sum(ones, dst, num_segments=n)
    dinv = jnp.where(deg > 0, 1.0 / jnp.sqrt(deg), 0.0)
    norm = dinv[src] * dinv[dst]
    xw = x @ W
    msg = norm[:, None] * xw[src]
    out = jax.ops.segment_sum(msg, dst, num_segments=n)
    return out + b


def setup_inputs(seed: int = 0):
    key = jax.random.key(seed)
    ks = jax.random.split(key, 16)
    x = jax.random.normal(ks[0], (N, D), dtype=jnp.float32)
    edge_index = jax.random.randint(ks[1], (2, E), 0, N, dtype=jnp.int32)
    s = 1.0 / np.sqrt(D)
    W0 = jax.random.normal(ks[2], (D, H), dtype=jnp.float32) * s
    b0 = jnp.zeros((H,), dtype=jnp.float32)
    sh = 1.0 / np.sqrt(H)
    W1 = jax.random.normal(ks[3], (H, H), dtype=jnp.float32) * sh
    b1 = jnp.zeros((H,), dtype=jnp.float32)
    W2 = jax.random.normal(ks[4], (H, H), dtype=jnp.float32) * sh
    b2 = jnp.zeros((H,), dtype=jnp.float32)
    W3 = jax.random.normal(ks[5], (H, H), dtype=jnp.float32) * sh
    b3 = jnp.zeros((H,), dtype=jnp.float32)
    s2 = 1.0 / np.sqrt(2 * H)
    Wl1 = jax.random.normal(ks[6], (2 * H, H), dtype=jnp.float32) * s2
    bl1 = jax.random.normal(ks[7], (H,), dtype=jnp.float32) * s2
    Wl2 = jax.random.normal(ks[8], (H, C), dtype=jnp.float32) * sh
    bl2 = jax.random.normal(ks[9], (C,), dtype=jnp.float32) * sh
    return {"x": x, "edge_index": edge_index, "W0": W0, "b0": b0, "W1": W1, "b1": b1,
            "W2": W2, "b2": b2, "W3": W3, "b3": b3, "Wl1": Wl1, "bl1": bl1, "Wl2": Wl2, "bl2": bl2}


def reference(x, edge_index, W0, b0, W1, b1, W2, b2, W3, b3, Wl1, bl1, Wl2, bl2):
    h = jax.nn.relu(gcn_conv(x, edge_index, W0, b0))
    h = jax.nn.relu(gcn_conv(h, edge_index, W1, b1))
    h = jax.nn.relu(gcn_conv(h, edge_index, W2, b2))
    h = gcn_conv(h, edge_index, W3, b3)
    e = jnp.concatenate([h[edge_index[0]], h[edge_index[1]]], axis=1)
    e = jax.nn.relu(e @ Wl1 + bl1)
    e = e @ Wl2 + bl2
    return jax.nn.log_softmax(e, axis=-1)

if __name__ == "__main__":
    import jax
    _d = setup_inputs()
    print(jax.jit(kernel)(*tuple(_d.values())))

</pallas_src>

<mosaic_0001>
#map = affine_map<(d0, d1) -> (0, 0)>
#map1 = affine_map<(d0, d1) -> (0, 0, 0)>
module attributes {stable_mosaic.version = 14 : i64} {
  func.func @k(%arg0: i32, %arg1: i32, %arg2: memref<10000x128xf32, #tpu.memory_space<hbm>>, %arg3: memref<32x80x128xi32, #tpu.memory_space<hbm>>, %arg4: memref<32x80x128xi32, #tpu.memory_space<hbm>>, %arg5: memref<10000x128xf32, #tpu.memory_space<hbm>>, %arg6: memref<2x10000x128xf32, #tpu.memory_space<hbm>>, %arg7: memref<80x128xi32, #tpu.memory_space<vmem>>, %arg8: memref<8x128xi32, #tpu.memory_space<vmem>>, %arg9: memref<128x128xf32, #tpu.memory_space<vmem>>, %arg10: memref<128x128xf32, #tpu.memory_space<vmem>>, %arg11: memref<10008x128xf32, #tpu.memory_space<vmem_shared>>, %arg12: memref<!tpu.dma_semaphore, #tpu.memory_space<semaphore_mem>>, %arg13: memref<!tpu.dma_semaphore, #tpu.memory_space<semaphore_mem>>, %arg14: memref<!tpu.dma_semaphore, #tpu.memory_space<semaphore_mem>>, %arg15: memref<!tpu.dma_semaphore, #tpu.memory_space<semaphore_mem>>) attributes {dimension_semantics = [#tpu.dimension_semantics<core_parallel>, #tpu.dimension_semantics<subcore_parallel>], iteration_bounds = array<i64: 2, 16>, scalar_prefetch = 0 : i64, scratch_operands = 9 : i64, tpu.core_type = #tpu.core_type<sc_vector_subcore>, window_params = [{transform_indices = #map}, {transform_indices = #map1}, {transform_indices = #map1}, {transform_indices = #map}, {transform_indices = #map1}]} {
    %mul3A = arith.constant 16 : i32
    %mul3A_0 = arith.muli %arg0, %mul3A : i32
    %add3A = arith.addi %mul3A_0, %arg1 : i32
    "tpu.region"() ({
      %run_scoped3A = tpu.sem_alloc : memref<!tpu.dma_semaphore, #tpu.memory_space<semaphore_mem>>
      %dma_start3A = arith.constant 0 : i32
      %dma_start3A_13 = arith.constant 0 : i32
      %dma_start3A_14 = tpu.memref_slice %arg3[%add3A, %dma_start3A, %dma_start3A_13] : memref<32x80x128xi32, #tpu.memory_space<hbm>> -> memref<1x80x128xi32, #tpu.memory_space<hbm>>
      %dma_start3A_15 = tpu.memref_squeeze %dma_start3A_14 : memref<1x80x128xi32, #tpu.memory_space<hbm>> -> memref<80x128xi32, #tpu.memory_space<hbm>>
      %dma_start3A_16 = arith.constant 0 : i32
      %dma_start3A_17 = arith.constant 0 : i32
      %dma_start3A_18 = tpu.memref_slice %arg3[%add3A, %dma_start3A_16, %dma_start3A_17] : memref<32x80x128xi32, #tpu.memory_space<hbm>> -> memref<1x80x128xi32, #tpu.memory_space<hbm>>
      %dma_start3A_19 = tpu.memref_squeeze %dma_start3A_18 : memref<1x80x128xi32, #tpu.memory_space<hbm>> -> memref<80x128xi32, #tpu.memory_space<hbm>>
      tpu.enqueue_dma source(%dma_start3A_19 : memref<80x128xi32, #tpu.memory_space<hbm>>) target(%arg7 : memref<80x128xi32, #tpu.memory_space<vmem>>) target_semaphore(%run_scoped3A : memref<!tpu.dma_semaphore, #tpu.memory_space<semaphore_mem>>)
      %dma_wait3A = arith.constant 0 : i32
      %dma_wait3A_20 = arith.constant 0 : i32
      %dma_wait3A_21 = tpu.memref_slice %arg3[%add3A, %dma_wait3A, %dma_wait3A_20] : memref<32x80x128xi32, #tpu.memory_space<hbm>> -> memref<1x80x128xi32, #tpu.memory_space<hbm>>
      %dma_wait3A_22 = tpu.memref_squeeze %dma_wait3A_21 : memref<1x80x128xi32, #tpu.memory_space<hbm>> -> memref<80x128xi32, #tpu.memory_space<hbm>>
      %dma_wait3A_23 = arith.constant 0 : i32
      %dma_wait3A_24 = arith.constant 0 : i32
      %dma_wait3A_25 = tpu.memref_slice %arg3[%add3A, %dma_wait3A_23, %dma_wait3A_24] : memref<32x80x128xi32, #tpu.memory_space<hbm>> -> memref<1x80x128xi32, #tpu.memory_space<hbm>>
      %dma_wait3A_26 = tpu.memref_squeeze %dma_wait3A_25 : memref<1x80x128xi32, #tpu.memory_space<hbm>> -> memref<80x128xi32, #tpu.memory_space<hbm>>
      tpu.wait_dma2 semaphore(%run_scoped3A : memref<!tpu.dma_semaphore, #tpu.memory_space<semaphore_mem>>) src(%dma_wait3A_26 : memref<80x128xi32, #tpu.memory_space<hbm>>) dst(%arg7 : memref<80x128xi32, #tpu.memory_space<vmem>>)
      tpu.yield
    }) : () -> ()
    %lt3A = arith.constant 10 : i32
    %lt3A_1 = arith.cmpi slt, %arg1, %lt3A : i32
    %convert_element_type3A = arith.extui %lt3A_1 : i1 to i32
    %cond3A = arith.constant 0 : i32
    %cond3A_2 = arith.cmpi ne, %convert_element_type3A, %cond3A : i32
    scf.if %cond3A_2 {
      %mul3A_13 = arith.constant 1000 : i32
      %mul3A_14 = arith.muli %arg1, %mul3A_13 : i32
      %mul3A_15 = arith.constant 1000 : i32
      %mul3A_16 = arith.muli %arg1, %mul3A_15 : i32
      "tpu.region"() ({
        %run_scoped3A = tpu.sem_alloc : memref<!tpu.dma_semaphore, #tpu.memory_space<semaphore_mem>>
        %dma_start3A = arith.constant 0 : i32
        %dma_start3A_17 = tpu.memref_slice %arg11[%mul3A_16, %dma_start3A] : memref<10008x128xf32, #tpu.memory_space<vmem_shared>> -> memref<1000x128xf32, #tpu.memory_space<vmem_shared>>
        %dma_start3A_18 = arith.constant 0 : i32
        %dma_start3A_19 = tpu.memref_slice %arg5[%mul3A_14, %dma_start3A_18] : memref<10000x128xf32, #tpu.memory_space<hbm>> -> memref<1000x128xf32, #tpu.memory_space<hbm>>
        tpu.enqueue_dma source(%dma_start3A_19 : memref<1000x128xf32, #tpu.memory_space<hbm>>) target(%dma_start3A_17 : memref<1000x128xf32, #tpu.memory_space<vmem_shared>>) target_semaphore(%run_scoped3A : memref<!tpu.dma_semaphore, #tpu.memory_space<semaphore_mem>>)
        %dma_wait3A = arith.constant 0 : i32
        %dma_wait3A_20 = tpu.memref_slice %arg11[%mul3A_16, %dma_wait3A] : memref<10008x128xf32, #tpu.memory_space<vmem_shared>> -> memref<1000x128xf32, #tpu.memory_space<vmem_shared>>
        %dma_wait3A_21 = arith.constant 0 : i32
        %dma_wait3A_22 = tpu.memref_slice %arg5[%mul3A_14, %dma_wait3A_21] : memref<10000x128xf32, #tpu.memory_space<hbm>> -> memref<1000x128xf32, #tpu.memory_space<hbm>>
        tpu.wait_dma2 semaphore(%run_scoped3A : memref<!tpu.dma_semaphore, #tpu.memory_space<semaphore_mem>>) src(%dma_wait3A_22 : memref<1000x128xf32, #tpu.memory_space<hbm>>) dst(%dma_wait3A_20 : memref<1000x128xf32, #tpu.memory_space<vmem_shared>>)
        tpu.yield
      }) : () -> ()
    } else {
    }
    %barrier3A = arith.constant 0 : index
    tpu.barrier barrier_id(%barrier3A)
    %scan3A = arith.constant 0 : i32
    %scan3A_3 = arith.constant 10 : i32
    %scan3A_4 = arith.addi %scan3A, %scan3A_3 : i32
    %scan3A_5 = arith.constant 1 : i32
    scf.for %scan3A_13 = %scan3A to %scan3A_4 step %scan3A_5  : i32 {
      %mul3A_14 = arith.constant 1 : i32
      %mul3A_15 = arith.muli %scan3A_13, %mul3A_14 : i32
      %add3A_16 = arith.constant 0 : i32
      %add3A_17 = arith.addi %add3A_16, %mul3A_15 : i32
      %mul3A_18 = arith.constant 8 : i32
      %mul3A_19 = arith.muli %add3A_17, %mul3A_18 : i32
      "tpu.region"() ({
        %run_scoped3A = tpu.sem_alloc : memref<!tpu.dma_semaphore, #tpu.memory_space<semaphore_mem>>
        %dma_start3A_258 = arith.constant 0 : i32
        %dma_start3A_259 = tpu.memref_slice %arg4[%add3A, %mul3A_19, %dma_start3A_258] : memref<32x80x128xi32, #tpu.memory_space<hbm>> -> memref<1x8x128xi32, #tpu.memory_space<hbm>>
        %dma_start3A_260 = tpu.memref_squeeze %dma_start3A_259 : memref<1x8x128xi32, #tpu.memory_space<hbm>> -> memref<8x128xi32, #tpu.memory_space<hbm>>
        %dma_start3A_261 = arith.constant 0 : i32
        %dma_start3A_262 = tpu.memref_slice %arg4[%add3A, %mul3A_19, %dma_start3A_261] : memref<32x80x128xi32, #tpu.memory_space<hbm>> -> memref<1x8x128xi32, #tpu.memory_space<hbm>>
        %dma_start3A_263 = tpu.memref_squeeze %dma_start3A_262 : memref<1x8x128xi32, #tpu.memory_space<hbm>> -> memref<8x128xi32, #tpu.memory_space<hbm>>
        tpu.enqueue_dma source(%dma_start3A_263 : memref<8x128xi32, #tpu.memory_space<hbm>>) target(%arg8 : memref<8x128xi32, #tpu.memory_space<vmem>>) target_semaphore(%run_scoped3A : memref<!tpu.dma_semaphore, #tpu.memory_space<semaphore_mem>>)
        %dma_wait3A_264 = arith.constant 0 : i32
        %dma_wait3A_265 = tpu.memref_slice %arg4[%add3A, %mul3A_19, %dma_wait3A_264] : memref<32x80x128xi32, #tpu.memory_space<hbm>> -> memref<1x8x128xi32, #tpu.memory_space<hbm>>
        %dma_wait3A_266 = tpu.memref_squeeze %dma_wait3A_265 : memref<1x8x128xi32, #tpu.memory_space<hbm>> -> memref<8x128xi32, #tpu.memory_space<hbm>>
        %dma_wait3A_267 = arith.constant 0 : i32
        %dma_wait3A_268 = tpu.memref_slice %arg4[%add3A, %mul3A_19, %dma_wait3A_267] : memref<32x80x128xi32, #tpu.memory_space<hbm>> -> memref<1x8x128xi32, #tpu.memory_space<hbm>>
        %dma_wait3A_269 = tpu.memref_squeeze %dma_wait3A_268 : memref<1x8x128xi32, #tpu.memory_space<hbm>> -> memref<8x128xi32, #tpu.memory_space<hbm>>
        tpu.wait_dma2 semaphore(%run_scoped3A : memref<!tpu.dma_semaphore, #tpu.memory_space<semaphore_mem>>) src(%dma_wait3A_269 : memref<8x128xi32, #tpu.memory_space<hbm>>) dst(%arg8 : memref<8x128xi32, #tpu.memory_space<vmem>>)
        tpu.yield
      }) : () -> ()
      %mul3A_20 = arith.constant 8 : i32
      %mul3A_21 = arith.muli %add3A_17, %mul3A_20 : i32
      %add3A_22 = arith.constant 0 : i32
      %add3A_23 = arith.addi %mul3A_21, %add3A_22 : i32
      %dma_start3A = arith.constant 0 : i32
      %dma_start3A_24 = tpu.memref_slice %arg7[%add3A_23, %dma_start3A] : memref<80x128xi32, #tpu.memory_space<vmem>> -> memref<1x128xi32, #tpu.memory_space<vmem>>
      %dma_start3A_25 = tpu.memref_squeeze %dma_start3A_24 : memref<1x128xi32, #tpu.memory_space<vmem>> -> memref<128xi32, #tpu.memory_space<vmem>>
      %dma_start3A_26 = arith.constant 0 : i32
      %dma_start3A_27 = arith.constant 0 : i32
      %dma_start3A_28 = tpu.memref_slice %arg2[%dma_start3A_26, %dma_start3A_27] : memref<10000x128xf32, #tpu.memory_space<hbm>> -> memref<10000x128xf32, #tpu.memory_space<hbm>>
      tpu.enqueue_indirect_dma source(%dma_start3A_28 : memref<10000x128xf32, #tpu.memory_space<hbm>>) target(%arg9 : memref<128x128xf32, #tpu.memory_space<vmem>>) offsets(%dma_start3A_25 : memref<128xi32, #tpu.memory_space<vmem>>) semaphore(%arg12 : memref<!tpu.dma_semaphore, #tpu.memory_space<semaphore_mem>>)
      %mul3A_29 = arith.constant 8 : i32
      %mul3A_30 = arith.muli %add3A_17, %mul3A_29 : i32
      %add3A_31 = arith.constant 1 : i32
      %add3A_32 = arith.addi %mul3A_30, %add3A_31 : i32
      %dma_start3A_33 = arith.constant 0 : i32
      %dma_start3A_34 = tpu.memref_slice %arg7[%add3A_32, %dma_start3A_33] : memref<80x128xi32, #tpu.memory_space<vmem>> -> memref<1x128xi32, #tpu.memory_space<vmem>>
      %dma_start3A_35 = tpu.memref_squeeze %dma_start3A_34 : memref<1x128xi32, #tpu.memory_space<vmem>> -> memref<128xi32, #tpu.memory_space<vmem>>
      %dma_start3A_36 = arith.constant 0 : i32
      %dma_start3A_37 = arith.constant 0 : i32
      %dma_start3A_38 = tpu.memref_slice %arg2[%dma_start3A_36, %dma_start3A_37] : memref<10000x128xf32, #tpu.memory_space<hbm>> -> memref<10000x128xf32, #tpu.memory_space<hbm>>
      tpu.enqueue_indirect_dma source(%dma_start3A_38 : memref<10000x128xf32, #tpu.memory_space<hbm>>) target(%arg10 : memref<128x128xf32, #tpu.memory_space<vmem>>) offsets(%dma_start3A_35 : memref<128xi32, #tpu.memory_space<vmem>>) semaphore(%arg13 : memref<!tpu.dma_semaphore, #tpu.memory_space<semaphore_mem>>)
      %dma_wait3A = arith.constant 0 : i32
      %dma_wait3A_39 = tpu.memref_slice %arg7[%add3A_23, %dma_wait3A] : memref<80x128xi32, #tpu.memory_space<vmem>> -> memref<1x128xi32, #tpu.memory_space<vmem>>
      %dma_wait3A_40 = tpu.memref_squeeze %dma_wait3A_39 : memref<1x128xi32, #tpu.memory_space<vmem>> -> memref<128xi32, #tpu.memory_space<vmem>>
      %dma_wait3A_41 = arith.constant 0 : i32
      %dma_wait3A_42 = arith.constant 0 : i32
      %dma_wait3A_43 = tpu.memref_slice %arg2[%dma_wait3A_41, %dma_wait3A_42] : memref<10000x128xf32, #tpu.memory_space<hbm>> -> memref<10000x128xf32, #tpu.memory_space<hbm>>
      tpu.wait_indirect_dma semaphore(%arg12 : memref<!tpu.dma_semaphore, #tpu.memory_space<semaphore_mem>>) src(%dma_wait3A_43 : memref<10000x128xf32, #tpu.memory_space<hbm>>) dst(%arg9 : memref<128x128xf32, #tpu.memory_space<vmem>>)
      %dma_start3A_44 = arith.constant 0 : i32
      %dma_start3A_45 = arith.constant 0 : i32
      %dma_start3A_46 = tpu.memref_slice %arg8[%dma_start3A_44, %dma_start3A_45] : memref<8x128xi32, #tpu.memory_space<vmem>> -> memref<1x128xi32, #tpu.memory_space<vmem>>
      %dma_start3A_47 = tpu.memref_squeeze %dma_start3A_46 : memref<1x128xi32, #tpu.memory_space<vmem>> -> memref<128xi32, #tpu.memory_space<vmem>>
      %dma_start3A_48 = arith.constant 0 : i32
      %dma_start3A_49 = arith.constant 0 : i32
      %dma_start3A_50 = tpu.memref_slice %arg11[%dma_start3A_48, %dma_start3A_49] : memref<10008x128xf32, #tpu.memory_space<vmem_shared>> -> memref<10008x128xf32, #tpu.memory_space<vmem_shared>>
      tpu.enqueue_indirect_dma source(%arg9 : memref<128x128xf32, #tpu.memory_space<vmem>>) target(%dma_start3A_50 : memref<10008x128xf32, #tpu.memory_space<vmem_shared>>) offsets(%dma_start3A_47 : memref<128xi32, #tpu.memory_space<vmem>>) semaphore(%arg14 : memref<!tpu.dma_semaphore, #tpu.memory_space<semaphore_mem>>) {add = true}
      %dma_wait3A_51 = arith.constant 0 : i32
      %dma_wait3A_52 = arith.constant 0 : i32
      %dma_wait3A_53 = tpu.memref_slice %arg8[%dma_wait3A_51, %dma_wait3A_52] : memref<8x128xi32, #tpu.memory_space<vmem>> -> memref<1x128xi32, #tpu.memory_space<vmem>>
      %dma_wait3A_54 = tpu.memref_squeeze %dma_wait3A_53 : memref<1x128xi32, #tpu.memory_space<vmem>> -> memref<128xi32, #tpu.memory_space<vmem>>
      %dma_wait3A_55 = arith.constant 0 : i32
      %dma_wait3A_56 = arith.constant 0 : i32
      %dma_wait3A_57 = tpu.memref_slice %arg11[%dma_wait3A_55, %dma_wait3A_56] : memref<10008x128xf32, #tpu.memory_space<vmem_shared>> -> memref<10008x128xf32, #tpu.memory_space<vmem_shared>>
      tpu.wait_indirect_dma semaphore(%arg14 : memref<!tpu.dma_semaphore, #tpu.memory_space<semaphore_mem>>) src(%arg9 : memref<128x128xf32, #tpu.memory_space<vmem>>) dst(%dma_wait3A_57 : memref<10008x128xf32, #tpu.memory_space<vmem_shared>>)
      %mul3A_58 = arith.constant 8 : i32
      %mul3A_59 = arith.muli %add3A_17, %mul3A_58 : i32
      %add3A_60 = arith.constant 2 : i32
      %add3A_61 = arith.addi %mul3A_59, %add3A_60 : i32
      %dma_start3A_62 = arith.constant 0 : i32
      %dma_start3A_63 = tpu.memref_slice %arg7[%add3A_61, %dma_start3A_62] : memref<80x128xi32, #tpu.memory_space<vmem>> -> memref<1x128xi32, #tpu.memory_space<vmem>>
      %dma_start3A_64 = tpu.memref_squeeze %dma_start3A_63 : memref<1x128xi32, #tpu.memory_space<vmem>> -> memref<128xi32, #tpu.memory_space<vmem>>
      %dma_start3A_65 = arith.constant 0 : i32
      %dma_start3A_66 = arith.constant 0 : i32
      %dma_start3A_67 = tpu.memref_slice %arg2[%dma_start3A_65, %dma_start3A_66] : memref<10000x128xf32, #tpu.memory_space<hbm>> -> memref<10000x128xf32, #tpu.memory_space<hbm>>
      tpu.enqueue_indirect_dma source(%dma_start3A_67 : memref<10000x128xf32, #tpu.memory_space<hbm>>) target(%arg9 : memref<128x128xf32, #tpu.memory_space<vmem>>) offsets(%dma_start3A_64 : memref<128xi32, #tpu.memory_space<vmem>>) semaphore(%arg12 : memref<!tpu.dma_semaphore, #tpu.memory_space<semaphore_mem>>)
      %dma_wait3A_68 = arith.constant 0 : i32
      %dma_wait3A_69 = tpu.memref_slice %arg7[%add3A_32, %dma_wait3A_68] : memref<80x128xi32, #tpu.memory_space<vmem>> -> memref<1x128xi32, #tpu.memory_space<vmem>>
      %dma_wait3A_70 = tpu.memref_squeeze %dma_wait3A_69 : memref<1x128xi32, #tpu.memory_space<vmem>> -> memref<128xi32, #tpu.memory_space<vmem>>
      %dma_wait3A_71 = arith.constant 0 : i32
      %dma_wait3A_72 = arith.constant 0 : i32
      %dma_wait3A_73 = tpu.memref_slice %arg2[%dma_wait3A_71, %dma_wait3A_72] : memref<10000x128xf32, #tpu.memory_space<hbm>> -> memref<10000x128xf32, #tpu.memory_space<hbm>>
      tpu.wait_indirect_dma semaphore(%arg13 : memref<!tpu.dma_semaphore, #tpu.memory_space<semaphore_mem>>) src(%dma_wait3A_73 : memref<10000x128xf32, #tpu.memory_space<hbm>>) dst(%arg10 : memref<128x128xf32, #tpu.memory_space<vmem>>)
      %dma_start3A_74 = arith.constant 1 : i32
      %dma_start3A_75 = arith.constant 0 : i32
      %dma_start3A_76 = tpu.memref_slice %arg8[%dma_start3A_74, %dma_start3A_75] : memref<8x128xi32, #tpu.memory_space<vmem>> -> memref<1x128xi32, #tpu.memory_space<vmem>>
      %dma_start3A_77 = tpu.memref_squeeze %dma_start3A_76 : memref<1x128xi32, #tpu.memory_space<vmem>> -> memref<128xi32, #tpu.memory_space<vmem>>
      %dma_start3A_78 = arith.constant 0 : i32
      %dma_start3A_79 = arith.constant 0 : i32
      %dma_start3A_80 = tpu.memref_slice %arg11[%dma_start3A_78, %dma_start3A_79] : memref<10008x128xf32, #tpu.memory_space<vmem_shared>> -> memref<10008x128xf32, #tpu.memory_space<vmem_shared>>
      tpu.enqueue_indirect_dma source(%arg10 : memref<128x128xf32, #tpu.memory_space<vmem>>) target(%dma_start3A_80 : memref<10008x128xf32, #tpu.memory_space<vmem_shared>>) offsets(%dma_start3A_77 : memref<128xi32, #tpu.memory_space<vmem>>) semaphore(%arg15 : memref<!tpu.dma_semaphore, #tpu.memory_space<semaphore_mem>>) {add = true}
      %dma_wait3A_81 = arith.constant 1 : i32
      %dma_wait3A_82 = arith.constant 0 : i32
      %dma_wait3A_83 = tpu.memref_slice %arg8[%dma_wait3A_81, %dma_wait3A_82] : memref<8x128xi32, #tpu.memory_space<vmem>> -> memref<1x128xi32, #tpu.memory_space<vmem>>
      %dma_wait3A_84 = tpu.memref_squeeze %dma_wait3A_83 : memref<1x128xi32, #tpu.memory_space<vmem>> -> memref<128xi32, #tpu.memory_space<vmem>>
      %dma_wait3A_85 = arith.constant 0 : i32
      %dma_wait3A_86 = arith.constant 0 : i32
      %dma_wait3A_87 = tpu.memref_slice %arg11[%dma_wait3A_85, %dma_wait3A_86] : memref<10008x128xf32, #tpu.memory_space<vmem_shared>> -> memref<10008x128xf32, #tpu.memory_space<vmem_shared>>
      tpu.wait_indirect_dma semaphore(%arg15 : memref<!tpu.dma_semaphore, #tpu.memory_space<semaphore_mem>>) src(%arg10 : memref<128x128xf32, #tpu.memory_space<vmem>>) dst(%dma_wait3A_87 : memref<10008x128xf32, #tpu.memory_space<vmem_shared>>)
      %mul3A_88 = arith.constant 8 : i32
      %mul3A_89 = arith.muli %add3A_17, %mul3A_88 : i32
      %add3A_90 = arith.constant 3 : i32
      %add3A_91 = arith.addi %mul3A_89, %add3A_90 : i32
      %dma_start3A_92 = arith.constant 0 : i32
      %dma_start3A_93 = tpu.memref_slice %arg7[%add3A_91, %dma_start3A_92] : memref<80x128xi32, #tpu.memory_space<vmem>> -> memref<1x128xi32, #tpu.memory_space<vmem>>
      %dma_start3A_94 = tpu.memref_squeeze %dma_start3A_93 : memref<1x128xi32, #tpu.memory_space<vmem>> -> memref<128xi32, #tpu.memory_space<vmem>>
      %dma_start3A_95 = arith.constant 0 : i32
      %dma_start3A_96 = arith.constant 0 : i32
      %dma_start3A_97 = tpu.memref_slice %arg2[%dma_start3A_95, %dma_start3A_96] : memref<10000x128xf32, #tpu.memory_space<hbm>> -> memref<10000x128xf32, #tpu.memory_space<hbm>>
      tpu.enqueue_indirect_dma source(%dma_start3A_97 : memref<10000x128xf32, #tpu.memory_space<hbm>>) target(%arg10 : memref<128x128xf32, #tpu.memory_space<vmem>>) offsets(%dma_start3A_94 : memref<128xi32, #tpu.memory_space<vmem>>) semaphore(%arg13 : memref<!tpu.dma_semaphore, #tpu.memory_space<semaphore_mem>>)
      %dma_wait3A_98 = arith.constant 0 : i32
      %dma_wait3A_99 = tpu.memref_slice %arg7[%add3A_61, %dma_wait3A_98] : memref<80x128xi32, #tpu.memory_space<vmem>> -> memref<1x128xi32, #tpu.memory_space<vmem>>
      %dma_wait3A_100 = tpu.memref_squeeze %dma_wait3A_99 : memref<1x128xi32, #tpu.memory_space<vmem>> -> memref<128xi32, #tpu.memory_space<vmem>>
      %dma_wait3A_101 = arith.constant 0 : i32
      %dma_wait3A_102 = arith.constant 0 : i32
      %dma_wait3A_103 = tpu.memref_slice %arg2[%dma_wait3A_101, %dma_wait3A_102] : memref<10000x128xf32, #tpu.memory_space<hbm>> -> memref<10000x128xf32, #tpu.memory_space<hbm>>
      tpu.wait_indirect_dma semaphore(%arg12 : memref<!tpu.dma_semaphore, #tpu.memory_space<semaphore_mem>>) src(%dma_wait3A_103 : memref<10000x128xf32, #tpu.memory_space<hbm>>) dst(%arg9 : memref<128x128xf32, #tpu.memory_space<vmem>>)
      %dma_start3A_104 = arith.constant 2 : i32
      %dma_start3A_105 = arith.constant 0 : i32
      %dma_start3A_106 = tpu.memref_slice %arg8[%dma_start3A_104, %dma_start3A_105] : memref<8x128xi32, #tpu.memory_space<vmem>> -> memref<1x128xi32, #tpu.memory_space<vmem>>
      %dma_start3A_107 = tpu.memref_squeeze %dma_start3A_106 : memref<1x128xi32, #tpu.memory_space<vmem>> -> memref<128xi32, #tpu.memory_space<vmem>>
      %dma_start3A_108 = arith.constant 0 : i32
      %dma_start3A_109 = arith.constant 0 : i32
      %dma_start3A_110 = tpu.memref_slice %arg11[%dma_start3A_108, %dma_start3A_109] : memref<10008x128xf32, #tpu.memory_space<vmem_shared>> -> memref<10008x128xf32, #tpu.memory_space<vmem_shared>>
      tpu.enqueue_indirect_dma source(%arg9 : memref<128x128xf32, #tpu.memory_space<vmem>>) target(%dma_start3A_110 : memref<10008x128xf32, #tpu.memory_space<vmem_shared>>) offsets(%dma_start3A_107 : memref<128xi32, #tpu.memory_space<vmem>>) semaphore(%arg14 : memref<!tpu.dma_semaphore, #tpu.memory_space<semaphore_mem>>) {add = true}
      %dma_wait3A_111 = arith.constant 2 : i32
      %dma_wait3A_112 = arith.constant 0 : i32
      %dma_wait3A_113 = tpu.memref_slice %arg8[%dma_wait3A_111, %dma_wait3A_112] : memref<8x128xi32, #tpu.memory_space<vmem>> -> memref<1x128xi32, #tpu.memory_space<vmem>>
      %dma_wait3A_114 = tpu.memref_squeeze %dma_wait3A_113 : memref<1x128xi32, #tpu.memory_space<vmem>> -> memref<128xi32, #tpu.memory_space<vmem>>
      %dma_wait3A_115 = arith.constant 0 : i32
      %dma_wait3A_116 = arith.constant 0 : i32
      %dma_wait3A_117 = tpu.memref_slice %arg11[%dma_wait3A_115, %dma_wait3A_116] : memref<10008x128xf32, #tpu.memory_space<vmem_shared>> -> memref<10008x128xf32, #tpu.memory_space<vmem_shared>>
      tpu.wait_indirect_dma semaphore(%arg14 : memref<!tpu.dma_semaphore, #tpu.memory_space<semaphore_mem>>) src(%arg9 : memref<128x128xf32, #tpu.memory_space<vmem>>) dst(%dma_wait3A_117 : memref<10008x128xf32, #tpu.memory_space<vmem_shared>>)
      %mul3A_118 = arith.constant 8 : i32
      %mul3A_119 = arith.muli %add3A_17, %mul3A_118 : i32
      %add3A_120 = arith.constant 4 : i32
      %add3A_121 = arith.addi %mul3A_119, %add3A_120 : i32
      %dma_start3A_122 = arith.constant 0 : i32
      %dma_start3A_123 = tpu.memref_slice %arg7[%add3A_121, %dma_start3A_122] : memref<80x128xi32, #tpu.memory_space<vmem>> -> memref<1x128xi32, #tpu.memory_space<vmem>>
      %dma_start3A_124 = tpu.memref_squeeze %dma_start3A_123 : memref<1x128xi32, #tpu.memory_space<vmem>> -> memref<128xi32, #tpu.memory_space<vmem>>
      %dma_start3A_125 = arith.constant 0 : i32
      %dma_start3A_126 = arith.constant 0 : i32
      %dma_start3A_127 = tpu.memref_slice %arg2[%dma_start3A_125, %dma_start3A_126] : memref<10000x128xf32, #tpu.memory_space<hbm>> -> memref<10000x128xf32, #tpu.memory_space<hbm>>
      tpu.enqueue_indirect_dma source(%dma_start3A_127 : memref<10000x128xf32, #tpu.memory_space<hbm>>) target(%arg9 : memref<128x128xf32, #tpu.memory_space<vmem>>) offsets(%dma_start3A_124 : memref<128xi32, #tpu.memory_space<vmem>>) semaphore(%arg12 : memref<!tpu.dma_semaphore, #tpu.memory_space<semaphore_mem>>)
      %dma_wait3A_128 = arith.constant 0 : i32
      %dma_wait3A_129 = tpu.memref_slice %arg7[%add3A_91, %dma_wait3A_128] : memref<80x128xi32, #tpu.memory_space<vmem>> -> memref<1x128xi32, #tpu.memory_space<vmem>>
      %dma_wait3A_130 = tpu.memref_squeeze %dma_wait3A_129 : memref<1x128xi32, #tpu.memory_space<vmem>> -> memref<128xi32, #tpu.memory_space<vmem>>
      %dma_wait3A_131 = arith.constant 0 : i32
      %dma_wait3A_132 = arith.constant 0 : i32
      %dma_wait3A_133 = tpu.memref_slice %arg2[%dma_wait3A_131, %dma_wait3A_132] : memref<10000x128xf32, #tpu.memory_space<hbm>> -> memref<10000x128xf32, #tpu.memory_space<hbm>>
      tpu.wait_indirect_dma semaphore(%arg13 : memref<!tpu.dma_semaphore, #tpu.memory_space<semaphore_mem>>) src(%dma_wait3A_133 : memref<10000x128xf32, #tpu.memory_space<hbm>>) dst(%arg10 : memref<128x128xf32, #tpu.memory_space<vmem>>)
      %dma_start3A_134 = arith.constant 3 : i32
      %dma_start3A_135 = arith.constant 0 : i32
      %dma_start3A_136 = tpu.memref_slice %arg8[%dma_start3A_134, %dma_start3A_135] : memref<8x128xi32, #tpu.memory_space<vmem>> -> memref<1x128xi32, #tpu.memory_space<vmem>>
      %dma_start3A_137 = tpu.memref_squeeze %dma_start3A_136 : memref<1x128xi32, #tpu.memory_space<vmem>> -> memref<128xi32, #tpu.memory_space<vmem>>
      %dma_start3A_138 = arith.constant 0 : i32
      %dma_start3A_139 = arith.constant 0 : i32
      %dma_start3A_140 = tpu.memref_slice %arg11[%dma_start3A_138, %dma_start3A_139] : memref<10008x128xf32, #tpu.memory_space<vmem_shared>> -> memref<10008x128xf32, #tpu.memory_space<vmem_shared>>
      tpu.enqueue_indirect_dma source(%arg10 : memref<128x128xf32, #tpu.memory_space<vmem>>) target(%dma_start3A_140 : memref<10008x128xf32, #tpu.memory_space<vmem_shared>>) offsets(%dma_start3A_137 : memref<128xi32, #tpu.memory_space<vmem>>) semaphore(%arg15 : memref<!tpu.dma_semaphore, #tpu.memory_space<semaphore_mem>>) {add = true}
      %dma_wait3A_141 = arith.constant 3 : i32
      %dma_wait3A_142 = arith.constant 0 : i32
      %dma_wait3A_143 = tpu.memref_slice %arg8[%dma_wait3A_141, %dma_wait3A_142] : memref<8x128xi32, #tpu.memory_space<vmem>> -> memref<1x128xi32, #tpu.memory_space<vmem>>
      %dma_wait3A_144 = tpu.memref_squeeze %dma_wait3A_143 : memref<1x128xi32, #tpu.memory_space<vmem>> -> memref<128xi32, #tpu.memory_space<vmem>>
      %dma_wait3A_145 = arith.constant 0 : i32
      %dma_wait3A_146 = arith.constant 0 : i32
      %dma_wait3A_147 = tpu.memref_slice %arg11[%dma_wait3A_145, %dma_wait3A_146] : memref<10008x128xf32, #tpu.memory_space<vmem_shared>> -> memref<10008x128xf32, #tpu.memory_space<vmem_shared>>
      tpu.wait_indirect_dma semaphore(%arg15 : memref<!tpu.dma_semaphore, #tpu.memory_space<semaphore_mem>>) src(%arg10 : memref<128x128xf32, #tpu.memory_space<vmem>>) dst(%dma_wait3A_147 : memref<10008x128xf32, #tpu.memory_space<vmem_shared>>)
      %mul3A_148 = arith.constant 8 : i32
      %mul3A_149 = arith.muli %add3A_17, %mul3A_148 : i32
      %add3A_150 = arith.constant 5 : i32
      %add3A_151 = arith.addi %mul3A_149, %add3A_150 : i32
      %dma_start3A_152 = arith.constant 0 : i32
      %dma_start3A_153 = tpu.memref_slice %arg7[%add3A_151, %dma_start3A_152] : memref<80x128xi32, #tpu.memory_space<vmem>> -> memref<1x128xi32, #tpu.memory_space<vmem>>
      %dma_start3A_154 = tpu.memref_squeeze %dma_start3A_153 : memref<1x128xi32, #tpu.memory_space<vmem>> -> memref<128xi32, #tpu.memory_space<vmem>>
      %dma_start3A_155 = arith.constant 0 : i32
      %dma_start3A_156 = arith.constant 0 : i32
      %dma_start3A_157 = tpu.memref_slice %arg2[%dma_start3A_155, %dma_start3A_156] : memref<10000x128xf32, #tpu.memory_space<hbm>> -> memref<10000x128xf32, #tpu.memory_space<hbm>>
      tpu.enqueue_indirect_dma source(%dma_start3A_157 : memref<10000x128xf32, #tpu.memory_space<hbm>>) target(%arg10 : memref<128x128xf32, #tpu.memory_space<vmem>>) offsets(%dma_start3A_154 : memref<128xi32, #tpu.memory_space<vmem>>) semaphore(%arg13 : memref<!tpu.dma_semaphore, #tpu.memory_space<semaphore_mem>>)
      %dma_wait3A_158 = arith.constant 0 : i32
      %dma_wait3A_159 = tpu.memref_slice %arg7[%add3A_121, %dma_wait3A_158] : memref<80x128xi32, #tpu.memory_space<vmem>> -> memref<1x128xi32, #tpu.memory_space<vmem>>
      %dma_wait3A_160 = tpu.memref_squeeze %dma_wait3A_159 : memref<1x128xi32, #tpu.memory_space<vmem>> -> memref<128xi32, #tpu.memory_space<vmem>>
      %dma_wait3A_161 = arith.constant 0 : i32
      %dma_wait3A_162 = arith.constant 0 : i32
      %dma_wait3A_163 = tpu.memref_slice %arg2[%dma_wait3A_161, %dma_wait3A_162] : memref<10000x128xf32, #tpu.memory_space<hbm>> -> memref<10000x128xf32, #tpu.memory_space<hbm>>
      tpu.wait_indirect_dma semaphore(%arg12 : memref<!tpu.dma_semaphore, #tpu.memory_space<semaphore_mem>>) src(%dma_wait3A_163 : memref<10000x128xf32, #tpu.memory_space<hbm>>) dst(%arg9 : memref<128x128xf32, #tpu.memory_space<vmem>>)
      %dma_start3A_164 = arith.constant 4 : i32
      %dma_start3A_165 = arith.constant 0 : i32
      %dma_start3A_166 = tpu.memref_slice %arg8[%dma_start3A_164, %dma_start3A_165] : memref<8x128xi32, #tpu.memory_space<vmem>> -> memref<1x128xi32, #tpu.memory_space<vmem>>
      %dma_start3A_167 = tpu.memref_squeeze %dma_start3A_166 : memref<1x128xi32, #tpu.memory_space<vmem>> -> memref<128xi32, #tpu.memory_space<vmem>>
      %dma_start3A_168 = arith.constant 0 : i32
      %dma_start3A_169 = arith.constant 0 : i32
      %dma_start3A_170 = tpu.memref_slice %arg11[%dma_start3A_168, %dma_start3A_169] : memref<10008x128xf32, #tpu.memory_space<vmem_shared>> -> memref<10008x128xf32, #tpu.memory_space<vmem_shared>>
      tpu.enqueue_indirect_dma source(%arg9 : memref<128x128xf32, #tpu.memory_space<vmem>>) target(%dma_start3A_170 : memref<10008x128xf32, #tpu.memory_space<vmem_shared>>) offsets(%dma_start3A_167 : memref<128xi32, #tpu.memory_space<vmem>>) semaphore(%arg14 : memref<!tpu.dma_semaphore, #tpu.memory_space<semaphore_mem>>) {add = true}
      %dma_wait3A_171 = arith.constant 4 : i32
      %dma_wait3A_172 = arith.constant 0 : i32
      %dma_wait3A_173 = tpu.memref_slice %arg8[%dma_wait3A_171, %dma_wait3A_172] : memref<8x128xi32, #tpu.memory_space<vmem>> -> memref<1x128xi32, #tpu.memory_space<vmem>>
      %dma_wait3A_174 = tpu.memref_squeeze %dma_wait3A_173 : memref<1x128xi32, #tpu.memory_space<vmem>> -> memref<128xi32, #tpu.memory_space<vmem>>
      %dma_wait3A_175 = arith.constant 0 : i32
      %dma_wait3A_176 = arith.constant 0 : i32
      %dma_wait3A_177 = tpu.memref_slice %arg11[%dma_wait3A_175, %dma_wait3A_176] : memref<10008x128xf32, #tpu.memory_space<vmem_shared>> -> memref<10008x128xf32, #tpu.memory_space<vmem_shared>>
      tpu.wait_indirect_dma semaphore(%arg14 : memref<!tpu.dma_semaphore, #tpu.memory_space<semaphore_mem>>) src(%arg9 : memref<128x128xf32, #tpu.memory_space<vmem>>) dst(%dma_wait3A_177 : memref<10008x128xf32, #tpu.memory_space<vmem_shared>>)
      %mul3A_178 = arith.constant 8 : i32
      %mul3A_179 = arith.muli %add3A_17, %mul3A_178 : i32
      %add3A_180 = arith.constant 6 : i32
      %add3A_181 = arith.addi %mul3A_179, %add3A_180 : i32
      %dma_start3A_182 = arith.constant 0 : i32
      %dma_start3A_183 = tpu.memref_slice %arg7[%add3A_181, %dma_start3A_182] : memref<80x128xi32, #tpu.memory_space<vmem>> -> memref<1x128xi32, #tpu.memory_space<vmem>>
      %dma_start3A_184 = tpu.memref_squeeze %dma_start3A_183 : memref<1x128xi32, #tpu.memory_space<vmem>> -> memref<128xi32, #tpu.memory_space<vmem>>
      %dma_start3A_185 = arith.constant 0 : i32
      %dma_start3A_186 = arith.constant 0 : i32
      %dma_start3A_187 = tpu.memref_slice %arg2[%dma_start3A_185, %dma_start3A_186] : memref<10000x128xf32, #tpu.memory_space<hbm>> -> memref<10000x128xf32, #tpu.memory_space<hbm>>
      tpu.enqueue_indirect_dma source(%dma_start3A_187 : memref<10000x128xf32, #tpu.memory_space<hbm>>) target(%arg9 : memref<128x128xf32, #tpu.memory_space<vmem>>) offsets(%dma_start3A_184 : memref<128xi32, #tpu.memory_space<vmem>>) semaphore(%arg12 : memref<!tpu.dma_semaphore, #tpu.memory_space<semaphore_mem>>)
      %dma_wait3A_188 = arith.constant 0 : i32
      %dma_wait3A_189 = tpu.memref_slice %arg7[%add3A_151, %dma_wait3A_188] : memref<80x128xi32, #tpu.memory_space<vmem>> -> memref<1x128xi32, #tpu.memory_space<vmem>>
      %dma_wait3A_190 = tpu.memref_squeeze %dma_wait3A_189 : memref<1x128xi32, #tpu.memory_space<vmem>> -> memref<128xi32, #tpu.memory_space<vmem>>
      %dma_wait3A_191 = arith.constant 0 : i32
      %dma_wait3A_192 = arith.constant 0 : i32
      %dma_wait3A_193 = tpu.memref_slice %arg2[%dma_wait3A_191, %dma_wait3A_192] : memref<10000x128xf32, #tpu.memory_space<hbm>> -> memref<10000x128xf32, #tpu.memory_space<hbm>>
      tpu.wait_indirect_dma semaphore(%arg13 : memref<!tpu.dma_semaphore, #tpu.memory_space<semaphore_mem>>) src(%dma_wait3A_193 : memref<10000x128xf32, #tpu.memory_space<hbm>>) dst(%arg10 : memref<128x128xf32, #tpu.memory_space<vmem>>)
      %dma_start3A_194 = arith.constant 5 : i32
      %dma_start3A_195 = arith.constant 0 : i32
      %dma_start3A_196 = tpu.memref_slice %arg8[%dma_start3A_194, %dma_start3A_195] : memref<8x128xi32, #tpu.memory_space<vmem>> -> memref<1x128xi32, #tpu.memory_space<vmem>>
      %dma_start3A_197 = tpu.memref_squeeze %dma_start3A_196 : memref<1x128xi32, #tpu.memory_space<vmem>> -> memref<128xi32, #tpu.memory_space<vmem>>
      %dma_start3A_198 = arith.constant 0 : i32
      %dma_start3A_199 = arith.constant 0 : i32
      %dma_start3A_200 = tpu.memref_slice %arg11[%dma_start3A_198, %dma_start3A_199] : memref<10008x128xf32, #tpu.memory_space<vmem_shared>> -> memref<10008x128xf32, #tpu.memory_space<vmem_shared>>
      tpu.enqueue_indirect_dma source(%arg10 : memref<128x128xf32, #tpu.memory_space<vmem>>) target(%dma_start3A_200 : memref<10008x128xf32, #tpu.memory_space<vmem_shared>>) offsets(%dma_start3A_197 : memref<128xi32, #tpu.memory_space<vmem>>) semaphore(%arg15 : memref<!tpu.dma_semaphore, #tpu.memory_space<semaphore_mem>>) {add = true}
      %dma_wait3A_201 = arith.constant 5 : i32
      %dma_wait3A_202 = arith.constant 0 : i32
      %dma_wait3A_203 = tpu.memref_slice %arg8[%dma_wait3A_201, %dma_wait3A_202] : memref<8x128xi32, #tpu.memory_space<vmem>> -> memref<1x128xi32, #tpu.memory_space<vmem>>
      %dma_wait3A_204 = tpu.memref_squeeze %dma_wait3A_203 : memref<1x128xi32, #tpu.memory_space<vmem>> -> memref<128xi32, #tpu.memory_space<vmem>>
      %dma_wait3A_205 = arith.constant 0 : i32
      %dma_wait3A_206 = arith.constant 0 : i32
      %dma_wait3A_207 = tpu.memref_slice %arg11[%dma_wait3A_205, %dma_wait3A_206] : memref<10008x128xf32, #tpu.memory_space<vmem_shared>> -> memref<10008x128xf32, #tpu.memory_space<vmem_shared>>
      tpu.wait_indirect_dma semaphore(%arg15 : memref<!tpu.dma_semaphore, #tpu.memory_space<semaphore_mem>>) src(%arg10 : memref<128x128xf32, #tpu.memory_space<vmem>>) dst(%dma_wait3A_207 : memref<10008x128xf32, #tpu.memory_space<vmem_shared>>)
      %mul3A_208 = arith.constant 8 : i32
      %mul3A_209 = arith.muli %add3A_17, %mul3A_208 : i32
      %add3A_210 = arith.constant 7 : i32
      %add3A_211 = arith.addi %mul3A_209, %add3A_210 : i32
      %dma_start3A_212 = arith.constant 0 : i32
      %dma_start3A_213 = tpu.memref_slice %arg7[%add3A_211, %dma_start3A_212] : memref<80x128xi32, #tpu.memory_space<vmem>> -> memref<1x128xi32, #tpu.memory_space<vmem>>
      %dma_start3A_214 = tpu.memref_squeeze %dma_start3A_213 : memref<1x128xi32, #tpu.memory_space<vmem>> -> memref<128xi32, #tpu.memory_space<vmem>>
      %dma_start3A_215 = arith.constant 0 : i32
      %dma_start3A_216 = arith.constant 0 : i32
      %dma_start3A_217 = tpu.memref_slice %arg2[%dma_start3A_215, %dma_start3A_216] : memref<10000x128xf32, #tpu.memory_space<hbm>> -> memref<10000x128xf32, #tpu.memory_space<hbm>>
      tpu.enqueue_indirect_dma source(%dma_start3A_217 : memref<10000x128xf32, #tpu.memory_space<hbm>>) target(%arg10 : memref<128x128xf32, #tpu.memory_space<vmem>>) offsets(%dma_start3A_214 : memref<128xi32, #tpu.memory_space<vmem>>) semaphore(%arg13 : memref<!tpu.dma_semaphore, #tpu.memory_space<semaphore_mem>>)
      %dma_wait3A_218 = arith.constant 0 : i32
      %dma_wait3A_219 = tpu.memref_slice %arg7[%add3A_181, %dma_wait3A_218] : memref<80x128xi32, #tpu.memory_space<vmem>> -> memref<1x128xi32, #tpu.memory_space<vmem>>
      %dma_wait3A_220 = tpu.memref_squeeze %dma_wait3A_219 : memref<1x128xi32, #tpu.memory_space<vmem>> -> memref<128xi32, #tpu.memory_space<vmem>>
      %dma_wait3A_221 = arith.constant 0 : i32
      %dma_wait3A_222 = arith.constant 0 : i32
      %dma_wait3A_223 = tpu.memref_slice %arg2[%dma_wait3A_221, %dma_wait3A_222] : memref<10000x128xf32, #tpu.memory_space<hbm>> -> memref<10000x128xf32, #tpu.memory_space<hbm>>
      tpu.wait_indirect_dma semaphore(%arg12 : memref<!tpu.dma_semaphore, #tpu.memory_space<semaphore_mem>>) src(%dma_wait3A_223 : memref<10000x128xf32, #tpu.memory_space<hbm>>) dst(%arg9 : memref<128x128xf32, #tpu.memory_space<vmem>>)
      %dma_start3A_224 = arith.constant 6 : i32
      %dma_start3A_225 = arith.constant 0 : i32
      %dma_start3A_226 = tpu.memref_slice %arg8[%dma_start3A_224, %dma_start3A_225] : memref<8x128xi32, #tpu.memory_space<vmem>> -> memref<1x128xi32, #tpu.memory_space<vmem>>
      %dma_start3A_227 = tpu.memref_squeeze %dma_start3A_226 : memref<1x128xi32, #tpu.memory_space<vmem>> -> memref<128xi32, #tpu.memory_space<vmem>>
      %dma_start3A_228 = arith.constant 0 : i32
      %dma_start3A_229 = arith.constant 0 : i32
      %dma_start3A_230 = tpu.memref_slice %arg11[%dma_start3A_228, %dma_start3A_229] : memref<10008x128xf32, #tpu.memory_space<vmem_shared>> -> memref<10008x128xf32, #tpu.memory_space<vmem_shared>>
      tpu.enqueue_indirect_dma source(%arg9 : memref<128x128xf32, #tpu.memory_space<vmem>>) target(%dma_start3A_230 : memref<10008x128xf32, #tpu.memory_space<vmem_shared>>) offsets(%dma_start3A_227 : memref<128xi32, #tpu.memory_space<vmem>>) semaphore(%arg14 : memref<!tpu.dma_semaphore, #tpu.memory_space<semaphore_mem>>) {add = true}
      %dma_wait3A_231 = arith.constant 0 : i32
      %dma_wait3A_232 = tpu.memref_slice %arg7[%add3A_211, %dma_wait3A_231] : memref<80x128xi32, #tpu.memory_space<vmem>> -> memref<1x128xi32, #tpu.memory_space<vmem>>
      %dma_wait3A_233 = tpu.memref_squeeze %dma_wait3A_232 : memref<1x128xi32, #tpu.memory_space<vmem>> -> memref<128xi32, #tpu.memory_space<vmem>>
      %dma_wait3A_234 = arith.constant 0 : i32
      %dma_wait3A_235 = arith.constant 0 : i32
      %dma_wait3A_236 = tpu.memref_slice %arg2[%dma_wait3A_234, %dma_wait3A_235] : memref<10000x128xf32, #tpu.memory_space<hbm>> -> memref<10000x128xf32, #tpu.memory_space<hbm>>
      tpu.wait_indirect_dma semaphore(%arg13 : memref<!tpu.dma_semaphore, #tpu.memory_space<semaphore_mem>>) src(%dma_wait3A_236 : memref<10000x128xf32, #tpu.memory_space<hbm>>) dst(%arg10 : memref<128x128xf32, #tpu.memory_space<vmem>>)
      %dma_start3A_237 = arith.constant 7 : i32
      %dma_start3A_238 = arith.constant 0 : i32
      %dma_start3A_239 = tpu.memref_slice %arg8[%dma_start3A_237, %dma_start3A_238] : memref<8x128xi32, #tpu.memory_space<vmem>> -> memref<1x128xi32, #tpu.memory_space<vmem>>
      %dma_start3A_240 = tpu.memref_squeeze %dma_start3A_239 : memref<1x128xi32, #tpu.memory_space<vmem>> -> memref<128xi32, #tpu.memory_space<vmem>>
      %dma_start3A_241 = arith.constant 0 : i32
      %dma_start3A_242 = arith.constant 0 : i32
      %dma_start3A_243 = tpu.memref_slice %arg11[%dma_start3A_241, %dma_start3A_242] : memref<10008x128xf32, #tpu.memory_space<vmem_shared>> -> memref<10008x128xf32, #tpu.memory_space<vmem_shared>>
      tpu.enqueue_indirect_dma source(%arg10 : memref<128x128xf32, #tpu.memory_space<vmem>>) target(%dma_start3A_243 : memref<10008x128xf32, #tpu.memory_space<vmem_shared>>) offsets(%dma_start3A_240 : memref<128xi32, #tpu.memory_space<vmem>>) semaphore(%arg15 : memref<!tpu.dma_semaphore, #tpu.memory_space<semaphore_mem>>) {add = true}
      %dma_wait3A_244 = arith.constant 6 : i32
      %dma_wait3A_245 = arith.constant 0 : i32
      %dma_wait3A_246 = tpu.memref_slice %arg8[%dma_wait3A_244, %dma_wait3A_245] : memref<8x128xi32, #tpu.memory_space<vmem>> -> memref<1x128xi32, #tpu.memory_space<vmem>>
      %dma_wait3A_247 = tpu.memref_squeeze %dma_wait3A_246 : memref<1x128xi32, #tpu.memory_space<vmem>> -> memref<128xi32, #tpu.memory_space<vmem>>
      %dma_wait3A_248 = arith.constant 0 : i32
      %dma_wait3A_249 = arith.constant 0 : i32
      %dma_wait3A_250 = tpu.memref_slice %arg11[%dma_wait3A_248, %dma_wait3A_249] : memref<10008x128xf32, #tpu.memory_space<vmem_shared>> -> memref<10008x128xf32, #tpu.memory_space<vmem_shared>>
      tpu.wait_indirect_dma semaphore(%arg14 : memref<!tpu.dma_semaphore, #tpu.memory_space<semaphore_mem>>) src(%arg9 : memref<128x128xf32, #tpu.memory_space<vmem>>) dst(%dma_wait3A_250 : memref<10008x128xf32, #tpu.memory_space<vmem_shared>>)
      %dma_wait3A_251 = arith.constant 7 : i32
      %dma_wait3A_252 = arith.constant 0 : i32
      %dma_wait3A_253 = tpu.memref_slice %arg8[%dma_wait3A_251, %dma_wait3A_252] : memref<8x128xi32, #tpu.memory_space<vmem>> -> memref<1x128xi32, #tpu.memory_space<vmem>>
      %dma_wait3A_254 = tpu.memref_squeeze %dma_wait3A_253 : memref<1x128xi32, #tpu.memory_space<vmem>> -> memref<128xi32, #tpu.memory_space<vmem>>
      %dma_wait3A_255 = arith.constant 0 : i32
      %dma_wait3A_256 = arith.constant 0 : i32
      %dma_wait3A_257 = tpu.memref_slice %arg11[%dma_wait3A_255, %dma_wait3A_256] : memref<10008x128xf32, #tpu.memory_space<vmem_shared>> -> memref<10008x128xf32, #tpu.memory_space<vmem_shared>>
      tpu.wait_indirect_dma semaphore(%arg15 : memref<!tpu.dma_semaphore, #tpu.memory_space<semaphore_mem>>) src(%arg10 : memref<128x128xf32, #tpu.memory_space<vmem>>) dst(%dma_wait3A_257 : memref<10008x128xf32, #tpu.memory_space<vmem_shared>>)
    }
    %scan3A_6 = arith.constant 10 : i32
    %barrier3A_7 = arith.constant 0 : index
    tpu.barrier barrier_id(%barrier3A_7)
    %lt3A_8 = arith.constant 10 : i32
    %lt3A_9 = arith.cmpi slt, %arg1, %lt3A_8 : i32
    %convert_element_type3A_10 = arith.extui %lt3A_9 : i1 to i32
    %cond3A_11 = arith.constant 0 : i32
    %cond3A_12 = arith.cmpi ne, %convert_element_type3A_10, %cond3A_11 : i32
    scf.if %cond3A_12 {
      %mul3A_13 = arith.constant 1000 : i32
      %mul3A_14 = arith.muli %arg1, %mul3A_13 : i32
      %mul3A_15 = arith.constant 1000 : i32
      %mul3A_16 = arith.muli %arg1, %mul3A_15 : i32
      "tpu.region"() ({
        %run_scoped3A = tpu.sem_alloc : memref<!tpu.dma_semaphore, #tpu.memory_space<semaphore_mem>>
        %dma_start3A = arith.constant 0 : i32
        %dma_start3A_17 = tpu.memref_slice %arg6[%arg0, %mul3A_16, %dma_start3A] : memref<2x10000x128xf32, #tpu.memory_space<hbm>> -> memref<1x1000x128xf32, #tpu.memory_space<hbm>>
        %dma_start3A_18 = tpu.memref_squeeze %dma_start3A_17 : memref<1x1000x128xf32, #tpu.memory_space<hbm>> -> memref<1000x128xf32, #tpu.memory_space<hbm>>
        %dma_start3A_19 = arith.constant 0 : i32
        %dma_start3A_20 = tpu.memref_slice %arg11[%mul3A_14, %dma_start3A_19] : memref<10008x128xf32, #tpu.memory_space<vmem_shared>> -> memref<1000x128xf32, #tpu.memory_space<vmem_shared>>
        tpu.enqueue_dma source(%dma_start3A_20 : memref<1000x128xf32, #tpu.memory_space<vmem_shared>>) target(%dma_start3A_18 : memref<1000x128xf32, #tpu.memory_space<hbm>>) target_semaphore(%run_scoped3A : memref<!tpu.dma_semaphore, #tpu.memory_space<semaphore_mem>>)
        %dma_wait3A = arith.constant 0 : i32
        %dma_wait3A_21 = tpu.memref_slice %arg6[%arg0, %mul3A_16, %dma_wait3A] : memref<2x10000x128xf32, #tpu.memory_space<hbm>> -> memref<1x1000x128xf32, #tpu.memory_space<hbm>>
        %dma_wait3A_22 = tpu.memref_squeeze %dma_wait3A_21 : memref<1x1000x128xf32, #tpu.memory_space<hbm>> -> memref<1000x128xf32, #tpu.memory_space<hbm>>
        %dma_wait3A_23 = arith.constant 0 : i32
        %dma_wait3A_24 = tpu.memref_slice %arg11[%mul3A_14, %dma_wait3A_23] : memref<10008x128xf32, #tpu.memory_space<vmem_shared>> -> memref<1000x128xf32, #tpu.memory_space<vmem_shared>>
        tpu.wait_dma2 semaphore(%run_scoped3A : memref<!tpu.dma_semaphore, #tpu.memory_space<semaphore_mem>>) src(%dma_wait3A_24 : memref<1000x128xf32, #tpu.memory_space<vmem_shared>>) dst(%dma_wait3A_22 : memref<1000x128xf32, #tpu.memory_space<hbm>>)
        tpu.yield
      }) : () -> ()
    } else {
    }
    return
  }
}

#map = affine_map<(d0, d1) -> (0, 0, 0)>
#map1 = affine_map<(d0, d1) -> (0, 0)>
module attributes {stable_mosaic.version = 14 : i64} {
  func.func @k(%arg0: i32, %arg1: i32, %arg2: memref<32x80x128xi32, #tpu.memory_space<hbm>>, %arg3: memref<10000x128xf32, #tpu.memory_space<hbm>>, %arg4: memref<128x128xf32, #tpu.memory_space<hbm>>, %arg5: memref<2x10000x128xf32, #tpu.memory_space<hbm>>, %arg6: memref<80x128xi32, #tpu.memory_space<vmem>>, %arg7: memref<128x128xf32, #tpu.memory_space<vmem>>, %arg8: memref<10008x128xf32, #tpu.memory_space<vmem_shared>>, %arg9: memref<!tpu.dma_semaphore, #tpu.memory_space<semaphore_mem>>, %arg10: memref<!tpu.dma_semaphore, #tpu.memory_space<semaphore_mem>>, %arg11: memref<!tpu.dma_semaphore, #tpu.memory_space<semaphore_mem>>, %arg12: memref<!tpu.dma_semaphore, #tpu.memory_space<semaphore_mem>>) attributes {dimension_semantics = [#tpu.dimension_semantics<core_parallel>, #tpu.dimension_semantics<subcore_parallel>], iteration_bounds = array<i64: 2, 16>, scalar_prefetch = 0 : i64, scratch_operands = 7 : i64, tpu.core_type = #tpu.core_type<sc_vector_subcore>, window_params = [{transform_indices = #map}, {transform_indices = #map1}, {transform_indices = #map1}, {transform_indices = #map}]} {
    %mul3A = arith.constant 16 : i32
    %mul3A_0 = arith.muli %arg0, %mul3A : i32
    %add3A = arith.addi %mul3A_0, %arg1 : i32
    "tpu.region"() ({
      %run_scoped3A = tpu.sem_alloc : memref<!tpu.dma_semaphore, #tpu.memory_space<semaphore_mem>>
      tpu.enqueue_dma source(%arg4 : memref<128x128xf32, #tpu.memory_space<hbm>>) target(%arg7 : memref<128x128xf32, #tpu.memory_space<vmem>>) target_semaphore(%run_scoped3A : memref<!tpu.dma_semaphore, #tpu.memory_space<semaphore_mem>>)
      tpu.wait_dma2 semaphore(%run_scoped3A : memref<!tpu.dma_semaphore, #tpu.memory_space<semaphore_mem>>) src(%arg4 : memref<128x128xf32, #tpu.memory_space<hbm>>) dst(%arg7 : memref<128x128xf32, #tpu.memory_space<vmem>>)
      tpu.yield
    }) : () -> ()
    "tpu.region"() ({
      %run_scoped3A = tpu.sem_alloc : memref<!tpu.dma_semaphore, #tpu.memory_space<semaphore_mem>>
      %dma_start3A = arith.constant 0 : i32
      %dma_start3A_13 = arith.constant 0 : i32
      %dma_start3A_14 = tpu.memref_slice %arg2[%add3A, %dma_start3A, %dma_start3A_13] : memref<32x80x128xi32, #tpu.memory_space<hbm>> -> memref<1x80x128xi32, #tpu.memory_space<hbm>>
      %dma_start3A_15 = tpu.memref_squeeze %dma_start3A_14 : memref<1x80x128xi32, #tpu.memory_space<hbm>> -> memref<80x128xi32, #tpu.memory_space<hbm>>
      %dma_start3A_16 = arith.constant 0 : i32
      %dma_start3A_17 = arith.constant 0 : i32
      %dma_start3A_18 = tpu.memref_slice %arg2[%add3A, %dma_start3A_16, %dma_start3A_17] : memref<32x80x128xi32, #tpu.memory_space<hbm>> -> memref<1x80x128xi32, #tpu.memory_space<hbm>>
      %dma_start3A_19 = tpu.memref_squeeze %dma_start3A_18 : memref<1x80x128xi32, #tpu.memory_space<hbm>> -> memref<80x128xi32, #tpu.memory_space<hbm>>
      tpu.enqueue_dma source(%dma_start3A_19 : memref<80x128xi32, #tpu.memory_space<hbm>>) target(%arg6 : memref<80x128xi32, #tpu.memory_space<vmem>>) target_semaphore(%run_scoped3A : memref<!tpu.dma_semaphore, #tpu.memory_space<semaphore_mem>>)
      %dma_wait3A = arith.constant 0 : i32
      %dma_wait3A_20 = arith.constant 0 : i32
      %dma_wait3A_21 = tpu.memref_slice %arg2[%add3A, %dma_wait3A, %dma_wait3A_20] : memref<32x80x128xi32, #tpu.memory_space<hbm>> -> memref<1x80x128xi32, #tpu.memory_space<hbm>>
      %dma_wait3A_22 = tpu.memref_squeeze %dma_wait3A_21 : memref<1x80x128xi32, #tpu.memory_space<hbm>> -> memref<80x128xi32, #tpu.memory_space<hbm>>
      %dma_wait3A_23 = arith.constant 0 : i32
      %dma_wait3A_24 = arith.constant 0 : i32
      %dma_wait3A_25 = tpu.memref_slice %arg2[%add3A, %dma_wait3A_23, %dma_wait3A_24] : memref<32x80x128xi32, #tpu.memory_space<hbm>> -> memref<1x80x128xi32, #tpu.memory_space<hbm>>
      %dma_wait3A_26 = tpu.memref_squeeze %dma_wait3A_25 : memref<1x80x128xi32, #tpu.memory_space<hbm>> -> memref<80x128xi32, #tpu.memory_space<hbm>>
      tpu.wait_dma2 semaphore(%run_scoped3A : memref<!tpu.dma_semaphore, #tpu.memory_space<semaphore_mem>>) src(%dma_wait3A_26 : memref<80x128xi32, #tpu.memory_space<hbm>>) dst(%arg6 : memref<80x128xi32, #tpu.memory_space<vmem>>)
      tpu.yield
    }) : () -> ()
    %lt3A = arith.constant 10 : i32
    %lt3A_1 = arith.cmpi slt, %arg1, %lt3A : i32
    %convert_element_type3A = arith.extui %lt3A_1 : i1 to i32
    %cond3A = arith.constant 0 : i32
    %cond3A_2 = arith.cmpi ne, %convert_element_type3A, %cond3A : i32
    scf.if %cond3A_2 {
      %mul3A_13 = arith.constant 1000 : i32
      %mul3A_14 = arith.muli %arg1, %mul3A_13 : i32
      %mul3A_15 = arith.constant 1000 : i32
      %mul3A_16 = arith.muli %arg1, %mul3A_15 : i32
      "tpu.region"() ({
        %run_scoped3A = tpu.sem_alloc : memref<!tpu.dma_semaphore, #tpu.memory_space<semaphore_mem>>
        %dma_start3A = arith.constant 0 : i32
        %dma_start3A_17 = tpu.memref_slice %arg8[%mul3A_16, %dma_start3A] : memref<10008x128xf32, #tpu.memory_space<vmem_shared>> -> memref<1000x128xf32, #tpu.memory_space<vmem_shared>>
        %dma_start3A_18 = arith.constant 0 : i32
        %dma_start3A_19 = tpu.memref_slice %arg3[%mul3A_14, %dma_start3A_18] : memref<10000x128xf32, #tpu.memory_space<hbm>> -> memref<1000x128xf32, #tpu.memory_space<hbm>>
        tpu.enqueue_dma source(%dma_start3A_19 : memref<1000x128xf32, #tpu.memory_space<hbm>>) target(%dma_start3A_17 : memref<1000x128xf32, #tpu.memory_space<vmem_shared>>) target_semaphore(%run_scoped3A : memref<!tpu.dma_semaphore, #tpu.memory_space<semaphore_mem>>)
        %dma_wait3A = arith.constant 0 : i32
        %dma_wait3A_20 = tpu.memref_slice %arg8[%mul3A_16, %dma_wait3A] : memref<10008x128xf32, #tpu.memory_space<vmem_shared>> -> memref<1000x128xf32, #tpu.memory_space<vmem_shared>>
        %dma_wait3A_21 = arith.constant 0 : i32
        %dma_wait3A_22 = tpu.memref_slice %arg3[%mul3A_14, %dma_wait3A_21] : memref<10000x128xf32, #tpu.memory_space<hbm>> -> memref<1000x128xf32, #tpu.memory_space<hbm>>
        tpu.wait_dma2 semaphore(%run_scoped3A : memref<!tpu.dma_semaphore, #tpu.memory_space<semaphore_mem>>) src(%dma_wait3A_22 : memref<1000x128xf32, #tpu.memory_space<hbm>>) dst(%dma_wait3A_20 : memref<1000x128xf32, #tpu.memory_space<vmem_shared>>)
        tpu.yield
      }) : () -> ()
    } else {
    }
    %barrier3A = arith.constant 0 : index
    tpu.barrier barrier_id(%barrier3A)
    %scan3A = arith.constant 0 : i32
    %scan3A_3 = arith.constant 20 : i32
    %scan3A_4 = arith.addi %scan3A, %scan3A_3 : i32
    %scan3A_5 = arith.constant 1 : i32
    scf.for %scan3A_13 = %scan3A to %scan3A_4 step %scan3A_5  : i32 {
      %mul3A_14 = arith.constant 1 : i32
      %mul3A_15 = arith.muli %scan3A_13, %mul3A_14 : i32
      %add3A_16 = arith.constant 0 : i32
      %add3A_17 = arith.addi %add3A_16, %mul3A_15 : i32
      %mul3A_18 = arith.constant 4 : i32
      %mul3A_19 = arith.muli %add3A_17, %mul3A_18 : i32
      %add3A_20 = arith.constant 0 : i32
      %add3A_21 = arith.addi %mul3A_19, %add3A_20 : i32
      %dma_start3A = arith.constant 0 : i32
      %dma_start3A_22 = tpu.memref_slice %arg6[%add3A_21, %dma_start3A] : memref<80x128xi32, #tpu.memory_space<vmem>> -> memref<1x128xi32, #tpu.memory_space<vmem>>
      %dma_start3A_23 = tpu.memref_squeeze %dma_start3A_22 : memref<1x128xi32, #tpu.memory_space<vmem>> -> memref<128xi32, #tpu.memory_space<vmem>>
      %dma_start3A_24 = arith.constant 0 : i32
      %dma_start3A_25 = arith.constant 0 : i32
      %dma_start3A_26 = tpu.memref_slice %arg8[%dma_start3A_24, %dma_start3A_25] : memref<10008x128xf32, #tpu.memory_space<vmem_shared>> -> memref<10008x128xf32, #tpu.memory_space<vmem_shared>>
      tpu.enqueue_indirect_dma source(%arg7 : memref<128x128xf32, #tpu.memory_space<vmem>>) target(%dma_start3A_26 : memref<10008x128xf32, #tpu.memory_space<vmem_shared>>) offsets(%dma_start3A_23 : memref<128xi32, #tpu.memory_space<vmem>>) semaphore(%arg9 : memref<!tpu.dma_semaphore, #tpu.memory_space<semaphore_mem>>) {add = true}
      %mul3A_27 = arith.constant 4 : i32
      %mul3A_28 = arith.muli %add3A_17, %mul3A_27 : i32
      %add3A_29 = arith.constant 1 : i32
      %add3A_30 = arith.addi %mul3A_28, %add3A_29 : i32
      %dma_start3A_31 = arith.constant 0 : i32
      %dma_start3A_32 = tpu.memref_slice %arg6[%add3A_30, %dma_start3A_31] : memref<80x128xi32, #tpu.memory_space<vmem>> -> memref<1x128xi32, #tpu.memory_space<vmem>>
      %dma_start3A_33 = tpu.memref_squeeze %dma_start3A_32 : memref<1x128xi32, #tpu.memory_space<vmem>> -> memref<128xi32, #tpu.memory_space<vmem>>
      %dma_start3A_34 = arith.constant 0 : i32
      %dma_start3A_35 = arith.constant 0 : i32
      %dma_start3A_36 = tpu.memref_slice %arg8[%dma_start3A_34, %dma_start3A_35] : memref<10008x128xf32, #tpu.memory_space<vmem_shared>> -> memref<10008x128xf32, #tpu.memory_space<vmem_shared>>
      tpu.enqueue_indirect_dma source(%arg7 : memref<128x128xf32, #tpu.memory_space<vmem>>) target(%dma_start3A_36 : memref<10008x128xf32, #tpu.memory_space<vmem_shared>>) offsets(%dma_start3A_33 : memref<128xi32, #tpu.memory_space<vmem>>) semaphore(%arg10 : memref<!tpu.dma_semaphore, #tpu.memory_space<semaphore_mem>>) {add = true}
      %mul3A_37 = arith.constant 4 : i32
      %mul3A_38 = arith.muli %add3A_17, %mul3A_37 : i32
      %add3A_39 = arith.constant 2 : i32
      %add3A_40 = arith.addi %mul3A_38, %add3A_39 : i32
      %dma_start3A_41 = arith.constant 0 : i32
      %dma_start3A_42 = tpu.memref_slice %arg6[%add3A_40, %dma_start3A_41] : memref<80x128xi32, #tpu.memory_space<vmem>> -> memref<1x128xi32, #tpu.memory_space<vmem>>
      %dma_start3A_43 = tpu.memref_squeeze %dma_start3A_42 : memref<1x128xi32, #tpu.memory_space<vmem>> -> memref<128xi32, #tpu.memory_space<vmem>>
      %dma_start3A_44 = arith.constant 0 : i32
      %dma_start3A_45 = arith.constant 0 : i32
      %dma_start3A_46 = tpu.memref_slice %arg8[%dma_start3A_44, %dma_start3A_45] : memref<10008x128xf32, #tpu.memory_space<vmem_shared>> -> memref<10008x128xf32, #tpu.memory_space<vmem_shared>>
      tpu.enqueue_indirect_dma source(%arg7 : memref<128x128xf32, #tpu.memory_space<vmem>>) target(%dma_start3A_46 : memref<10008x128xf32, #tpu.memory_space<vmem_shared>>) offsets(%dma_start3A_43 : memref<128xi32, #tpu.memory_space<vmem>>) semaphore(%arg11 : memref<!tpu.dma_semaphore, #tpu.memory_space<semaphore_mem>>) {add = true}
      %mul3A_47 = arith.constant 4 : i32
      %mul3A_48 = arith.muli %add3A_17, %mul3A_47 : i32
      %add3A_49 = arith.constant 3 : i32
      %add3A_50 = arith.addi %mul3A_48, %add3A_49 : i32
      %dma_start3A_51 = arith.constant 0 : i32
      %dma_start3A_52 = tpu.memref_slice %arg6[%add3A_50, %dma_start3A_51] : memref<80x128xi32, #tpu.memory_space<vmem>> -> memref<1x128xi32, #tpu.memory_space<vmem>>
      %dma_start3A_53 = tpu.memref_squeeze %dma_start3A_52 : memref<1x128xi32, #tpu.memory_space<vmem>> -> memref<128xi32, #tpu.memory_space<vmem>>
      %dma_start3A_54 = arith.constant 0 : i32
      %dma_start3A_55 = arith.constant 0 : i32
      %dma_start3A_56 = tpu.memref_slice %arg8[%dma_start3A_54, %dma_start3A_55] : memref<10008x128xf32, #tpu.memory_space<vmem_shared>> -> memref<10008x128xf32, #tpu.memory_space<vmem_shared>>
      tpu.enqueue_indirect_dma source(%arg7 : memref<128x128xf32, #tpu.memory_space<vmem>>) target(%dma_start3A_56 : memref<10008x128xf32, #tpu.memory_space<vmem_shared>>) offsets(%dma_start3A_53 : memref<128xi32, #tpu.memory_space<vmem>>) semaphore(%arg12 : memref<!tpu.dma_semaphore, #tpu.memory_space<semaphore_mem>>) {add = true}
      %dma_wait3A = arith.constant 0 : i32
      %dma_wait3A_57 = tpu.memref_slice %arg6[%add3A_21, %dma_wait3A] : memref<80x128xi32, #tpu.memory_space<vmem>> -> memref<1x128xi32, #tpu.memory_space<vmem>>
      %dma_wait3A_58 = tpu.memref_squeeze %dma_wait3A_57 : memref<1x128xi32, #tpu.memory_space<vmem>> -> memref<128xi32, #tpu.memory_space<vmem>>
      %dma_wait3A_59 = arith.constant 0 : i32
      %dma_wait3A_60 = arith.constant 0 : i32
      %dma_wait3A_61 = tpu.memref_slice %arg8[%dma_wait3A_59, %dma_wait3A_60] : memref<10008x128xf32, #tpu.memory_space<vmem_shared>> -> memref<10008x128xf32, #tpu.memory_space<vmem_shared>>
      tpu.wait_indirect_dma semaphore(%arg9 : memref<!tpu.dma_semaphore, #tpu.memory_space<semaphore_mem>>) src(%arg7 : memref<128x128xf32, #tpu.memory_space<vmem>>) dst(%dma_wait3A_61 : memref<10008x128xf32, #tpu.memory_space<vmem_shared>>)
      %dma_wait3A_62 = arith.constant 0 : i32
      %dma_wait3A_63 = tpu.memref_slice %arg6[%add3A_30, %dma_wait3A_62] : memref<80x128xi32, #tpu.memory_space<vmem>> -> memref<1x128xi32, #tpu.memory_space<vmem>>
      %dma_wait3A_64 = tpu.memref_squeeze %dma_wait3A_63 : memref<1x128xi32, #tpu.memory_space<vmem>> -> memref<128xi32, #tpu.memory_space<vmem>>
      %dma_wait3A_65 = arith.constant 0 : i32
      %dma_wait3A_66 = arith.constant 0 : i32
      %dma_wait3A_67 = tpu.memref_slice %arg8[%dma_wait3A_65, %dma_wait3A_66] : memref<10008x128xf32, #tpu.memory_space<vmem_shared>> -> memref<10008x128xf32, #tpu.memory_space<vmem_shared>>
      tpu.wait_indirect_dma semaphore(%arg10 : memref<!tpu.dma_semaphore, #tpu.memory_space<semaphore_mem>>) src(%arg7 : memref<128x128xf32, #tpu.memory_space<vmem>>) dst(%dma_wait3A_67 : memref<10008x128xf32, #tpu.memory_space<vmem_shared>>)
      %dma_wait3A_68 = arith.constant 0 : i32
      %dma_wait3A_69 = tpu.memref_slice %arg6[%add3A_40, %dma_wait3A_68] : memref<80x128xi32, #tpu.memory_space<vmem>> -> memref<1x128xi32, #tpu.memory_space<vmem>>
      %dma_wait3A_70 = tpu.memref_squeeze %dma_wait3A_69 : memref<1x128xi32, #tpu.memory_space<vmem>> -> memref<128xi32, #tpu.memory_space<vmem>>
      %dma_wait3A_71 = arith.constant 0 : i32
      %dma_wait3A_72 = arith.constant 0 : i32
      %dma_wait3A_73 = tpu.memref_slice %arg8[%dma_wait3A_71, %dma_wait3A_72] : memref<10008x128xf32, #tpu.memory_space<vmem_shared>> -> memref<10008x128xf32, #tpu.memory_space<vmem_shared>>
      tpu.wait_indirect_dma semaphore(%arg11 : memref<!tpu.dma_semaphore, #tpu.memory_space<semaphore_mem>>) src(%arg7 : memref<128x128xf32, #tpu.memory_space<vmem>>) dst(%dma_wait3A_73 : memref<10008x128xf32, #tpu.memory_space<vmem_shared>>)
      %dma_wait3A_74 = arith.constant 0 : i32
      %dma_wait3A_75 = tpu.memref_slice %arg6[%add3A_50, %dma_wait3A_74] : memref<80x128xi32, #tpu.memory_space<vmem>> -> memref<1x128xi32, #tpu.memory_space<vmem>>
      %dma_wait3A_76 = tpu.memref_squeeze %dma_wait3A_75 : memref<1x128xi32, #tpu.memory_space<vmem>> -> memref<128xi32, #tpu.memory_space<vmem>>
      %dma_wait3A_77 = arith.constant 0 : i32
      %dma_wait3A_78 = arith.constant 0 : i32
      %dma_wait3A_79 = tpu.memref_slice %arg8[%dma_wait3A_77, %dma_wait3A_78] : memref<10008x128xf32, #tpu.memory_space<vmem_shared>> -> memref<10008x128xf32, #tpu.memory_space<vmem_shared>>
      tpu.wait_indirect_dma semaphore(%arg12 : memref<!tpu.dma_semaphore, #tpu.memory_space<semaphore_mem>>) src(%arg7 : memref<128x128xf32, #tpu.memory_space<vmem>>) dst(%dma_wait3A_79 : memref<10008x128xf32, #tpu.memory_space<vmem_shared>>)
    }
    %scan3A_6 = arith.constant 20 : i32
    %barrier3A_7 = arith.constant 0 : index
    tpu.barrier barrier_id(%barrier3A_7)
    %lt3A_8 = arith.constant 10 : i32
    %lt3A_9 = arith.cmpi slt, %arg1, %lt3A_8 : i32
    %convert_element_type3A_10 = arith.extui %lt3A_9 : i1 to i32
    %cond3A_11 = arith.constant 0 : i32
    %cond3A_12 = arith.cmpi ne, %convert_element_type3A_10, %cond3A_11 : i32
    scf.if %cond3A_12 {
      %mul3A_13 = arith.constant 1000 : i32
      %mul3A_14 = arith.muli %arg1, %mul3A_13 : i32
      %mul3A_15 = arith.constant 1000 : i32
      %mul3A_16 = arith.muli %arg1, %mul3A_15 : i32
      "tpu.region"() ({
        %run_scoped3A = tpu.sem_alloc : memref<!tpu.dma_semaphore, #tpu.memory_space<semaphore_mem>>
        %dma_start3A = arith.constant 0 : i32
        %dma_start3A_17 = tpu.memref_slice %arg5[%arg0, %mul3A_16, %dma_start3A] : memref<2x10000x128xf32, #tpu.memory_space<hbm>> -> memref<1x1000x128xf32, #tpu.memory_space<hbm>>
        %dma_start3A_18 = tpu.memref_squeeze %dma_start3A_17 : memref<1x1000x128xf32, #tpu.memory_space<hbm>> -> memref<1000x128xf32, #tpu.memory_space<hbm>>
        %dma_start3A_19 = arith.constant 0 : i32
        %dma_start3A_20 = tpu.memref_slice %arg8[%mul3A_14, %dma_start3A_19] : memref<10008x128xf32, #tpu.memory_space<vmem_shared>> -> memref<1000x128xf32, #tpu.memory_space<vmem_shared>>
        tpu.enqueue_dma source(%dma_start3A_20 : memref<1000x128xf32, #tpu.memory_space<vmem_shared>>) target(%dma_start3A_18 : memref<1000x128xf32, #tpu.memory_space<hbm>>) target_semaphore(%run_scoped3A : memref<!tpu.dma_semaphore, #tpu.memory_space<semaphore_mem>>)
        %dma_wait3A = arith.constant 0 : i32
        %dma_wait3A_21 = tpu.memref_slice %arg5[%arg0, %mul3A_16, %dma_wait3A] : memref<2x10000x128xf32, #tpu.memory_space<hbm>> -> memref<1x1000x128xf32, #tpu.memory_space<hbm>>
        %dma_wait3A_22 = tpu.memref_squeeze %dma_wait3A_21 : memref<1x1000x128xf32, #tpu.memory_space<hbm>> -> memref<1000x128xf32, #tpu.memory_space<hbm>>
        %dma_wait3A_23 = arith.constant 0 : i32
        %dma_wait3A_24 = tpu.memref_slice %arg8[%mul3A_14, %dma_wait3A_23] : memref<10008x128xf32, #tpu.memory_space<vmem_shared>> -> memref<1000x128xf32, #tpu.memory_space<vmem_shared>>
        tpu.wait_dma2 semaphore(%run_scoped3A : memref<!tpu.dma_semaphore, #tpu.memory_space<semaphore_mem>>) src(%dma_wait3A_24 : memref<1000x128xf32, #tpu.memory_space<vmem_shared>>) dst(%dma_wait3A_22 : memref<1000x128xf32, #tpu.memory_space<hbm>>)
        tpu.yield
      }) : () -> ()
    } else {
    }
    return
  }
}

#map = affine_map<(d0, d1) -> (0, 0)>
#map1 = affine_map<(d0, d1) -> (0, 0, 0)>
module attributes {stable_mosaic.version = 14 : i64} {
  func.func @k(%arg0: i32, %arg1: i32, %arg2: memref<10000x128xf32, #tpu.memory_space<hbm>>, %arg3: memref<32x80x128xi32, #tpu.memory_space<hbm>>, %arg4: memref<32x80x128xi32, #tpu.memory_space<hbm>>, %arg5: memref<10000x128xf32, #tpu.memory_space<hbm>>, %arg6: memref<2x10000x128xf32, #tpu.memory_space<hbm>>, %arg7: memref<80x128xi32, #tpu.memory_space<vmem>>, %arg8: memref<8x128xi32, #tpu.memory_space<vmem>>, %arg9: memref<128x128xf32, #tpu.memory_space<vmem>>, %arg10: memref<128x128xf32, #tpu.memory_space<vmem>>, %arg11: memref<10008x128xf32, #tpu.memory_space<vmem_shared>>, %arg12: memref<!tpu.dma_semaphore, #tpu.memory_space<semaphore_mem>>, %arg13: memref<!tpu.dma_semaphore, #tpu.memory_space<semaphore_mem>>, %arg14: memref<!tpu.dma_semaphore, #tpu.memory_space<semaphore_mem>>, %arg15: memref<!tpu.dma_semaphore, #tpu.memory_space<semaphore_mem>>) attributes {dimension_semantics = [#tpu.dimension_semantics<core_parallel>, #tpu.dimension_semantics<subcore_parallel>], iteration_bounds = array<i64: 2, 16>, scalar_prefetch = 0 : i64, scratch_operands = 9 : i64, tpu.core_type = #tpu.core_type<sc_vector_subcore>, window_params = [{transform_indices = #map}, {transform_indices = #map1}, {transform_indices = #map1}, {transform_indices = #map}, {transform_indices = #map1}]} {
    %mul3A = arith.constant 16 : i32
    %mul3A_0 = arith.muli %arg0, %mul3A : i32
    %add3A = arith.addi %mul3A_0, %arg1 : i32
    "tpu.region"() ({
      %run_scoped3A = tpu.sem_alloc : memref<!tpu.dma_semaphore, #tpu.memory_space<semaphore_mem>>
      %dma_start3A = arith.constant 0 : i32
      %dma_start3A_13 = arith.constant 0 : i32
      %dma_start3A_14 = tpu.memref_slice %arg3[%add3A, %dma_start3A, %dma_start3A_13] : memref<32x80x128xi32, #tpu.memory_space<hbm>> -> memref<1x80x128xi32, #tpu.memory_space<hbm>>
      %dma_start3A_15 = tpu.memref_squeeze %dma_start3A_14 : memref<1x80x128xi32, #tpu.memory_space<hbm>> -> memref<80x128xi32, #tpu.memory_space<hbm>>
      %dma_start3A_16 = arith.constant 0 : i32
      %dma_start3A_17 = arith.constant 0 : i32
      %dma_start3A_18 = tpu.memref_slice %arg3[%add3A, %dma_start3A_16, %dma_start3A_17] : memref<32x80x128xi32, #tpu.memory_space<hbm>> -> memref<1x80x128xi32, #tpu.memory_space<hbm>>
      %dma_start3A_19 = tpu.memref_squeeze %dma_start3A_18 : memref<1x80x128xi32, #tpu.memory_space<hbm>> -> memref<80x128xi32, #tpu.memory_space<hbm>>
      tpu.enqueue_dma source(%dma_start3A_19 : memref<80x128xi32, #tpu.memory_space<hbm>>) target(%arg7 : memref<80x128xi32, #tpu.memory_space<vmem>>) target_semaphore(%run_scoped3A : memref<!tpu.dma_semaphore, #tpu.memory_space<semaphore_mem>>)
      %dma_wait3A = arith.constant 0 : i32
      %dma_wait3A_20 = arith.constant 0 : i32
      %dma_wait3A_21 = tpu.memref_slice %arg3[%add3A, %dma_wait3A, %dma_wait3A_20] : memref<32x80x128xi32, #tpu.memory_space<hbm>> -> memref<1x80x128xi32, #tpu.memory_space<hbm>>
      %dma_wait3A_22 = tpu.memref_squeeze %dma_wait3A_21 : memref<1x80x128xi32, #tpu.memory_space<hbm>> -> memref<80x128xi32, #tpu.memory_space<hbm>>
      %dma_wait3A_23 = arith.constant 0 : i32
      %dma_wait3A_24 = arith.constant 0 : i32
      %dma_wait3A_25 = tpu.memref_slice %arg3[%add3A, %dma_wait3A_23, %dma_wait3A_24] : memref<32x80x128xi32, #tpu.memory_space<hbm>> -> memref<1x80x128xi32, #tpu.memory_space<hbm>>
      %dma_wait3A_26 = tpu.memref_squeeze %dma_wait3A_25 : memref<1x80x128xi32, #tpu.memory_space<hbm>> -> memref<80x128xi32, #tpu.memory_space<hbm>>
      tpu.wait_dma2 semaphore(%run_scoped3A : memref<!tpu.dma_semaphore, #tpu.memory_space<semaphore_mem>>) src(%dma_wait3A_26 : memref<80x128xi32, #tpu.memory_space<hbm>>) dst(%arg7 : memref<80x128xi32, #tpu.memory_space<vmem>>)
      tpu.yield
    }) : () -> ()
    %lt3A = arith.constant 10 : i32
    %lt3A_1 = arith.cmpi slt, %arg1, %lt3A : i32
    %convert_element_type3A = arith.extui %lt3A_1 : i1 to i32
    %cond3A = arith.constant 0 : i32
    %cond3A_2 = arith.cmpi ne, %convert_element_type3A, %cond3A : i32
    scf.if %cond3A_2 {
      %mul3A_13 = arith.constant 1000 : i32
      %mul3A_14 = arith.muli %arg1, %mul3A_13 : i32
      %mul3A_15 = arith.constant 1000 : i32
      %mul3A_16 = arith.muli %arg1, %mul3A_15 : i32
      "tpu.region"() ({
        %run_scoped3A = tpu.sem_alloc : memref<!tpu.dma_semaphore, #tpu.memory_space<semaphore_mem>>
        %dma_start3A = arith.constant 0 : i32
        %dma_start3A_17 = tpu.memref_slice %arg11[%mul3A_16, %dma_start3A] : memref<10008x128xf32, #tpu.memory_space<vmem_shared>> -> memref<1000x128xf32, #tpu.memory_space<vmem_shared>>
        %dma_start3A_18 = arith.constant 0 : i32
        %dma_start3A_19 = tpu.memref_slice %arg5[%mul3A_14, %dma_start3A_18] : memref<10000x128xf32, #tpu.memory_space<hbm>> -> memref<1000x128xf32, #tpu.memory_space<hbm>>
        tpu.enqueue_dma source(%dma_start3A_19 : memref<1000x128xf32, #tpu.memory_space<hbm>>) target(%dma_start3A_17 : memref<1000x128xf32, #tpu.memory_space<vmem_shared>>) target_semaphore(%run_scoped3A : memref<!tpu.dma_semaphore, #tpu.memory_space<semaphore_mem>>)
        %dma_wait3A = arith.constant 0 : i32
        %dma_wait3A_20 = tpu.memref_slice %arg11[%mul3A_16, %dma_wait3A] : memref<10008x128xf32, #tpu.memory_space<vmem_shared>> -> memref<1000x128xf32, #tpu.memory_space<vmem_shared>>
        %dma_wait3A_21 = arith.constant 0 : i32
        %dma_wait3A_22 = tpu.memref_slice %arg5[%mul3A_14, %dma_wait3A_21] : memref<10000x128xf32, #tpu.memory_space<hbm>> -> memref<1000x128xf32, #tpu.memory_space<hbm>>
        tpu.wait_dma2 semaphore(%run_scoped3A : memref<!tpu.dma_semaphore, #tpu.memory_space<semaphore_mem>>) src(%dma_wait3A_22 : memref<1000x128xf32, #tpu.memory_space<hbm>>) dst(%dma_wait3A_20 : memref<1000x128xf32, #tpu.memory_space<vmem_shared>>)
        tpu.yield
      }) : () -> ()
    } else {
    }
    %barrier3A = arith.constant 0 : index
    tpu.barrier barrier_id(%barrier3A)
    %scan3A = arith.constant 0 : i32
    %scan3A_3 = arith.constant 10 : i32
    %scan3A_4 = arith.addi %scan3A, %scan3A_3 : i32
    %scan3A_5 = arith.constant 1 : i32
    scf.for %scan3A_13 = %scan3A to %scan3A_4 step %scan3A_5  : i32 {
      %mul3A_14 = arith.constant 1 : i32
      %mul3A_15 = arith.muli %scan3A_13, %mul3A_14 : i32
      %add3A_16 = arith.constant 0 : i32
      %add3A_17 = arith.addi %add3A_16, %mul3A_15 : i32
      %mul3A_18 = arith.constant 8 : i32
      %mul3A_19 = arith.muli %add3A_17, %mul3A_18 : i32
      "tpu.region"() ({
        %run_scoped3A = tpu.sem_alloc : memref<!tpu.dma_semaphore, #tpu.memory_space<semaphore_mem>>
        %dma_start3A_258 = arith.constant 0 : i32
        %dma_start3A_259 = tpu.memref_slice %arg4[%add3A, %mul3A_19, %dma_start3A_258] : memref<32x80x128xi32, #tpu.memory_space<hbm>> -> memref<1x8x128xi32, #tpu.memory_space<hbm>>
        %dma_start3A_260 = tpu.memref_squeeze %dma_start3A_259 : memref<1x8x128xi32, #tpu.memory_space<hbm>> -> memref<8x128xi32, #tpu.memory_space<hbm>>
        %dma_start3A_261 = arith.constant 0 : i32
        %dma_start3A_262 = tpu.memref_slice %arg4[%add3A, %mul3A_19, %dma_start3A_261] : memref<32x80x128xi32, #tpu.memory_space<hbm>> -> memref<1x8x128xi32, #tpu.memory_space<hbm>>
        %dma_start3A_263 = tpu.memref_squeeze %dma_start3A_262 : memref<1x8x128xi32, #tpu.memory_space<hbm>> -> memref<8x128xi32, #tpu.memory_space<hbm>>
        tpu.enqueue_dma source(%dma_start3A_263 : memref<8x128xi32, #tpu.memory_space<hbm>>) target(%arg8 : memref<8x128xi32, #tpu.memory_space<vmem>>) target_semaphore(%run_scoped3A : memref<!tpu.dma_semaphore, #tpu.memory_space<semaphore_mem>>)
        %dma_wait3A_264 = arith.constant 0 : i32
        %dma_wait3A_265 = tpu.memref_slice %arg4[%add3A, %mul3A_19, %dma_wait3A_264] : memref<32x80x128xi32, #tpu.memory_space<hbm>> -> memref<1x8x128xi32, #tpu.memory_space<hbm>>
        %dma_wait3A_266 = tpu.memref_squeeze %dma_wait3A_265 : memref<1x8x128xi32, #tpu.memory_space<hbm>> -> memref<8x128xi32, #tpu.memory_space<hbm>>
        %dma_wait3A_267 = arith.constant 0 : i32
        %dma_wait3A_268 = tpu.memref_slice %arg4[%add3A, %mul3A_19, %dma_wait3A_267] : memref<32x80x128xi32, #tpu.memory_space<hbm>> -> memref<1x8x128xi32, #tpu.memory_space<hbm>>
        %dma_wait3A_269 = tpu.memref_squeeze %dma_wait3A_268 : memref<1x8x128xi32, #tpu.memory_space<hbm>> -> memref<8x128xi32, #tpu.memory_space<hbm>>
        tpu.wait_dma2 semaphore(%run_scoped3A : memref<!tpu.dma_semaphore, #tpu.memory_space<semaphore_mem>>) src(%dma_wait3A_269 : memref<8x128xi32, #tpu.memory_space<hbm>>) dst(%arg8 : memref<8x128xi32, #tpu.memory_space<vmem>>)
        tpu.yield
      }) : () -> ()
      %mul3A_20 = arith.constant 8 : i32
      %mul3A_21 = arith.muli %add3A_17, %mul3A_20 : i32
      %add3A_22 = arith.constant 0 : i32
      %add3A_23 = arith.addi %mul3A_21, %add3A_22 : i32
      %dma_start3A = arith.constant 0 : i32
      %dma_start3A_24 = tpu.memref_slice %arg7[%add3A_23, %dma_start3A] : memref<80x128xi32, #tpu.memory_space<vmem>> -> memref<1x128xi32, #tpu.memory_space<vmem>>
      %dma_start3A_25 = tpu.memref_squeeze %dma_start3A_24 : memref<1x128xi32, #tpu.memory_space<vmem>> -> memref<128xi32, #tpu.memory_space<vmem>>
      %dma_start3A_26 = arith.constant 0 : i32
      %dma_start3A_27 = arith.constant 0 : i32
      %dma_start3A_28 = tpu.memref_slice %arg2[%dma_start3A_26, %dma_start3A_27] : memref<10000x128xf32, #tpu.memory_space<hbm>> -> memref<10000x128xf32, #tpu.memory_space<hbm>>
      tpu.enqueue_indirect_dma source(%dma_start3A_28 : memref<10000x128xf32, #tpu.memory_space<hbm>>) target(%arg9 : memref<128x128xf32, #tpu.memory_space<vmem>>) offsets(%dma_start3A_25 : memref<128xi32, #tpu.memory_space<vmem>>) semaphore(%arg12 : memref<!tpu.dma_semaphore, #tpu.memory_space<semaphore_mem>>)
      %mul3A_29 = arith.constant 8 : i32
      %mul3A_30 = arith.muli %add3A_17, %mul3A_29 : i32
      %add3A_31 = arith.constant 1 : i32
      %add3A_32 = arith.addi %mul3A_30, %add3A_31 : i32
      %dma_start3A_33 = arith.constant 0 : i32
      %dma_start3A_34 = tpu.memref_slice %arg7[%add3A_32, %dma_start3A_33] : memref<80x128xi32, #tpu.memory_space<vmem>> -> memref<1x128xi32, #tpu.memory_space<vmem>>
      %dma_start3A_35 = tpu.memref_squeeze %dma_start3A_34 : memref<1x128xi32, #tpu.memory_space<vmem>> -> memref<128xi32, #tpu.memory_space<vmem>>
      %dma_start3A_36 = arith.constant 0 : i32
      %dma_start3A_37 = arith.constant 0 : i32
      %dma_start3A_38 = tpu.memref_slice %arg2[%dma_start3A_36, %dma_start3A_37] : memref<10000x128xf32, #tpu.memory_space<hbm>> -> memref<10000x128xf32, #tpu.memory_space<hbm>>
      tpu.enqueue_indirect_dma source(%dma_start3A_38 : memref<10000x128xf32, #tpu.memory_space<hbm>>) target(%arg10 : memref<128x128xf32, #tpu.memory_space<vmem>>) offsets(%dma_start3A_35 : memref<128xi32, #tpu.memory_space<vmem>>) semaphore(%arg13 : memref<!tpu.dma_semaphore, #tpu.memory_space<semaphore_mem>>)
      %dma_wait3A = arith.constant 0 : i32
      %dma_wait3A_39 = tpu.memref_slice %arg7[%add3A_23, %dma_wait3A] : memref<80x128xi32, #tpu.memory_space<vmem>> -> memref<1x128xi32, #tpu.memory_space<vmem>>
      %dma_wait3A_40 = tpu.memref_squeeze %dma_wait3A_39 : memref<1x128xi32, #tpu.memory_space<vmem>> -> memref<128xi32, #tpu.memory_space<vmem>>
      %dma_wait3A_41 = arith.constant 0 : i32
      %dma_wait3A_42 = arith.constant 0 : i32
      %dma_wait3A_43 = tpu.memref_slice %arg2[%dma_wait3A_41, %dma_wait3A_42] : memref<10000x128xf32, #tpu.memory_space<hbm>> -> memref<10000x128xf32, #tpu.memory_space<hbm>>
      tpu.wait_indirect_dma semaphore(%arg12 : memref<!tpu.dma_semaphore, #tpu.memory_space<semaphore_mem>>) src(%dma_wait3A_43 : memref<10000x128xf32, #tpu.memory_space<hbm>>) dst(%arg9 : memref<128x128xf32, #tpu.memory_space<vmem>>)
      %dma_start3A_44 = arith.constant 0 : i32
      %dma_start3A_45 = arith.constant 0 : i32
      %dma_start3A_46 = tpu.memref_slice %arg8[%dma_start3A_44, %dma_start3A_45] : memref<8x128xi32, #tpu.memory_space<vmem>> -> memref<1x128xi32, #tpu.memory_space<vmem>>
      %dma_start3A_47 = tpu.memref_squeeze %dma_start3A_46 : memref<1x128xi32, #tpu.memory_space<vmem>> -> memref<128xi32, #tpu.memory_space<vmem>>
      %dma_start3A_48 = arith.constant 0 : i32
      %dma_start3A_49 = arith.constant 0 : i32
      %dma_start3A_50 = tpu.memref_slice %arg11[%dma_start3A_48, %dma_start3A_49] : memref<10008x128xf32, #tpu.memory_space<vmem_shared>> -> memref<10008x128xf32, #tpu.memory_space<vmem_shared>>
      tpu.enqueue_indirect_dma source(%arg9 : memref<128x128xf32, #tpu.memory_space<vmem>>) target(%dma_start3A_50 : memref<10008x128xf32, #tpu.memory_space<vmem_shared>>) offsets(%dma_start3A_47 : memref<128xi32, #tpu.memory_space<vmem>>) semaphore(%arg14 : memref<!tpu.dma_semaphore, #tpu.memory_space<semaphore_mem>>) {add = true}
      %dma_wait3A_51 = arith.constant 0 : i32
      %dma_wait3A_52 = arith.constant 0 : i32
      %dma_wait3A_53 = tpu.memref_slice %arg8[%dma_wait3A_51, %dma_wait3A_52] : memref<8x128xi32, #tpu.memory_space<vmem>> -> memref<1x128xi32, #tpu.memory_space<vmem>>
      %dma_wait3A_54 = tpu.memref_squeeze %dma_wait3A_53 : memref<1x128xi32, #tpu.memory_space<vmem>> -> memref<128xi32, #tpu.memory_space<vmem>>
      %dma_wait3A_55 = arith.constant 0 : i32
      %dma_wait3A_56 = arith.constant 0 : i32
      %dma_wait3A_57 = tpu.memref_slice %arg11[%dma_wait3A_55, %dma_wait3A_56] : memref<10008x128xf32, #tpu.memory_space<vmem_shared>> -> memref<10008x128xf32, #tpu.memory_space<vmem_shared>>
      tpu.wait_indirect_dma semaphore(%arg14 : memref<!tpu.dma_semaphore, #tpu.memory_space<semaphore_mem>>) src(%arg9 : memref<128x128xf32, #tpu.memory_space<vmem>>) dst(%dma_wait3A_57 : memref<10008x128xf32, #tpu.memory_space<vmem_shared>>)
      %mul3A_58 = arith.constant 8 : i32
      %mul3A_59 = arith.muli %add3A_17, %mul3A_58 : i32
      %add3A_60 = arith.constant 2 : i32
      %add3A_61 = arith.addi %mul3A_59, %add3A_60 : i32
      %dma_start3A_62 = arith.constant 0 : i32
      %dma_start3A_63 = tpu.memref_slice %arg7[%add3A_61, %dma_start3A_62] : memref<80x128xi32, #tpu.memory_space<vmem>> -> memref<1x128xi32, #tpu.memory_space<vmem>>
      %dma_start3A_64 = tpu.memref_squeeze %dma_start3A_63 : memref<1x128xi32, #tpu.memory_space<vmem>> -> memref<128xi32, #tpu.memory_space<vmem>>
      %dma_start3A_65 = arith.constant 0 : i32
      %dma_start3A_66 = arith.constant 0 : i32
      %dma_start3A_67 = tpu.memref_slice %arg2[%dma_start3A_65, %dma_start3A_66] : memref<10000x128xf32, #tpu.memory_space<hbm>> -> memref<10000x128xf32, #tpu.memory_space<hbm>>
      tpu.enqueue_indirect_dma source(%dma_start3A_67 : memref<10000x128xf32, #tpu.memory_space<hbm>>) target(%arg9 : memref<128x128xf32, #tpu.memory_space<vmem>>) offsets(%dma_start3A_64 : memref<128xi32, #tpu.memory_space<vmem>>) semaphore(%arg12 : memref<!tpu.dma_semaphore, #tpu.memory_space<semaphore_mem>>)
      %dma_wait3A_68 = arith.constant 0 : i32
      %dma_wait3A_69 = tpu.memref_slice %arg7[%add3A_32, %dma_wait3A_68] : memref<80x128xi32, #tpu.memory_space<vmem>> -> memref<1x128xi32, #tpu.memory_space<vmem>>
      %dma_wait3A_70 = tpu.memref_squeeze %dma_wait3A_69 : memref<1x128xi32, #tpu.memory_space<vmem>> -> memref<128xi32, #tpu.memory_space<vmem>>
      %dma_wait3A_71 = arith.constant 0 : i32
      %dma_wait3A_72 = arith.constant 0 : i32
      %dma_wait3A_73 = tpu.memref_slice %arg2[%dma_wait3A_71, %dma_wait3A_72] : memref<10000x128xf32, #tpu.memory_space<hbm>> -> memref<10000x128xf32, #tpu.memory_space<hbm>>
      tpu.wait_indirect_dma semaphore(%arg13 : memref<!tpu.dma_semaphore, #tpu.memory_space<semaphore_mem>>) src(%dma_wait3A_73 : memref<10000x128xf32, #tpu.memory_space<hbm>>) dst(%arg10 : memref<128x128xf32, #tpu.memory_space<vmem>>)
      %dma_start3A_74 = arith.constant 1 : i32
      %dma_start3A_75 = arith.constant 0 : i32
      %dma_start3A_76 = tpu.memref_slice %arg8[%dma_start3A_74, %dma_start3A_75] : memref<8x128xi32, #tpu.memory_space<vmem>> -> memref<1x128xi32, #tpu.memory_space<vmem>>
      %dma_start3A_77 = tpu.memref_squeeze %dma_start3A_76 : memref<1x128xi32, #tpu.memory_space<vmem>> -> memref<128xi32, #tpu.memory_space<vmem>>
      %dma_start3A_78 = arith.constant 0 : i32
      %dma_start3A_79 = arith.constant 0 : i32
      %dma_start3A_80 = tpu.memref_slice %arg11[%dma_start3A_78, %dma_start3A_79] : memref<10008x128xf32, #tpu.memory_space<vmem_shared>> -> memref<10008x128xf32, #tpu.memory_space<vmem_shared>>
      tpu.enqueue_indirect_dma source(%arg10 : memref<128x128xf32, #tpu.memory_space<vmem>>) target(%dma_start3A_80 : memref<10008x128xf32, #tpu.memory_space<vmem_shared>>) offsets(%dma_start3A_77 : memref<128xi32, #tpu.memory_space<vmem>>) semaphore(%arg15 : memref<!tpu.dma_semaphore, #tpu.memory_space<semaphore_mem>>) {add = true}
      %dma_wait3A_81 = arith.constant 1 : i32
      %dma_wait3A_82 = arith.constant 0 : i32
      %dma_wait3A_83 = tpu.memref_slice %arg8[%dma_wait3A_81, %dma_wait3A_82] : memref<8x128xi32, #tpu.memory_space<vmem>> -> memref<1x128xi32, #tpu.memory_space<vmem>>
      %dma_wait3A_84 = tpu.memref_squeeze %dma_wait3A_83 : memref<1x128xi32, #tpu.memory_space<vmem>> -> memref<128xi32, #tpu.memory_space<vmem>>
      %dma_wait3A_85 = arith.constant 0 : i32
      %dma_wait3A_86 = arith.constant 0 : i32
      %dma_wait3A_87 = tpu.memref_slice %arg11[%dma_wait3A_85, %dma_wait3A_86] : memref<10008x128xf32, #tpu.memory_space<vmem_shared>> -> memref<10008x128xf32, #tpu.memory_space<vmem_shared>>
      tpu.wait_indirect_dma semaphore(%arg15 : memref<!tpu.dma_semaphore, #tpu.memory_space<semaphore_mem>>) src(%arg10 : memref<128x128xf32, #tpu.memory_space<vmem>>) dst(%dma_wait3A_87 : memref<10008x128xf32, #tpu.memory_space<vmem_shared>>)
      %mul3A_88 = arith.constant 8 : i32
      %mul3A_89 = arith.muli %add3A_17, %mul3A_88 : i32
      %add3A_90 = arith.constant 3 : i32
      %add3A_91 = arith.addi %mul3A_89, %add3A_90 : i32
      %dma_start3A_92 = arith.constant 0 : i32
      %dma_start3A_93 = tpu.memref_slice %arg7[%add3A_91, %dma_start3A_92] : memref<80x128xi32, #tpu.memory_space<vmem>> -> memref<1x128xi32, #tpu.memory_space<vmem>>
      %dma_start3A_94 = tpu.memref_squeeze %dma_start3A_93 : memref<1x128xi32, #tpu.memory_space<vmem>> -> memref<128xi32, #tpu.memory_space<vmem>>
      %dma_start3A_95 = arith.constant 0 : i32
      %dma_start3A_96 = arith.constant 0 : i32
      %dma_start3A_97 = tpu.memref_slice %arg2[%dma_start3A_95, %dma_start3A_96] : memref<10000x128xf32, #tpu.memory_space<hbm>> -> memref<10000x128xf32, #tpu.memory_space<hbm>>
      tpu.enqueue_indirect_dma source(%dma_start3A_97 : memref<10000x128xf32, #tpu.memory_space<hbm>>) target(%arg10 : memref<128x128xf32, #tpu.memory_space<vmem>>) offsets(%dma_start3A_94 : memref<128xi32, #tpu.memory_space<vmem>>) semaphore(%arg13 : memref<!tpu.dma_semaphore, #tpu.memory_space<semaphore_mem>>)
      %dma_wait3A_98 = arith.constant 0 : i32
      %dma_wait3A_99 = tpu.memref_slice %arg7[%add3A_61, %dma_wait3A_98] : memref<80x128xi32, #tpu.memory_space<vmem>> -> memref<1x128xi32, #tpu.memory_space<vmem>>
      %dma_wait3A_100 = tpu.memref_squeeze %dma_wait3A_99 : memref<1x128xi32, #tpu.memory_space<vmem>> -> memref<128xi32, #tpu.memory_space<vmem>>
      %dma_wait3A_101 = arith.constant 0 : i32
      %dma_wait3A_102 = arith.constant 0 : i32
      %dma_wait3A_103 = tpu.memref_slice %arg2[%dma_wait3A_101, %dma_wait3A_102] : memref<10000x128xf32, #tpu.memory_space<hbm>> -> memref<10000x128xf32, #tpu.memory_space<hbm>>
      tpu.wait_indirect_dma semaphore(%arg12 : memref<!tpu.dma_semaphore, #tpu.memory_space<semaphore_mem>>) src(%dma_wait3A_103 : memref<10000x128xf32, #tpu.memory_space<hbm>>) dst(%arg9 : memref<128x128xf32, #tpu.memory_space<vmem>>)
      %dma_start3A_104 = arith.constant 2 : i32
      %dma_start3A_105 = arith.constant 0 : i32
      %dma_start3A_106 = tpu.memref_slice %arg8[%dma_start3A_104, %dma_start3A_105] : memref<8x128xi32, #tpu.memory_space<vmem>> -> memref<1x128xi32, #tpu.memory_space<vmem>>
      %dma_start3A_107 = tpu.memref_squeeze %dma_start3A_106 : memref<1x128xi32, #tpu.memory_space<vmem>> -> memref<128xi32, #tpu.memory_space<vmem>>
      %dma_start3A_108 = arith.constant 0 : i32
      %dma_start3A_109 = arith.constant 0 : i32
      %dma_start3A_110 = tpu.memref_slice %arg11[%dma_start3A_108, %dma_start3A_109] : memref<10008x128xf32, #tpu.memory_space<vmem_shared>> -> memref<10008x128xf32, #tpu.memory_space<vmem_shared>>
      tpu.enqueue_indirect_dma source(%arg9 : memref<128x128xf32, #tpu.memory_space<vmem>>) target(%dma_start3A_110 : memref<10008x128xf32, #tpu.memory_space<vmem_shared>>) offsets(%dma_start3A_107 : memref<128xi32, #tpu.memory_space<vmem>>) semaphore(%arg14 : memref<!tpu.dma_semaphore, #tpu.memory_space<semaphore_mem>>) {add = true}
      %dma_wait3A_111 = arith.constant 2 : i32
      %dma_wait3A_112 = arith.constant 0 : i32
      %dma_wait3A_113 = tpu.memref_slice %arg8[%dma_wait3A_111, %dma_wait3A_112] : memref<8x128xi32, #tpu.memory_space<vmem>> -> memref<1x128xi32, #tpu.memory_space<vmem>>
      %dma_wait3A_114 = tpu.memref_squeeze %dma_wait3A_113 : memref<1x128xi32, #tpu.memory_space<vmem>> -> memref<128xi32, #tpu.memory_space<vmem>>
      %dma_wait3A_115 = arith.constant 0 : i32
      %dma_wait3A_116 = arith.constant 0 : i32
      %dma_wait3A_117 = tpu.memref_slice %arg11[%dma_wait3A_115, %dma_wait3A_116] : memref<10008x128xf32, #tpu.memory_space<vmem_shared>> -> memref<10008x128xf32, #tpu.memory_space<vmem_shared>>
      tpu.wait_indirect_dma semaphore(%arg14 : memref<!tpu.dma_semaphore, #tpu.memory_space<semaphore_mem>>) src(%arg9 : memref<128x128xf32, #tpu.memory_space<vmem>>) dst(%dma_wait3A_117 : memref<10008x128xf32, #tpu.memory_space<vmem_shared>>)
      %mul3A_118 = arith.constant 8 : i32
      %mul3A_119 = arith.muli %add3A_17, %mul3A_118 : i32
      %add3A_120 = arith.constant 4 : i32
      %add3A_121 = arith.addi %mul3A_119, %add3A_120 : i32
      %dma_start3A_122 = arith.constant 0 : i32
      %dma_start3A_123 = tpu.memref_slice %arg7[%add3A_121, %dma_start3A_122] : memref<80x128xi32, #tpu.memory_space<vmem>> -> memref<1x128xi32, #tpu.memory_space<vmem>>
      %dma_start3A_124 = tpu.memref_squeeze %dma_start3A_123 : memref<1x128xi32, #tpu.memory_space<vmem>> -> memref<128xi32, #tpu.memory_space<vmem>>
      %dma_start3A_125 = arith.constant 0 : i32
      %dma_start3A_126 = arith.constant 0 : i32
      %dma_start3A_127 = tpu.memref_slice %arg2[%dma_start3A_125, %dma_start3A_126] : memref<10000x128xf32, #tpu.memory_space<hbm>> -> memref<10000x128xf32, #tpu.memory_space<hbm>>
      tpu.enqueue_indirect_dma source(%dma_start3A_127 : memref<10000x128xf32, #tpu.memory_space<hbm>>) target(%arg9 : memref<128x128xf32, #tpu.memory_space<vmem>>) offsets(%dma_start3A_124 : memref<128xi32, #tpu.memory_space<vmem>>) semaphore(%arg12 : memref<!tpu.dma_semaphore, #tpu.memory_space<semaphore_mem>>)
      %dma_wait3A_128 = arith.constant 0 : i32
      %dma_wait3A_129 = tpu.memref_slice %arg7[%add3A_91, %dma_wait3A_128] : memref<80x128xi32, #tpu.memory_space<vmem>> -> memref<1x128xi32, #tpu.memory_space<vmem>>
      %dma_wait3A_130 = tpu.memref_squeeze %dma_wait3A_129 : memref<1x128xi32, #tpu.memory_space<vmem>> -> memref<128xi32, #tpu.memory_space<vmem>>
      %dma_wait3A_131 = arith.constant 0 : i32
      %dma_wait3A_132 = arith.constant 0 : i32
      %dma_wait3A_133 = tpu.memref_slice %arg2[%dma_wait3A_131, %dma_wait3A_132] : memref<10000x128xf32, #tpu.memory_space<hbm>> -> memref<10000x128xf32, #tpu.memory_space<hbm>>
      tpu.wait_indirect_dma semaphore(%arg13 : memref<!tpu.dma_semaphore, #tpu.memory_space<semaphore_mem>>) src(%dma_wait3A_133 : memref<10000x128xf32, #tpu.memory_space<hbm>>) dst(%arg10 : memref<128x128xf32, #tpu.memory_space<vmem>>)
      %dma_start3A_134 = arith.constant 3 : i32
      %dma_start3A_135 = arith.constant 0 : i32
      %dma_start3A_136 = tpu.memref_slice %arg8[%dma_start3A_134, %dma_start3A_135] : memref<8x128xi32, #tpu.memory_space<vmem>> -> memref<1x128xi32, #tpu.memory_space<vmem>>
      %dma_start3A_137 = tpu.memref_squeeze %dma_start3A_136 : memref<1x128xi32, #tpu.memory_space<vmem>> -> memref<128xi32, #tpu.memory_space<vmem>>
      %dma_start3A_138 = arith.constant 0 : i32
      %dma_start3A_139 = arith.constant 0 : i32
      %dma_start3A_140 = tpu.memref_slice %arg11[%dma_start3A_138, %dma_start3A_139] : memref<10008x128xf32, #tpu.memory_space<vmem_shared>> -> memref<10008x128xf32, #tpu.memory_space<vmem_shared>>
      tpu.enqueue_indirect_dma source(%arg10 : memref<128x128xf32, #tpu.memory_space<vmem>>) target(%dma_start3A_140 : memref<10008x128xf32, #tpu.memory_space<vmem_shared>>) offsets(%dma_start3A_137 : memref<128xi32, #tpu.memory_space<vmem>>) semaphore(%arg15 : memref<!tpu.dma_semaphore, #tpu.memory_space<semaphore_mem>>) {add = true}
      %dma_wait3A_141 = arith.constant 3 : i32
      %dma_wait3A_142 = arith.constant 0 : i32
      %dma_wait3A_143 = tpu.memref_slice %arg8[%dma_wait3A_141, %dma_wait3A_142] : memref<8x128xi32, #tpu.memory_space<vmem>> -> memref<1x128xi32, #tpu.memory_space<vmem>>
      %dma_wait3A_144 = tpu.memref_squeeze %dma_wait3A_143 : memref<1x128xi32, #tpu.memory_space<vmem>> -> memref<128xi32, #tpu.memory_space<vmem>>
      %dma_wait3A_145 = arith.constant 0 : i32
      %dma_wait3A_146 = arith.constant 0 : i32
      %dma_wait3A_147 = tpu.memref_slice %arg11[%dma_wait3A_145, %dma_wait3A_146] : memref<10008x128xf32, #tpu.memory_space<vmem_shared>> -> memref<10008x128xf32, #tpu.memory_space<vmem_shared>>
      tpu.wait_indirect_dma semaphore(%arg15 : memref<!tpu.dma_semaphore, #tpu.memory_space<semaphore_mem>>) src(%arg10 : memref<128x128xf32, #tpu.memory_space<vmem>>) dst(%dma_wait3A_147 : memref<10008x128xf32, #tpu.memory_space<vmem_shared>>)
      %mul3A_148 = arith.constant 8 : i32
      %mul3A_149 = arith.muli %add3A_17, %mul3A_148 : i32
      %add3A_150 = arith.constant 5 : i32
      %add3A_151 = arith.addi %mul3A_149, %add3A_150 : i32
      %dma_start3A_152 = arith.constant 0 : i32
      %dma_start3A_153 = tpu.memref_slice %arg7[%add3A_151, %dma_start3A_152] : memref<80x128xi32, #tpu.memory_space<vmem>> -> memref<1x128xi32, #tpu.memory_space<vmem>>
      %dma_start3A_154 = tpu.memref_squeeze %dma_start3A_153 : memref<1x128xi32, #tpu.memory_space<vmem>> -> memref<128xi32, #tpu.memory_space<vmem>>
      %dma_start3A_155 = arith.constant 0 : i32
      %dma_start3A_156 = arith.constant 0 : i32
      %dma_start3A_157 = tpu.memref_slice %arg2[%dma_start3A_155, %dma_start3A_156] : memref<10000x128xf32, #tpu.memory_space<hbm>> -> memref<10000x128xf32, #tpu.memory_space<hbm>>
      tpu.enqueue_indirect_dma source(%dma_start3A_157 : memref<10000x128xf32, #tpu.memory_space<hbm>>) target(%arg10 : memref<128x128xf32, #tpu.memory_space<vmem>>) offsets(%dma_start3A_154 : memref<128xi32, #tpu.memory_space<vmem>>) semaphore(%arg13 : memref<!tpu.dma_semaphore, #tpu.memory_space<semaphore_mem>>)
      %dma_wait3A_158 = arith.constant 0 : i32
      %dma_wait3A_159 = tpu.memref_slice %arg7[%add3A_121, %dma_wait3A_158] : memref<80x128xi32, #tpu.memory_space<vmem>> -> memref<1x128xi32, #tpu.memory_space<vmem>>
      %dma_wait3A_160 = tpu.memref_squeeze %dma_wait3A_159 : memref<1x128xi32, #tpu.memory_space<vmem>> -> memref<128xi32, #tpu.memory_space<vmem>>
      %dma_wait3A_161 = arith.constant 0 : i32
      %dma_wait3A_162 = arith.constant 0 : i32
      %dma_wait3A_163 = tpu.memref_slice %arg2[%dma_wait3A_161, %dma_wait3A_162] : memref<10000x128xf32, #tpu.memory_space<hbm>> -> memref<10000x128xf32, #tpu.memory_space<hbm>>
      tpu.wait_indirect_dma semaphore(%arg12 : memref<!tpu.dma_semaphore, #tpu.memory_space<semaphore_mem>>) src(%dma_wait3A_163 : memref<10000x128xf32, #tpu.memory_space<hbm>>) dst(%arg9 : memref<128x128xf32, #tpu.memory_space<vmem>>)
      %dma_start3A_164 = arith.constant 4 : i32
      %dma_start3A_165 = arith.constant 0 : i32
      %dma_start3A_166 = tpu.memref_slice %arg8[%dma_start3A_164, %dma_start3A_165] : memref<8x128xi32, #tpu.memory_space<vmem>> -> memref<1x128xi32, #tpu.memory_space<vmem>>
      %dma_start3A_167 = tpu.memref_squeeze %dma_start3A_166 : memref<1x128xi32, #tpu.memory_space<vmem>> -> memref<128xi32, #tpu.memory_space<vmem>>
      %dma_start3A_168 = arith.constant 0 : i32
      %dma_start3A_169 = arith.constant 0 : i32
      %dma_start3A_170 = tpu.memref_slice %arg11[%dma_start3A_168, %dma_start3A_169] : memref<10008x128xf32, #tpu.memory_space<vmem_shared>> -> memref<10008x128xf32, #tpu.memory_space<vmem_shared>>
      tpu.enqueue_indirect_dma source(%arg9 : memref<128x128xf32, #tpu.memory_space<vmem>>) target(%dma_start3A_170 : memref<10008x128xf32, #tpu.memory_space<vmem_shared>>) offsets(%dma_start3A_167 : memref<128xi32, #tpu.memory_space<vmem>>) semaphore(%arg14 : memref<!tpu.dma_semaphore, #tpu.memory_space<semaphore_mem>>) {add = true}
      %dma_wait3A_171 = arith.constant 4 : i32
      %dma_wait3A_172 = arith.constant 0 : i32
      %dma_wait3A_173 = tpu.memref_slice %arg8[%dma_wait3A_171, %dma_wait3A_172] : memref<8x128xi32, #tpu.memory_space<vmem>> -> memref<1x128xi32, #tpu.memory_space<vmem>>
      %dma_wait3A_174 = tpu.memref_squeeze %dma_wait3A_173 : memref<1x128xi32, #tpu.memory_space<vmem>> -> memref<128xi32, #tpu.memory_space<vmem>>
      %dma_wait3A_175 = arith.constant 0 : i32
      %dma_wait3A_176 = arith.constant 0 : i32
      %dma_wait3A_177 = tpu.memref_slice %arg11[%dma_wait3A_175, %dma_wait3A_176] : memref<10008x128xf32, #tpu.memory_space<vmem_shared>> -> memref<10008x128xf32, #tpu.memory_space<vmem_shared>>
      tpu.wait_indirect_dma semaphore(%arg14 : memref<!tpu.dma_semaphore, #tpu.memory_space<semaphore_mem>>) src(%arg9 : memref<128x128xf32, #tpu.memory_space<vmem>>) dst(%dma_wait3A_177 : memref<10008x128xf32, #tpu.memory_space<vmem_shared>>)
      %mul3A_178 = arith.constant 8 : i32
      %mul3A_179 = arith.muli %add3A_17, %mul3A_178 : i32
      %add3A_180 = arith.constant 6 : i32
      %add3A_181 = arith.addi %mul3A_179, %add3A_180 : i32
      %dma_start3A_182 = arith.constant 0 : i32
      %dma_start3A_183 = tpu.memref_slice %arg7[%add3A_181, %dma_start3A_182] : memref<80x128xi32, #tpu.memory_space<vmem>> -> memref<1x128xi32, #tpu.memory_space<vmem>>
      %dma_start3A_184 = tpu.memref_squeeze %dma_start3A_183 : memref<1x128xi32, #tpu.memory_space<vmem>> -> memref<128xi32, #tpu.memory_space<vmem>>
      %dma_start3A_185 = arith.constant 0 : i32
      %dma_start3A_186 = arith.constant 0 : i32
      %dma_start3A_187 = tpu.memref_slice %arg2[%dma_start3A_185, %dma_start3A_186] : memref<10000x128xf32, #tpu.memory_space<hbm>> -> memref<10000x128xf32, #tpu.memory_space<hbm>>
      tpu.enqueue_indirect_dma source(%dma_start3A_187 : memref<10000x128xf32, #tpu.memory_space<hbm>>) target(%arg9 : memref<128x128xf32, #tpu.memory_space<vmem>>) offsets(%dma_start3A_184 : memref<128xi32, #tpu.memory_space<vmem>>) semaphore(%arg12 : memref<!tpu.dma_semaphore, #tpu.memory_space<semaphore_mem>>)
      %dma_wait3A_188 = arith.constant 0 : i32
      %dma_wait3A_189 = tpu.memref_slice %arg7[%add3A_151, %dma_wait3A_188] : memref<80x128xi32, #tpu.memory_space<vmem>> -> memref<1x128xi32, #tpu.memory_space<vmem>>
      %dma_wait3A_190 = tpu.memref_squeeze %dma_wait3A_189 : memref<1x128xi32, #tpu.memory_space<vmem>> -> memref<128xi32, #tpu.memory_space<vmem>>
      %dma_wait3A_191 = arith.constant 0 : i32
      %dma_wait3A_192 = arith.constant 0 : i32
      %dma_wait3A_193 = tpu.memref_slice %arg2[%dma_wait3A_191, %dma_wait3A_192] : memref<10000x128xf32, #tpu.memory_space<hbm>> -> memref<10000x128xf32, #tpu.memory_space<hbm>>
      tpu.wait_indirect_dma semaphore(%arg13 : memref<!tpu.dma_semaphore, #tpu.memory_space<semaphore_mem>>) src(%dma_wait3A_193 : memref<10000x128xf32, #tpu.memory_space<hbm>>) dst(%arg10 : memref<128x128xf32, #tpu.memory_space<vmem>>)
      %dma_start3A_194 = arith.constant 5 : i32
      %dma_start3A_195 = arith.constant 0 : i32
      %dma_start3A_196 = tpu.memref_slice %arg8[%dma_start3A_194, %dma_start3A_195] : memref<8x128xi32, #tpu.memory_space<vmem>> -> memref<1x128xi32, #tpu.memory_space<vmem>>
      %dma_start3A_197 = tpu.memref_squeeze %dma_start3A_196 : memref<1x128xi32, #tpu.memory_space<vmem>> -> memref<128xi32, #tpu.memory_space<vmem>>
      %dma_start3A_198 = arith.constant 0 : i32
      %dma_start3A_199 = arith.constant 0 : i32
      %dma_start3A_200 = tpu.memref_slice %arg11[%dma_start3A_198, %dma_start3A_199] : memref<10008x128xf32, #tpu.memory_space<vmem_shared>> -> memref<10008x128xf32, #tpu.memory_space<vmem_shared>>
      tpu.enqueue_indirect_dma source(%arg10 : memref<128x128xf32, #tpu.memory_space<vmem>>) target(%dma_start3A_200 : memref<10008x128xf32, #tpu.memory_space<vmem_shared>>) offsets(%dma_start3A_197 : memref<128xi32, #tpu.memory_space<vmem>>) semaphore(%arg15 : memref<!tpu.dma_semaphore, #tpu.memory_space<semaphore_mem>>) {add = true}
      %dma_wait3A_201 = arith.constant 5 : i32
      %dma_wait3A_202 = arith.constant 0 : i32
      %dma_wait3A_203 = tpu.memref_slice %arg8[%dma_wait3A_201, %dma_wait3A_202] : memref<8x128xi32, #tpu.memory_space<vmem>> -> memref<1x128xi32, #tpu.memory_space<vmem>>
      %dma_wait3A_204 = tpu.memref_squeeze %dma_wait3A_203 : memref<1x128xi32, #tpu.memory_space<vmem>> -> memref<128xi32, #tpu.memory_space<vmem>>
      %dma_wait3A_205 = arith.constant 0 : i32
      %dma_wait3A_206 = arith.constant 0 : i32
      %dma_wait3A_207 = tpu.memref_slice %arg11[%dma_wait3A_205, %dma_wait3A_206] : memref<10008x128xf32, #tpu.memory_space<vmem_shared>> -> memref<10008x128xf32, #tpu.memory_space<vmem_shared>>
      tpu.wait_indirect_dma semaphore(%arg15 : memref<!tpu.dma_semaphore, #tpu.memory_space<semaphore_mem>>) src(%arg10 : memref<128x128xf32, #tpu.memory_space<vmem>>) dst(%dma_wait3A_207 : memref<10008x128xf32, #tpu.memory_space<vmem_shared>>)
      %mul3A_208 = arith.constant 8 : i32
      %mul3A_209 = arith.muli %add3A_17, %mul3A_208 : i32
      %add3A_210 = arith.constant 7 : i32
      %add3A_211 = arith.addi %mul3A_209, %add3A_210 : i32
      %dma_start3A_212 = arith.constant 0 : i32
      %dma_start3A_213 = tpu.memref_slice %arg7[%add3A_211, %dma_start3A_212] : memref<80x128xi32, #tpu.memory_space<vmem>> -> memref<1x128xi32, #tpu.memory_space<vmem>>
      %dma_start3A_214 = tpu.memref_squeeze %dma_start3A_213 : memref<1x128xi32, #tpu.memory_space<vmem>> -> memref<128xi32, #tpu.memory_space<vmem>>
      %dma_start3A_215 = arith.constant 0 : i32
      %dma_start3A_216 = arith.constant 0 : i32
      %dma_start3A_217 = tpu.memref_slice %arg2[%dma_start3A_215, %dma_start3A_216] : memref<10000x128xf32, #tpu.memory_space<hbm>> -> memref<10000x128xf32, #tpu.memory_space<hbm>>
      tpu.enqueue_indirect_dma source(%dma_start3A_217 : memref<10000x128xf32, #tpu.memory_space<hbm>>) target(%arg10 : memref<128x128xf32, #tpu.memory_space<vmem>>) offsets(%dma_start3A_214 : memref<128xi32, #tpu.memory_space<vmem>>) semaphore(%arg13 : memref<!tpu.dma_semaphore, #tpu.memory_space<semaphore_mem>>)
      %dma_wait3A_218 = arith.constant 0 : i32
      %dma_wait3A_219 = tpu.memref_slice %arg7[%add3A_181, %dma_wait3A_218] : memref<80x128xi32, #tpu.memory_space<vmem>> -> memref<1x128xi32, #tpu.memory_space<vmem>>
      %dma_wait3A_220 = tpu.memref_squeeze %dma_wait3A_219 : memref<1x128xi32, #tpu.memory_space<vmem>> -> memref<128xi32, #tpu.memory_space<vmem>>
      %dma_wait3A_221 = arith.constant 0 : i32
      %dma_wait3A_222 = arith.constant 0 : i32
      %dma_wait3A_223 = tpu.memref_slice %arg2[%dma_wait3A_221, %dma_wait3A_222] : memref<10000x128xf32, #tpu.memory_space<hbm>> -> memref<10000x128xf32, #tpu.memory_space<hbm>>
      tpu.wait_indirect_dma semaphore(%arg12 : memref<!tpu.dma_semaphore, #tpu.memory_space<semaphore_mem>>) src(%dma_wait3A_223 : memref<10000x128xf32, #tpu.memory_space<hbm>>) dst(%arg9 : memref<128x128xf32, #tpu.memory_space<vmem>>)
      %dma_start3A_224 = arith.constant 6 : i32
      %dma_start3A_225 = arith.constant 0 : i32
      %dma_start3A_226 = tpu.memref_slice %arg8[%dma_start3A_224, %dma_start3A_225] : memref<8x128xi32, #tpu.memory_space<vmem>> -> memref<1x128xi32, #tpu.memory_space<vmem>>
      %dma_start3A_227 = tpu.memref_squeeze %dma_start3A_226 : memref<1x128xi32, #tpu.memory_space<vmem>> -> memref<128xi32, #tpu.memory_space<vmem>>
      %dma_start3A_228 = arith.constant 0 : i32
      %dma_start3A_229 = arith.constant 0 : i32
      %dma_start3A_230 = tpu.memref_slice %arg11[%dma_start3A_228, %dma_start3A_229] : memref<10008x128xf32, #tpu.memory_space<vmem_shared>> -> memref<10008x128xf32, #tpu.memory_space<vmem_shared>>
      tpu.enqueue_indirect_dma source(%arg9 : memref<128x128xf32, #tpu.memory_space<vmem>>) target(%dma_start3A_230 : memref<10008x128xf32, #tpu.memory_space<vmem_shared>>) offsets(%dma_start3A_227 : memref<128xi32, #tpu.memory_space<vmem>>) semaphore(%arg14 : memref<!tpu.dma_semaphore, #tpu.memory_space<semaphore_mem>>) {add = true}
      %dma_wait3A_231 = arith.constant 0 : i32
      %dma_wait3A_232 = tpu.memref_slice %arg7[%add3A_211, %dma_wait3A_231] : memref<80x128xi32, #tpu.memory_space<vmem>> -> memref<1x128xi32, #tpu.memory_space<vmem>>
      %dma_wait3A_233 = tpu.memref_squeeze %dma_wait3A_232 : memref<1x128xi32, #tpu.memory_space<vmem>> -> memref<128xi32, #tpu.memory_space<vmem>>
      %dma_wait3A_234 = arith.constant 0 : i32
      %dma_wait3A_235 = arith.constant 0 : i32
      %dma_wait3A_236 = tpu.memref_slice %arg2[%dma_wait3A_234, %dma_wait3A_235] : memref<10000x128xf32, #tpu.memory_space<hbm>> -> memref<10000x128xf32, #tpu.memory_space<hbm>>
      tpu.wait_indirect_dma semaphore(%arg13 : memref<!tpu.dma_semaphore, #tpu.memory_space<semaphore_mem>>) src(%dma_wait3A_236 : memref<10000x128xf32, #tpu.memory_space<hbm>>) dst(%arg10 : memref<128x128xf32, #tpu.memory_space<vmem>>)
      %dma_start3A_237 = arith.constant 7 : i32
      %dma_start3A_238 = arith.constant 0 : i32
      %dma_start3A_239 = tpu.memref_slice %arg8[%dma_start3A_237, %dma_start3A_238] : memref<8x128xi32, #tpu.memory_space<vmem>> -> memref<1x128xi32, #tpu.memory_space<vmem>>
      %dma_start3A_240 = tpu.memref_squeeze %dma_start3A_239 : memref<1x128xi32, #tpu.memory_space<vmem>> -> memref<128xi32, #tpu.memory_space<vmem>>
      %dma_start3A_241 = arith.constant 0 : i32
      %dma_start3A_242 = arith.constant 0 : i32
      %dma_start3A_243 = tpu.memref_slice %arg11[%dma_start3A_241, %dma_start3A_242] : memref<10008x128xf32, #tpu.memory_space<vmem_shared>> -> memref<10008x128xf32, #tpu.memory_space<vmem_shared>>
      tpu.enqueue_indirect_dma source(%arg10 : memref<128x128xf32, #tpu.memory_space<vmem>>) target(%dma_start3A_243 : memref<10008x128xf32, #tpu.memory_space<vmem_shared>>) offsets(%dma_start3A_240 : memref<128xi32, #tpu.memory_space<vmem>>) semaphore(%arg15 : memref<!tpu.dma_semaphore, #tpu.memory_space<semaphore_mem>>) {add = true}
      %dma_wait3A_244 = arith.constant 6 : i32
      %dma_wait3A_245 = arith.constant 0 : i32
      %dma_wait3A_246 = tpu.memref_slice %arg8[%dma_wait3A_244, %dma_wait3A_245] : memref<8x128xi32, #tpu.memory_space<vmem>> -> memref<1x128xi32, #tpu.memory_space<vmem>>
      %dma_wait3A_247 = tpu.memref_squeeze %dma_wait3A_246 : memref<1x128xi32, #tpu.memory_space<vmem>> -> memref<128xi32, #tpu.memory_space<vmem>>
      %dma_wait3A_248 = arith.constant 0 : i32
      %dma_wait3A_249 = arith.constant 0 : i32
      %dma_wait3A_250 = tpu.memref_slice %arg11[%dma_wait3A_248, %dma_wait3A_249] : memref<10008x128xf32, #tpu.memory_space<vmem_shared>> -> memref<10008x128xf32, #tpu.memory_space<vmem_shared>>
      tpu.wait_indirect_dma semaphore(%arg14 : memref<!tpu.dma_semaphore, #tpu.memory_space<semaphore_mem>>) src(%arg9 : memref<128x128xf32, #tpu.memory_space<vmem>>) dst(%dma_wait3A_250 : memref<10008x128xf32, #tpu.memory_space<vmem_shared>>)
      %dma_wait3A_251 = arith.constant 7 : i32
      %dma_wait3A_252 = arith.constant 0 : i32
      %dma_wait3A_253 = tpu.memref_slice %arg8[%dma_wait3A_251, %dma_wait3A_252] : memref<8x128xi32, #tpu.memory_space<vmem>> -> memref<1x128xi32, #tpu.memory_space<vmem>>
      %dma_wait3A_254 = tpu.memref_squeeze %dma_wait3A_253 : memref<1x128xi32, #tpu.memory_space<vmem>> -> memref<128xi32, #tpu.memory_space<vmem>>
      %dma_wait3A_255 = arith.constant 0 : i32
      %dma_wait3A_256 = arith.constant 0 : i32
      %dma_wait3A_257 = tpu.memref_slice %arg11[%dma_wait3A_255, %dma_wait3A_256] : memref<10008x128xf32, #tpu.memory_space<vmem_shared>> -> memref<10008x128xf32, #tpu.memory_space<vmem_shared>>
      tpu.wait_indirect_dma semaphore(%arg15 : memref<!tpu.dma_semaphore, #tpu.memory_space<semaphore_mem>>) src(%arg10 : memref<128x128xf32, #tpu.memory_space<vmem>>) dst(%dma_wait3A_257 : memref<10008x128xf32, #tpu.memory_space<vmem_shared>>)
    }
    %scan3A_6 = arith.constant 10 : i32
    %barrier3A_7 = arith.constant 0 : index
    tpu.barrier barrier_id(%barrier3A_7)
    %lt3A_8 = arith.constant 10 : i32
    %lt3A_9 = arith.cmpi slt, %arg1, %lt3A_8 : i32
    %convert_element_type3A_10 = arith.extui %lt3A_9 : i1 to i32
    %cond3A_11 = arith.constant 0 : i32
    %cond3A_12 = arith.cmpi ne, %convert_element_type3A_10, %cond3A_11 : i32
    scf.if %cond3A_12 {
      %mul3A_13 = arith.constant 1000 : i32
      %mul3A_14 = arith.muli %arg1, %mul3A_13 : i32
      %mul3A_15 = arith.constant 1000 : i32
      %mul3A_16 = arith.muli %arg1, %mul3A_15 : i32
      "tpu.region"() ({
        %run_scoped3A = tpu.sem_alloc : memref<!tpu.dma_semaphore, #tpu.memory_space<semaphore_mem>>
        %dma_start3A = arith.constant 0 : i32
        %dma_start3A_17 = tpu.memref_slice %arg6[%arg0, %mul3A_16, %dma_start3A] : memref<2x10000x128xf32, #tpu.memory_space<hbm>> -> memref<1x1000x128xf32, #tpu.memory_space<hbm>>
        %dma_start3A_18 = tpu.memref_squeeze %dma_start3A_17 : memref<1x1000x128xf32, #tpu.memory_space<hbm>> -> memref<1000x128xf32, #tpu.memory_space<hbm>>
        %dma_start3A_19 = arith.constant 0 : i32
        %dma_start3A_20 = tpu.memref_slice %arg11[%mul3A_14, %dma_start3A_19] : memref<10008x128xf32, #tpu.memory_space<vmem_shared>> -> memref<1000x128xf32, #tpu.memory_space<vmem_shared>>
        tpu.enqueue_dma source(%dma_start3A_20 : memref<1000x128xf32, #tpu.memory_space<vmem_shared>>) target(%dma_start3A_18 : memref<1000x128xf32, #tpu.memory_space<hbm>>) target_semaphore(%run_scoped3A : memref<!tpu.dma_semaphore, #tpu.memory_space<semaphore_mem>>)
        %dma_wait3A = arith.constant 0 : i32
        %dma_wait3A_21 = tpu.memref_slice %arg6[%arg0, %mul3A_16, %dma_wait3A] : memref<2x10000x128xf32, #tpu.memory_space<hbm>> -> memref<1x1000x128xf32, #tpu.memory_space<hbm>>
        %dma_wait3A_22 = tpu.memref_squeeze %dma_wait3A_21 : memref<1x1000x128xf32, #tpu.memory_space<hbm>> -> memref<1000x128xf32, #tpu.memory_space<hbm>>
        %dma_wait3A_23 = arith.constant 0 : i32
        %dma_wait3A_24 = tpu.memref_slice %arg11[%mul3A_14, %dma_wait3A_23] : memref<10008x128xf32, #tpu.memory_space<vmem_shared>> -> memref<1000x128xf32, #tpu.memory_space<vmem_shared>>
        tpu.wait_dma2 semaphore(%run_scoped3A : memref<!tpu.dma_semaphore, #tpu.memory_space<semaphore_mem>>) src(%dma_wait3A_24 : memref<1000x128xf32, #tpu.memory_space<vmem_shared>>) dst(%dma_wait3A_22 : memref<1000x128xf32, #tpu.memory_space<hbm>>)
        tpu.yield
      }) : () -> ()
    } else {
    }
    return
  }
}

#map = affine_map<(d0, d1) -> (0, 0)>
#map1 = affine_map<(d0, d1) -> (0, 0, 0)>
module attributes {stable_mosaic.version = 14 : i64} {
  func.func @k(%arg0: i32, %arg1: i32, %arg2: memref<10000x128xf32, #tpu.memory_space<hbm>>, %arg3: memref<32x80x128xi32, #tpu.memory_space<hbm>>, %arg4: memref<32x80x128xi32, #tpu.memory_space<hbm>>, %arg5: memref<10000x128xf32, #tpu.memory_space<hbm>>, %arg6: memref<2x10000x128xf32, #tpu.memory_space<hbm>>, %arg7: memref<80x128xi32, #tpu.memory_space<vmem>>, %arg8: memref<8x128xi32, #tpu.memory_space<vmem>>, %arg9: memref<128x128xf32, #tpu.memory_space<vmem>>, %arg10: memref<128x128xf32, #tpu.memory_space<vmem>>, %arg11: memref<10008x128xf32, #tpu.memory_space<vmem_shared>>, %arg12: memref<!tpu.dma_semaphore, #tpu.memory_space<semaphore_mem>>, %arg13: memref<!tpu.dma_semaphore, #tpu.memory_space<semaphore_mem>>, %arg14: memref<!tpu.dma_semaphore, #tpu.memory_space<semaphore_mem>>, %arg15: memref<!tpu.dma_semaphore, #tpu.memory_space<semaphore_mem>>) attributes {dimension_semantics = [#tpu.dimension_semantics<core_parallel>, #tpu.dimension_semantics<subcore_parallel>], iteration_bounds = array<i64: 2, 16>, scalar_prefetch = 0 : i64, scratch_operands = 9 : i64, tpu.core_type = #tpu.core_type<sc_vector_subcore>, window_params = [{transform_indices = #map}, {transform_indices = #map1}, {transform_indices = #map1}, {transform_indices = #map}, {transform_indices = #map1}]} {
    %mul3A = arith.constant 16 : i32
    %mul3A_0 = arith.muli %arg0, %mul3A : i32
    %add3A = arith.addi %mul3A_0, %arg1 : i32
    "tpu.region"() ({
      %run_scoped3A = tpu.sem_alloc : memref<!tpu.dma_semaphore, #tpu.memory_space<semaphore_mem>>
      %dma_start3A = arith.constant 0 : i32
      %dma_start3A_13 = arith.constant 0 : i32
      %dma_start3A_14 = tpu.memref_slice %arg3[%add3A, %dma_start3A, %dma_start3A_13] : memref<32x80x128xi32, #tpu.memory_space<hbm>> -> memref<1x80x128xi32, #tpu.memory_space<hbm>>
      %dma_start3A_15 = tpu.memref_squeeze %dma_start3A_14 : memref<1x80x128xi32, #tpu.memory_space<hbm>> -> memref<80x128xi32, #tpu.memory_space<hbm>>
      %dma_start3A_16 = arith.constant 0 : i32
      %dma_start3A_17 = arith.constant 0 : i32
      %dma_start3A_18 = tpu.memref_slice %arg3[%add3A, %dma_start3A_16, %dma_start3A_17] : memref<32x80x128xi32, #tpu.memory_space<hbm>> -> memref<1x80x128xi32, #tpu.memory_space<hbm>>
      %dma_start3A_19 = tpu.memref_squeeze %dma_start3A_18 : memref<1x80x128xi32, #tpu.memory_space<hbm>> -> memref<80x128xi32, #tpu.memory_space<hbm>>
      tpu.enqueue_dma source(%dma_start3A_19 : memref<80x128xi32, #tpu.memory_space<hbm>>) target(%arg7 : memref<80x128xi32, #tpu.memory_space<vmem>>) target_semaphore(%run_scoped3A : memref<!tpu.dma_semaphore, #tpu.memory_space<semaphore_mem>>)
      %dma_wait3A = arith.constant 0 : i32
      %dma_wait3A_20 = arith.constant 0 : i32
      %dma_wait3A_21 = tpu.memref_slice %arg3[%add3A, %dma_wait3A, %dma_wait3A_20] : memref<32x80x128xi32, #tpu.memory_space<hbm>> -> memref<1x80x128xi32, #tpu.memory_space<hbm>>
      %dma_wait3A_22 = tpu.memref_squeeze %dma_wait3A_21 : memref<1x80x128xi32, #tpu.memory_space<hbm>> -> memref<80x128xi32, #tpu.memory_space<hbm>>
      %dma_wait3A_23 = arith.constant 0 : i32
      %dma_wait3A_24 = arith.constant 0 : i32
      %dma_wait3A_25 = tpu.memref_slice %arg3[%add3A, %dma_wait3A_23, %dma_wait3A_24] : memref<32x80x128xi32, #tpu.memory_space<hbm>> -> memref<1x80x128xi32, #tpu.memory_space<hbm>>
      %dma_wait3A_26 = tpu.memref_squeeze %dma_wait3A_25 : memref<1x80x128xi32, #tpu.memory_space<hbm>> -> memref<80x128xi32, #tpu.memory_space<hbm>>
      tpu.wait_dma2 semaphore(%run_scoped3A : memref<!tpu.dma_semaphore, #tpu.memory_space<semaphore_mem>>) src(%dma_wait3A_26 : memref<80x128xi32, #tpu.memory_space<hbm>>) dst(%arg7 : memref<80x128xi32, #tpu.memory_space<vmem>>)
      tpu.yield
    }) : () -> ()
    %lt3A = arith.constant 10 : i32
    %lt3A_1 = arith.cmpi slt, %arg1, %lt3A : i32
    %convert_element_type3A = arith.extui %lt3A_1 : i1 to i32
    %cond3A = arith.constant 0 : i32
    %cond3A_2 = arith.cmpi ne, %convert_element_type3A, %cond3A : i32
    scf.if %cond3A_2 {
      %mul3A_13 = arith.constant 1000 : i32
      %mul3A_14 = arith.muli %arg1, %mul3A_13 : i32
      %mul3A_15 = arith.constant 1000 : i32
      %mul3A_16 = arith.muli %arg1, %mul3A_15 : i32
      "tpu.region"() ({
        %run_scoped3A = tpu.sem_alloc : memref<!tpu.dma_semaphore, #tpu.memory_space<semaphore_mem>>
        %dma_start3A = arith.constant 0 : i32
        %dma_start3A_17 = tpu.memref_slice %arg11[%mul3A_16, %dma_start3A] : memref<10008x128xf32, #tpu.memory_space<vmem_shared>> -> memref<1000x128xf32, #tpu.memory_space<vmem_shared>>
        %dma_start3A_18 = arith.constant 0 : i32
        %dma_start3A_19 = tpu.memref_slice %arg5[%mul3A_14, %dma_start3A_18] : memref<10000x128xf32, #tpu.memory_space<hbm>> -> memref<1000x128xf32, #tpu.memory_space<hbm>>
        tpu.enqueue_dma source(%dma_start3A_19 : memref<1000x128xf32, #tpu.memory_space<hbm>>) target(%dma_start3A_17 : memref<1000x128xf32, #tpu.memory_space<vmem_shared>>) target_semaphore(%run_scoped3A : memref<!tpu.dma_semaphore, #tpu.memory_space<semaphore_mem>>)
        %dma_wait3A = arith.constant 0 : i32
        %dma_wait3A_20 = tpu.memref_slice %arg11[%mul3A_16, %dma_wait3A] : memref<10008x128xf32, #tpu.memory_space<vmem_shared>> -> memref<1000x128xf32, #tpu.memory_space<vmem_shared>>
        %dma_wait3A_21 = arith.constant 0 : i32
        %dma_wait3A_22 = tpu.memref_slice %arg5[%mul3A_14, %dma_wait3A_21] : memref<10000x128xf32, #tpu.memory_space<hbm>> -> memref<1000x128xf32, #tpu.memory_space<hbm>>
        tpu.wait_dma2 semaphore(%run_scoped3A : memref<!tpu.dma_semaphore, #tpu.memory_space<semaphore_mem>>) src(%dma_wait3A_22 : memref<1000x128xf32, #tpu.memory_space<hbm>>) dst(%dma_wait3A_20 : memref<1000x128xf32, #tpu.memory_space<vmem_shared>>)
        tpu.yield
      }) : () -> ()
    } else {
    }
    %barrier3A = arith.constant 0 : index
    tpu.barrier barrier_id(%barrier3A)
    %scan3A = arith.constant 0 : i32
    %scan3A_3 = arith.constant 10 : i32
    %scan3A_4 = arith.addi %scan3A, %scan3A_3 : i32
    %scan3A_5 = arith.constant 1 : i32
    scf.for %scan3A_13 = %scan3A to %scan3A_4 step %scan3A_5  : i32 {
      %mul3A_14 = arith.constant 1 : i32
      %mul3A_15 = arith.muli %scan3A_13, %mul3A_14 : i32
      %add3A_16 = arith.constant 0 : i32
      %add3A_17 = arith.addi %add3A_16, %mul3A_15 : i32
      %mul3A_18 = arith.constant 8 : i32
      %mul3A_19 = arith.muli %add3A_17, %mul3A_18 : i32
      "tpu.region"() ({
        %run_scoped3A = tpu.sem_alloc : memref<!tpu.dma_semaphore, #tpu.memory_space<semaphore_mem>>
        %dma_start3A_258 = arith.constant 0 : i32
        %dma_start3A_259 = tpu.memref_slice %arg4[%add3A, %mul3A_19, %dma_start3A_258] : memref<32x80x128xi32, #tpu.memory_space<hbm>> -> memref<1x8x128xi32, #tpu.memory_space<hbm>>
        %dma_start3A_260 = tpu.memref_squeeze %dma_start3A_259 : memref<1x8x128xi32, #tpu.memory_space<hbm>> -> memref<8x128xi32, #tpu.memory_space<hbm>>
        %dma_start3A_261 = arith.constant 0 : i32
        %dma_start3A_262 = tpu.memref_slice %arg4[%add3A, %mul3A_19, %dma_start3A_261] : memref<32x80x128xi32, #tpu.memory_space<hbm>> -> memref<1x8x128xi32, #tpu.memory_space<hbm>>
        %dma_start3A_263 = tpu.memref_squeeze %dma_start3A_262 : memref<1x8x128xi32, #tpu.memory_space<hbm>> -> memref<8x128xi32, #tpu.memory_space<hbm>>
        tpu.enqueue_dma source(%dma_start3A_263 : memref<8x128xi32, #tpu.memory_space<hbm>>) target(%arg8 : memref<8x128xi32, #tpu.memory_space<vmem>>) target_semaphore(%run_scoped3A : memref<!tpu.dma_semaphore, #tpu.memory_space<semaphore_mem>>)
        %dma_wait3A_264 = arith.constant 0 : i32
        %dma_wait3A_265 = tpu.memref_slice %arg4[%add3A, %mul3A_19, %dma_wait3A_264] : memref<32x80x128xi32, #tpu.memory_space<hbm>> -> memref<1x8x128xi32, #tpu.memory_space<hbm>>
        %dma_wait3A_266 = tpu.memref_squeeze %dma_wait3A_265 : memref<1x8x128xi32, #tpu.memory_space<hbm>> -> memref<8x128xi32, #tpu.memory_space<hbm>>
        %dma_wait3A_267 = arith.constant 0 : i32
        %dma_wait3A_268 = tpu.memref_slice %arg4[%add3A, %mul3A_19, %dma_wait3A_267] : memref<32x80x128xi32, #tpu.memory_space<hbm>> -> memref<1x8x128xi32, #tpu.memory_space<hbm>>
        %dma_wait3A_269 = tpu.memref_squeeze %dma_wait3A_268 : memref<1x8x128xi32, #tpu.memory_space<hbm>> -> memref<8x128xi32, #tpu.memory_space<hbm>>
        tpu.wait_dma2 semaphore(%run_scoped3A : memref<!tpu.dma_semaphore, #tpu.memory_space<semaphore_mem>>) src(%dma_wait3A_269 : memref<8x128xi32, #tpu.memory_space<hbm>>) dst(%arg8 : memref<8x128xi32, #tpu.memory_space<vmem>>)
        tpu.yield
      }) : () -> ()
      %mul3A_20 = arith.constant 8 : i32
      %mul3A_21 = arith.muli %add3A_17, %mul3A_20 : i32
      %add3A_22 = arith.constant 0 : i32
      %add3A_23 = arith.addi %mul3A_21, %add3A_22 : i32
      %dma_start3A = arith.constant 0 : i32
      %dma_start3A_24 = tpu.memref_slice %arg7[%add3A_23, %dma_start3A] : memref<80x128xi32, #tpu.memory_space<vmem>> -> memref<1x128xi32, #tpu.memory_space<vmem>>
      %dma_start3A_25 = tpu.memref_squeeze %dma_start3A_24 : memref<1x128xi32, #tpu.memory_space<vmem>> -> memref<128xi32, #tpu.memory_space<vmem>>
      %dma_start3A_26 = arith.constant 0 : i32
      %dma_start3A_27 = arith.constant 0 : i32
      %dma_start3A_28 = tpu.memref_slice %arg2[%dma_start3A_26, %dma_start3A_27] : memref<10000x128xf32, #tpu.memory_space<hbm>> -> memref<10000x128xf32, #tpu.memory_space<hbm>>
      tpu.enqueue_indirect_dma source(%dma_start3A_28 : memref<10000x128xf32, #tpu.memory_space<hbm>>) target(%arg9 : memref<128x128xf32, #tpu.memory_space<vmem>>) offsets(%dma_start3A_25 : memref<128xi32, #tpu.memory_space<vmem>>) semaphore(%arg12 : memref<!tpu.dma_semaphore, #tpu.memory_space<semaphore_mem>>)
      %mul3A_29 = arith.constant 8 : i32
      %mul3A_30 = arith.muli %add3A_17, %mul3A_29 : i32
      %add3A_31 = arith.constant 1 : i32
      %add3A_32 = arith.addi %mul3A_30, %add3A_31 : i32
      %dma_start3A_33 = arith.constant 0 : i32
      %dma_start3A_34 = tpu.memref_slice %arg7[%add3A_32, %dma_start3A_33] : memref<80x128xi32, #tpu.memory_space<vmem>> -> memref<1x128xi32, #tpu.memory_space<vmem>>
      %dma_start3A_35 = tpu.memref_squeeze %dma_start3A_34 : memref<1x128xi32, #tpu.memory_space<vmem>> -> memref<128xi32, #tpu.memory_space<vmem>>
      %dma_start3A_36 = arith.constant 0 : i32
      %dma_start3A_37 = arith.constant 0 : i32
      %dma_start3A_38 = tpu.memref_slice %arg2[%dma_start3A_36, %dma_start3A_37] : memref<10000x128xf32, #tpu.memory_space<hbm>> -> memref<10000x128xf32, #tpu.memory_space<hbm>>
      tpu.enqueue_indirect_dma source(%dma_start3A_38 : memref<10000x128xf32, #tpu.memory_space<hbm>>) target(%arg10 : memref<128x128xf32, #tpu.memory_space<vmem>>) offsets(%dma_start3A_35 : memref<128xi32, #tpu.memory_space<vmem>>) semaphore(%arg13 : memref<!tpu.dma_semaphore, #tpu.memory_space<semaphore_mem>>)
      %dma_wait3A = arith.constant 0 : i32
      %dma_wait3A_39 = tpu.memref_slice %arg7[%add3A_23, %dma_wait3A] : memref<80x128xi32, #tpu.memory_space<vmem>> -> memref<1x128xi32, #tpu.memory_space<vmem>>
      %dma_wait3A_40 = tpu.memref_squeeze %dma_wait3A_39 : memref<1x128xi32, #tpu.memory_space<vmem>> -> memref<128xi32, #tpu.memory_space<vmem>>
      %dma_wait3A_41 = arith.constant 0 : i32
      %dma_wait3A_42 = arith.constant 0 : i32
      %dma_wait3A_43 = tpu.memref_slice %arg2[%dma_wait3A_41, %dma_wait3A_42] : memref<10000x128xf32, #tpu.memory_space<hbm>> -> memref<10000x128xf32, #tpu.memory_space<hbm>>
      tpu.wait_indirect_dma semaphore(%arg12 : memref<!tpu.dma_semaphore, #tpu.memory_space<semaphore_mem>>) src(%dma_wait3A_43 : memref<10000x128xf32, #tpu.memory_space<hbm>>) dst(%arg9 : memref<128x128xf32, #tpu.memory_space<vmem>>)
      %dma_start3A_44 = arith.constant 0 : i32
      %dma_start3A_45 = arith.constant 0 : i32
      %dma_start3A_46 = tpu.memref_slice %arg8[%dma_start3A_44, %dma_start3A_45] : memref<8x128xi32, #tpu.memory_space<vmem>> -> memref<1x128xi32, #tpu.memory_space<vmem>>
      %dma_start3A_47 = tpu.memref_squeeze %dma_start3A_46 : memref<1x128xi32, #tpu.memory_space<vmem>> -> memref<128xi32, #tpu.memory_space<vmem>>
      %dma_start3A_48 = arith.constant 0 : i32
      %dma_start3A_49 = arith.constant 0 : i32
      %dma_start3A_50 = tpu.memref_slice %arg11[%dma_start3A_48, %dma_start3A_49] : memref<10008x128xf32, #tpu.memory_space<vmem_shared>> -> memref<10008x128xf32, #tpu.memory_space<vmem_shared>>
      tpu.enqueue_indirect_dma source(%arg9 : memref<128x128xf32, #tpu.memory_space<vmem>>) target(%dma_start3A_50 : memref<10008x128xf32, #tpu.memory_space<vmem_shared>>) offsets(%dma_start3A_47 : memref<128xi32, #tpu.memory_space<vmem>>) semaphore(%arg14 : memref<!tpu.dma_semaphore, #tpu.memory_space<semaphore_mem>>) {add = true}
      %dma_wait3A_51 = arith.constant 0 : i32
      %dma_wait3A_52 = arith.constant 0 : i32
      %dma_wait3A_53 = tpu.memref_slice %arg8[%dma_wait3A_51, %dma_wait3A_52] : memref<8x128xi32, #tpu.memory_space<vmem>> -> memref<1x128xi32, #tpu.memory_space<vmem>>
      %dma_wait3A_54 = tpu.memref_squeeze %dma_wait3A_53 : memref<1x128xi32, #tpu.memory_space<vmem>> -> memref<128xi32, #tpu.memory_space<vmem>>
      %dma_wait3A_55 = arith.constant 0 : i32
      %dma_wait3A_56 = arith.constant 0 : i32
      %dma_wait3A_57 = tpu.memref_slice %arg11[%dma_wait3A_55, %dma_wait3A_56] : memref<10008x128xf32, #tpu.memory_space<vmem_shared>> -> memref<10008x128xf32, #tpu.memory_space<vmem_shared>>
      tpu.wait_indirect_dma semaphore(%arg14 : memref<!tpu.dma_semaphore, #tpu.memory_space<semaphore_mem>>) src(%arg9 : memref<128x128xf32, #tpu.memory_space<vmem>>) dst(%dma_wait3A_57 : memref<10008x128xf32, #tpu.memory_space<vmem_shared>>)
      %mul3A_58 = arith.constant 8 : i32
      %mul3A_59 = arith.muli %add3A_17, %mul3A_58 : i32
      %add3A_60 = arith.constant 2 : i32
      %add3A_61 = arith.addi %mul3A_59, %add3A_60 : i32
      %dma_start3A_62 = arith.constant 0 : i32
      %dma_start3A_63 = tpu.memref_slice %arg7[%add3A_61, %dma_start3A_62] : memref<80x128xi32, #tpu.memory_space<vmem>> -> memref<1x128xi32, #tpu.memory_space<vmem>>
      %dma_start3A_64 = tpu.memref_squeeze %dma_start3A_63 : memref<1x128xi32, #tpu.memory_space<vmem>> -> memref<128xi32, #tpu.memory_space<vmem>>
      %dma_start3A_65 = arith.constant 0 : i32
      %dma_start3A_66 = arith.constant 0 : i32
      %dma_start3A_67 = tpu.memref_slice %arg2[%dma_start3A_65, %dma_start3A_66] : memref<10000x128xf32, #tpu.memory_space<hbm>> -> memref<10000x128xf32, #tpu.memory_space<hbm>>
      tpu.enqueue_indirect_dma source(%dma_start3A_67 : memref<10000x128xf32, #tpu.memory_space<hbm>>) target(%arg9 : memref<128x128xf32, #tpu.memory_space<vmem>>) offsets(%dma_start3A_64 : memref<128xi32, #tpu.memory_space<vmem>>) semaphore(%arg12 : memref<!tpu.dma_semaphore, #tpu.memory_space<semaphore_mem>>)
      %dma_wait3A_68 = arith.constant 0 : i32
      %dma_wait3A_69 = tpu.memref_slice %arg7[%add3A_32, %dma_wait3A_68] : memref<80x128xi32, #tpu.memory_space<vmem>> -> memref<1x128xi32, #tpu.memory_space<vmem>>
      %dma_wait3A_70 = tpu.memref_squeeze %dma_wait3A_69 : memref<1x128xi32, #tpu.memory_space<vmem>> -> memref<128xi32, #tpu.memory_space<vmem>>
      %dma_wait3A_71 = arith.constant 0 : i32
      %dma_wait3A_72 = arith.constant 0 : i32
      %dma_wait3A_73 = tpu.memref_slice %arg2[%dma_wait3A_71, %dma_wait3A_72] : memref<10000x128xf32, #tpu.memory_space<hbm>> -> memref<10000x128xf32, #tpu.memory_space<hbm>>
      tpu.wait_indirect_dma semaphore(%arg13 : memref<!tpu.dma_semaphore, #tpu.memory_space<semaphore_mem>>) src(%dma_wait3A_73 : memref<10000x128xf32, #tpu.memory_space<hbm>>) dst(%arg10 : memref<128x128xf32, #tpu.memory_space<vmem>>)
      %dma_start3A_74 = arith.constant 1 : i32
      %dma_start3A_75 = arith.constant 0 : i32
      %dma_start3A_76 = tpu.memref_slice %arg8[%dma_start3A_74, %dma_start3A_75] : memref<8x128xi32, #tpu.memory_space<vmem>> -> memref<1x128xi32, #tpu.memory_space<vmem>>
      %dma_start3A_77 = tpu.memref_squeeze %dma_start3A_76 : memref<1x128xi32, #tpu.memory_space<vmem>> -> memref<128xi32, #tpu.memory_space<vmem>>
      %dma_start3A_78 = arith.constant 0 : i32
      %dma_start3A_79 = arith.constant 0 : i32
      %dma_start3A_80 = tpu.memref_slice %arg11[%dma_start3A_78, %dma_start3A_79] : memref<10008x128xf32, #tpu.memory_space<vmem_shared>> -> memref<10008x128xf32, #tpu.memory_space<vmem_shared>>
      tpu.enqueue_indirect_dma source(%arg10 : memref<128x128xf32, #tpu.memory_space<vmem>>) target(%dma_start3A_80 : memref<10008x128xf32, #tpu.memory_space<vmem_shared>>) offsets(%dma_start3A_77 : memref<128xi32, #tpu.memory_space<vmem>>) semaphore(%arg15 : memref<!tpu.dma_semaphore, #tpu.memory_space<semaphore_mem>>) {add = true}
      %dma_wait3A_81 = arith.constant 1 : i32
      %dma_wait3A_82 = arith.constant 0 : i32
      %dma_wait3A_83 = tpu.memref_slice %arg8[%dma_wait3A_81, %dma_wait3A_82] : memref<8x128xi32, #tpu.memory_space<vmem>> -> memref<1x128xi32, #tpu.memory_space<vmem>>
      %dma_wait3A_84 = tpu.memref_squeeze %dma_wait3A_83 : memref<1x128xi32, #tpu.memory_space<vmem>> -> memref<128xi32, #tpu.memory_space<vmem>>
      %dma_wait3A_85 = arith.constant 0 : i32
      %dma_wait3A_86 = arith.constant 0 : i32
      %dma_wait3A_87 = tpu.memref_slice %arg11[%dma_wait3A_85, %dma_wait3A_86] : memref<10008x128xf32, #tpu.memory_space<vmem_shared>> -> memref<10008x128xf32, #tpu.memory_space<vmem_shared>>
      tpu.wait_indirect_dma semaphore(%arg15 : memref<!tpu.dma_semaphore, #tpu.memory_space<semaphore_mem>>) src(%arg10 : memref<128x128xf32, #tpu.memory_space<vmem>>) dst(%dma_wait3A_87 : memref<10008x128xf32, #tpu.memory_space<vmem_shared>>)
      %mul3A_88 = arith.constant 8 : i32
      %mul3A_89 = arith.muli %add3A_17, %mul3A_88 : i32
      %add3A_90 = arith.constant 3 : i32
      %add3A_91 = arith.addi %mul3A_89, %add3A_90 : i32
      %dma_start3A_92 = arith.constant 0 : i32
      %dma_start3A_93 = tpu.memref_slice %arg7[%add3A_91, %dma_start3A_92] : memref<80x128xi32, #tpu.memory_space<vmem>> -> memref<1x128xi32, #tpu.memory_space<vmem>>
      %dma_start3A_94 = tpu.memref_squeeze %dma_start3A_93 : memref<1x128xi32, #tpu.memory_space<vmem>> -> memref<128xi32, #tpu.memory_space<vmem>>
      %dma_start3A_95 = arith.constant 0 : i32
      %dma_start3A_96 = arith.constant 0 : i32
      %dma_start3A_97 = tpu.memref_slice %arg2[%dma_start3A_95, %dma_start3A_96] : memref<10000x128xf32, #tpu.memory_space<hbm>> -> memref<10000x128xf32, #tpu.memory_space<hbm>>
      tpu.enqueue_indirect_dma source(%dma_start3A_97 : memref<10000x128xf32, #tpu.memory_space<hbm>>) target(%arg10 : memref<128x128xf32, #tpu.memory_space<vmem>>) offsets(%dma_start3A_94 : memref<128xi32, #tpu.memory_space<vmem>>) semaphore(%arg13 : memref<!tpu.dma_semaphore, #tpu.memory_space<semaphore_mem>>)
      %dma_wait3A_98 = arith.constant 0 : i32
      %dma_wait3A_99 = tpu.memref_slice %arg7[%add3A_61, %dma_wait3A_98] : memref<80x128xi32, #tpu.memory_space<vmem>> -> memref<1x128xi32, #tpu.memory_space<vmem>>
      %dma_wait3A_100 = tpu.memref_squeeze %dma_wait3A_99 : memref<1x128xi32, #tpu.memory_space<vmem>> -> memref<128xi32, #tpu.memory_space<vmem>>
      %dma_wait3A_101 = arith.constant 0 : i32
      %dma_wait3A_102 = arith.constant 0 : i32
      %dma_wait3A_103 = tpu.memref_slice %arg2[%dma_wait3A_101, %dma_wait3A_102] : memref<10000x128xf32, #tpu.memory_space<hbm>> -> memref<10000x128xf32, #tpu.memory_space<hbm>>
      tpu.wait_indirect_dma semaphore(%arg12 : memref<!tpu.dma_semaphore, #tpu.memory_space<semaphore_mem>>) src(%dma_wait3A_103 : memref<10000x128xf32, #tpu.memory_space<hbm>>) dst(%arg9 : memref<128x128xf32, #tpu.memory_space<vmem>>)
      %dma_start3A_104 = arith.constant 2 : i32
      %dma_start3A_105 = arith.constant 0 : i32
      %dma_start3A_106 = tpu.memref_slice %arg8[%dma_start3A_104, %dma_start3A_105] : memref<8x128xi32, #tpu.memory_space<vmem>> -> memref<1x128xi32, #tpu.memory_space<vmem>>
      %dma_start3A_107 = tpu.memref_squeeze %dma_start3A_106 : memref<1x128xi32, #tpu.memory_space<vmem>> -> memref<128xi32, #tpu.memory_space<vmem>>
      %dma_start3A_108 = arith.constant 0 : i32
      %dma_start3A_109 = arith.constant 0 : i32
      %dma_start3A_110 = tpu.memref_slice %arg11[%dma_start3A_108, %dma_start3A_109] : memref<10008x128xf32, #tpu.memory_space<vmem_shared>> -> memref<10008x128xf32, #tpu.memory_space<vmem_shared>>
      tpu.enqueue_indirect_dma source(%arg9 : memref<128x128xf32, #tpu.memory_space<vmem>>) target(%dma_start3A_110 : memref<10008x128xf32, #tpu.memory_space<vmem_shared>>) offsets(%dma_start3A_107 : memref<128xi32, #tpu.memory_space<vmem>>) semaphore(%arg14 : memref<!tpu.dma_semaphore, #tpu.memory_space<semaphore_mem>>) {add = true}
      %dma_wait3A_111 = arith.constant 2 : i32
      %dma_wait3A_112 = arith.constant 0 : i32
      %dma_wait3A_113 = tpu.memref_slice %arg8[%dma_wait3A_111, %dma_wait3A_112] : memref<8x128xi32, #tpu.memory_space<vmem>> -> memref<1x128xi32, #tpu.memory_space<vmem>>
      %dma_wait3A_114 = tpu.memref_squeeze %dma_wait3A_113 : memref<1x128xi32, #tpu.memory_space<vmem>> -> memref<128xi32, #tpu.memory_space<vmem>>
      %dma_wait3A_115 = arith.constant 0 : i32
      %dma_wait3A_116 = arith.constant 0 : i32
      %dma_wait3A_117 = tpu.memref_slice %arg11[%dma_wait3A_115, %dma_wait3A_116] : memref<10008x128xf32, #tpu.memory_space<vmem_shared>> -> memref<10008x128xf32, #tpu.memory_space<vmem_shared>>
      tpu.wait_indirect_dma semaphore(%arg14 : memref<!tpu.dma_semaphore, #tpu.memory_space<semaphore_mem>>) src(%arg9 : memref<128x128xf32, #tpu.memory_space<vmem>>) dst(%dma_wait3A_117 : memref<10008x128xf32, #tpu.memory_space<vmem_shared>>)
      %mul3A_118 = arith.constant 8 : i32
      %mul3A_119 = arith.muli %add3A_17, %mul3A_118 : i32
      %add3A_120 = arith.constant 4 : i32
      %add3A_121 = arith.addi %mul3A_119, %add3A_120 : i32
      %dma_start3A_122 = arith.constant 0 : i32
      %dma_start3A_123 = tpu.memref_slice %arg7[%add3A_121, %dma_start3A_122] : memref<80x128xi32, #tpu.memory_space<vmem>> -> memref<1x128xi32, #tpu.memory_space<vmem>>
      %dma_start3A_124 = tpu.memref_squeeze %dma_start3A_123 : memref<1x128xi32, #tpu.memory_space<vmem>> -> memref<128xi32, #tpu.memory_space<vmem>>
      %dma_start3A_125 = arith.constant 0 : i32
      %dma_start3A_126 = arith.constant 0 : i32
      %dma_start3A_127 = tpu.memref_slice %arg2[%dma_start3A_125, %dma_start3A_126] : memref<10000x128xf32, #tpu.memory_space<hbm>> -> memref<10000x128xf32, #tpu.memory_space<hbm>>
      tpu.enqueue_indirect_dma source(%dma_start3A_127 : memref<10000x128xf32, #tpu.memory_space<hbm>>) target(%arg9 : memref<128x128xf32, #tpu.memory_space<vmem>>) offsets(%dma_start3A_124 : memref<128xi32, #tpu.memory_space<vmem>>) semaphore(%arg12 : memref<!tpu.dma_semaphore, #tpu.memory_space<semaphore_mem>>)
      %dma_wait3A_128 = arith.constant 0 : i32
      %dma_wait3A_129 = tpu.memref_slice %arg7[%add3A_91, %dma_wait3A_128] : memref<80x128xi32, #tpu.memory_space<vmem>> -> memref<1x128xi32, #tpu.memory_space<vmem>>
      %dma_wait3A_130 = tpu.memref_squeeze %dma_wait3A_129 : memref<1x128xi32, #tpu.memory_space<vmem>> -> memref<128xi32, #tpu.memory_space<vmem>>
      %dma_wait3A_131 = arith.constant 0 : i32
      %dma_wait3A_132 = arith.constant 0 : i32
      %dma_wait3A_133 = tpu.memref_slice %arg2[%dma_wait3A_131, %dma_wait3A_132] : memref<10000x128xf32, #tpu.memory_space<hbm>> -> memref<10000x128xf32, #tpu.memory_space<hbm>>
      tpu.wait_indirect_dma semaphore(%arg13 : memref<!tpu.dma_semaphore, #tpu.memory_space<semaphore_mem>>) src(%dma_wait3A_133 : memref<10000x128xf32, #tpu.memory_space<hbm>>) dst(%arg10 : memref<128x128xf32, #tpu.memory_space<vmem>>)
      %dma_start3A_134 = arith.constant 3 : i32
      %dma_start3A_135 = arith.constant 0 : i32
      %dma_start3A_136 = tpu.memref_slice %arg8[%dma_start3A_134, %dma_start3A_135] : memref<8x128xi32, #tpu.memory_space<vmem>> -> memref<1x128xi32, #tpu.memory_space<vmem>>
      %dma_start3A_137 = tpu.memref_squeeze %dma_start3A_136 : memref<1x128xi32, #tpu.memory_space<vmem>> -> memref<128xi32, #tpu.memory_space<vmem>>
      %dma_start3A_138 = arith.constant 0 : i32
      %dma_start3A_139 = arith.constant 0 : i32
      %dma_start3A_140 = tpu.memref_slice %arg11[%dma_start3A_138, %dma_start3A_139] : memref<10008x128xf32, #tpu.memory_space<vmem_shared>> -> memref<10008x128xf32, #tpu.memory_space<vmem_shared>>
      tpu.enqueue_indirect_dma source(%arg10 : memref<128x128xf32, #tpu.memory_space<vmem>>) target(%dma_start3A_140 : memref<10008x128xf32, #tpu.memory_space<vmem_shared>>) offsets(%dma_start3A_137 : memref<128xi32, #tpu.memory_space<vmem>>) semaphore(%arg15 : memref<!tpu.dma_semaphore, #tpu.memory_space<semaphore_mem>>) {add = true}
      %dma_wait3A_141 = arith.constant 3 : i32
      %dma_wait3A_142 = arith.constant 0 : i32
      %dma_wait3A_143 = tpu.memref_slice %arg8[%dma_wait3A_141, %dma_wait3A_142] : memref<8x128xi32, #tpu.memory_space<vmem>> -> memref<1x128xi32, #tpu.memory_space<vmem>>
      %dma_wait3A_144 = tpu.memref_squeeze %dma_wait3A_143 : memref<1x128xi32, #tpu.memory_space<vmem>> -> memref<128xi32, #tpu.memory_space<vmem>>
      %dma_wait3A_145 = arith.constant 0 : i32
      %dma_wait3A_146 = arith.constant 0 : i32
      %dma_wait3A_147 = tpu.memref_slice %arg11[%dma_wait3A_145, %dma_wait3A_146] : memref<10008x128xf32, #tpu.memory_space<vmem_shared>> -> memref<10008x128xf32, #tpu.memory_space<vmem_shared>>
      tpu.wait_indirect_dma semaphore(%arg15 : memref<!tpu.dma_semaphore, #tpu.memory_space<semaphore_mem>>) src(%arg10 : memref<128x128xf32, #tpu.memory_space<vmem>>) dst(%dma_wait3A_147 : memref<10008x128xf32, #tpu.memory_space<vmem_shared>>)
      %mul3A_148 = arith.constant 8 : i32
      %mul3A_149 = arith.muli %add3A_17, %mul3A_148 : i32
      %add3A_150 = arith.constant 5 : i32
      %add3A_151 = arith.addi %mul3A_149, %add3A_150 : i32
      %dma_start3A_152 = arith.constant 0 : i32
      %dma_start3A_153 = tpu.memref_slice %arg7[%add3A_151, %dma_start3A_152] : memref<80x128xi32, #tpu.memory_space<vmem>> -> memref<1x128xi32, #tpu.memory_space<vmem>>
      %dma_start3A_154 = tpu.memref_squeeze %dma_start3A_153 : memref<1x128xi32, #tpu.memory_space<vmem>> -> memref<128xi32, #tpu.memory_space<vmem>>
      %dma_start3A_155 = arith.constant 0 : i32
      %dma_start3A_156 = arith.constant 0 : i32
      %dma_start3A_157 = tpu.memref_slice %arg2[%dma_start3A_155, %dma_start3A_156] : memref<10000x128xf32, #tpu.memory_space<hbm>> -> memref<10000x128xf32, #tpu.memory_space<hbm>>
      tpu.enqueue_indirect_dma source(%dma_start3A_157 : memref<10000x128xf32, #tpu.memory_space<hbm>>) target(%arg10 : memref<128x128xf32, #tpu.memory_space<vmem>>) offsets(%dma_start3A_154 : memref<128xi32, #tpu.memory_space<vmem>>) semaphore(%arg13 : memref<!tpu.dma_semaphore, #tpu.memory_space<semaphore_mem>>)
      %dma_wait3A_158 = arith.constant 0 : i32
      %dma_wait3A_159 = tpu.memref_slice %arg7[%add3A_121, %dma_wait3A_158] : memref<80x128xi32, #tpu.memory_space<vmem>> -> memref<1x128xi32, #tpu.memory_space<vmem>>
      %dma_wait3A_160 = tpu.memref_squeeze %dma_wait3A_159 : memref<1x128xi32, #tpu.memory_space<vmem>> -> memref<128xi32, #tpu.memory_space<vmem>>
      %dma_wait3A_161 = arith.constant 0 : i32
      %dma_wait3A_162 = arith.constant 0 : i32
      %dma_wait3A_163 = tpu.memref_slice %arg2[%dma_wait3A_161, %dma_wait3A_162] : memref<10000x128xf32, #tpu.memory_space<hbm>> -> memref<10000x128xf32, #tpu.memory_space<hbm>>
      tpu.wait_indirect_dma semaphore(%arg12 : memref<!tpu.dma_semaphore, #tpu.memory_space<semaphore_mem>>) src(%dma_wait3A_163 : memref<10000x128xf32, #tpu.memory_space<hbm>>) dst(%arg9 : memref<128x128xf32, #tpu.memory_space<vmem>>)
      %dma_start3A_164 = arith.constant 4 : i32
      %dma_start3A_165 = arith.constant 0 : i32
      %dma_start3A_166 = tpu.memref_slice %arg8[%dma_start3A_164, %dma_start3A_165] : memref<8x128xi32, #tpu.memory_space<vmem>> -> memref<1x128xi32, #tpu.memory_space<vmem>>
      %dma_start3A_167 = tpu.memref_squeeze %dma_start3A_166 : memref<1x128xi32, #tpu.memory_space<vmem>> -> memref<128xi32, #tpu.memory_space<vmem>>
      %dma_start3A_168 = arith.constant 0 : i32
      %dma_start3A_169 = arith.constant 0 : i32
      %dma_start3A_170 = tpu.memref_slice %arg11[%dma_start3A_168, %dma_start3A_169] : memref<10008x128xf32, #tpu.memory_space<vmem_shared>> -> memref<10008x128xf32, #tpu.memory_space<vmem_shared>>
      tpu.enqueue_indirect_dma source(%arg9 : memref<128x128xf32, #tpu.memory_space<vmem>>) target(%dma_start3A_170 : memref<10008x128xf32, #tpu.memory_space<vmem_shared>>) offsets(%dma_start3A_167 : memref<128xi32, #tpu.memory_space<vmem>>) semaphore(%arg14 : memref<!tpu.dma_semaphore, #tpu.memory_space<semaphore_mem>>) {add = true}
      %dma_wait3A_171 = arith.constant 4 : i32
      %dma_wait3A_172 = arith.constant 0 : i32
      %dma_wait3A_173 = tpu.memref_slice %arg8[%dma_wait3A_171, %dma_wait3A_172] : memref<8x128xi32, #tpu.memory_space<vmem>> -> memref<1x128xi32, #tpu.memory_space<vmem>>
      %dma_wait3A_174 = tpu.memref_squeeze %dma_wait3A_173 : memref<1x128xi32, #tpu.memory_space<vmem>> -> memref<128xi32, #tpu.memory_space<vmem>>
      %dma_wait3A_175 = arith.constant 0 : i32
      %dma_wait3A_176 = arith.constant 0 : i32
      %dma_wait3A_177 = tpu.memref_slice %arg11[%dma_wait3A_175, %dma_wait3A_176] : memref<10008x128xf32, #tpu.memory_space<vmem_shared>> -> memref<10008x128xf32, #tpu.memory_space<vmem_shared>>
      tpu.wait_indirect_dma semaphore(%arg14 : memref<!tpu.dma_semaphore, #tpu.memory_space<semaphore_mem>>) src(%arg9 : memref<128x128xf32, #tpu.memory_space<vmem>>) dst(%dma_wait3A_177 : memref<10008x128xf32, #tpu.memory_space<vmem_shared>>)
      %mul3A_178 = arith.constant 8 : i32
      %mul3A_179 = arith.muli %add3A_17, %mul3A_178 : i32
      %add3A_180 = arith.constant 6 : i32
      %add3A_181 = arith.addi %mul3A_179, %add3A_180 : i32
      %dma_start3A_182 = arith.constant 0 : i32
      %dma_start3A_183 = tpu.memref_slice %arg7[%add3A_181, %dma_start3A_182] : memref<80x128xi32, #tpu.memory_space<vmem>> -> memref<1x128xi32, #tpu.memory_space<vmem>>
      %dma_start3A_184 = tpu.memref_squeeze %dma_start3A_183 : memref<1x128xi32, #tpu.memory_space<vmem>> -> memref<128xi32, #tpu.memory_space<vmem>>
      %dma_start3A_185 = arith.constant 0 : i32
      %dma_start3A_186 = arith.constant 0 : i32
      %dma_start3A_187 = tpu.memref_slice %arg2[%dma_start3A_185, %dma_start3A_186] : memref<10000x128xf32, #tpu.memory_space<hbm>> -> memref<10000x128xf32, #tpu.memory_space<hbm>>
      tpu.enqueue_indirect_dma source(%dma_start3A_187 : memref<10000x128xf32, #tpu.memory_space<hbm>>) target(%arg9 : memref<128x128xf32, #tpu.memory_space<vmem>>) offsets(%dma_start3A_184 : memref<128xi32, #tpu.memory_space<vmem>>) semaphore(%arg12 : memref<!tpu.dma_semaphore, #tpu.memory_space<semaphore_mem>>)
      %dma_wait3A_188 = arith.constant 0 : i32
      %dma_wait3A_189 = tpu.memref_slice %arg7[%add3A_151, %dma_wait3A_188] : memref<80x128xi32, #tpu.memory_space<vmem>> -> memref<1x128xi32, #tpu.memory_space<vmem>>
      %dma_wait3A_190 = tpu.memref_squeeze %dma_wait3A_189 : memref<1x128xi32, #tpu.memory_space<vmem>> -> memref<128xi32, #tpu.memory_space<vmem>>
      %dma_wait3A_191 = arith.constant 0 : i32
      %dma_wait3A_192 = arith.constant 0 : i32
      %dma_wait3A_193 = tpu.memref_slice %arg2[%dma_wait3A_191, %dma_wait3A_192] : memref<10000x128xf32, #tpu.memory_space<hbm>> -> memref<10000x128xf32, #tpu.memory_space<hbm>>
      tpu.wait_indirect_dma semaphore(%arg13 : memref<!tpu.dma_semaphore, #tpu.memory_space<semaphore_mem>>) src(%dma_wait3A_193 : memref<10000x128xf32, #tpu.memory_space<hbm>>) dst(%arg10 : memref<128x128xf32, #tpu.memory_space<vmem>>)
      %dma_start3A_194 = arith.constant 5 : i32
      %dma_start3A_195 = arith.constant 0 : i32
      %dma_start3A_196 = tpu.memref_slice %arg8[%dma_start3A_194, %dma_start3A_195] : memref<8x128xi32, #tpu.memory_space<vmem>> -> memref<1x128xi32, #tpu.memory_space<vmem>>
      %dma_start3A_197 = tpu.memref_squeeze %dma_start3A_196 : memref<1x128xi32, #tpu.memory_space<vmem>> -> memref<128xi32, #tpu.memory_space<vmem>>
      %dma_start3A_198 = arith.constant 0 : i32
      %dma_start3A_199 = arith.constant 0 : i32
      %dma_start3A_200 = tpu.memref_slice %arg11[%dma_start3A_198, %dma_start3A_199] : memref<10008x128xf32, #tpu.memory_space<vmem_shared>> -> memref<10008x128xf32, #tpu.memory_space<vmem_shared>>
      tpu.enqueue_indirect_dma source(%arg10 : memref<128x128xf32, #tpu.memory_space<vmem>>) target(%dma_start3A_200 : memref<10008x128xf32, #tpu.memory_space<vmem_shared>>) offsets(%dma_start3A_197 : memref<128xi32, #tpu.memory_space<vmem>>) semaphore(%arg15 : memref<!tpu.dma_semaphore, #tpu.memory_space<semaphore_mem>>) {add = true}
      %dma_wait3A_201 = arith.constant 5 : i32
      %dma_wait3A_202 = arith.constant 0 : i32
      %dma_wait3A_203 = tpu.memref_slice %arg8[%dma_wait3A_201, %dma_wait3A_202] : memref<8x128xi32, #tpu.memory_space<vmem>> -> memref<1x128xi32, #tpu.memory_space<vmem>>
      %dma_wait3A_204 = tpu.memref_squeeze %dma_wait3A_203 : memref<1x128xi32, #tpu.memory_space<vmem>> -> memref<128xi32, #tpu.memory_space<vmem>>
      %dma_wait3A_205 = arith.constant 0 : i32
      %dma_wait3A_206 = arith.constant 0 : i32
      %dma_wait3A_207 = tpu.memref_slice %arg11[%dma_wait3A_205, %dma_wait3A_206] : memref<10008x128xf32, #tpu.memory_space<vmem_shared>> -> memref<10008x128xf32, #tpu.memory_space<vmem_shared>>
      tpu.wait_indirect_dma semaphore(%arg15 : memref<!tpu.dma_semaphore, #tpu.memory_space<semaphore_mem>>) src(%arg10 : memref<128x128xf32, #tpu.memory_space<vmem>>) dst(%dma_wait3A_207 : memref<10008x128xf32, #tpu.memory_space<vmem_shared>>)
      %mul3A_208 = arith.constant 8 : i32
      %mul3A_209 = arith.muli %add3A_17, %mul3A_208 : i32
      %add3A_210 = arith.constant 7 : i32
      %add3A_211 = arith.addi %mul3A_209, %add3A_210 : i32
      %dma_start3A_212 = arith.constant 0 : i32
      %dma_start3A_213 = tpu.memref_slice %arg7[%add3A_211, %dma_start3A_212] : memref<80x128xi32, #tpu.memory_space<vmem>> -> memref<1x128xi32, #tpu.memory_space<vmem>>
      %dma_start3A_214 = tpu.memref_squeeze %dma_start3A_213 : memref<1x128xi32, #tpu.memory_space<vmem>> -> memref<128xi32, #tpu.memory_space<vmem>>
      %dma_start3A_215 = arith.constant 0 : i32
      %dma_start3A_216 = arith.constant 0 : i32
      %dma_start3A_217 = tpu.memref_slice %arg2[%dma_start3A_215, %dma_start3A_216] : memref<10000x128xf32, #tpu.memory_space<hbm>> -> memref<10000x128xf32, #tpu.memory_space<hbm>>
      tpu.enqueue_indirect_dma source(%dma_start3A_217 : memref<10000x128xf32, #tpu.memory_space<hbm>>) target(%arg10 : memref<128x128xf32, #tpu.memory_space<vmem>>) offsets(%dma_start3A_214 : memref<128xi32, #tpu.memory_space<vmem>>) semaphore(%arg13 : memref<!tpu.dma_semaphore, #tpu.memory_space<semaphore_mem>>)
      %dma_wait3A_218 = arith.constant 0 : i32
      %dma_wait3A_219 = tpu.memref_slice %arg7[%add3A_181, %dma_wait3A_218] : memref<80x128xi32, #tpu.memory_space<vmem>> -> memref<1x128xi32, #tpu.memory_space<vmem>>
      %dma_wait3A_220 = tpu.memref_squeeze %dma_wait3A_219 : memref<1x128xi32, #tpu.memory_space<vmem>> -> memref<128xi32, #tpu.memory_space<vmem>>
      %dma_wait3A_221 = arith.constant 0 : i32
      %dma_wait3A_222 = arith.constant 0 : i32
      %dma_wait3A_223 = tpu.memref_slice %arg2[%dma_wait3A_221, %dma_wait3A_222] : memref<10000x128xf32, #tpu.memory_space<hbm>> -> memref<10000x128xf32, #tpu.memory_space<hbm>>
      tpu.wait_indirect_dma semaphore(%arg12 : memref<!tpu.dma_semaphore, #tpu.memory_space<semaphore_mem>>) src(%dma_wait3A_223 : memref<10000x128xf32, #tpu.memory_space<hbm>>) dst(%arg9 : memref<128x128xf32, #tpu.memory_space<vmem>>)
      %dma_start3A_224 = arith.constant 6 : i32
      %dma_start3A_225 = arith.constant 0 : i32
      %dma_start3A_226 = tpu.memref_slice %arg8[%dma_start3A_224, %dma_start3A_225] : memref<8x128xi32, #tpu.memory_space<vmem>> -> memref<1x128xi32, #tpu.memory_space<vmem>>
      %dma_start3A_227 = tpu.memref_squeeze %dma_start3A_226 : memref<1x128xi32, #tpu.memory_space<vmem>> -> memref<128xi32, #tpu.memory_space<vmem>>
      %dma_start3A_228 = arith.constant 0 : i32
      %dma_start3A_229 = arith.constant 0 : i32
      %dma_start3A_230 = tpu.memref_slice %arg11[%dma_start3A_228, %dma_start3A_229] : memref<10008x128xf32, #tpu.memory_space<vmem_shared>> -> memref<10008x128xf32, #tpu.memory_space<vmem_shared>>
      tpu.enqueue_indirect_dma source(%arg9 : memref<128x128xf32, #tpu.memory_space<vmem>>) target(%dma_start3A_230 : memref<10008x128xf32, #tpu.memory_space<vmem_shared>>) offsets(%dma_start3A_227 : memref<128xi32, #tpu.memory_space<vmem>>) semaphore(%arg14 : memref<!tpu.dma_semaphore, #tpu.memory_space<semaphore_mem>>) {add = true}
      %dma_wait3A_231 = arith.constant 0 : i32
      %dma_wait3A_232 = tpu.memref_slice %arg7[%add3A_211, %dma_wait3A_231] : memref<80x128xi32, #tpu.memory_space<vmem>> -> memref<1x128xi32, #tpu.memory_space<vmem>>
      %dma_wait3A_233 = tpu.memref_squeeze %dma_wait3A_232 : memref<1x128xi32, #tpu.memory_space<vmem>> -> memref<128xi32, #tpu.memory_space<vmem>>
      %dma_wait3A_234 = arith.constant 0 : i32
      %dma_wait3A_235 = arith.constant 0 : i32
      %dma_wait3A_236 = tpu.memref_slice %arg2[%dma_wait3A_234, %dma_wait3A_235] : memref<10000x128xf32, #tpu.memory_space<hbm>> -> memref<10000x128xf32, #tpu.memory_space<hbm>>
      tpu.wait_indirect_dma semaphore(%arg13 : memref<!tpu.dma_semaphore, #tpu.memory_space<semaphore_mem>>) src(%dma_wait3A_236 : memref<10000x128xf32, #tpu.memory_space<hbm>>) dst(%arg10 : memref<128x128xf32, #tpu.memory_space<vmem>>)
      %dma_start3A_237 = arith.constant 7 : i32
      %dma_start3A_238 = arith.constant 0 : i32
      %dma_start3A_239 = tpu.memref_slice %arg8[%dma_start3A_237, %dma_start3A_238] : memref<8x128xi32, #tpu.memory_space<vmem>> -> memref<1x128xi32, #tpu.memory_space<vmem>>
      %dma_start3A_240 = tpu.memref_squeeze %dma_start3A_239 : memref<1x128xi32, #tpu.memory_space<vmem>> -> memref<128xi32, #tpu.memory_space<vmem>>
      %dma_start3A_241 = arith.constant 0 : i32
      %dma_start3A_242 = arith.constant 0 : i32
      %dma_start3A_243 = tpu.memref_slice %arg11[%dma_start3A_241, %dma_start3A_242] : memref<10008x128xf32, #tpu.memory_space<vmem_shared>> -> memref<10008x128xf32, #tpu.memory_space<vmem_shared>>
      tpu.enqueue_indirect_dma source(%arg10 : memref<128x128xf32, #tpu.memory_space<vmem>>) target(%dma_start3A_243 : memref<10008x128xf32, #tpu.memory_space<vmem_shared>>) offsets(%dma_start3A_240 : memref<128xi32, #tpu.memory_space<vmem>>) semaphore(%arg15 : memref<!tpu.dma_semaphore, #tpu.memory_space<semaphore_mem>>) {add = true}
      %dma_wait3A_244 = arith.constant 6 : i32
      %dma_wait3A_245 = arith.constant 0 : i32
      %dma_wait3A_246 = tpu.memref_slice %arg8[%dma_wait3A_244, %dma_wait3A_245] : memref<8x128xi32, #tpu.memory_space<vmem>> -> memref<1x128xi32, #tpu.memory_space<vmem>>
      %dma_wait3A_247 = tpu.memref_squeeze %dma_wait3A_246 : memref<1x128xi32, #tpu.memory_space<vmem>> -> memref<128xi32, #tpu.memory_space<vmem>>
      %dma_wait3A_248 = arith.constant 0 : i32
      %dma_wait3A_249 = arith.constant 0 : i32
      %dma_wait3A_250 = tpu.memref_slice %arg11[%dma_wait3A_248, %dma_wait3A_249] : memref<10008x128xf32, #tpu.memory_space<vmem_shared>> -> memref<10008x128xf32, #tpu.memory_space<vmem_shared>>
      tpu.wait_indirect_dma semaphore(%arg14 : memref<!tpu.dma_semaphore, #tpu.memory_space<semaphore_mem>>) src(%arg9 : memref<128x128xf32, #tpu.memory_space<vmem>>) dst(%dma_wait3A_250 : memref<10008x128xf32, #tpu.memory_space<vmem_shared>>)
      %dma_wait3A_251 = arith.constant 7 : i32
      %dma_wait3A_252 = arith.constant 0 : i32
      %dma_wait3A_253 = tpu.memref_slice %arg8[%dma_wait3A_251, %dma_wait3A_252] : memref<8x128xi32, #tpu.memory_space<vmem>> -> memref<1x128xi32, #tpu.memory_space<vmem>>
      %dma_wait3A_254 = tpu.memref_squeeze %dma_wait3A_253 : memref<1x128xi32, #tpu.memory_space<vmem>> -> memref<128xi32, #tpu.memory_space<vmem>>
      %dma_wait3A_255 = arith.constant 0 : i32
      %dma_wait3A_256 = arith.constant 0 : i32
      %dma_wait3A_257 = tpu.memref_slice %arg11[%dma_wait3A_255, %dma_wait3A_256] : memref<10008x128xf32, #tpu.memory_space<vmem_shared>> -> memref<10008x128xf32, #tpu.memory_space<vmem_shared>>
      tpu.wait_indirect_dma semaphore(%arg15 : memref<!tpu.dma_semaphore, #tpu.memory_space<semaphore_mem>>) src(%arg10 : memref<128x128xf32, #tpu.memory_space<vmem>>) dst(%dma_wait3A_257 : memref<10008x128xf32, #tpu.memory_space<vmem_shared>>)
    }
    %scan3A_6 = arith.constant 10 : i32
    %barrier3A_7 = arith.constant 0 : index
    tpu.barrier barrier_id(%barrier3A_7)
    %lt3A_8 = arith.constant 10 : i32
    %lt3A_9 = arith.cmpi slt, %arg1, %lt3A_8 : i32
    %convert_element_type3A_10 = arith.extui %lt3A_9 : i1 to i32
    %cond3A_11 = arith.constant 0 : i32
    %cond3A_12 = arith.cmpi ne, %convert_element_type3A_10, %cond3A_11 : i32
    scf.if %cond3A_12 {
      %mul3A_13 = arith.constant 1000 : i32
      %mul3A_14 = arith.muli %arg1, %mul3A_13 : i32
      %mul3A_15 = arith.constant 1000 : i32
      %mul3A_16 = arith.muli %arg1, %mul3A_15 : i32
      "tpu.region"() ({
        %run_scoped3A = tpu.sem_alloc : memref<!tpu.dma_semaphore, #tpu.memory_space<semaphore_mem>>
        %dma_start3A = arith.constant 0 : i32
        %dma_start3A_17 = tpu.memref_slice %arg6[%arg0, %mul3A_16, %dma_start3A] : memref<2x10000x128xf32, #tpu.memory_space<hbm>> -> memref<1x1000x128xf32, #tpu.memory_space<hbm>>
        %dma_start3A_18 = tpu.memref_squeeze %dma_start3A_17 : memref<1x1000x128xf32, #tpu.memory_space<hbm>> -> memref<1000x128xf32, #tpu.memory_space<hbm>>
        %dma_start3A_19 = arith.constant 0 : i32
        %dma_start3A_20 = tpu.memref_slice %arg11[%mul3A_14, %dma_start3A_19] : memref<10008x128xf32, #tpu.memory_space<vmem_shared>> -> memref<1000x128xf32, #tpu.memory_space<vmem_shared>>
        tpu.enqueue_dma source(%dma_start3A_20 : memref<1000x128xf32, #tpu.memory_space<vmem_shared>>) target(%dma_start3A_18 : memref<1000x128xf32, #tpu.memory_space<hbm>>) target_semaphore(%run_scoped3A : memref<!tpu.dma_semaphore, #tpu.memory_space<semaphore_mem>>)
        %dma_wait3A = arith.constant 0 : i32
        %dma_wait3A_21 = tpu.memref_slice %arg6[%arg0, %mul3A_16, %dma_wait3A] : memref<2x10000x128xf32, #tpu.memory_space<hbm>> -> memref<1x1000x128xf32, #tpu.memory_space<hbm>>
        %dma_wait3A_22 = tpu.memref_squeeze %dma_wait3A_21 : memref<1x1000x128xf32, #tpu.memory_space<hbm>> -> memref<1000x128xf32, #tpu.memory_space<hbm>>
        %dma_wait3A_23 = arith.constant 0 : i32
        %dma_wait3A_24 = tpu.memref_slice %arg11[%mul3A_14, %dma_wait3A_23] : memref<10008x128xf32, #tpu.memory_space<vmem_shared>> -> memref<1000x128xf32, #tpu.memory_space<vmem_shared>>
        tpu.wait_dma2 semaphore(%run_scoped3A : memref<!tpu.dma_semaphore, #tpu.memory_space<semaphore_mem>>) src(%dma_wait3A_24 : memref<1000x128xf32, #tpu.memory_space<vmem_shared>>) dst(%dma_wait3A_22 : memref<1000x128xf32, #tpu.memory_space<hbm>>)
        tpu.yield
      }) : () -> ()
    } else {
    }
    return
  }
}

#map = affine_map<(d0, d1) -> (0, 0)>
#map1 = affine_map<(d0, d1) -> (0, 0, 0)>
module attributes {stable_mosaic.version = 14 : i64} {
  func.func @k(%arg0: i32, %arg1: i32, %arg2: memref<10000x128xf32, #tpu.memory_space<hbm>>, %arg3: memref<32x80x128xi32, #tpu.memory_space<hbm>>, %arg4: memref<32x80x128xi32, #tpu.memory_space<hbm>>, %arg5: memref<10000x128xf32, #tpu.memory_space<hbm>>, %arg6: memref<2x10000x128xf32, #tpu.memory_space<hbm>>, %arg7: memref<80x128xi32, #tpu.memory_space<vmem>>, %arg8: memref<8x128xi32, #tpu.memory_space<vmem>>, %arg9: memref<128x128xf32, #tpu.memory_space<vmem>>, %arg10: memref<128x128xf32, #tpu.memory_space<vmem>>, %arg11: memref<10008x128xf32, #tpu.memory_space<vmem_shared>>, %arg12: memref<!tpu.dma_semaphore, #tpu.memory_space<semaphore_mem>>, %arg13: memref<!tpu.dma_semaphore, #tpu.memory_space<semaphore_mem>>, %arg14: memref<!tpu.dma_semaphore, #tpu.memory_space<semaphore_mem>>, %arg15: memref<!tpu.dma_semaphore, #tpu.memory_space<semaphore_mem>>) attributes {dimension_semantics = [#tpu.dimension_semantics<core_parallel>, #tpu.dimension_semantics<subcore_parallel>], iteration_bounds = array<i64: 2, 16>, scalar_prefetch = 0 : i64, scratch_operands = 9 : i64, tpu.core_type = #tpu.core_type<sc_vector_subcore>, window_params = [{transform_indices = #map}, {transform_indices = #map1}, {transform_indices = #map1}, {transform_indices = #map}, {transform_indices = #map1}]} {
    %mul3A = arith.constant 16 : i32
    %mul3A_0 = arith.muli %arg0, %mul3A : i32
    %add3A = arith.addi %mul3A_0, %arg1 : i32
    "tpu.region"() ({
      %run_scoped3A = tpu.sem_alloc : memref<!tpu.dma_semaphore, #tpu.memory_space<semaphore_mem>>
      %dma_start3A = arith.constant 0 : i32
      %dma_start3A_13 = arith.constant 0 : i32
      %dma_start3A_14 = tpu.memref_slice %arg3[%add3A, %dma_start3A, %dma_start3A_13] : memref<32x80x128xi32, #tpu.memory_space<hbm>> -> memref<1x80x128xi32, #tpu.memory_space<hbm>>
      %dma_start3A_15 = tpu.memref_squeeze %dma_start3A_14 : memref<1x80x128xi32, #tpu.memory_space<hbm>> -> memref<80x128xi32, #tpu.memory_space<hbm>>
      %dma_start3A_16 = arith.constant 0 : i32
      %dma_start3A_17 = arith.constant 0 : i32
      %dma_start3A_18 = tpu.memref_slice %arg3[%add3A, %dma_start3A_16, %dma_start3A_17] : memref<32x80x128xi32, #tpu.memory_space<hbm>> -> memref<1x80x128xi32, #tpu.memory_space<hbm>>
      %dma_start3A_19 = tpu.memref_squeeze %dma_start3A_18 : memref<1x80x128xi32, #tpu.memory_space<hbm>> -> memref<80x128xi32, #tpu.memory_space<hbm>>
      tpu.enqueue_dma source(%dma_start3A_19 : memref<80x128xi32, #tpu.memory_space<hbm>>) target(%arg7 : memref<80x128xi32, #tpu.memory_space<vmem>>) target_semaphore(%run_scoped3A : memref<!tpu.dma_semaphore, #tpu.memory_space<semaphore_mem>>)
      %dma_wait3A = arith.constant 0 : i32
      %dma_wait3A_20 = arith.constant 0 : i32
      %dma_wait3A_21 = tpu.memref_slice %arg3[%add3A, %dma_wait3A, %dma_wait3A_20] : memref<32x80x128xi32, #tpu.memory_space<hbm>> -> memref<1x80x128xi32, #tpu.memory_space<hbm>>
      %dma_wait3A_22 = tpu.memref_squeeze %dma_wait3A_21 : memref<1x80x128xi32, #tpu.memory_space<hbm>> -> memref<80x128xi32, #tpu.memory_space<hbm>>
      %dma_wait3A_23 = arith.constant 0 : i32
      %dma_wait3A_24 = arith.constant 0 : i32
      %dma_wait3A_25 = tpu.memref_slice %arg3[%add3A, %dma_wait3A_23, %dma_wait3A_24] : memref<32x80x128xi32, #tpu.memory_space<hbm>> -> memref<1x80x128xi32, #tpu.memory_space<hbm>>
      %dma_wait3A_26 = tpu.memref_squeeze %dma_wait3A_25 : memref<1x80x128xi32, #tpu.memory_space<hbm>> -> memref<80x128xi32, #tpu.memory_space<hbm>>
      tpu.wait_dma2 semaphore(%run_scoped3A : memref<!tpu.dma_semaphore, #tpu.memory_space<semaphore_mem>>) src(%dma_wait3A_26 : memref<80x128xi32, #tpu.memory_space<hbm>>) dst(%arg7 : memref<80x128xi32, #tpu.memory_space<vmem>>)
      tpu.yield
    }) : () -> ()
    %lt3A = arith.constant 10 : i32
    %lt3A_1 = arith.cmpi slt, %arg1, %lt3A : i32
    %convert_element_type3A = arith.extui %lt3A_1 : i1 to i32
    %cond3A = arith.constant 0 : i32
    %cond3A_2 = arith.cmpi ne, %convert_element_type3A, %cond3A : i32
    scf.if %cond3A_2 {
      %mul3A_13 = arith.constant 1000 : i32
      %mul3A_14 = arith.muli %arg1, %mul3A_13 : i32
      %mul3A_15 = arith.constant 1000 : i32
      %mul3A_16 = arith.muli %arg1, %mul3A_15 : i32
      "tpu.region"() ({
        %run_scoped3A = tpu.sem_alloc : memref<!tpu.dma_semaphore, #tpu.memory_space<semaphore_mem>>
        %dma_start3A = arith.constant 0 : i32
        %dma_start3A_17 = tpu.memref_slice %arg11[%mul3A_16, %dma_start3A] : memref<10008x128xf32, #tpu.memory_space<vmem_shared>> -> memref<1000x128xf32, #tpu.memory_space<vmem_shared>>
        %dma_start3A_18 = arith.constant 0 : i32
        %dma_start3A_19 = tpu.memref_slice %arg5[%mul3A_14, %dma_start3A_18] : memref<10000x128xf32, #tpu.memory_space<hbm>> -> memref<1000x128xf32, #tpu.memory_space<hbm>>
        tpu.enqueue_dma source(%dma_start3A_19 : memref<1000x128xf32, #tpu.memory_space<hbm>>) target(%dma_start3A_17 : memref<1000x128xf32, #tpu.memory_space<vmem_shared>>) target_semaphore(%run_scoped3A : memref<!tpu.dma_semaphore, #tpu.memory_space<semaphore_mem>>)
        %dma_wait3A = arith.constant 0 : i32
        %dma_wait3A_20 = tpu.memref_slice %arg11[%mul3A_16, %dma_wait3A] : memref<10008x128xf32, #tpu.memory_space<vmem_shared>> -> memref<1000x128xf32, #tpu.memory_space<vmem_shared>>
        %dma_wait3A_21 = arith.constant 0 : i32
        %dma_wait3A_22 = tpu.memref_slice %arg5[%mul3A_14, %dma_wait3A_21] : memref<10000x128xf32, #tpu.memory_space<hbm>> -> memref<1000x128xf32, #tpu.memory_space<hbm>>
        tpu.wait_dma2 semaphore(%run_scoped3A : memref<!tpu.dma_semaphore, #tpu.memory_space<semaphore_mem>>) src(%dma_wait3A_22 : memref<1000x128xf32, #tpu.memory_space<hbm>>) dst(%dma_wait3A_20 : memref<1000x128xf32, #tpu.memory_space<vmem_shared>>)
        tpu.yield
      }) : () -> ()
    } else {
    }
    %barrier3A = arith.constant 0 : index
    tpu.barrier barrier_id(%barrier3A)
    %scan3A = arith.constant 0 : i32
    %scan3A_3 = arith.constant 10 : i32
    %scan3A_4 = arith.addi %scan3A, %scan3A_3 : i32
    %scan3A_5 = arith.constant 1 : i32
    scf.for %scan3A_13 = %scan3A to %scan3A_4 step %scan3A_5  : i32 {
      %mul3A_14 = arith.constant 1 : i32
      %mul3A_15 = arith.muli %scan3A_13, %mul3A_14 : i32
      %add3A_16 = arith.constant 0 : i32
      %add3A_17 = arith.addi %add3A_16, %mul3A_15 : i32
      %mul3A_18 = arith.constant 8 : i32
      %mul3A_19 = arith.muli %add3A_17, %mul3A_18 : i32
      "tpu.region"() ({
        %run_scoped3A = tpu.sem_alloc : memref<!tpu.dma_semaphore, #tpu.memory_space<semaphore_mem>>
        %dma_start3A_258 = arith.constant 0 : i32
        %dma_start3A_259 = tpu.memref_slice %arg4[%add3A, %mul3A_19, %dma_start3A_258] : memref<32x80x128xi32, #tpu.memory_space<hbm>> -> memref<1x8x128xi32, #tpu.memory_space<hbm>>
        %dma_start3A_260 = tpu.memref_squeeze %dma_start3A_259 : memref<1x8x128xi32, #tpu.memory_space<hbm>> -> memref<8x128xi32, #tpu.memory_space<hbm>>
        %dma_start3A_261 = arith.constant 0 : i32
        %dma_start3A_262 = tpu.memref_slice %arg4[%add3A, %mul3A_19, %dma_start3A_261] : memref<32x80x128xi32, #tpu.memory_space<hbm>> -> memref<1x8x128xi32, #tpu.memory_space<hbm>>
        %dma_start3A_263 = tpu.memref_squeeze %dma_start3A_262 : memref<1x8x128xi32, #tpu.memory_space<hbm>> -> memref<8x128xi32, #tpu.memory_space<hbm>>
        tpu.enqueue_dma source(%dma_start3A_263 : memref<8x128xi32, #tpu.memory_space<hbm>>) target(%arg8 : memref<8x128xi32, #tpu.memory_space<vmem>>) target_semaphore(%run_scoped3A : memref<!tpu.dma_semaphore, #tpu.memory_space<semaphore_mem>>)
        %dma_wait3A_264 = arith.constant 0 : i32
        %dma_wait3A_265 = tpu.memref_slice %arg4[%add3A, %mul3A_19, %dma_wait3A_264] : memref<32x80x128xi32, #tpu.memory_space<hbm>> -> memref<1x8x128xi32, #tpu.memory_space<hbm>>
        %dma_wait3A_266 = tpu.memref_squeeze %dma_wait3A_265 : memref<1x8x128xi32, #tpu.memory_space<hbm>> -> memref<8x128xi32, #tpu.memory_space<hbm>>
        %dma_wait3A_267 = arith.constant 0 : i32
        %dma_wait3A_268 = tpu.memref_slice %arg4[%add3A, %mul3A_19, %dma_wait3A_267] : memref<32x80x128xi32, #tpu.memory_space<hbm>> -> memref<1x8x128xi32, #tpu.memory_space<hbm>>
        %dma_wait3A_269 = tpu.memref_squeeze %dma_wait3A_268 : memref<1x8x128xi32, #tpu.memory_space<hbm>> -> memref<8x128xi32, #tpu.memory_space<hbm>>
        tpu.wait_dma2 semaphore(%run_scoped3A : memref<!tpu.dma_semaphore, #tpu.memory_space<semaphore_mem>>) src(%dma_wait3A_269 : memref<8x128xi32, #tpu.memory_space<hbm>>) dst(%arg8 : memref<8x128xi32, #tpu.memory_space<vmem>>)
        tpu.yield
      }) : () -> ()
      %mul3A_20 = arith.constant 8 : i32
      %mul3A_21 = arith.muli %add3A_17, %mul3A_20 : i32
      %add3A_22 = arith.constant 0 : i32
      %add3A_23 = arith.addi %mul3A_21, %add3A_22 : i32
      %dma_start3A = arith.constant 0 : i32
      %dma_start3A_24 = tpu.memref_slice %arg7[%add3A_23, %dma_start3A] : memref<80x128xi32, #tpu.memory_space<vmem>> -> memref<1x128xi32, #tpu.memory_space<vmem>>
      %dma_start3A_25 = tpu.memref_squeeze %dma_start3A_24 : memref<1x128xi32, #tpu.memory_space<vmem>> -> memref<128xi32, #tpu.memory_space<vmem>>
      %dma_start3A_26 = arith.constant 0 : i32
      %dma_start3A_27 = arith.constant 0 : i32
      %dma_start3A_28 = tpu.memref_slice %arg2[%dma_start3A_26, %dma_start3A_27] : memref<10000x128xf32, #tpu.memory_space<hbm>> -> memref<10000x128xf32, #tpu.memory_space<hbm>>
      tpu.enqueue_indirect_dma source(%dma_start3A_28 : memref<10000x128xf32, #tpu.memory_space<hbm>>) target(%arg9 : memref<128x128xf32, #tpu.memory_space<vmem>>) offsets(%dma_start3A_25 : memref<128xi32, #tpu.memory_space<vmem>>) semaphore(%arg12 : memref<!tpu.dma_semaphore, #tpu.memory_space<semaphore_mem>>)
      %mul3A_29 = arith.constant 8 : i32
      %mul3A_30 = arith.muli %add3A_17, %mul3A_29 : i32
      %add3A_31 = arith.constant 1 : i32
      %add3A_32 = arith.addi %mul3A_30, %add3A_31 : i32
      %dma_start3A_33 = arith.constant 0 : i32
      %dma_start3A_34 = tpu.memref_slice %arg7[%add3A_32, %dma_start3A_33] : memref<80x128xi32, #tpu.memory_space<vmem>> -> memref<1x128xi32, #tpu.memory_space<vmem>>
      %dma_start3A_35 = tpu.memref_squeeze %dma_start3A_34 : memref<1x128xi32, #tpu.memory_space<vmem>> -> memref<128xi32, #tpu.memory_space<vmem>>
      %dma_start3A_36 = arith.constant 0 : i32
      %dma_start3A_37 = arith.constant 0 : i32
      %dma_start3A_38 = tpu.memref_slice %arg2[%dma_start3A_36, %dma_start3A_37] : memref<10000x128xf32, #tpu.memory_space<hbm>> -> memref<10000x128xf32, #tpu.memory_space<hbm>>
      tpu.enqueue_indirect_dma source(%dma_start3A_38 : memref<10000x128xf32, #tpu.memory_space<hbm>>) target(%arg10 : memref<128x128xf32, #tpu.memory_space<vmem>>) offsets(%dma_start3A_35 : memref<128xi32, #tpu.memory_space<vmem>>) semaphore(%arg13 : memref<!tpu.dma_semaphore, #tpu.memory_space<semaphore_mem>>)
      %dma_wait3A = arith.constant 0 : i32
      %dma_wait3A_39 = tpu.memref_slice %arg7[%add3A_23, %dma_wait3A] : memref<80x128xi32, #tpu.memory_space<vmem>> -> memref<1x128xi32, #tpu.memory_space<vmem>>
      %dma_wait3A_40 = tpu.memref_squeeze %dma_wait3A_39 : memref<1x128xi32, #tpu.memory_space<vmem>> -> memref<128xi32, #tpu.memory_space<vmem>>
      %dma_wait3A_41 = arith.constant 0 : i32
      %dma_wait3A_42 = arith.constant 0 : i32
      %dma_wait3A_43 = tpu.memref_slice %arg2[%dma_wait3A_41, %dma_wait3A_42] : memref<10000x128xf32, #tpu.memory_space<hbm>> -> memref<10000x128xf32, #tpu.memory_space<hbm>>
      tpu.wait_indirect_dma semaphore(%arg12 : memref<!tpu.dma_semaphore, #tpu.memory_space<semaphore_mem>>) src(%dma_wait3A_43 : memref<10000x128xf32, #tpu.memory_space<hbm>>) dst(%arg9 : memref<128x128xf32, #tpu.memory_space<vmem>>)
      %dma_start3A_44 = arith.constant 0 : i32
      %dma_start3A_45 = arith.constant 0 : i32
      %dma_start3A_46 = tpu.memref_slice %arg8[%dma_start3A_44, %dma_start3A_45] : memref<8x128xi32, #tpu.memory_space<vmem>> -> memref<1x128xi32, #tpu.memory_space<vmem>>
      %dma_start3A_47 = tpu.memref_squeeze %dma_start3A_46 : memref<1x128xi32, #tpu.memory_space<vmem>> -> memref<128xi32, #tpu.memory_space<vmem>>
      %dma_start3A_48 = arith.constant 0 : i32
      %dma_start3A_49 = arith.constant 0 : i32
      %dma_start3A_50 = tpu.memref_slice %arg11[%dma_start3A_48, %dma_start3A_49] : memref<10008x128xf32, #tpu.memory_space<vmem_shared>> -> memref<10008x128xf32, #tpu.memory_space<vmem_shared>>
      tpu.enqueue_indirect_dma source(%arg9 : memref<128x128xf32, #tpu.memory_space<vmem>>) target(%dma_start3A_50 : memref<10008x128xf32, #tpu.memory_space<vmem_shared>>) offsets(%dma_start3A_47 : memref<128xi32, #tpu.memory_space<vmem>>) semaphore(%arg14 : memref<!tpu.dma_semaphore, #tpu.memory_space<semaphore_mem>>) {add = true}
      %dma_wait3A_51 = arith.constant 0 : i32
      %dma_wait3A_52 = arith.constant 0 : i32
      %dma_wait3A_53 = tpu.memref_slice %arg8[%dma_wait3A_51, %dma_wait3A_52] : memref<8x128xi32, #tpu.memory_space<vmem>> -> memref<1x128xi32, #tpu.memory_space<vmem>>
      %dma_wait3A_54 = tpu.memref_squeeze %dma_wait3A_53 : memref<1x128xi32, #tpu.memory_space<vmem>> -> memref<128xi32, #tpu.memory_space<vmem>>
      %dma_wait3A_55 = arith.constant 0 : i32
      %dma_wait3A_56 = arith.constant 0 : i32
      %dma_wait3A_57 = tpu.memref_slice %arg11[%dma_wait3A_55, %dma_wait3A_56] : memref<10008x128xf32, #tpu.memory_space<vmem_shared>> -> memref<10008x128xf32, #tpu.memory_space<vmem_shared>>
      tpu.wait_indirect_dma semaphore(%arg14 : memref<!tpu.dma_semaphore, #tpu.memory_space<semaphore_mem>>) src(%arg9 : memref<128x128xf32, #tpu.memory_space<vmem>>) dst(%dma_wait3A_57 : memref<10008x128xf32, #tpu.memory_space<vmem_shared>>)
      %mul3A_58 = arith.constant 8 : i32
      %mul3A_59 = arith.muli %add3A_17, %mul3A_58 : i32
      %add3A_60 = arith.constant 2 : i32
      %add3A_61 = arith.addi %mul3A_59, %add3A_60 : i32
      %dma_start3A_62 = arith.constant 0 : i32
      %dma_start3A_63 = tpu.memref_slice %arg7[%add3A_61, %dma_start3A_62] : memref<80x128xi32, #tpu.memory_space<vmem>> -> memref<1x128xi32, #tpu.memory_space<vmem>>
      %dma_start3A_64 = tpu.memref_squeeze %dma_start3A_63 : memref<1x128xi32, #tpu.memory_space<vmem>> -> memref<128xi32, #tpu.memory_space<vmem>>
      %dma_start3A_65 = arith.constant 0 : i32
      %dma_start3A_66 = arith.constant 0 : i32
      %dma_start3A_67 = tpu.memref_slice %arg2[%dma_start3A_65, %dma_start3A_66] : memref<10000x128xf32, #tpu.memory_space<hbm>> -> memref<10000x128xf32, #tpu.memory_space<hbm>>
      tpu.enqueue_indirect_dma source(%dma_start3A_67 : memref<10000x128xf32, #tpu.memory_space<hbm>>) target(%arg9 : memref<128x128xf32, #tpu.memory_space<vmem>>) offsets(%dma_start3A_64 : memref<128xi32, #tpu.memory_space<vmem>>) semaphore(%arg12 : memref<!tpu.dma_semaphore, #tpu.memory_space<semaphore_mem>>)
      %dma_wait3A_68 = arith.constant 0 : i32
      %dma_wait3A_69 = tpu.memref_slice %arg7[%add3A_32, %dma_wait3A_68] : memref<80x128xi32, #tpu.memory_space<vmem>> -> memref<1x128xi32, #tpu.memory_space<vmem>>
      %dma_wait3A_70 = tpu.memref_squeeze %dma_wait3A_69 : memref<1x128xi32, #tpu.memory_space<vmem>> -> memref<128xi32, #tpu.memory_space<vmem>>
      %dma_wait3A_71 = arith.constant 0 : i32
      %dma_wait3A_72 = arith.constant 0 : i32
      %dma_wait3A_73 = tpu.memref_slice %arg2[%dma_wait3A_71, %dma_wait3A_72] : memref<10000x128xf32, #tpu.memory_space<hbm>> -> memref<10000x128xf32, #tpu.memory_space<hbm>>
      tpu.wait_indirect_dma semaphore(%arg13 : memref<!tpu.dma_semaphore, #tpu.memory_space<semaphore_mem>>) src(%dma_wait3A_73 : memref<10000x128xf32, #tpu.memory_space<hbm>>) dst(%arg10 : memref<128x128xf32, #tpu.memory_space<vmem>>)
      %dma_start3A_74 = arith.constant 1 : i32
      %dma_start3A_75 = arith.constant 0 : i32
      %dma_start3A_76 = tpu.memref_slice %arg8[%dma_start3A_74, %dma_start3A_75] : memref<8x128xi32, #tpu.memory_space<vmem>> -> memref<1x128xi32, #tpu.memory_space<vmem>>
      %dma_start3A_77 = tpu.memref_squeeze %dma_start3A_76 : memref<1x128xi32, #tpu.memory_space<vmem>> -> memref<128xi32, #tpu.memory_space<vmem>>
      %dma_start3A_78 = arith.constant 0 : i32
      %dma_start3A_79 = arith.constant 0 : i32
      %dma_start3A_80 = tpu.memref_slice %arg11[%dma_start3A_78, %dma_start3A_79] : memref<10008x128xf32, #tpu.memory_space<vmem_shared>> -> memref<10008x128xf32, #tpu.memory_space<vmem_shared>>
      tpu.enqueue_indirect_dma source(%arg10 : memref<128x128xf32, #tpu.memory_space<vmem>>) target(%dma_start3A_80 : memref<10008x128xf32, #tpu.memory_space<vmem_shared>>) offsets(%dma_start3A_77 : memref<128xi32, #tpu.memory_space<vmem>>) semaphore(%arg15 : memref<!tpu.dma_semaphore, #tpu.memory_space<semaphore_mem>>) {add = true}
      %dma_wait3A_81 = arith.constant 1 : i32
      %dma_wait3A_82 = arith.constant 0 : i32
      %dma_wait3A_83 = tpu.memref_slice %arg8[%dma_wait3A_81, %dma_wait3A_82] : memref<8x128xi32, #tpu.memory_space<vmem>> -> memref<1x128xi32, #tpu.memory_space<vmem>>
      %dma_wait3A_84 = tpu.memref_squeeze %dma_wait3A_83 : memref<1x128xi32, #tpu.memory_space<vmem>> -> memref<128xi32, #tpu.memory_space<vmem>>
      %dma_wait3A_85 = arith.constant 0 : i32
      %dma_wait3A_86 = arith.constant 0 : i32
      %dma_wait3A_87 = tpu.memref_slice %arg11[%dma_wait3A_85, %dma_wait3A_86] : memref<10008x128xf32, #tpu.memory_space<vmem_shared>> -> memref<10008x128xf32, #tpu.memory_space<vmem_shared>>
      tpu.wait_indirect_dma semaphore(%arg15 : memref<!tpu.dma_semaphore, #tpu.memory_space<semaphore_mem>>) src(%arg10 : memref<128x128xf32, #tpu.memory_space<vmem>>) dst(%dma_wait3A_87 : memref<10008x128xf32, #tpu.memory_space<vmem_shared>>)
      %mul3A_88 = arith.constant 8 : i32
      %mul3A_89 = arith.muli %add3A_17, %mul3A_88 : i32
      %add3A_90 = arith.constant 3 : i32
      %add3A_91 = arith.addi %mul3A_89, %add3A_90 : i32
      %dma_start3A_92 = arith.constant 0 : i32
      %dma_start3A_93 = tpu.memref_slice %arg7[%add3A_91, %dma_start3A_92] : memref<80x128xi32, #tpu.memory_space<vmem>> -> memref<1x128xi32, #tpu.memory_space<vmem>>
      %dma_start3A_94 = tpu.memref_squeeze %dma_start3A_93 : memref<1x128xi32, #tpu.memory_space<vmem>> -> memref<128xi32, #tpu.memory_space<vmem>>
      %dma_start3A_95 = arith.constant 0 : i32
      %dma_start3A_96 = arith.constant 0 : i32
      %dma_start3A_97 = tpu.memref_slice %arg2[%dma_start3A_95, %dma_start3A_96] : memref<10000x128xf32, #tpu.memory_space<hbm>> -> memref<10000x128xf32, #tpu.memory_space<hbm>>
      tpu.enqueue_indirect_dma source(%dma_start3A_97 : memref<10000x128xf32, #tpu.memory_space<hbm>>) target(%arg10 : memref<128x128xf32, #tpu.memory_space<vmem>>) offsets(%dma_start3A_94 : memref<128xi32, #tpu.memory_space<vmem>>) semaphore(%arg13 : memref<!tpu.dma_semaphore, #tpu.memory_space<semaphore_mem>>)
      %dma_wait3A_98 = arith.constant 0 : i32
      %dma_wait3A_99 = tpu.memref_slice %arg7[%add3A_61, %dma_wait3A_98] : memref<80x128xi32, #tpu.memory_space<vmem>> -> memref<1x128xi32, #tpu.memory_space<vmem>>
      %dma_wait3A_100 = tpu.memref_squeeze %dma_wait3A_99 : memref<1x128xi32, #tpu.memory_space<vmem>> -> memref<128xi32, #tpu.memory_space<vmem>>
      %dma_wait3A_101 = arith.constant 0 : i32
      %dma_wait3A_102 = arith.constant 0 : i32
      %dma_wait3A_103 = tpu.memref_slice %arg2[%dma_wait3A_101, %dma_wait3A_102] : memref<10000x128xf32, #tpu.memory_space<hbm>> -> memref<10000x128xf32, #tpu.memory_space<hbm>>
      tpu.wait_indirect_dma semaphore(%arg12 : memref<!tpu.dma_semaphore, #tpu.memory_space<semaphore_mem>>) src(%dma_wait3A_103 : memref<10000x128xf32, #tpu.memory_space<hbm>>) dst(%arg9 : memref<128x128xf32, #tpu.memory_space<vmem>>)
      %dma_start3A_104 = arith.constant 2 : i32
      %dma_start3A_105 = arith.constant 0 : i32
      %dma_start3A_106 = tpu.memref_slice %arg8[%dma_start3A_104, %dma_start3A_105] : memref<8x128xi32, #tpu.memory_space<vmem>> -> memref<1x128xi32, #tpu.memory_space<vmem>>
      %dma_start3A_107 = tpu.memref_squeeze %dma_start3A_106 : memref<1x128xi32, #tpu.memory_space<vmem>> -> memref<128xi32, #tpu.memory_space<vmem>>
      %dma_start3A_108 = arith.constant 0 : i32
      %dma_start3A_109 = arith.constant 0 : i32
      %dma_start3A_110 = tpu.memref_slice %arg11[%dma_start3A_108, %dma_start3A_109] : memref<10008x128xf32, #tpu.memory_space<vmem_shared>> -> memref<10008x128xf32, #tpu.memory_space<vmem_shared>>
      tpu.enqueue_indirect_dma source(%arg9 : memref<128x128xf32, #tpu.memory_space<vmem>>) target(%dma_start3A_110 : memref<10008x128xf32, #tpu.memory_space<vmem_shared>>) offsets(%dma_start3A_107 : memref<128xi32, #tpu.memory_space<vmem>>) semaphore(%arg14 : memref<!tpu.dma_semaphore, #tpu.memory_space<semaphore_mem>>) {add = true}
      %dma_wait3A_111 = arith.constant 2 : i32
      %dma_wait3A_112 = arith.constant 0 : i32
      %dma_wait3A_113 = tpu.memref_slice %arg8[%dma_wait3A_111, %dma_wait3A_112] : memref<8x128xi32, #tpu.memory_space<vmem>> -> memref<1x128xi32, #tpu.memory_space<vmem>>
      %dma_wait3A_114 = tpu.memref_squeeze %dma_wait3A_113 : memref<1x128xi32, #tpu.memory_space<vmem>> -> memref<128xi32, #tpu.memory_space<vmem>>
      %dma_wait3A_115 = arith.constant 0 : i32
      %dma_wait3A_116 = arith.constant 0 : i32
      %dma_wait3A_117 = tpu.memref_slice %arg11[%dma_wait3A_115, %dma_wait3A_116] : memref<10008x128xf32, #tpu.memory_space<vmem_shared>> -> memref<10008x128xf32, #tpu.memory_space<vmem_shared>>
      tpu.wait_indirect_dma semaphore(%arg14 : memref<!tpu.dma_semaphore, #tpu.memory_space<semaphore_mem>>) src(%arg9 : memref<128x128xf32, #tpu.memory_space<vmem>>) dst(%dma_wait3A_117 : memref<10008x128xf32, #tpu.memory_space<vmem_shared>>)
      %mul3A_118 = arith.constant 8 : i32
      %mul3A_119 = arith.muli %add3A_17, %mul3A_118 : i32
      %add3A_120 = arith.constant 4 : i32
      %add3A_121 = arith.addi %mul3A_119, %add3A_120 : i32
      %dma_start3A_122 = arith.constant 0 : i32
      %dma_start3A_123 = tpu.memref_slice %arg7[%add3A_121, %dma_start3A_122] : memref<80x128xi32, #tpu.memory_space<vmem>> -> memref<1x128xi32, #tpu.memory_space<vmem>>
      %dma_start3A_124 = tpu.memref_squeeze %dma_start3A_123 : memref<1x128xi32, #tpu.memory_space<vmem>> -> memref<128xi32, #tpu.memory_space<vmem>>
      %dma_start3A_125 = arith.constant 0 : i32
      %dma_start3A_126 = arith.constant 0 : i32
      %dma_start3A_127 = tpu.memref_slice %arg2[%dma_start3A_125, %dma_start3A_126] : memref<10000x128xf32, #tpu.memory_space<hbm>> -> memref<10000x128xf32, #tpu.memory_space<hbm>>
      tpu.enqueue_indirect_dma source(%dma_start3A_127 : memref<10000x128xf32, #tpu.memory_space<hbm>>) target(%arg9 : memref<128x128xf32, #tpu.memory_space<vmem>>) offsets(%dma_start3A_124 : memref<128xi32, #tpu.memory_space<vmem>>) semaphore(%arg12 : memref<!tpu.dma_semaphore, #tpu.memory_space<semaphore_mem>>)
      %dma_wait3A_128 = arith.constant 0 : i32
      %dma_wait3A_129 = tpu.memref_slice %arg7[%add3A_91, %dma_wait3A_128] : memref<80x128xi32, #tpu.memory_space<vmem>> -> memref<1x128xi32, #tpu.memory_space<vmem>>
      %dma_wait3A_130 = tpu.memref_squeeze %dma_wait3A_129 : memref<1x128xi32, #tpu.memory_space<vmem>> -> memref<128xi32, #tpu.memory_space<vmem>>
      %dma_wait3A_131 = arith.constant 0 : i32
      %dma_wait3A_132 = arith.constant 0 : i32
      %dma_wait3A_133 = tpu.memref_slice %arg2[%dma_wait3A_131, %dma_wait3A_132] : memref<10000x128xf32, #tpu.memory_space<hbm>> -> memref<10000x128xf32, #tpu.memory_space<hbm>>
      tpu.wait_indirect_dma semaphore(%arg13 : memref<!tpu.dma_semaphore, #tpu.memory_space<semaphore_mem>>) src(%dma_wait3A_133 : memref<10000x128xf32, #tpu.memory_space<hbm>>) dst(%arg10 : memref<128x128xf32, #tpu.memory_space<vmem>>)
      %dma_start3A_134 = arith.constant 3 : i32
      %dma_start3A_135 = arith.constant 0 : i32
      %dma_start3A_136 = tpu.memref_slice %arg8[%dma_start3A_134, %dma_start3A_135] : memref<8x128xi32, #tpu.memory_space<vmem>> -> memref<1x128xi32, #tpu.memory_space<vmem>>
      %dma_start3A_137 = tpu.memref_squeeze %dma_start3A_136 : memref<1x128xi32, #tpu.memory_space<vmem>> -> memref<128xi32, #tpu.memory_space<vmem>>
      %dma_start3A_138 = arith.constant 0 : i32
      %dma_start3A_139 = arith.constant 0 : i32
      %dma_start3A_140 = tpu.memref_slice %arg11[%dma_start3A_138, %dma_start3A_139] : memref<10008x128xf32, #tpu.memory_space<vmem_shared>> -> memref<10008x128xf32, #tpu.memory_space<vmem_shared>>
      tpu.enqueue_indirect_dma source(%arg10 : memref<128x128xf32, #tpu.memory_space<vmem>>) target(%dma_start3A_140 : memref<10008x128xf32, #tpu.memory_space<vmem_shared>>) offsets(%dma_start3A_137 : memref<128xi32, #tpu.memory_space<vmem>>) semaphore(%arg15 : memref<!tpu.dma_semaphore, #tpu.memory_space<semaphore_mem>>) {add = true}
      %dma_wait3A_141 = arith.constant 3 : i32
      %dma_wait3A_142 = arith.constant 0 : i32
      %dma_wait3A_143 = tpu.memref_slice %arg8[%dma_wait3A_141, %dma_wait3A_142] : memref<8x128xi32, #tpu.memory_space<vmem>> -> memref<1x128xi32, #tpu.memory_space<vmem>>
      %dma_wait3A_144 = tpu.memref_squeeze %dma_wait3A_143 : memref<1x128xi32, #tpu.memory_space<vmem>> -> memref<128xi32, #tpu.memory_space<vmem>>
      %dma_wait3A_145 = arith.constant 0 : i32
      %dma_wait3A_146 = arith.constant 0 : i32
      %dma_wait3A_147 = tpu.memref_slice %arg11[%dma_wait3A_145, %dma_wait3A_146] : memref<10008x128xf32, #tpu.memory_space<vmem_shared>> -> memref<10008x128xf32, #tpu.memory_space<vmem_shared>>
      tpu.wait_indirect_dma semaphore(%arg15 : memref<!tpu.dma_semaphore, #tpu.memory_space<semaphore_mem>>) src(%arg10 : memref<128x128xf32, #tpu.memory_space<vmem>>) dst(%dma_wait3A_147 : memref<10008x128xf32, #tpu.memory_space<vmem_shared>>)
      %mul3A_148 = arith.constant 8 : i32
      %mul3A_149 = arith.muli %add3A_17, %mul3A_148 : i32
      %add3A_150 = arith.constant 5 : i32
      %add3A_151 = arith.addi %mul3A_149, %add3A_150 : i32
      %dma_start3A_152 = arith.constant 0 : i32
      %dma_start3A_153 = tpu.memref_slice %arg7[%add3A_151, %dma_start3A_152] : memref<80x128xi32, #tpu.memory_space<vmem>> -> memref<1x128xi32, #tpu.memory_space<vmem>>
      %dma_start3A_154 = tpu.memref_squeeze %dma_start3A_153 : memref<1x128xi32, #tpu.memory_space<vmem>> -> memref<128xi32, #tpu.memory_space<vmem>>
      %dma_start3A_155 = arith.constant 0 : i32
      %dma_start3A_156 = arith.constant 0 : i32
      %dma_start3A_157 = tpu.memref_slice %arg2[%dma_start3A_155, %dma_start3A_156] : memref<10000x128xf32, #tpu.memory_space<hbm>> -> memref<10000x128xf32, #tpu.memory_space<hbm>>
      tpu.enqueue_indirect_dma source(%dma_start3A_157 : memref<10000x128xf32, #tpu.memory_space<hbm>>) target(%arg10 : memref<128x128xf32, #tpu.memory_space<vmem>>) offsets(%dma_start3A_154 : memref<128xi32, #tpu.memory_space<vmem>>) semaphore(%arg13 : memref<!tpu.dma_semaphore, #tpu.memory_space<semaphore_mem>>)
      %dma_wait3A_158 = arith.constant 0 : i32
      %dma_wait3A_159 = tpu.memref_slice %arg7[%add3A_121, %dma_wait3A_158] : memref<80x128xi32, #tpu.memory_space<vmem>> -> memref<1x128xi32, #tpu.memory_space<vmem>>
      %dma_wait3A_160 = tpu.memref_squeeze %dma_wait3A_159 : memref<1x128xi32, #tpu.memory_space<vmem>> -> memref<128xi32, #tpu.memory_space<vmem>>
      %dma_wait3A_161 = arith.constant 0 : i32
      %dma_wait3A_162 = arith.constant 0 : i32
      %dma_wait3A_163 = tpu.memref_slice %arg2[%dma_wait3A_161, %dma_wait3A_162] : memref<10000x128xf32, #tpu.memory_space<hbm>> -> memref<10000x128xf32, #tpu.memory_space<hbm>>
      tpu.wait_indirect_dma semaphore(%arg12 : memref<!tpu.dma_semaphore, #tpu.memory_space<semaphore_mem>>) src(%dma_wait3A_163 : memref<10000x128xf32, #tpu.memory_space<hbm>>) dst(%arg9 : memref<128x128xf32, #tpu.memory_space<vmem>>)
      %dma_start3A_164 = arith.constant 4 : i32
      %dma_start3A_165 = arith.constant 0 : i32
      %dma_start3A_166 = tpu.memref_slice %arg8[%dma_start3A_164, %dma_start3A_165] : memref<8x128xi32, #tpu.memory_space<vmem>> -> memref<1x128xi32, #tpu.memory_space<vmem>>
      %dma_start3A_167 = tpu.memref_squeeze %dma_start3A_166 : memref<1x128xi32, #tpu.memory_space<vmem>> -> memref<128xi32, #tpu.memory_space<vmem>>
      %dma_start3A_168 = arith.constant 0 : i32
      %dma_start3A_169 = arith.constant 0 : i32
      %dma_start3A_170 = tpu.memref_slice %arg11[%dma_start3A_168, %dma_start3A_169] : memref<10008x128xf32, #tpu.memory_space<vmem_shared>> -> memref<10008x128xf32, #tpu.memory_space<vmem_shared>>
      tpu.enqueue_indirect_dma source(%arg9 : memref<128x128xf32, #tpu.memory_space<vmem>>) target(%dma_start3A_170 : memref<10008x128xf32, #tpu.memory_space<vmem_shared>>) offsets(%dma_start3A_167 : memref<128xi32, #tpu.memory_space<vmem>>) semaphore(%arg14 : memref<!tpu.dma_semaphore, #tpu.memory_space<semaphore_mem>>) {add = true}
      %dma_wait3A_171 = arith.constant 4 : i32
      %dma_wait3A_172 = arith.constant 0 : i32
      %dma_wait3A_173 = tpu.memref_slice %arg8[%dma_wait3A_171, %dma_wait3A_172] : memref<8x128xi32, #tpu.memory_space<vmem>> -> memref<1x128xi32, #tpu.memory_space<vmem>>
      %dma_wait3A_174 = tpu.memref_squeeze %dma_wait3A_173 : memref<1x128xi32, #tpu.memory_space<vmem>> -> memref<128xi32, #tpu.memory_space<vmem>>
      %dma_wait3A_175 = arith.constant 0 : i32
      %dma_wait3A_176 = arith.constant 0 : i32
      %dma_wait3A_177 = tpu.memref_slice %arg11[%dma_wait3A_175, %dma_wait3A_176] : memref<10008x128xf32, #tpu.memory_space<vmem_shared>> -> memref<10008x128xf32, #tpu.memory_space<vmem_shared>>
      tpu.wait_indirect_dma semaphore(%arg14 : memref<!tpu.dma_semaphore, #tpu.memory_space<semaphore_mem>>) src(%arg9 : memref<128x128xf32, #tpu.memory_space<vmem>>) dst(%dma_wait3A_177 : memref<10008x128xf32, #tpu.memory_space<vmem_shared>>)
      %mul3A_178 = arith.constant 8 : i32
      %mul3A_179 = arith.muli %add3A_17, %mul3A_178 : i32
      %add3A_180 = arith.constant 6 : i32
      %add3A_181 = arith.addi %mul3A_179, %add3A_180 : i32
      %dma_start3A_182 = arith.constant 0 : i32
      %dma_start3A_183 = tpu.memref_slice %arg7[%add3A_181, %dma_start3A_182] : memref<80x128xi32, #tpu.memory_space<vmem>> -> memref<1x128xi32, #tpu.memory_space<vmem>>
      %dma_start3A_184 = tpu.memref_squeeze %dma_start3A_183 : memref<1x128xi32, #tpu.memory_space<vmem>> -> memref<128xi32, #tpu.memory_space<vmem>>
      %dma_start3A_185 = arith.constant 0 : i32
      %dma_start3A_186 = arith.constant 0 : i32
      %dma_start3A_187 = tpu.memref_slice %arg2[%dma_start3A_185, %dma_start3A_186] : memref<10000x128xf32, #tpu.memory_space<hbm>> -> memref<10000x128xf32, #tpu.memory_space<hbm>>
      tpu.enqueue_indirect_dma source(%dma_start3A_187 : memref<10000x128xf32, #tpu.memory_space<hbm>>) target(%arg9 : memref<128x128xf32, #tpu.memory_space<vmem>>) offsets(%dma_start3A_184 : memref<128xi32, #tpu.memory_space<vmem>>) semaphore(%arg12 : memref<!tpu.dma_semaphore, #tpu.memory_space<semaphore_mem>>)
      %dma_wait3A_188 = arith.constant 0 : i32
      %dma_wait3A_189 = tpu.memref_slice %arg7[%add3A_151, %dma_wait3A_188] : memref<80x128xi32, #tpu.memory_space<vmem>> -> memref<1x128xi32, #tpu.memory_space<vmem>>
      %dma_wait3A_190 = tpu.memref_squeeze %dma_wait3A_189 : memref<1x128xi32, #tpu.memory_space<vmem>> -> memref<128xi32, #tpu.memory_space<vmem>>
      %dma_wait3A_191 = arith.constant 0 : i32
      %dma_wait3A_192 = arith.constant 0 : i32
      %dma_wait3A_193 = tpu.memref_slice %arg2[%dma_wait3A_191, %dma_wait3A_192] : memref<10000x128xf32, #tpu.memory_space<hbm>> -> memref<10000x128xf32, #tpu.memory_space<hbm>>
      tpu.wait_indirect_dma semaphore(%arg13 : memref<!tpu.dma_semaphore, #tpu.memory_space<semaphore_mem>>) src(%dma_wait3A_193 : memref<10000x128xf32, #tpu.memory_space<hbm>>) dst(%arg10 : memref<128x128xf32, #tpu.memory_space<vmem>>)
      %dma_start3A_194 = arith.constant 5 : i32
      %dma_start3A_195 = arith.constant 0 : i32
      %dma_start3A_196 = tpu.memref_slice %arg8[%dma_start3A_194, %dma_start3A_195] : memref<8x128xi32, #tpu.memory_space<vmem>> -> memref<1x128xi32, #tpu.memory_space<vmem>>
      %dma_start3A_197 = tpu.memref_squeeze %dma_start3A_196 : memref<1x128xi32, #tpu.memory_space<vmem>> -> memref<128xi32, #tpu.memory_space<vmem>>
      %dma_start3A_198 = arith.constant 0 : i32
      %dma_start3A_199 = arith.constant 0 : i32
      %dma_start3A_200 = tpu.memref_slice %arg11[%dma_start3A_198, %dma_start3A_199] : memref<10008x128xf32, #tpu.memory_space<vmem_shared>> -> memref<10008x128xf32, #tpu.memory_space<vmem_shared>>
      tpu.enqueue_indirect_dma source(%arg10 : memref<128x128xf32, #tpu.memory_space<vmem>>) target(%dma_start3A_200 : memref<10008x128xf32, #tpu.memory_space<vmem_shared>>) offsets(%dma_start3A_197 : memref<128xi32, #tpu.memory_space<vmem>>) semaphore(%arg15 : memref<!tpu.dma_semaphore, #tpu.memory_space<semaphore_mem>>) {add = true}
      %dma_wait3A_201 = arith.constant 5 : i32
      %dma_wait3A_202 = arith.constant 0 : i32
      %dma_wait3A_203 = tpu.memref_slice %arg8[%dma_wait3A_201, %dma_wait3A_202] : memref<8x128xi32, #tpu.memory_space<vmem>> -> memref<1x128xi32, #tpu.memory_space<vmem>>
      %dma_wait3A_204 = tpu.memref_squeeze %dma_wait3A_203 : memref<1x128xi32, #tpu.memory_space<vmem>> -> memref<128xi32, #tpu.memory_space<vmem>>
      %dma_wait3A_205 = arith.constant 0 : i32
      %dma_wait3A_206 = arith.constant 0 : i32
      %dma_wait3A_207 = tpu.memref_slice %arg11[%dma_wait3A_205, %dma_wait3A_206] : memref<10008x128xf32, #tpu.memory_space<vmem_shared>> -> memref<10008x128xf32, #tpu.memory_space<vmem_shared>>
      tpu.wait_indirect_dma semaphore(%arg15 : memref<!tpu.dma_semaphore, #tpu.memory_space<semaphore_mem>>) src(%arg10 : memref<128x128xf32, #tpu.memory_space<vmem>>) dst(%dma_wait3A_207 : memref<10008x128xf32, #tpu.memory_space<vmem_shared>>)
      %mul3A_208 = arith.constant 8 : i32
      %mul3A_209 = arith.muli %add3A_17, %mul3A_208 : i32
      %add3A_210 = arith.constant 7 : i32
      %add3A_211 = arith.addi %mul3A_209, %add3A_210 : i32
      %dma_start3A_212 = arith.constant 0 : i32
      %dma_start3A_213 = tpu.memref_slice %arg7[%add3A_211, %dma_start3A_212] : memref<80x128xi32, #tpu.memory_space<vmem>> -> memref<1x128xi32, #tpu.memory_space<vmem>>
      %dma_start3A_214 = tpu.memref_squeeze %dma_start3A_213 : memref<1x128xi32, #tpu.memory_space<vmem>> -> memref<128xi32, #tpu.memory_space<vmem>>
      %dma_start3A_215 = arith.constant 0 : i32
      %dma_start3A_216 = arith.constant 0 : i32
      %dma_start3A_217 = tpu.memref_slice %arg2[%dma_start3A_215, %dma_start3A_216] : memref<10000x128xf32, #tpu.memory_space<hbm>> -> memref<10000x128xf32, #tpu.memory_space<hbm>>
      tpu.enqueue_indirect_dma source(%dma_start3A_217 : memref<10000x128xf32, #tpu.memory_space<hbm>>) target(%arg10 : memref<128x128xf32, #tpu.memory_space<vmem>>) offsets(%dma_start3A_214 : memref<128xi32, #tpu.memory_space<vmem>>) semaphore(%arg13 : memref<!tpu.dma_semaphore, #tpu.memory_space<semaphore_mem>>)
      %dma_wait3A_218 = arith.constant 0 : i32
      %dma_wait3A_219 = tpu.memref_slice %arg7[%add3A_181, %dma_wait3A_218] : memref<80x128xi32, #tpu.memory_space<vmem>> -> memref<1x128xi32, #tpu.memory_space<vmem>>
      %dma_wait3A_220 = tpu.memref_squeeze %dma_wait3A_219 : memref<1x128xi32, #tpu.memory_space<vmem>> -> memref<128xi32, #tpu.memory_space<vmem>>
      %dma_wait3A_221 = arith.constant 0 : i32
      %dma_wait3A_222 = arith.constant 0 : i32
      %dma_wait3A_223 = tpu.memref_slice %arg2[%dma_wait3A_221, %dma_wait3A_222] : memref<10000x128xf32, #tpu.memory_space<hbm>> -> memref<10000x128xf32, #tpu.memory_space<hbm>>
      tpu.wait_indirect_dma semaphore(%arg12 : memref<!tpu.dma_semaphore, #tpu.memory_space<semaphore_mem>>) src(%dma_wait3A_223 : memref<10000x128xf32, #tpu.memory_space<hbm>>) dst(%arg9 : memref<128x128xf32, #tpu.memory_space<vmem>>)
      %dma_start3A_224 = arith.constant 6 : i32
      %dma_start3A_225 = arith.constant 0 : i32
      %dma_start3A_226 = tpu.memref_slice %arg8[%dma_start3A_224, %dma_start3A_225] : memref<8x128xi32, #tpu.memory_space<vmem>> -> memref<1x128xi32, #tpu.memory_space<vmem>>
      %dma_start3A_227 = tpu.memref_squeeze %dma_start3A_226 : memref<1x128xi32, #tpu.memory_space<vmem>> -> memref<128xi32, #tpu.memory_space<vmem>>
      %dma_start3A_228 = arith.constant 0 : i32
      %dma_start3A_229 = arith.constant 0 : i32
      %dma_start3A_230 = tpu.memref_slice %arg11[%dma_start3A_228, %dma_start3A_229] : memref<10008x128xf32, #tpu.memory_space<vmem_shared>> -> memref<10008x128xf32, #tpu.memory_space<vmem_shared>>
      tpu.enqueue_indirect_dma source(%arg9 : memref<128x128xf32, #tpu.memory_space<vmem>>) target(%dma_start3A_230 : memref<10008x128xf32, #tpu.memory_space<vmem_shared>>) offsets(%dma_start3A_227 : memref<128xi32, #tpu.memory_space<vmem>>) semaphore(%arg14 : memref<!tpu.dma_semaphore, #tpu.memory_space<semaphore_mem>>) {add = true}
      %dma_wait3A_231 = arith.constant 0 : i32
      %dma_wait3A_232 = tpu.memref_slice %arg7[%add3A_211, %dma_wait3A_231] : memref<80x128xi32, #tpu.memory_space<vmem>> -> memref<1x128xi32, #tpu.memory_space<vmem>>
      %dma_wait3A_233 = tpu.memref_squeeze %dma_wait3A_232 : memref<1x128xi32, #tpu.memory_space<vmem>> -> memref<128xi32, #tpu.memory_space<vmem>>
      %dma_wait3A_234 = arith.constant 0 : i32
      %dma_wait3A_235 = arith.constant 0 : i32
      %dma_wait3A_236 = tpu.memref_slice %arg2[%dma_wait3A_234, %dma_wait3A_235] : memref<10000x128xf32, #tpu.memory_space<hbm>> -> memref<10000x128xf32, #tpu.memory_space<hbm>>
      tpu.wait_indirect_dma semaphore(%arg13 : memref<!tpu.dma_semaphore, #tpu.memory_space<semaphore_mem>>) src(%dma_wait3A_236 : memref<10000x128xf32, #tpu.memory_space<hbm>>) dst(%arg10 : memref<128x128xf32, #tpu.memory_space<vmem>>)
      %dma_start3A_237 = arith.constant 7 : i32
      %dma_start3A_238 = arith.constant 0 : i32
      %dma_start3A_239 = tpu.memref_slice %arg8[%dma_start3A_237, %dma_start3A_238] : memref<8x128xi32, #tpu.memory_space<vmem>> -> memref<1x128xi32, #tpu.memory_space<vmem>>
      %dma_start3A_240 = tpu.memref_squeeze %dma_start3A_239 : memref<1x128xi32, #tpu.memory_space<vmem>> -> memref<128xi32, #tpu.memory_space<vmem>>
      %dma_start3A_241 = arith.constant 0 : i32
      %dma_start3A_242 = arith.constant 0 : i32
      %dma_start3A_243 = tpu.memref_slice %arg11[%dma_start3A_241, %dma_start3A_242] : memref<10008x128xf32, #tpu.memory_space<vmem_shared>> -> memref<10008x128xf32, #tpu.memory_space<vmem_shared>>
      tpu.enqueue_indirect_dma source(%arg10 : memref<128x128xf32, #tpu.memory_space<vmem>>) target(%dma_start3A_243 : memref<10008x128xf32, #tpu.memory_space<vmem_shared>>) offsets(%dma_start3A_240 : memref<128xi32, #tpu.memory_space<vmem>>) semaphore(%arg15 : memref<!tpu.dma_semaphore, #tpu.memory_space<semaphore_mem>>) {add = true}
      %dma_wait3A_244 = arith.constant 6 : i32
      %dma_wait3A_245 = arith.constant 0 : i32
      %dma_wait3A_246 = tpu.memref_slice %arg8[%dma_wait3A_244, %dma_wait3A_245] : memref<8x128xi32, #tpu.memory_space<vmem>> -> memref<1x128xi32, #tpu.memory_space<vmem>>
      %dma_wait3A_247 = tpu.memref_squeeze %dma_wait3A_246 : memref<1x128xi32, #tpu.memory_space<vmem>> -> memref<128xi32, #tpu.memory_space<vmem>>
      %dma_wait3A_248 = arith.constant 0 : i32
      %dma_wait3A_249 = arith.constant 0 : i32
      %dma_wait3A_250 = tpu.memref_slice %arg11[%dma_wait3A_248, %dma_wait3A_249] : memref<10008x128xf32, #tpu.memory_space<vmem_shared>> -> memref<10008x128xf32, #tpu.memory_space<vmem_shared>>
      tpu.wait_indirect_dma semaphore(%arg14 : memref<!tpu.dma_semaphore, #tpu.memory_space<semaphore_mem>>) src(%arg9 : memref<128x128xf32, #tpu.memory_space<vmem>>) dst(%dma_wait3A_250 : memref<10008x128xf32, #tpu.memory_space<vmem_shared>>)
      %dma_wait3A_251 = arith.constant 7 : i32
      %dma_wait3A_252 = arith.constant 0 : i32
      %dma_wait3A_253 = tpu.memref_slice %arg8[%dma_wait3A_251, %dma_wait3A_252] : memref<8x128xi32, #tpu.memory_space<vmem>> -> memref<1x128xi32, #tpu.memory_space<vmem>>
      %dma_wait3A_254 = tpu.memref_squeeze %dma_wait3A_253 : memref<1x128xi32, #tpu.memory_space<vmem>> -> memref<128xi32, #tpu.memory_space<vmem>>
      %dma_wait3A_255 = arith.constant 0 : i32
      %dma_wait3A_256 = arith.constant 0 : i32
      %dma_wait3A_257 = tpu.memref_slice %arg11[%dma_wait3A_255, %dma_wait3A_256] : memref<10008x128xf32, #tpu.memory_space<vmem_shared>> -> memref<10008x128xf32, #tpu.memory_space<vmem_shared>>
      tpu.wait_indirect_dma semaphore(%arg15 : memref<!tpu.dma_semaphore, #tpu.memory_space<semaphore_mem>>) src(%arg10 : memref<128x128xf32, #tpu.memory_space<vmem>>) dst(%dma_wait3A_257 : memref<10008x128xf32, #tpu.memory_space<vmem_shared>>)
    }
    %scan3A_6 = arith.constant 10 : i32
    %barrier3A_7 = arith.constant 0 : index
    tpu.barrier barrier_id(%barrier3A_7)
    %lt3A_8 = arith.constant 10 : i32
    %lt3A_9 = arith.cmpi slt, %arg1, %lt3A_8 : i32
    %convert_element_type3A_10 = arith.extui %lt3A_9 : i1 to i32
    %cond3A_11 = arith.constant 0 : i32
    %cond3A_12 = arith.cmpi ne, %convert_element_type3A_10, %cond3A_11 : i32
    scf.if %cond3A_12 {
      %mul3A_13 = arith.constant 1000 : i32
      %mul3A_14 = arith.muli %arg1, %mul3A_13 : i32
      %mul3A_15 = arith.constant 1000 : i32
      %mul3A_16 = arith.muli %arg1, %mul3A_15 : i32
      "tpu.region"() ({
        %run_scoped3A = tpu.sem_alloc : memref<!tpu.dma_semaphore, #tpu.memory_space<semaphore_mem>>
        %dma_start3A = arith.constant 0 : i32
        %dma_start3A_17 = tpu.memref_slice %arg6[%arg0, %mul3A_16, %dma_start3A] : memref<2x10000x128xf32, #tpu.memory_space<hbm>> -> memref<1x1000x128xf32, #tpu.memory_space<hbm>>
        %dma_start3A_18 = tpu.memref_squeeze %dma_start3A_17 : memref<1x1000x128xf32, #tpu.memory_space<hbm>> -> memref<1000x128xf32, #tpu.memory_space<hbm>>
        %dma_start3A_19 = arith.constant 0 : i32
        %dma_start3A_20 = tpu.memref_slice %arg11[%mul3A_14, %dma_start3A_19] : memref<10008x128xf32, #tpu.memory_space<vmem_shared>> -> memref<1000x128xf32, #tpu.memory_space<vmem_shared>>
        tpu.enqueue_dma source(%dma_start3A_20 : memref<1000x128xf32, #tpu.memory_space<vmem_shared>>) target(%dma_start3A_18 : memref<1000x128xf32, #tpu.memory_space<hbm>>) target_semaphore(%run_scoped3A : memref<!tpu.dma_semaphore, #tpu.memory_space<semaphore_mem>>)
        %dma_wait3A = arith.constant 0 : i32
        %dma_wait3A_21 = tpu.memref_slice %arg6[%arg0, %mul3A_16, %dma_wait3A] : memref<2x10000x128xf32, #tpu.memory_space<hbm>> -> memref<1x1000x128xf32, #tpu.memory_space<hbm>>
        %dma_wait3A_22 = tpu.memref_squeeze %dma_wait3A_21 : memref<1x1000x128xf32, #tpu.memory_space<hbm>> -> memref<1000x128xf32, #tpu.memory_space<hbm>>
        %dma_wait3A_23 = arith.constant 0 : i32
        %dma_wait3A_24 = tpu.memref_slice %arg11[%mul3A_14, %dma_wait3A_23] : memref<10008x128xf32, #tpu.memory_space<vmem_shared>> -> memref<1000x128xf32, #tpu.memory_space<vmem_shared>>
        tpu.wait_dma2 semaphore(%run_scoped3A : memref<!tpu.dma_semaphore, #tpu.memory_space<semaphore_mem>>) src(%dma_wait3A_24 : memref<1000x128xf32, #tpu.memory_space<vmem_shared>>) dst(%dma_wait3A_22 : memref<1000x128xf32, #tpu.memory_space<hbm>>)
        tpu.yield
      }) : () -> ()
    } else {
    }
    return
  }
}

#map = affine_map<(d0, d1) -> (0, 0)>
#map1 = affine_map<(d0, d1) -> (0, 0, 0)>
module attributes {stable_mosaic.version = 14 : i64} {
  func.func @k(%arg0: i32, %arg1: i32, %arg2: memref<10000x128xf32, #tpu.memory_space<hbm>>, %arg3: memref<10000x128xf32, #tpu.memory_space<hbm>>, %arg4: memref<16x250x80xi32, #tpu.memory_space<hbm>>, %arg5: memref<16x250x80xi32, #tpu.memory_space<hbm>>, %arg6: memref<320000x128xf32, #tpu.memory_space<hbm>>, %arg7: memref<320000x128xf32, #tpu.memory_space<hbm>>, %arg8: memref<250x80xi32, #tpu.memory_space<vmem>>, %arg9: memref<80x128xf32, #tpu.memory_space<vmem>>, %arg10: memref<80x128xf32, #tpu.memory_space<vmem>>, %arg11: memref<80x128xf32, #tpu.memory_space<vmem>>, %arg12: memref<80x128xf32, #tpu.memory_space<vmem>>, %arg13: memref<80x128xf32, #tpu.memory_space<vmem>>, %arg14: memref<!tpu.dma_semaphore, #tpu.memory_space<semaphore_mem>>, %arg15: memref<!tpu.dma_semaphore, #tpu.memory_space<semaphore_mem>>, %arg16: memref<!tpu.dma_semaphore, #tpu.memory_space<semaphore_mem>>, %arg17: memref<!tpu.dma_semaphore, #tpu.memory_space<semaphore_mem>>, %arg18: memref<!tpu.dma_semaphore, #tpu.memory_space<semaphore_mem>>) attributes {dimension_semantics = [#tpu.dimension_semantics<core_parallel>, #tpu.dimension_semantics<subcore_parallel>], iteration_bounds = array<i64: 2, 16>, scalar_prefetch = 0 : i64, scratch_operands = 11 : i64, tpu.core_type = #tpu.core_type<sc_vector_subcore>, window_params = [{transform_indices = #map}, {transform_indices = #map}, {transform_indices = #map1}, {transform_indices = #map1}, {transform_indices = #map}, {transform_indices = #map}]} {
    %mul3A = arith.constant 20000 : i32
    %mul3A_0 = arith.muli %arg1, %mul3A : i32
    %eq3A = arith.constant 0 : i32
    %eq3A_1 = arith.cmpi eq, %arg0, %eq3A : i32
    %convert_element_type3A = arith.extui %eq3A_1 : i1 to i32
    %cond3A = arith.constant 0 : i32
    %cond3A_2 = arith.cmpi ne, %convert_element_type3A, %cond3A : i32
    scf.if %cond3A_2 {
      "tpu.region"() ({
        %run_scoped3A = tpu.sem_alloc : memref<!tpu.dma_semaphore, #tpu.memory_space<semaphore_mem>>
        %dma_start3A = arith.constant 0 : i32
        %dma_start3A_12 = arith.constant 0 : i32
        %dma_start3A_13 = tpu.memref_slice %arg4[%arg1, %dma_start3A, %dma_start3A_12] : memref<16x250x80xi32, #tpu.memory_space<hbm>> -> memref<1x250x80xi32, #tpu.memory_space<hbm>>
        %dma_start3A_14 = tpu.memref_squeeze %dma_start3A_13 : memref<1x250x80xi32, #tpu.memory_space<hbm>> -> memref<250x80xi32, #tpu.memory_space<hbm>>
        %dma_start3A_15 = arith.constant 0 : i32
        %dma_start3A_16 = arith.constant 0 : i32
        %dma_start3A_17 = tpu.memref_slice %arg4[%arg1, %dma_start3A_15, %dma_start3A_16] : memref<16x250x80xi32, #tpu.memory_space<hbm>> -> memref<1x250x80xi32, #tpu.memory_space<hbm>>
        %dma_start3A_18 = tpu.memref_squeeze %dma_start3A_17 : memref<1x250x80xi32, #tpu.memory_space<hbm>> -> memref<250x80xi32, #tpu.memory_space<hbm>>
        tpu.enqueue_dma source(%dma_start3A_18 : memref<250x80xi32, #tpu.memory_space<hbm>>) target(%arg8 : memref<250x80xi32, #tpu.memory_space<vmem>>) target_semaphore(%run_scoped3A : memref<!tpu.dma_semaphore, #tpu.memory_space<semaphore_mem>>)
        %dma_wait3A = arith.constant 0 : i32
        %dma_wait3A_19 = arith.constant 0 : i32
        %dma_wait3A_20 = tpu.memref_slice %arg4[%arg1, %dma_wait3A, %dma_wait3A_19] : memref<16x250x80xi32, #tpu.memory_space<hbm>> -> memref<1x250x80xi32, #tpu.memory_space<hbm>>
        %dma_wait3A_21 = tpu.memref_squeeze %dma_wait3A_20 : memref<1x250x80xi32, #tpu.memory_space<hbm>> -> memref<250x80xi32, #tpu.memory_space<hbm>>
        %dma_wait3A_22 = arith.constant 0 : i32
        %dma_wait3A_23 = arith.constant 0 : i32
        %dma_wait3A_24 = tpu.memref_slice %arg4[%arg1, %dma_wait3A_22, %dma_wait3A_23] : memref<16x250x80xi32, #tpu.memory_space<hbm>> -> memref<1x250x80xi32, #tpu.memory_space<hbm>>
        %dma_wait3A_25 = tpu.memref_squeeze %dma_wait3A_24 : memref<1x250x80xi32, #tpu.memory_space<hbm>> -> memref<250x80xi32, #tpu.memory_space<hbm>>
        tpu.wait_dma2 semaphore(%run_scoped3A : memref<!tpu.dma_semaphore, #tpu.memory_space<semaphore_mem>>) src(%dma_wait3A_25 : memref<250x80xi32, #tpu.memory_space<hbm>>) dst(%arg8 : memref<250x80xi32, #tpu.memory_space<vmem>>)
        tpu.yield
      }) : () -> ()
      %scan3A = arith.constant 0 : i32
      %scan3A_8 = arith.constant 50 : i32
      %scan3A_9 = arith.addi %scan3A, %scan3A_8 : i32
      %scan3A_10 = arith.constant 1 : i32
      scf.for %scan3A_12 = %scan3A to %scan3A_9 step %scan3A_10  : i32 {
        %mul3A_13 = arith.constant 1 : i32
        %mul3A_14 = arith.muli %scan3A_12, %mul3A_13 : i32
        %add3A = arith.constant 0 : i32
        %add3A_15 = arith.addi %add3A, %mul3A_14 : i32
        %mul3A_16 = arith.constant 5 : i32
        %mul3A_17 = arith.muli %add3A_15, %mul3A_16 : i32
        %add3A_18 = arith.constant 0 : i32
        %add3A_19 = arith.addi %mul3A_17, %add3A_18 : i32
        %dma_start3A = arith.constant 0 : i32
        %dma_start3A_20 = tpu.memref_slice %arg8[%add3A_19, %dma_start3A] : memref<250x80xi32, #tpu.memory_space<vmem>> -> memref<1x80xi32, #tpu.memory_space<vmem>>
        %dma_start3A_21 = tpu.memref_squeeze %dma_start3A_20 : memref<1x80xi32, #tpu.memory_space<vmem>> -> memref<80xi32, #tpu.memory_space<vmem>>
        %dma_start3A_22 = arith.constant 0 : i32
        %dma_start3A_23 = arith.constant 0 : i32
        %dma_start3A_24 = tpu.memref_slice %arg2[%dma_start3A_22, %dma_start3A_23] : memref<10000x128xf32, #tpu.memory_space<hbm>> -> memref<10000x128xf32, #tpu.memory_space<hbm>>
        tpu.enqueue_indirect_dma source(%dma_start3A_24 : memref<10000x128xf32, #tpu.memory_space<hbm>>) target(%arg9 : memref<80x128xf32, #tpu.memory_space<vmem>>) offsets(%dma_start3A_21 : memref<80xi32, #tpu.memory_space<vmem>>) semaphore(%arg14 : memref<!tpu.dma_semaphore, #tpu.memory_space<semaphore_mem>>)
        %add3A_25 = arith.constant 1 : i32
        %add3A_26 = arith.addi %mul3A_17, %add3A_25 : i32
        %dma_start3A_27 = arith.constant 0 : i32
        %dma_start3A_28 = tpu.memref_slice %arg8[%add3A_26, %dma_start3A_27] : memref<250x80xi32, #tpu.memory_space<vmem>> -> memref<1x80xi32, #tpu.memory_space<vmem>>
        %dma_start3A_29 = tpu.memref_squeeze %dma_start3A_28 : memref<1x80xi32, #tpu.memory_space<vmem>> -> memref<80xi32, #tpu.memory_space<vmem>>
        %dma_start3A_30 = arith.constant 0 : i32
        %dma_start3A_31 = arith.constant 0 : i32
        %dma_start3A_32 = tpu.memref_slice %arg2[%dma_start3A_30, %dma_start3A_31] : memref<10000x128xf32, #tpu.memory_space<hbm>> -> memref<10000x128xf32, #tpu.memory_space<hbm>>
        tpu.enqueue_indirect_dma source(%dma_start3A_32 : memref<10000x128xf32, #tpu.memory_space<hbm>>) target(%arg10 : memref<80x128xf32, #tpu.memory_space<vmem>>) offsets(%dma_start3A_29 : memref<80xi32, #tpu.memory_space<vmem>>) semaphore(%arg15 : memref<!tpu.dma_semaphore, #tpu.memory_space<semaphore_mem>>)
        %add3A_33 = arith.constant 2 : i32
        %add3A_34 = arith.addi %mul3A_17, %add3A_33 : i32
        %dma_start3A_35 = arith.constant 0 : i32
        %dma_start3A_36 = tpu.memref_slice %arg8[%add3A_34, %dma_start3A_35] : memref<250x80xi32, #tpu.memory_space<vmem>> -> memref<1x80xi32, #tpu.memory_space<vmem>>
        %dma_start3A_37 = tpu.memref_squeeze %dma_start3A_36 : memref<1x80xi32, #tpu.memory_space<vmem>> -> memref<80xi32, #tpu.memory_space<vmem>>
        %dma_start3A_38 = arith.constant 0 : i32
        %dma_start3A_39 = arith.constant 0 : i32
        %dma_start3A_40 = tpu.memref_slice %arg2[%dma_start3A_38, %dma_start3A_39] : memref<10000x128xf32, #tpu.memory_space<hbm>> -> memref<10000x128xf32, #tpu.memory_space<hbm>>
        tpu.enqueue_indirect_dma source(%dma_start3A_40 : memref<10000x128xf32, #tpu.memory_space<hbm>>) target(%arg11 : memref<80x128xf32, #tpu.memory_space<vmem>>) offsets(%dma_start3A_37 : memref<80xi32, #tpu.memory_space<vmem>>) semaphore(%arg16 : memref<!tpu.dma_semaphore, #tpu.memory_space<semaphore_mem>>)
        %add3A_41 = arith.constant 3 : i32
        %add3A_42 = arith.addi %mul3A_17, %add3A_41 : i32
        %dma_start3A_43 = arith.constant 0 : i32
        %dma_start3A_44 = tpu.memref_slice %arg8[%add3A_42, %dma_start3A_43] : memref<250x80xi32, #tpu.memory_space<vmem>> -> memref<1x80xi32, #tpu.memory_space<vmem>>
        %dma_start3A_45 = tpu.memref_squeeze %dma_start3A_44 : memref<1x80xi32, #tpu.memory_space<vmem>> -> memref<80xi32, #tpu.memory_space<vmem>>
        %dma_start3A_46 = arith.constant 0 : i32
        %dma_start3A_47 = arith.constant 0 : i32
        %dma_start3A_48 = tpu.memref_slice %arg2[%dma_start3A_46, %dma_start3A_47] : memref<10000x128xf32, #tpu.memory_space<hbm>> -> memref<10000x128xf32, #tpu.memory_space<hbm>>
        tpu.enqueue_indirect_dma source(%dma_start3A_48 : memref<10000x128xf32, #tpu.memory_space<hbm>>) target(%arg12 : memref<80x128xf32, #tpu.memory_space<vmem>>) offsets(%dma_start3A_45 : memref<80xi32, #tpu.memory_space<vmem>>) semaphore(%arg17 : memref<!tpu.dma_semaphore, #tpu.memory_space<semaphore_mem>>)
        %add3A_49 = arith.constant 4 : i32
        %add3A_50 = arith.addi %mul3A_17, %add3A_49 : i32
        %dma_start3A_51 = arith.constant 0 : i32
        %dma_start3A_52 = tpu.memref_slice %arg8[%add3A_50, %dma_start3A_51] : memref<250x80xi32, #tpu.memory_space<vmem>> -> memref<1x80xi32, #tpu.memory_space<vmem>>
        %dma_start3A_53 = tpu.memref_squeeze %dma_start3A_52 : memref<1x80xi32, #tpu.memory_space<vmem>> -> memref<80xi32, #tpu.memory_space<vmem>>
        %dma_start3A_54 = arith.constant 0 : i32
        %dma_start3A_55 = arith.constant 0 : i32
        %dma_start3A_56 = tpu.memref_slice %arg2[%dma_start3A_54, %dma_start3A_55] : memref<10000x128xf32, #tpu.memory_space<hbm>> -> memref<10000x128xf32, #tpu.memory_space<hbm>>
        tpu.enqueue_indirect_dma source(%dma_start3A_56 : memref<10000x128xf32, #tpu.memory_space<hbm>>) target(%arg13 : memref<80x128xf32, #tpu.memory_space<vmem>>) offsets(%dma_start3A_53 : memref<80xi32, #tpu.memory_space<vmem>>) semaphore(%arg18 : memref<!tpu.dma_semaphore, #tpu.memory_space<semaphore_mem>>)
        %dma_wait3A = arith.constant 0 : i32
        %dma_wait3A_57 = tpu.memref_slice %arg8[%add3A_19, %dma_wait3A] : memref<250x80xi32, #tpu.memory_space<vmem>> -> memref<1x80xi32, #tpu.memory_space<vmem>>
        %dma_wait3A_58 = tpu.memref_squeeze %dma_wait3A_57 : memref<1x80xi32, #tpu.memory_space<vmem>> -> memref<80xi32, #tpu.memory_space<vmem>>
        %dma_wait3A_59 = arith.constant 0 : i32
        %dma_wait3A_60 = arith.constant 0 : i32
        %dma_wait3A_61 = tpu.memref_slice %arg2[%dma_wait3A_59, %dma_wait3A_60] : memref<10000x128xf32, #tpu.memory_space<hbm>> -> memref<10000x128xf32, #tpu.memory_space<hbm>>
        tpu.wait_indirect_dma semaphore(%arg14 : memref<!tpu.dma_semaphore, #tpu.memory_space<semaphore_mem>>) src(%dma_wait3A_61 : memref<10000x128xf32, #tpu.memory_space<hbm>>) dst(%arg9 : memref<80x128xf32, #tpu.memory_space<vmem>>)
        %add3A_62 = arith.constant 0 : i32
        %add3A_63 = arith.addi %mul3A_17, %add3A_62 : i32
        %mul3A_64 = arith.constant 80 : i32
        %mul3A_65 = arith.muli %add3A_63, %mul3A_64 : i32
        %add3A_66 = arith.addi %mul3A_0, %mul3A_65 : i32
        "tpu.region"() ({
          %run_scoped3A = tpu.sem_alloc : memref<!tpu.dma_semaphore, #tpu.memory_space<semaphore_mem>>
          %dma_start3A_111 = arith.constant 0 : i32
          %dma_start3A_112 = tpu.memref_slice %arg6[%add3A_66, %dma_start3A_111] : memref<320000x128xf32, #tpu.memory_space<hbm>> -> memref<80x128xf32, #tpu.memory_space<hbm>>
          %dma_start3A_113 = arith.constant 0 : i32
          %dma_start3A_114 = tpu.memref_slice %arg6[%add3A_66, %dma_start3A_113] : memref<320000x128xf32, #tpu.memory_space<hbm>> -> memref<80x128xf32, #tpu.memory_space<hbm>>
          tpu.enqueue_dma source(%arg9 : memref<80x128xf32, #tpu.memory_space<vmem>>) target(%dma_start3A_114 : memref<80x128xf32, #tpu.memory_space<hbm>>) target_semaphore(%run_scoped3A : memref<!tpu.dma_semaphore, #tpu.memory_space<semaphore_mem>>)
          %dma_wait3A_115 = arith.constant 0 : i32
          %dma_wait3A_116 = tpu.memref_slice %arg6[%add3A_66, %dma_wait3A_115] : memref<320000x128xf32, #tpu.memory_space<hbm>> -> memref<80x128xf32, #tpu.memory_space<hbm>>
          %dma_wait3A_117 = arith.constant 0 : i32
          %dma_wait3A_118 = tpu.memref_slice %arg6[%add3A_66, %dma_wait3A_117] : memref<320000x128xf32, #tpu.memory_space<hbm>> -> memref<80x128xf32, #tpu.memory_space<hbm>>
          tpu.wait_dma2 semaphore(%run_scoped3A : memref<!tpu.dma_semaphore, #tpu.memory_space<semaphore_mem>>) src(%arg9 : memref<80x128xf32, #tpu.memory_space<vmem>>) dst(%dma_wait3A_118 : memref<80x128xf32, #tpu.memory_space<hbm>>)
          tpu.yield
        }) : () -> ()
        %dma_wait3A_67 = arith.constant 0 : i32
        %dma_wait3A_68 = tpu.memref_slice %arg8[%add3A_26, %dma_wait3A_67] : memref<250x80xi32, #tpu.memory_space<vmem>> -> memref<1x80xi32, #tpu.memory_space<vmem>>
        %dma_wait3A_69 = tpu.memref_squeeze %dma_wait3A_68 : memref<1x80xi32, #tpu.memory_space<vmem>> -> memref<80xi32, #tpu.memory_space<vmem>>
        %dma_wait3A_70 = arith.constant 0 : i32
        %dma_wait3A_71 = arith.constant 0 : i32
        %dma_wait3A_72 = tpu.memref_slice %arg2[%dma_wait3A_70, %dma_wait3A_71] : memref<10000x128xf32, #tpu.memory_space<hbm>> -> memref<10000x128xf32, #tpu.memory_space<hbm>>
        tpu.wait_indirect_dma semaphore(%arg15 : memref<!tpu.dma_semaphore, #tpu.memory_space<semaphore_mem>>) src(%dma_wait3A_72 : memref<10000x128xf32, #tpu.memory_space<hbm>>) dst(%arg10 : memref<80x128xf32, #tpu.memory_space<vmem>>)
        %add3A_73 = arith.constant 1 : i32
        %add3A_74 = arith.addi %mul3A_17, %add3A_73 : i32
        %mul3A_75 = arith.constant 80 : i32
        %mul3A_76 = arith.muli %add3A_74, %mul3A_75 : i32
        %add3A_77 = arith.addi %mul3A_0, %mul3A_76 : i32
        "tpu.region"() ({
          %run_scoped3A = tpu.sem_alloc : memref<!tpu.dma_semaphore, #tpu.memory_space<semaphore_mem>>
          %dma_start3A_111 = arith.constant 0 : i32
          %dma_start3A_112 = tpu.memref_slice %arg6[%add3A_77, %dma_start3A_111] : memref<320000x128xf32, #tpu.memory_space<hbm>> -> memref<80x128xf32, #tpu.memory_space<hbm>>
          %dma_start3A_113 = arith.constant 0 : i32
          %dma_start3A_114 = tpu.memref_slice %arg6[%add3A_77, %dma_start3A_113] : memref<320000x128xf32, #tpu.memory_space<hbm>> -> memref<80x128xf32, #tpu.memory_space<hbm>>
          tpu.enqueue_dma source(%arg10 : memref<80x128xf32, #tpu.memory_space<vmem>>) target(%dma_start3A_114 : memref<80x128xf32, #tpu.memory_space<hbm>>) target_semaphore(%run_scoped3A : memref<!tpu.dma_semaphore, #tpu.memory_space<semaphore_mem>>)
          %dma_wait3A_115 = arith.constant 0 : i32
          %dma_wait3A_116 = tpu.memref_slice %arg6[%add3A_77, %dma_wait3A_115] : memref<320000x128xf32, #tpu.memory_space<hbm>> -> memref<80x128xf32, #tpu.memory_space<hbm>>
          %dma_wait3A_117 = arith.constant 0 : i32
          %dma_wait3A_118 = tpu.memref_slice %arg6[%add3A_77, %dma_wait3A_117] : memref<320000x128xf32, #tpu.memory_space<hbm>> -> memref<80x128xf32, #tpu.memory_space<hbm>>
          tpu.wait_dma2 semaphore(%run_scoped3A : memref<!tpu.dma_semaphore, #tpu.memory_space<semaphore_mem>>) src(%arg10 : memref<80x128xf32, #tpu.memory_space<vmem>>) dst(%dma_wait3A_118 : memref<80x128xf32, #tpu.memory_space<hbm>>)
          tpu.yield
        }) : () -> ()
        %dma_wait3A_78 = arith.constant 0 : i32
        %dma_wait3A_79 = tpu.memref_slice %arg8[%add3A_34, %dma_wait3A_78] : memref<250x80xi32, #tpu.memory_space<vmem>> -> memref<1x80xi32, #tpu.memory_space<vmem>>
        %dma_wait3A_80 = tpu.memref_squeeze %dma_wait3A_79 : memref<1x80xi32, #tpu.memory_space<vmem>> -> memref<80xi32, #tpu.memory_space<vmem>>
        %dma_wait3A_81 = arith.constant 0 : i32
        %dma_wait3A_82 = arith.constant 0 : i32
        %dma_wait3A_83 = tpu.memref_slice %arg2[%dma_wait3A_81, %dma_wait3A_82] : memref<10000x128xf32, #tpu.memory_space<hbm>> -> memref<10000x128xf32, #tpu.memory_space<hbm>>
        tpu.wait_indirect_dma semaphore(%arg16 : memref<!tpu.dma_semaphore, #tpu.memory_space<semaphore_mem>>) src(%dma_wait3A_83 : memref<10000x128xf32, #tpu.memory_space<hbm>>) dst(%arg11 : memref<80x128xf32, #tpu.memory_space<vmem>>)
        %add3A_84 = arith.constant 2 : i32
        %add3A_85 = arith.addi %mul3A_17, %add3A_84 : i32
        %mul3A_86 = arith.constant 80 : i32
        %mul3A_87 = arith.muli %add3A_85, %mul3A_86 : i32
        %add3A_88 = arith.addi %mul3A_0, %mul3A_87 : i32
        "tpu.region"() ({
          %run_scoped3A = tpu.sem_alloc : memref<!tpu.dma_semaphore, #tpu.memory_space<semaphore_mem>>
          %dma_start3A_111 = arith.constant 0 : i32
          %dma_start3A_112 = tpu.memref_slice %arg6[%add3A_88, %dma_start3A_111] : memref<320000x128xf32, #tpu.memory_space<hbm>> -> memref<80x128xf32, #tpu.memory_space<hbm>>
          %dma_start3A_113 = arith.constant 0 : i32
          %dma_start3A_114 = tpu.memref_slice %arg6[%add3A_88, %dma_start3A_113] : memref<320000x128xf32, #tpu.memory_space<hbm>> -> memref<80x128xf32, #tpu.memory_space<hbm>>
          tpu.enqueue_dma source(%arg11 : memref<80x128xf32, #tpu.memory_space<vmem>>) target(%dma_start3A_114 : memref<80x128xf32, #tpu.memory_space<hbm>>) target_semaphore(%run_scoped3A : memref<!tpu.dma_semaphore, #tpu.memory_space<semaphore_mem>>)
          %dma_wait3A_115 = arith.constant 0 : i32
          %dma_wait3A_116 = tpu.memref_slice %arg6[%add3A_88, %dma_wait3A_115] : memref<320000x128xf32, #tpu.memory_space<hbm>> -> memref<80x128xf32, #tpu.memory_space<hbm>>
          %dma_wait3A_117 = arith.constant 0 : i32
          %dma_wait3A_118 = tpu.memref_slice %arg6[%add3A_88, %dma_wait3A_117] : memref<320000x128xf32, #tpu.memory_space<hbm>> -> memref<80x128xf32, #tpu.memory_space<hbm>>
          tpu.wait_dma2 semaphore(%run_scoped3A : memref<!tpu.dma_semaphore, #tpu.memory_space<semaphore_mem>>) src(%arg11 : memref<80x128xf32, #tpu.memory_space<vmem>>) dst(%dma_wait3A_118 : memref<80x128xf32, #tpu.memory_space<hbm>>)
          tpu.yield
        }) : () -> ()
        %dma_wait3A_89 = arith.constant 0 : i32
        %dma_wait3A_90 = tpu.memref_slice %arg8[%add3A_42, %dma_wait3A_89] : memref<250x80xi32, #tpu.memory_space<vmem>> -> memref<1x80xi32, #tpu.memory_space<vmem>>
        %dma_wait3A_91 = tpu.memref_squeeze %dma_wait3A_90 : memref<1x80xi32, #tpu.memory_space<vmem>> -> memref<80xi32, #tpu.memory_space<vmem>>
        %dma_wait3A_92 = arith.constant 0 : i32
        %dma_wait3A_93 = arith.constant 0 : i32
        %dma_wait3A_94 = tpu.memref_slice %arg2[%dma_wait3A_92, %dma_wait3A_93] : memref<10000x128xf32, #tpu.memory_space<hbm>> -> memref<10000x128xf32, #tpu.memory_space<hbm>>
        tpu.wait_indirect_dma semaphore(%arg17 : memref<!tpu.dma_semaphore, #tpu.memory_space<semaphore_mem>>) src(%dma_wait3A_94 : memref<10000x128xf32, #tpu.memory_space<hbm>>) dst(%arg12 : memref<80x128xf32, #tpu.memory_space<vmem>>)
        %add3A_95 = arith.constant 3 : i32
        %add3A_96 = arith.addi %mul3A_17, %add3A_95 : i32
        %mul3A_97 = arith.constant 80 : i32
        %mul3A_98 = arith.muli %add3A_96, %mul3A_97 : i32
        %add3A_99 = arith.addi %mul3A_0, %mul3A_98 : i32
        "tpu.region"() ({
          %run_scoped3A = tpu.sem_alloc : memref<!tpu.dma_semaphore, #tpu.memory_space<semaphore_mem>>
          %dma_start3A_111 = arith.constant 0 : i32
          %dma_start3A_112 = tpu.memref_slice %arg6[%add3A_99, %dma_start3A_111] : memref<320000x128xf32, #tpu.memory_space<hbm>> -> memref<80x128xf32, #tpu.memory_space<hbm>>
          %dma_start3A_113 = arith.constant 0 : i32
          %dma_start3A_114 = tpu.memref_slice %arg6[%add3A_99, %dma_start3A_113] : memref<320000x128xf32, #tpu.memory_space<hbm>> -> memref<80x128xf32, #tpu.memory_space<hbm>>
          tpu.enqueue_dma source(%arg12 : memref<80x128xf32, #tpu.memory_space<vmem>>) target(%dma_start3A_114 : memref<80x128xf32, #tpu.memory_space<hbm>>) target_semaphore(%run_scoped3A : memref<!tpu.dma_semaphore, #tpu.memory_space<semaphore_mem>>)
          %dma_wait3A_115 = arith.constant 0 : i32
          %dma_wait3A_116 = tpu.memref_slice %arg6[%add3A_99, %dma_wait3A_115] : memref<320000x128xf32, #tpu.memory_space<hbm>> -> memref<80x128xf32, #tpu.memory_space<hbm>>
          %dma_wait3A_117 = arith.constant 0 : i32
          %dma_wait3A_118 = tpu.memref_slice %arg6[%add3A_99, %dma_wait3A_117] : memref<320000x128xf32, #tpu.memory_space<hbm>> -> memref<80x128xf32, #tpu.memory_space<hbm>>
          tpu.wait_dma2 semaphore(%run_scoped3A : memref<!tpu.dma_semaphore, #tpu.memory_space<semaphore_mem>>) src(%arg12 : memref<80x128xf32, #tpu.memory_space<vmem>>) dst(%dma_wait3A_118 : memref<80x128xf32, #tpu.memory_space<hbm>>)
          tpu.yield
        }) : () -> ()
        %dma_wait3A_100 = arith.constant 0 : i32
        %dma_wait3A_101 = tpu.memref_slice %arg8[%add3A_50, %dma_wait3A_100] : memref<250x80xi32, #tpu.memory_space<vmem>> -> memref<1x80xi32, #tpu.memory_space<vmem>>
        %dma_wait3A_102 = tpu.memref_squeeze %dma_wait3A_101 : memref<1x80xi32, #tpu.memory_space<vmem>> -> memref<80xi32, #tpu.memory_space<vmem>>
        %dma_wait3A_103 = arith.constant 0 : i32
        %dma_wait3A_104 = arith.constant 0 : i32
        %dma_wait3A_105 = tpu.memref_slice %arg2[%dma_wait3A_103, %dma_wait3A_104] : memref<10000x128xf32, #tpu.memory_space<hbm>> -> memref<10000x128xf32, #tpu.memory_space<hbm>>
        tpu.wait_indirect_dma semaphore(%arg18 : memref<!tpu.dma_semaphore, #tpu.memory_space<semaphore_mem>>) src(%dma_wait3A_105 : memref<10000x128xf32, #tpu.memory_space<hbm>>) dst(%arg13 : memref<80x128xf32, #tpu.memory_space<vmem>>)
        %add3A_106 = arith.constant 4 : i32
        %add3A_107 = arith.addi %mul3A_17, %add3A_106 : i32
        %mul3A_108 = arith.constant 80 : i32
        %mul3A_109 = arith.muli %add3A_107, %mul3A_108 : i32
        %add3A_110 = arith.addi %mul3A_0, %mul3A_109 : i32
        "tpu.region"() ({
          %run_scoped3A = tpu.sem_alloc : memref<!tpu.dma_semaphore, #tpu.memory_space<semaphore_mem>>
          %dma_start3A_111 = arith.constant 0 : i32
          %dma_start3A_112 = tpu.memref_slice %arg6[%add3A_110, %dma_start3A_111] : memref<320000x128xf32, #tpu.memory_space<hbm>> -> memref<80x128xf32, #tpu.memory_space<hbm>>
          %dma_start3A_113 = arith.constant 0 : i32
          %dma_start3A_114 = tpu.memref_slice %arg6[%add3A_110, %dma_start3A_113] : memref<320000x128xf32, #tpu.memory_space<hbm>> -> memref<80x128xf32, #tpu.memory_space<hbm>>
          tpu.enqueue_dma source(%arg13 : memref<80x128xf32, #tpu.memory_space<vmem>>) target(%dma_start3A_114 : memref<80x128xf32, #tpu.memory_space<hbm>>) target_semaphore(%run_scoped3A : memref<!tpu.dma_semaphore, #tpu.memory_space<semaphore_mem>>)
          %dma_wait3A_115 = arith.constant 0 : i32
          %dma_wait3A_116 = tpu.memref_slice %arg6[%add3A_110, %dma_wait3A_115] : memref<320000x128xf32, #tpu.memory_space<hbm>> -> memref<80x128xf32, #tpu.memory_space<hbm>>
          %dma_wait3A_117 = arith.constant 0 : i32
          %dma_wait3A_118 = tpu.memref_slice %arg6[%add3A_110, %dma_wait3A_117] : memref<320000x128xf32, #tpu.memory_space<hbm>> -> memref<80x128xf32, #tpu.memory_space<hbm>>
          tpu.wait_dma2 semaphore(%run_scoped3A : memref<!tpu.dma_semaphore, #tpu.memory_space<semaphore_mem>>) src(%arg13 : memref<80x128xf32, #tpu.memory_space<vmem>>) dst(%dma_wait3A_118 : memref<80x128xf32, #tpu.memory_space<hbm>>)
          tpu.yield
        }) : () -> ()
      }
      %scan3A_11 = arith.constant 50 : i32
    } else {
    }
    %eq3A_3 = arith.constant 1 : i32
    %eq3A_4 = arith.cmpi eq, %arg0, %eq3A_3 : i32
    %convert_element_type3A_5 = arith.extui %eq3A_4 : i1 to i32
    %cond3A_6 = arith.constant 0 : i32
    %cond3A_7 = arith.cmpi ne, %convert_element_type3A_5, %cond3A_6 : i32
    scf.if %cond3A_7 {
      "tpu.region"() ({
        %run_scoped3A = tpu.sem_alloc : memref<!tpu.dma_semaphore, #tpu.memory_space<semaphore_mem>>
        %dma_start3A = arith.constant 0 : i32
        %dma_start3A_12 = arith.constant 0 : i32
        %dma_start3A_13 = tpu.memref_slice %arg5[%arg1, %dma_start3A, %dma_start3A_12] : memref<16x250x80xi32, #tpu.memory_space<hbm>> -> memref<1x250x80xi32, #tpu.memory_space<hbm>>
        %dma_start3A_14 = tpu.memref_squeeze %dma_start3A_13 : memref<1x250x80xi32, #tpu.memory_space<hbm>> -> memref<250x80xi32, #tpu.memory_space<hbm>>
        %dma_start3A_15 = arith.constant 0 : i32
        %dma_start3A_16 = arith.constant 0 : i32
        %dma_start3A_17 = tpu.memref_slice %arg5[%arg1, %dma_start3A_15, %dma_start3A_16] : memref<16x250x80xi32, #tpu.memory_space<hbm>> -> memref<1x250x80xi32, #tpu.memory_space<hbm>>
        %dma_start3A_18 = tpu.memref_squeeze %dma_start3A_17 : memref<1x250x80xi32, #tpu.memory_space<hbm>> -> memref<250x80xi32, #tpu.memory_space<hbm>>
        tpu.enqueue_dma source(%dma_start3A_18 : memref<250x80xi32, #tpu.memory_space<hbm>>) target(%arg8 : memref<250x80xi32, #tpu.memory_space<vmem>>) target_semaphore(%run_scoped3A : memref<!tpu.dma_semaphore, #tpu.memory_space<semaphore_mem>>)
        %dma_wait3A = arith.constant 0 : i32
        %dma_wait3A_19 = arith.constant 0 : i32
        %dma_wait3A_20 = tpu.memref_slice %arg5[%arg1, %dma_wait3A, %dma_wait3A_19] : memref<16x250x80xi32, #tpu.memory_space<hbm>> -> memref<1x250x80xi32, #tpu.memory_space<hbm>>
        %dma_wait3A_21 = tpu.memref_squeeze %dma_wait3A_20 : memref<1x250x80xi32, #tpu.memory_space<hbm>> -> memref<250x80xi32, #tpu.memory_space<hbm>>
        %dma_wait3A_22 = arith.constant 0 : i32
        %dma_wait3A_23 = arith.constant 0 : i32
        %dma_wait3A_24 = tpu.memref_slice %arg5[%arg1, %dma_wait3A_22, %dma_wait3A_23] : memref<16x250x80xi32, #tpu.memory_space<hbm>> -> memref<1x250x80xi32, #tpu.memory_space<hbm>>
        %dma_wait3A_25 = tpu.memref_squeeze %dma_wait3A_24 : memref<1x250x80xi32, #tpu.memory_space<hbm>> -> memref<250x80xi32, #tpu.memory_space<hbm>>
        tpu.wait_dma2 semaphore(%run_scoped3A : memref<!tpu.dma_semaphore, #tpu.memory_space<semaphore_mem>>) src(%dma_wait3A_25 : memref<250x80xi32, #tpu.memory_space<hbm>>) dst(%arg8 : memref<250x80xi32, #tpu.memory_space<vmem>>)
        tpu.yield
      }) : () -> ()
      %scan3A = arith.constant 0 : i32
      %scan3A_8 = arith.constant 50 : i32
      %scan3A_9 = arith.addi %scan3A, %scan3A_8 : i32
      %scan3A_10 = arith.constant 1 : i32
      scf.for %scan3A_12 = %scan3A to %scan3A_9 step %scan3A_10  : i32 {
        %mul3A_13 = arith.constant 1 : i32
        %mul3A_14 = arith.muli %scan3A_12, %mul3A_13 : i32
        %add3A = arith.constant 0 : i32
        %add3A_15 = arith.addi %add3A, %mul3A_14 : i32
        %mul3A_16 = arith.constant 5 : i32
        %mul3A_17 = arith.muli %add3A_15, %mul3A_16 : i32
        %add3A_18 = arith.constant 0 : i32
        %add3A_19 = arith.addi %mul3A_17, %add3A_18 : i32
        %dma_start3A = arith.constant 0 : i32
        %dma_start3A_20 = tpu.memref_slice %arg8[%add3A_19, %dma_start3A] : memref<250x80xi32, #tpu.memory_space<vmem>> -> memref<1x80xi32, #tpu.memory_space<vmem>>
        %dma_start3A_21 = tpu.memref_squeeze %dma_start3A_20 : memref<1x80xi32, #tpu.memory_space<vmem>> -> memref<80xi32, #tpu.memory_space<vmem>>
        %dma_start3A_22 = arith.constant 0 : i32
        %dma_start3A_23 = arith.constant 0 : i32
        %dma_start3A_24 = tpu.memref_slice %arg3[%dma_start3A_22, %dma_start3A_23] : memref<10000x128xf32, #tpu.memory_space<hbm>> -> memref<10000x128xf32, #tpu.memory_space<hbm>>
        tpu.enqueue_indirect_dma source(%dma_start3A_24 : memref<10000x128xf32, #tpu.memory_space<hbm>>) target(%arg9 : memref<80x128xf32, #tpu.memory_space<vmem>>) offsets(%dma_start3A_21 : memref<80xi32, #tpu.memory_space<vmem>>) semaphore(%arg14 : memref<!tpu.dma_semaphore, #tpu.memory_space<semaphore_mem>>)
        %add3A_25 = arith.constant 1 : i32
        %add3A_26 = arith.addi %mul3A_17, %add3A_25 : i32
        %dma_start3A_27 = arith.constant 0 : i32
        %dma_start3A_28 = tpu.memref_slice %arg8[%add3A_26, %dma_start3A_27] : memref<250x80xi32, #tpu.memory_space<vmem>> -> memref<1x80xi32, #tpu.memory_space<vmem>>
        %dma_start3A_29 = tpu.memref_squeeze %dma_start3A_28 : memref<1x80xi32, #tpu.memory_space<vmem>> -> memref<80xi32, #tpu.memory_space<vmem>>
        %dma_start3A_30 = arith.constant 0 : i32
        %dma_start3A_31 = arith.constant 0 : i32
        %dma_start3A_32 = tpu.memref_slice %arg3[%dma_start3A_30, %dma_start3A_31] : memref<10000x128xf32, #tpu.memory_space<hbm>> -> memref<10000x128xf32, #tpu.memory_space<hbm>>
        tpu.enqueue_indirect_dma source(%dma_start3A_32 : memref<10000x128xf32, #tpu.memory_space<hbm>>) target(%arg10 : memref<80x128xf32, #tpu.memory_space<vmem>>) offsets(%dma_start3A_29 : memref<80xi32, #tpu.memory_space<vmem>>) semaphore(%arg15 : memref<!tpu.dma_semaphore, #tpu.memory_space<semaphore_mem>>)
        %add3A_33 = arith.constant 2 : i32
        %add3A_34 = arith.addi %mul3A_17, %add3A_33 : i32
        %dma_start3A_35 = arith.constant 0 : i32
        %dma_start3A_36 = tpu.memref_slice %arg8[%add3A_34, %dma_start3A_35] : memref<250x80xi32, #tpu.memory_space<vmem>> -> memref<1x80xi32, #tpu.memory_space<vmem>>
        %dma_start3A_37 = tpu.memref_squeeze %dma_start3A_36 : memref<1x80xi32, #tpu.memory_space<vmem>> -> memref<80xi32, #tpu.memory_space<vmem>>
        %dma_start3A_38 = arith.constant 0 : i32
        %dma_start3A_39 = arith.constant 0 : i32
        %dma_start3A_40 = tpu.memref_slice %arg3[%dma_start3A_38, %dma_start3A_39] : memref<10000x128xf32, #tpu.memory_space<hbm>> -> memref<10000x128xf32, #tpu.memory_space<hbm>>
        tpu.enqueue_indirect_dma source(%dma_start3A_40 : memref<10000x128xf32, #tpu.memory_space<hbm>>) target(%arg11 : memref<80x128xf32, #tpu.memory_space<vmem>>) offsets(%dma_start3A_37 : memref<80xi32, #tpu.memory_space<vmem>>) semaphore(%arg16 : memref<!tpu.dma_semaphore, #tpu.memory_space<semaphore_mem>>)
        %add3A_41 = arith.constant 3 : i32
        %add3A_42 = arith.addi %mul3A_17, %add3A_41 : i32
        %dma_start3A_43 = arith.constant 0 : i32
        %dma_start3A_44 = tpu.memref_slice %arg8[%add3A_42, %dma_start3A_43] : memref<250x80xi32, #tpu.memory_space<vmem>> -> memref<1x80xi32, #tpu.memory_space<vmem>>
        %dma_start3A_45 = tpu.memref_squeeze %dma_start3A_44 : memref<1x80xi32, #tpu.memory_space<vmem>> -> memref<80xi32, #tpu.memory_space<vmem>>
        %dma_start3A_46 = arith.constant 0 : i32
        %dma_start3A_47 = arith.constant 0 : i32
        %dma_start3A_48 = tpu.memref_slice %arg3[%dma_start3A_46, %dma_start3A_47] : memref<10000x128xf32, #tpu.memory_space<hbm>> -> memref<10000x128xf32, #tpu.memory_space<hbm>>
        tpu.enqueue_indirect_dma source(%dma_start3A_48 : memref<10000x128xf32, #tpu.memory_space<hbm>>) target(%arg12 : memref<80x128xf32, #tpu.memory_space<vmem>>) offsets(%dma_start3A_45 : memref<80xi32, #tpu.memory_space<vmem>>) semaphore(%arg17 : memref<!tpu.dma_semaphore, #tpu.memory_space<semaphore_mem>>)
        %add3A_49 = arith.constant 4 : i32
        %add3A_50 = arith.addi %mul3A_17, %add3A_49 : i32
        %dma_start3A_51 = arith.constant 0 : i32
        %dma_start3A_52 = tpu.memref_slice %arg8[%add3A_50, %dma_start3A_51] : memref<250x80xi32, #tpu.memory_space<vmem>> -> memref<1x80xi32, #tpu.memory_space<vmem>>
        %dma_start3A_53 = tpu.memref_squeeze %dma_start3A_52 : memref<1x80xi32, #tpu.memory_space<vmem>> -> memref<80xi32, #tpu.memory_space<vmem>>
        %dma_start3A_54 = arith.constant 0 : i32
        %dma_start3A_55 = arith.constant 0 : i32
        %dma_start3A_56 = tpu.memref_slice %arg3[%dma_start3A_54, %dma_start3A_55] : memref<10000x128xf32, #tpu.memory_space<hbm>> -> memref<10000x128xf32, #tpu.memory_space<hbm>>
        tpu.enqueue_indirect_dma source(%dma_start3A_56 : memref<10000x128xf32, #tpu.memory_space<hbm>>) target(%arg13 : memref<80x128xf32, #tpu.memory_space<vmem>>) offsets(%dma_start3A_53 : memref<80xi32, #tpu.memory_space<vmem>>) semaphore(%arg18 : memref<!tpu.dma_semaphore, #tpu.memory_space<semaphore_mem>>)
        %dma_wait3A = arith.constant 0 : i32
        %dma_wait3A_57 = tpu.memref_slice %arg8[%add3A_19, %dma_wait3A] : memref<250x80xi32, #tpu.memory_space<vmem>> -> memref<1x80xi32, #tpu.memory_space<vmem>>
        %dma_wait3A_58 = tpu.memref_squeeze %dma_wait3A_57 : memref<1x80xi32, #tpu.memory_space<vmem>> -> memref<80xi32, #tpu.memory_space<vmem>>
        %dma_wait3A_59 = arith.constant 0 : i32
        %dma_wait3A_60 = arith.constant 0 : i32
        %dma_wait3A_61 = tpu.memref_slice %arg3[%dma_wait3A_59, %dma_wait3A_60] : memref<10000x128xf32, #tpu.memory_space<hbm>> -> memref<10000x128xf32, #tpu.memory_space<hbm>>
        tpu.wait_indirect_dma semaphore(%arg14 : memref<!tpu.dma_semaphore, #tpu.memory_space<semaphore_mem>>) src(%dma_wait3A_61 : memref<10000x128xf32, #tpu.memory_space<hbm>>) dst(%arg9 : memref<80x128xf32, #tpu.memory_space<vmem>>)
        %add3A_62 = arith.constant 0 : i32
        %add3A_63 = arith.addi %mul3A_17, %add3A_62 : i32
        %mul3A_64 = arith.constant 80 : i32
        %mul3A_65 = arith.muli %add3A_63, %mul3A_64 : i32
        %add3A_66 = arith.addi %mul3A_0, %mul3A_65 : i32
        "tpu.region"() ({
          %run_scoped3A = tpu.sem_alloc : memref<!tpu.dma_semaphore, #tpu.memory_space<semaphore_mem>>
          %dma_start3A_111 = arith.constant 0 : i32
          %dma_start3A_112 = tpu.memref_slice %arg7[%add3A_66, %dma_start3A_111] : memref<320000x128xf32, #tpu.memory_space<hbm>> -> memref<80x128xf32, #tpu.memory_space<hbm>>
          %dma_start3A_113 = arith.constant 0 : i32
          %dma_start3A_114 = tpu.memref_slice %arg7[%add3A_66, %dma_start3A_113] : memref<320000x128xf32, #tpu.memory_space<hbm>> -> memref<80x128xf32, #tpu.memory_space<hbm>>
          tpu.enqueue_dma source(%arg9 : memref<80x128xf32, #tpu.memory_space<vmem>>) target(%dma_start3A_114 : memref<80x128xf32, #tpu.memory_space<hbm>>) target_semaphore(%run_scoped3A : memref<!tpu.dma_semaphore, #tpu.memory_space<semaphore_mem>>)
          %dma_wait3A_115 = arith.constant 0 : i32
          %dma_wait3A_116 = tpu.memref_slice %arg7[%add3A_66, %dma_wait3A_115] : memref<320000x128xf32, #tpu.memory_space<hbm>> -> memref<80x128xf32, #tpu.memory_space<hbm>>
          %dma_wait3A_117 = arith.constant 0 : i32
          %dma_wait3A_118 = tpu.memref_slice %arg7[%add3A_66, %dma_wait3A_117] : memref<320000x128xf32, #tpu.memory_space<hbm>> -> memref<80x128xf32, #tpu.memory_space<hbm>>
          tpu.wait_dma2 semaphore(%run_scoped3A : memref<!tpu.dma_semaphore, #tpu.memory_space<semaphore_mem>>) src(%arg9 : memref<80x128xf32, #tpu.memory_space<vmem>>) dst(%dma_wait3A_118 : memref<80x128xf32, #tpu.memory_space<hbm>>)
          tpu.yield
        }) : () -> ()
        %dma_wait3A_67 = arith.constant 0 : i32
        %dma_wait3A_68 = tpu.memref_slice %arg8[%add3A_26, %dma_wait3A_67] : memref<250x80xi32, #tpu.memory_space<vmem>> -> memref<1x80xi32, #tpu.memory_space<vmem>>
        %dma_wait3A_69 = tpu.memref_squeeze %dma_wait3A_68 : memref<1x80xi32, #tpu.memory_space<vmem>> -> memref<80xi32, #tpu.memory_space<vmem>>
        %dma_wait3A_70 = arith.constant 0 : i32
        %dma_wait3A_71 = arith.constant 0 : i32
        %dma_wait3A_72 = tpu.memref_slice %arg3[%dma_wait3A_70, %dma_wait3A_71] : memref<10000x128xf32, #tpu.memory_space<hbm>> -> memref<10000x128xf32, #tpu.memory_space<hbm>>
        tpu.wait_indirect_dma semaphore(%arg15 : memref<!tpu.dma_semaphore, #tpu.memory_space<semaphore_mem>>) src(%dma_wait3A_72 : memref<10000x128xf32, #tpu.memory_space<hbm>>) dst(%arg10 : memref<80x128xf32, #tpu.memory_space<vmem>>)
        %add3A_73 = arith.constant 1 : i32
        %add3A_74 = arith.addi %mul3A_17, %add3A_73 : i32
        %mul3A_75 = arith.constant 80 : i32
        %mul3A_76 = arith.muli %add3A_74, %mul3A_75 : i32
        %add3A_77 = arith.addi %mul3A_0, %mul3A_76 : i32
        "tpu.region"() ({
          %run_scoped3A = tpu.sem_alloc : memref<!tpu.dma_semaphore, #tpu.memory_space<semaphore_mem>>
          %dma_start3A_111 = arith.constant 0 : i32
          %dma_start3A_112 = tpu.memref_slice %arg7[%add3A_77, %dma_start3A_111] : memref<320000x128xf32, #tpu.memory_space<hbm>> -> memref<80x128xf32, #tpu.memory_space<hbm>>
          %dma_start3A_113 = arith.constant 0 : i32
          %dma_start3A_114 = tpu.memref_slice %arg7[%add3A_77, %dma_start3A_113] : memref<320000x128xf32, #tpu.memory_space<hbm>> -> memref<80x128xf32, #tpu.memory_space<hbm>>
          tpu.enqueue_dma source(%arg10 : memref<80x128xf32, #tpu.memory_space<vmem>>) target(%dma_start3A_114 : memref<80x128xf32, #tpu.memory_space<hbm>>) target_semaphore(%run_scoped3A : memref<!tpu.dma_semaphore, #tpu.memory_space<semaphore_mem>>)
          %dma_wait3A_115 = arith.constant 0 : i32
          %dma_wait3A_116 = tpu.memref_slice %arg7[%add3A_77, %dma_wait3A_115] : memref<320000x128xf32, #tpu.memory_space<hbm>> -> memref<80x128xf32, #tpu.memory_space<hbm>>
          %dma_wait3A_117 = arith.constant 0 : i32
          %dma_wait3A_118 = tpu.memref_slice %arg7[%add3A_77, %dma_wait3A_117] : memref<320000x128xf32, #tpu.memory_space<hbm>> -> memref<80x128xf32, #tpu.memory_space<hbm>>
          tpu.wait_dma2 semaphore(%run_scoped3A : memref<!tpu.dma_semaphore, #tpu.memory_space<semaphore_mem>>) src(%arg10 : memref<80x128xf32, #tpu.memory_space<vmem>>) dst(%dma_wait3A_118 : memref<80x128xf32, #tpu.memory_space<hbm>>)
          tpu.yield
        }) : () -> ()
        %dma_wait3A_78 = arith.constant 0 : i32
        %dma_wait3A_79 = tpu.memref_slice %arg8[%add3A_34, %dma_wait3A_78] : memref<250x80xi32, #tpu.memory_space<vmem>> -> memref<1x80xi32, #tpu.memory_space<vmem>>
        %dma_wait3A_80 = tpu.memref_squeeze %dma_wait3A_79 : memref<1x80xi32, #tpu.memory_space<vmem>> -> memref<80xi32, #tpu.memory_space<vmem>>
        %dma_wait3A_81 = arith.constant 0 : i32
        %dma_wait3A_82 = arith.constant 0 : i32
        %dma_wait3A_83 = tpu.memref_slice %arg3[%dma_wait3A_81, %dma_wait3A_82] : memref<10000x128xf32, #tpu.memory_space<hbm>> -> memref<10000x128xf32, #tpu.memory_space<hbm>>
        tpu.wait_indirect_dma semaphore(%arg16 : memref<!tpu.dma_semaphore, #tpu.memory_space<semaphore_mem>>) src(%dma_wait3A_83 : memref<10000x128xf32, #tpu.memory_space<hbm>>) dst(%arg11 : memref<80x128xf32, #tpu.memory_space<vmem>>)
        %add3A_84 = arith.constant 2 : i32
        %add3A_85 = arith.addi %mul3A_17, %add3A_84 : i32
        %mul3A_86 = arith.constant 80 : i32
        %mul3A_87 = arith.muli %add3A_85, %mul3A_86 : i32
        %add3A_88 = arith.addi %mul3A_0, %mul3A_87 : i32
        "tpu.region"() ({
          %run_scoped3A = tpu.sem_alloc : memref<!tpu.dma_semaphore, #tpu.memory_space<semaphore_mem>>
          %dma_start3A_111 = arith.constant 0 : i32
          %dma_start3A_112 = tpu.memref_slice %arg7[%add3A_88, %dma_start3A_111] : memref<320000x128xf32, #tpu.memory_space<hbm>> -> memref<80x128xf32, #tpu.memory_space<hbm>>
          %dma_start3A_113 = arith.constant 0 : i32
          %dma_start3A_114 = tpu.memref_slice %arg7[%add3A_88, %dma_start3A_113] : memref<320000x128xf32, #tpu.memory_space<hbm>> -> memref<80x128xf32, #tpu.memory_space<hbm>>
          tpu.enqueue_dma source(%arg11 : memref<80x128xf32, #tpu.memory_space<vmem>>) target(%dma_start3A_114 : memref<80x128xf32, #tpu.memory_space<hbm>>) target_semaphore(%run_scoped3A : memref<!tpu.dma_semaphore, #tpu.memory_space<semaphore_mem>>)
          %dma_wait3A_115 = arith.constant 0 : i32
          %dma_wait3A_116 = tpu.memref_slice %arg7[%add3A_88, %dma_wait3A_115] : memref<320000x128xf32, #tpu.memory_space<hbm>> -> memref<80x128xf32, #tpu.memory_space<hbm>>
          %dma_wait3A_117 = arith.constant 0 : i32
          %dma_wait3A_118 = tpu.memref_slice %arg7[%add3A_88, %dma_wait3A_117] : memref<320000x128xf32, #tpu.memory_space<hbm>> -> memref<80x128xf32, #tpu.memory_space<hbm>>
          tpu.wait_dma2 semaphore(%run_scoped3A : memref<!tpu.dma_semaphore, #tpu.memory_space<semaphore_mem>>) src(%arg11 : memref<80x128xf32, #tpu.memory_space<vmem>>) dst(%dma_wait3A_118 : memref<80x128xf32, #tpu.memory_space<hbm>>)
          tpu.yield
        }) : () -> ()
        %dma_wait3A_89 = arith.constant 0 : i32
        %dma_wait3A_90 = tpu.memref_slice %arg8[%add3A_42, %dma_wait3A_89] : memref<250x80xi32, #tpu.memory_space<vmem>> -> memref<1x80xi32, #tpu.memory_space<vmem>>
        %dma_wait3A_91 = tpu.memref_squeeze %dma_wait3A_90 : memref<1x80xi32, #tpu.memory_space<vmem>> -> memref<80xi32, #tpu.memory_space<vmem>>
        %dma_wait3A_92 = arith.constant 0 : i32
        %dma_wait3A_93 = arith.constant 0 : i32
        %dma_wait3A_94 = tpu.memref_slice %arg3[%dma_wait3A_92, %dma_wait3A_93] : memref<10000x128xf32, #tpu.memory_space<hbm>> -> memref<10000x128xf32, #tpu.memory_space<hbm>>
        tpu.wait_indirect_dma semaphore(%arg17 : memref<!tpu.dma_semaphore, #tpu.memory_space<semaphore_mem>>) src(%dma_wait3A_94 : memref<10000x128xf32, #tpu.memory_space<hbm>>) dst(%arg12 : memref<80x128xf32, #tpu.memory_space<vmem>>)
        %add3A_95 = arith.constant 3 : i32
        %add3A_96 = arith.addi %mul3A_17, %add3A_95 : i32
        %mul3A_97 = arith.constant 80 : i32
        %mul3A_98 = arith.muli %add3A_96, %mul3A_97 : i32
        %add3A_99 = arith.addi %mul3A_0, %mul3A_98 : i32
        "tpu.region"() ({
          %run_scoped3A = tpu.sem_alloc : memref<!tpu.dma_semaphore, #tpu.memory_space<semaphore_mem>>
          %dma_start3A_111 = arith.constant 0 : i32
          %dma_start3A_112 = tpu.memref_slice %arg7[%add3A_99, %dma_start3A_111] : memref<320000x128xf32, #tpu.memory_space<hbm>> -> memref<80x128xf32, #tpu.memory_space<hbm>>
          %dma_start3A_113 = arith.constant 0 : i32
          %dma_start3A_114 = tpu.memref_slice %arg7[%add3A_99, %dma_start3A_113] : memref<320000x128xf32, #tpu.memory_space<hbm>> -> memref<80x128xf32, #tpu.memory_space<hbm>>
          tpu.enqueue_dma source(%arg12 : memref<80x128xf32, #tpu.memory_space<vmem>>) target(%dma_start3A_114 : memref<80x128xf32, #tpu.memory_space<hbm>>) target_semaphore(%run_scoped3A : memref<!tpu.dma_semaphore, #tpu.memory_space<semaphore_mem>>)
          %dma_wait3A_115 = arith.constant 0 : i32
          %dma_wait3A_116 = tpu.memref_slice %arg7[%add3A_99, %dma_wait3A_115] : memref<320000x128xf32, #tpu.memory_space<hbm>> -> memref<80x128xf32, #tpu.memory_space<hbm>>
          %dma_wait3A_117 = arith.constant 0 : i32
          %dma_wait3A_118 = tpu.memref_slice %arg7[%add3A_99, %dma_wait3A_117] : memref<320000x128xf32, #tpu.memory_space<hbm>> -> memref<80x128xf32, #tpu.memory_space<hbm>>
          tpu.wait_dma2 semaphore(%run_scoped3A : memref<!tpu.dma_semaphore, #tpu.memory_space<semaphore_mem>>) src(%arg12 : memref<80x128xf32, #tpu.memory_space<vmem>>) dst(%dma_wait3A_118 : memref<80x128xf32, #tpu.memory_space<hbm>>)
          tpu.yield
        }) : () -> ()
        %dma_wait3A_100 = arith.constant 0 : i32
        %dma_wait3A_101 = tpu.memref_slice %arg8[%add3A_50, %dma_wait3A_100] : memref<250x80xi32, #tpu.memory_space<vmem>> -> memref<1x80xi32, #tpu.memory_space<vmem>>
        %dma_wait3A_102 = tpu.memref_squeeze %dma_wait3A_101 : memref<1x80xi32, #tpu.memory_space<vmem>> -> memref<80xi32, #tpu.memory_space<vmem>>
        %dma_wait3A_103 = arith.constant 0 : i32
        %dma_wait3A_104 = arith.constant 0 : i32
        %dma_wait3A_105 = tpu.memref_slice %arg3[%dma_wait3A_103, %dma_wait3A_104] : memref<10000x128xf32, #tpu.memory_space<hbm>> -> memref<10000x128xf32, #tpu.memory_space<hbm>>
        tpu.wait_indirect_dma semaphore(%arg18 : memref<!tpu.dma_semaphore, #tpu.memory_space<semaphore_mem>>) src(%dma_wait3A_105 : memref<10000x128xf32, #tpu.memory_space<hbm>>) dst(%arg13 : memref<80x128xf32, #tpu.memory_space<vmem>>)
        %add3A_106 = arith.constant 4 : i32
        %add3A_107 = arith.addi %mul3A_17, %add3A_106 : i32
        %mul3A_108 = arith.constant 80 : i32
        %mul3A_109 = arith.muli %add3A_107, %mul3A_108 : i32
        %add3A_110 = arith.addi %mul3A_0, %mul3A_109 : i32
        "tpu.region"() ({
          %run_scoped3A = tpu.sem_alloc : memref<!tpu.dma_semaphore, #tpu.memory_space<semaphore_mem>>
          %dma_start3A_111 = arith.constant 0 : i32
          %dma_start3A_112 = tpu.memref_slice %arg7[%add3A_110, %dma_start3A_111] : memref<320000x128xf32, #tpu.memory_space<hbm>> -> memref<80x128xf32, #tpu.memory_space<hbm>>
          %dma_start3A_113 = arith.constant 0 : i32
          %dma_start3A_114 = tpu.memref_slice %arg7[%add3A_110, %dma_start3A_113] : memref<320000x128xf32, #tpu.memory_space<hbm>> -> memref<80x128xf32, #tpu.memory_space<hbm>>
          tpu.enqueue_dma source(%arg13 : memref<80x128xf32, #tpu.memory_space<vmem>>) target(%dma_start3A_114 : memref<80x128xf32, #tpu.memory_space<hbm>>) target_semaphore(%run_scoped3A : memref<!tpu.dma_semaphore, #tpu.memory_space<semaphore_mem>>)
          %dma_wait3A_115 = arith.constant 0 : i32
          %dma_wait3A_116 = tpu.memref_slice %arg7[%add3A_110, %dma_wait3A_115] : memref<320000x128xf32, #tpu.memory_space<hbm>> -> memref<80x128xf32, #tpu.memory_space<hbm>>
          %dma_wait3A_117 = arith.constant 0 : i32
          %dma_wait3A_118 = tpu.memref_slice %arg7[%add3A_110, %dma_wait3A_117] : memref<320000x128xf32, #tpu.memory_space<hbm>> -> memref<80x128xf32, #tpu.memory_space<hbm>>
          tpu.wait_dma2 semaphore(%run_scoped3A : memref<!tpu.dma_semaphore, #tpu.memory_space<semaphore_mem>>) src(%arg13 : memref<80x128xf32, #tpu.memory_space<vmem>>) dst(%dma_wait3A_118 : memref<80x128xf32, #tpu.memory_space<hbm>>)
          tpu.yield
        }) : () -> ()
      }
      %scan3A_11 = arith.constant 50 : i32
    } else {
    }
    return
  }
}

module attributes {stable_mosaic.version = 14 : i64} {
  func.func @body(%arg0: i32, %arg1: memref<1000x128xf32, #tpu.memory_space<vmem>>, %arg2: memref<128x128xf32, #tpu.memory_space<vmem>>, %arg3: memref<2x1000x128xf32, #tpu.memory_space<vmem>>, %arg4: memref<1000x128xf32, #tpu.memory_space<vmem>>, %arg5: memref<1000x128xf32, #tpu.memory_space<vmem>>) attributes {dimension_semantics = [#tpu.dimension_semantics<arbitrary>], iteration_bounds = array<i64: 10>, scalar_prefetch = 0 : i64, scratch_operands = 0 : i64, tpu.core_type = #tpu.core_type<tc>, window_params = [{transform_indices = @transform_0, window_bounds = array<i64: 1000, 128>}, {pipeline_mode = #tpu.pipeline_mode<synchronous>, transform_indices = @transform_1, window_bounds = array<i64: 128, 128>}, {transform_indices = @transform_2, window_bounds = array<i64: 2, 1000, 128>}, {transform_indices = @transform_3, window_bounds = array<i64: 1000, 128>}, {transform_indices = @transform_4, window_bounds = array<i64: 1000, 128>}]} {
    %get3A = arith.constant 0 : index
    %get3A_0 = arith.constant 0 : index
    %get3A_1 = arith.constant 0 : index
    %get3A_2 = vector.load %arg3[%get3A, %get3A_0, %get3A_1] : memref<2x1000x128xf32, #tpu.memory_space<vmem>>, vector<1x1000x1xf32>
    %get3A_3 = vector.shape_cast %get3A_2 : vector<1x1000x1xf32> to vector<1000x1xf32>
    %get3A_4 = arith.constant 1 : index
    %get3A_5 = arith.constant 0 : index
    %get3A_6 = arith.constant 0 : index
    %get3A_7 = vector.load %arg3[%get3A_4, %get3A_5, %get3A_6] : memref<2x1000x128xf32, #tpu.memory_space<vmem>>, vector<1x1000x1xf32>
    %get3A_8 = vector.shape_cast %get3A_7 : vector<1x1000x1xf32> to vector<1000x1xf32>
    %add3A = arith.addf %get3A_3, %get3A_8 : vector<1000x1xf32>
    %add3A_9 = arith.constant 1.000000e+00 : f32
    %add3A_10 = vector.broadcast %add3A_9 : f32 to vector<1000x1xf32>
    %add3A_11 = arith.addf %add3A, %add3A_10 : vector<1000x1xf32>
    %rsqrt3A = math.rsqrt %add3A_11 : vector<1000x1xf32>
    %broadcast_in_dim3A = vector.shape_cast %rsqrt3A : vector<1000x1xf32> to vector<1000x1xf32>
    %broadcast_in_dim3A_12 = vector.broadcast %broadcast_in_dim3A : vector<1000x1xf32> to vector<1000x128xf32>
    %swap3A = arith.constant 0 : index
    %swap3A_13 = arith.constant 0 : index
    %swap3A_14 = vector.load %arg5[%swap3A, %swap3A_13] : memref<1000x128xf32, #tpu.memory_space<vmem>>, vector<1000x128xf32>
    tpu.vector_store %arg5[%swap3A, %swap3A_13], %broadcast_in_dim3A_12 {strides = array<i32>} : memref<1000x128xf32, #tpu.memory_space<vmem>>, vector<1000x128xf32>,
    %get3A_15 = arith.constant 0 : index
    %get3A_16 = arith.constant 0 : index
    %get3A_17 = vector.load %arg1[%get3A_15, %get3A_16] : memref<1000x128xf32, #tpu.memory_space<vmem>>, vector<1000x128xf32>
    %get3A_18 = arith.constant 0 : index
    %get3A_19 = arith.constant 0 : index
    %get3A_20 = vector.load %arg2[%get3A_18, %get3A_19] : memref<128x128xf32, #tpu.memory_space<vmem>>, vector<128x128xf32>
    %dot_general3A = arith.constant dense<0.000000e+00> : vector<1000x128xf32>
    %dot_general3A_21 = tpu.matmul %get3A_17, %get3A_20, %dot_general3A {dimension_numbers = #tpu.dot_dimension_numbers<[1], [0], [0], [1], [0, 0, 1, 1], [], []>, precision = #tpu.contract_precision<fp32>, transpose_lhs_hint = false} : vector<1000x128xf32>, vector<128x128xf32>, vector<1000x128xf32> -> vector<1000x128xf32>
    %mul3A = vector.broadcast %rsqrt3A : vector<1000x1xf32> to vector<1000x128xf32>
    %mul3A_22 = arith.mulf %mul3A, %dot_general3A_21 : vector<1000x128xf32>
    %swap3A_23 = arith.constant 0 : index
    %swap3A_24 = arith.constant 0 : index
    %swap3A_25 = vector.load %arg4[%swap3A_23, %swap3A_24] : memref<1000x128xf32, #tpu.memory_space<vmem>>, vector<1000x128xf32>
    tpu.vector_store %arg4[%swap3A_23, %swap3A_24], %mul3A_22 {strides = array<i32>} : memref<1000x128xf32, #tpu.memory_space<vmem>>, vector<1000x128xf32>,
    return
  }
  func.func @transform_0(%arg0: i32) -> (i32, i32) {
    %c0_i32 = arith.constant 0 : i32
    %c0_i32_0 = arith.constant 0 : i32
    return %arg0, %c0_i32 : i32, i32
  }
  func.func @transform_1(%arg0: i32) -> (i32, i32) {
    %c0_i32 = arith.constant 0 : i32
    %c0_i32_0 = arith.constant 0 : i32
    %c0_i32_1 = arith.constant 0 : i32
    return %c0_i32, %c0_i32_0 : i32, i32
  }
  func.func @transform_2(%arg0: i32) -> (i32, i32, i32) {
    %c0_i32 = arith.constant 0 : i32
    %c0_i32_0 = arith.constant 0 : i32
    %c0_i32_1 = arith.constant 0 : i32
    return %c0_i32, %arg0, %c0_i32_0 : i32, i32, i32
  }
  func.func @transform_3(%arg0: i32) -> (i32, i32) {
    %c0_i32 = arith.constant 0 : i32
    %c0_i32_0 = arith.constant 0 : i32
    return %arg0, %c0_i32 : i32, i32
  }
  func.func @transform_4(%arg0: i32) -> (i32, i32) {
    %c0_i32 = arith.constant 0 : i32
    %c0_i32_0 = arith.constant 0 : i32
    return %arg0, %c0_i32 : i32, i32
  }
}

module attributes {stable_mosaic.version = 14 : i64} {
  func.func @body(%arg0: i32, %arg1: memref<1000x128xf32, #tpu.memory_space<vmem>>, %arg2: memref<2x1000x128xf32, #tpu.memory_space<vmem>>, %arg3: memref<1000x128xf32, #tpu.memory_space<vmem>>, %arg4: memref<128x128xf32, #tpu.memory_space<vmem>>, %arg5: memref<1x128xf32, #tpu.memory_space<vmem>>, %arg6: memref<1000x128xf32, #tpu.memory_space<vmem>>) attributes {dimension_semantics = [#tpu.dimension_semantics<arbitrary>], iteration_bounds = array<i64: 10>, scalar_prefetch = 0 : i64, scratch_operands = 0 : i64, tpu.core_type = #tpu.core_type<tc>, window_params = [{transform_indices = @transform_0, window_bounds = array<i64: 1000, 128>}, {transform_indices = @transform_1, window_bounds = array<i64: 2, 1000, 128>}, {transform_indices = @transform_2, window_bounds = array<i64: 1000, 128>}, {pipeline_mode = #tpu.pipeline_mode<synchronous>, transform_indices = @transform_3, window_bounds = array<i64: 128, 128>}, {pipeline_mode = #tpu.pipeline_mode<synchronous>, transform_indices = @transform_4, window_bounds = array<i64: 1, 128>}, {transform_indices = @transform_5, window_bounds = array<i64: 1000, 128>}]} {
    %get3A = arith.constant 0 : index
    %get3A_0 = arith.constant 0 : index
    %get3A_1 = vector.load %arg1[%get3A, %get3A_0] : memref<1000x128xf32, #tpu.memory_space<vmem>>, vector<1000x128xf32>
    %get3A_2 = arith.constant 0 : index
    %get3A_3 = arith.constant 0 : index
    %get3A_4 = arith.constant 0 : index
    %get3A_5 = vector.load %arg2[%get3A_2, %get3A_3, %get3A_4] : memref<2x1000x128xf32, #tpu.memory_space<vmem>>, vector<1x1000x128xf32>
    %get3A_6 = vector.shape_cast %get3A_5 : vector<1x1000x128xf32> to vector<1000x128xf32>
    %add3A = arith.addf %get3A_1, %get3A_6 : vector<1000x128xf32>
    %get3A_7 = arith.constant 1 : index
    %get3A_8 = arith.constant 0 : index
    %get3A_9 = arith.constant 0 : index
    %get3A_10 = vector.load %arg2[%get3A_7, %get3A_8, %get3A_9] : memref<2x1000x128xf32, #tpu.memory_space<vmem>>, vector<1x1000x128xf32>
    %get3A_11 = vector.shape_cast %get3A_10 : vector<1x1000x128xf32> to vector<1000x128xf32>
    %add3A_12 = arith.addf %add3A, %get3A_11 : vector<1000x128xf32>
    %get3A_13 = arith.constant 0 : index
    %get3A_14 = arith.constant 0 : index
    %get3A_15 = vector.load %arg3[%get3A_13, %get3A_14] : memref<1000x128xf32, #tpu.memory_space<vmem>>, vector<1000x128xf32>
    %mul3A = arith.mulf %get3A_15, %add3A_12 : vector<1000x128xf32>
    %get3A_16 = arith.constant 0 : index
    %get3A_17 = arith.constant 0 : index
    %get3A_18 = vector.load %arg5[%get3A_16, %get3A_17] : memref<1x128xf32, #tpu.memory_space<vmem>>, vector<1x128xf32>
    %add3A_19 = vector.broadcast %get3A_18 : vector<1x128xf32> to vector<1000x128xf32>
    %add3A_20 = arith.addf %mul3A, %add3A_19 : vector<1000x128xf32>
    %max3A = arith.constant 0.000000e+00 : f32
    %max3A_21 = vector.broadcast %max3A : f32 to vector<1000x128xf32>
    %max3A_22 = arith.maximumf %add3A_20, %max3A_21 : vector<1000x128xf32>
    %get3A_23 = arith.constant 0 : index
    %get3A_24 = arith.constant 0 : index
    %get3A_25 = vector.load %arg3[%get3A_23, %get3A_24] : memref<1000x128xf32, #tpu.memory_space<vmem>>, vector<1000x128xf32>
    %get3A_26 = arith.constant 0 : index
    %get3A_27 = arith.constant 0 : index
    %get3A_28 = vector.load %arg4[%get3A_26, %get3A_27] : memref<128x128xf32, #tpu.memory_space<vmem>>, vector<128x128xf32>
    %dot_general3A = arith.constant dense<0.000000e+00> : vector<1000x128xf32>
    %dot_general3A_29 = tpu.matmul %max3A_22, %get3A_28, %dot_general3A {dimension_numbers = #tpu.dot_dimension_numbers<[1], [0], [0], [1], [0, 0, 1, 1], [], []>, precision = #tpu.contract_precision<fp32>, transpose_lhs_hint = false} : vector<1000x128xf32>, vector<128x128xf32>, vector<1000x128xf32> -> vector<1000x128xf32>
    %mul3A_30 = arith.mulf %get3A_25, %dot_general3A_29 : vector<1000x128xf32>
    %swap3A = arith.constant 0 : index
    %swap3A_31 = arith.constant 0 : index
    %swap3A_32 = vector.load %arg6[%swap3A, %swap3A_31] : memref<1000x128xf32, #tpu.memory_space<vmem>>, vector<1000x128xf32>
    tpu.vector_store %arg6[%swap3A, %swap3A_31], %mul3A_30 {strides = array<i32>} : memref<1000x128xf32, #tpu.memory_space<vmem>>, vector<1000x128xf32>,
    return
  }
  func.func @transform_0(%arg0: i32) -> (i32, i32) {
    %c0_i32 = arith.constant 0 : i32
    %c0_i32_0 = arith.constant 0 : i32
    return %arg0, %c0_i32 : i32, i32
  }
  func.func @transform_1(%arg0: i32) -> (i32, i32, i32) {
    %c0_i32 = arith.constant 0 : i32
    %c0_i32_0 = arith.constant 0 : i32
    %c0_i32_1 = arith.constant 0 : i32
    return %c0_i32, %arg0, %c0_i32_0 : i32, i32, i32
  }
  func.func @transform_2(%arg0: i32) -> (i32, i32) {
    %c0_i32 = arith.constant 0 : i32
    %c0_i32_0 = arith.constant 0 : i32
    return %arg0, %c0_i32 : i32, i32
  }
  func.func @transform_3(%arg0: i32) -> (i32, i32) {
    %c0_i32 = arith.constant 0 : i32
    %c0_i32_0 = arith.constant 0 : i32
    %c0_i32_1 = arith.constant 0 : i32
    return %c0_i32, %c0_i32_0 : i32, i32
  }
  func.func @transform_4(%arg0: i32) -> (i32, i32) {
    %c0_i32 = arith.constant 0 : i32
    %c0_i32_0 = arith.constant 0 : i32
    %c0_i32_1 = arith.constant 0 : i32
    return %c0_i32, %c0_i32_0 : i32, i32
  }
  func.func @transform_5(%arg0: i32) -> (i32, i32) {
    %c0_i32 = arith.constant 0 : i32
    %c0_i32_0 = arith.constant 0 : i32
    return %arg0, %c0_i32 : i32, i32
  }
}

module attributes {stable_mosaic.version = 14 : i64} {
  func.func @body(%arg0: i32, %arg1: memref<1000x128xf32, #tpu.memory_space<vmem>>, %arg2: memref<2x1000x128xf32, #tpu.memory_space<vmem>>, %arg3: memref<1000x128xf32, #tpu.memory_space<vmem>>, %arg4: memref<1x128xf32, #tpu.memory_space<vmem>>, %arg5: memref<128x128xf32, #tpu.memory_space<vmem>>, %arg6: memref<128x128xf32, #tpu.memory_space<vmem>>, %arg7: memref<1x128xf32, #tpu.memory_space<vmem>>, %arg8: memref<1000x128xf32, #tpu.memory_space<vmem>>, %arg9: memref<1000x128xf32, #tpu.memory_space<vmem>>) attributes {dimension_semantics = [#tpu.dimension_semantics<arbitrary>], iteration_bounds = array<i64: 10>, scalar_prefetch = 0 : i64, scratch_operands = 0 : i64, tpu.core_type = #tpu.core_type<tc>, window_params = [{transform_indices = @transform_0, window_bounds = array<i64: 1000, 128>}, {transform_indices = @transform_1, window_bounds = array<i64: 2, 1000, 128>}, {transform_indices = @transform_2, window_bounds = array<i64: 1000, 128>}, {pipeline_mode = #tpu.pipeline_mode<synchronous>, transform_indices = @transform_3, window_bounds = array<i64: 1, 128>}, {pipeline_mode = #tpu.pipeline_mode<synchronous>, transform_indices = @transform_4, window_bounds = array<i64: 128, 128>}, {pipeline_mode = #tpu.pipeline_mode<synchronous>, transform_indices = @transform_5, window_bounds = array<i64: 128, 128>}, {pipeline_mode = #tpu.pipeline_mode<synchronous>, transform_indices = @transform_6, window_bounds = array<i64: 1, 128>}, {transform_indices = @transform_7, window_bounds = array<i64: 1000, 128>}, {transform_indices = @transform_8, window_bounds = array<i64: 1000, 128>}]} {
    %get3A = arith.constant 0 : index
    %get3A_0 = arith.constant 0 : index
    %get3A_1 = vector.load %arg1[%get3A, %get3A_0] : memref<1000x128xf32, #tpu.memory_space<vmem>>, vector<1000x128xf32>
    %get3A_2 = arith.constant 0 : index
    %get3A_3 = arith.constant 0 : index
    %get3A_4 = arith.constant 0 : index
    %get3A_5 = vector.load %arg2[%get3A_2, %get3A_3, %get3A_4] : memref<2x1000x128xf32, #tpu.memory_space<vmem>>, vector<1x1000x128xf32>
    %get3A_6 = vector.shape_cast %get3A_5 : vector<1x1000x128xf32> to vector<1000x128xf32>
    %add3A = arith.addf %get3A_1, %get3A_6 : vector<1000x128xf32>
    %get3A_7 = arith.constant 1 : index
    %get3A_8 = arith.constant 0 : index
    %get3A_9 = arith.constant 0 : index
    %get3A_10 = vector.load %arg2[%get3A_7, %get3A_8, %get3A_9] : memref<2x1000x128xf32, #tpu.memory_space<vmem>>, vector<1x1000x128xf32>
    %get3A_11 = vector.shape_cast %get3A_10 : vector<1x1000x128xf32> to vector<1000x128xf32>
    %add3A_12 = arith.addf %add3A, %get3A_11 : vector<1000x128xf32>
    %get3A_13 = arith.constant 0 : index
    %get3A_14 = arith.constant 0 : index
    %get3A_15 = vector.load %arg3[%get3A_13, %get3A_14] : memref<1000x128xf32, #tpu.memory_space<vmem>>, vector<1000x128xf32>
    %mul3A = arith.mulf %get3A_15, %add3A_12 : vector<1000x128xf32>
    %get3A_16 = arith.constant 0 : index
    %get3A_17 = arith.constant 0 : index
    %get3A_18 = vector.load %arg4[%get3A_16, %get3A_17] : memref<1x128xf32, #tpu.memory_space<vmem>>, vector<1x128xf32>
    %add3A_19 = vector.broadcast %get3A_18 : vector<1x128xf32> to vector<1000x128xf32>
    %add3A_20 = arith.addf %mul3A, %add3A_19 : vector<1000x128xf32>
    %get3A_21 = arith.constant 0 : index
    %get3A_22 = arith.constant 0 : index
    %get3A_23 = vector.load %arg5[%get3A_21, %get3A_22] : memref<128x128xf32, #tpu.memory_space<vmem>>, vector<128x128xf32>
    %dot_general3A = arith.constant dense<0.000000e+00> : vector<1000x128xf32>
    %dot_general3A_24 = tpu.matmul %add3A_20, %get3A_23, %dot_general3A {dimension_numbers = #tpu.dot_dimension_numbers<[1], [0], [0], [1], [0, 0, 1, 1], [], []>, precision = #tpu.contract_precision<fp32>, transpose_lhs_hint = false} : vector<1000x128xf32>, vector<128x128xf32>, vector<1000x128xf32> -> vector<1000x128xf32>
    %get3A_25 = arith.constant 0 : index
    %get3A_26 = arith.constant 0 : index
    %get3A_27 = vector.load %arg7[%get3A_25, %get3A_26] : memref<1x128xf32, #tpu.memory_space<vmem>>, vector<1x128xf32>
    %add3A_28 = vector.broadcast %get3A_27 : vector<1x128xf32> to vector<1000x128xf32>
    %add3A_29 = arith.addf %dot_general3A_24, %add3A_28 : vector<1000x128xf32>
    %swap3A = arith.constant 0 : index
    %swap3A_30 = arith.constant 0 : index
    %swap3A_31 = vector.load %arg8[%swap3A, %swap3A_30] : memref<1000x128xf32, #tpu.memory_space<vmem>>, vector<1000x128xf32>
    tpu.vector_store %arg8[%swap3A, %swap3A_30], %add3A_29 {strides = array<i32>} : memref<1000x128xf32, #tpu.memory_space<vmem>>, vector<1000x128xf32>,
    %get3A_32 = arith.constant 0 : index
    %get3A_33 = arith.constant 0 : index
    %get3A_34 = vector.load %arg6[%get3A_32, %get3A_33] : memref<128x128xf32, #tpu.memory_space<vmem>>, vector<128x128xf32>
    %dot_general3A_35 = arith.constant dense<0.000000e+00> : vector<1000x128xf32>
    %dot_general3A_36 = tpu.matmul %add3A_20, %get3A_34, %dot_general3A_35 {dimension_numbers = #tpu.dot_dimension_numbers<[1], [0], [0], [1], [0, 0, 1, 1], [], []>, precision = #tpu.contract_precision<fp32>, transpose_lhs_hint = false} : vector<1000x128xf32>, vector<128x128xf32>, vector<1000x128xf32> -> vector<1000x128xf32>
    %swap3A_37 = arith.constant 0 : index
    %swap3A_38 = arith.constant 0 : index
    %swap3A_39 = vector.load %arg9[%swap3A_37, %swap3A_38] : memref<1000x128xf32, #tpu.memory_space<vmem>>, vector<1000x128xf32>
    tpu.vector_store %arg9[%swap3A_37, %swap3A_38], %dot_general3A_36 {strides = array<i32>} : memref<1000x128xf32, #tpu.memory_space<vmem>>, vector<1000x128xf32>,
    return
  }
  func.func @transform_0(%arg0: i32) -> (i32, i32) {
    %c0_i32 = arith.constant 0 : i32
    %c0_i32_0 = arith.constant 0 : i32
    return %arg0, %c0_i32 : i32, i32
  }
  func.func @transform_1(%arg0: i32) -> (i32, i32, i32) {
    %c0_i32 = arith.constant 0 : i32
    %c0_i32_0 = arith.constant 0 : i32
    %c0_i32_1 = arith.constant 0 : i32
    return %c0_i32, %arg0, %c0_i32_0 : i32, i32, i32
  }
  func.func @transform_2(%arg0: i32) -> (i32, i32) {
    %c0_i32 = arith.constant 0 : i32
    %c0_i32_0 = arith.constant 0 : i32
    return %arg0, %c0_i32 : i32, i32
  }
  func.func @transform_3(%arg0: i32) -> (i32, i32) {
    %c0_i32 = arith.constant 0 : i32
    %c0_i32_0 = arith.constant 0 : i32
    %c0_i32_1 = arith.constant 0 : i32
    return %c0_i32, %c0_i32_0 : i32, i32
  }
  func.func @transform_4(%arg0: i32) -> (i32, i32) {
    %c0_i32 = arith.constant 0 : i32
    %c0_i32_0 = arith.constant 0 : i32
    %c0_i32_1 = arith.constant 0 : i32
    return %c0_i32, %c0_i32_0 : i32, i32
  }
  func.func @transform_5(%arg0: i32) -> (i32, i32) {
    %c0_i32 = arith.constant 0 : i32
    %c0_i32_0 = arith.constant 0 : i32
    %c0_i32_1 = arith.constant 0 : i32
    return %c0_i32, %c0_i32_0 : i32, i32
  }
  func.func @transform_6(%arg0: i32) -> (i32, i32) {
    %c0_i32 = arith.constant 0 : i32
    %c0_i32_0 = arith.constant 0 : i32
    %c0_i32_1 = arith.constant 0 : i32
    return %c0_i32, %c0_i32_0 : i32, i32
  }
  func.func @transform_7(%arg0: i32) -> (i32, i32) {
    %c0_i32 = arith.constant 0 : i32
    %c0_i32_0 = arith.constant 0 : i32
    return %arg0, %c0_i32 : i32, i32
  }
  func.func @transform_8(%arg0: i32) -> (i32, i32) {
    %c0_i32 = arith.constant 0 : i32
    %c0_i32_0 = arith.constant 0 : i32
    return %arg0, %c0_i32 : i32, i32
  }
}

module attributes {stable_mosaic.version = 14 : i64} {
  func.func @body(%arg0: i32, %arg1: memref<2000x128xf32, #tpu.memory_space<vmem>>, %arg2: memref<2000x128xf32, #tpu.memory_space<vmem>>, %arg3: memref<128x4xf32, #tpu.memory_space<vmem>>, %arg4: memref<1x4xf32, #tpu.memory_space<vmem>>, %arg5: memref<2000x4xf32, #tpu.memory_space<vmem>>) attributes {dimension_semantics = [#tpu.dimension_semantics<arbitrary>], iteration_bounds = array<i64: 160>, scalar_prefetch = 0 : i64, scratch_operands = 0 : i64, tpu.core_type = #tpu.core_type<tc>, window_params = [{transform_indices = @transform_0, window_bounds = array<i64: 2000, 128>}, {transform_indices = @transform_1, window_bounds = array<i64: 2000, 128>}, {pipeline_mode = #tpu.pipeline_mode<synchronous>, transform_indices = @transform_2, window_bounds = array<i64: 128, 4>}, {pipeline_mode = #tpu.pipeline_mode<synchronous>, transform_indices = @transform_3, window_bounds = array<i64: 1, 4>}, {transform_indices = @transform_4, window_bounds = array<i64: 2000, 4>}]} {
    %get3A = arith.constant 0 : index
    %get3A_0 = arith.constant 0 : index
    %get3A_1 = vector.load %arg1[%get3A, %get3A_0] : memref<2000x128xf32, #tpu.memory_space<vmem>>, vector<2000x128xf32>
    %get3A_2 = arith.constant 0 : index
    %get3A_3 = arith.constant 0 : index
    %get3A_4 = vector.load %arg2[%get3A_2, %get3A_3] : memref<2000x128xf32, #tpu.memory_space<vmem>>, vector<2000x128xf32>
    %add3A = arith.addf %get3A_1, %get3A_4 : vector<2000x128xf32>
    %max3A = arith.constant 0.000000e+00 : f32
    %max3A_5 = vector.broadcast %max3A : f32 to vector<2000x128xf32>
    %max3A_6 = arith.maximumf %add3A, %max3A_5 : vector<2000x128xf32>
    %get3A_7 = arith.constant 0 : index
    %get3A_8 = arith.constant 0 : index
    %get3A_9 = vector.load %arg3[%get3A_7, %get3A_8] : memref<128x4xf32, #tpu.memory_space<vmem>>, vector<128x4xf32>
    %dot_general3A = arith.constant dense<0.000000e+00> : vector<2000x4xf32>
    %dot_general3A_10 = tpu.matmul %max3A_6, %get3A_9, %dot_general3A {dimension_numbers = #tpu.dot_dimension_numbers<[1], [0], [0], [1], [0, 0, 1, 1], [], []>, precision = #tpu.contract_precision<fp32>, transpose_lhs_hint = false} : vector<2000x128xf32>, vector<128x4xf32>, vector<2000x4xf32> -> vector<2000x4xf32>
    %get3A_11 = arith.constant 0 : index
    %get3A_12 = arith.constant 0 : index
    %get3A_13 = vector.load %arg4[%get3A_11, %get3A_12] : memref<1x4xf32, #tpu.memory_space<vmem>>, vector<1x4xf32>
    %add3A_14 = vector.broadcast %get3A_13 : vector<1x4xf32> to vector<2000x4xf32>
    %add3A_15 = arith.addf %dot_general3A_10, %add3A_14 : vector<2000x4xf32>
    %reduce_max3A = arith.constant dense<0xFF800000> : vector<2000xf32>
    %reduce_max3A_16 = vector.multi_reduction <maximumf>, %add3A_15, %reduce_max3A [1] : vector<2000x4xf32> to vector<2000xf32>
    %broadcast_in_dim3A = vector.shape_cast %reduce_max3A_16 : vector<2000xf32> to vector<2000x1xf32>
    %sub3A = vector.broadcast %broadcast_in_dim3A : vector<2000x1xf32> to vector<2000x4xf32>
    %sub3A_17 = arith.subf %add3A_15, %sub3A : vector<2000x4xf32>
    %exp3A = math.exp %sub3A_17 : vector<2000x4xf32>
    %sub3A_18 = vector.broadcast %broadcast_in_dim3A : vector<2000x1xf32> to vector<2000x4xf32>
    %sub3A_19 = arith.subf %add3A_15, %sub3A_18 : vector<2000x4xf32>
    %reduce_sum3A = arith.constant dense<0.000000e+00> : vector<2000xf32>
    %reduce_sum3A_20 = vector.multi_reduction <add>, %exp3A, %reduce_sum3A [1] : vector<2000x4xf32> to vector<2000xf32>
    %broadcast_in_dim3A_21 = vector.shape_cast %reduce_sum3A_20 : vector<2000xf32> to vector<2000x1xf32>
    %log3A = math.log %broadcast_in_dim3A_21 : vector<2000x1xf32>
    %sub3A_22 = vector.broadcast %log3A : vector<2000x1xf32> to vector<2000x4xf32>
    %sub3A_23 = arith.subf %sub3A_19, %sub3A_22 : vector<2000x4xf32>
    %swap3A = arith.constant 0 : index
    %swap3A_24 = arith.constant 0 : index
    %swap3A_25 = vector.load %arg5[%swap3A, %swap3A_24] : memref<2000x4xf32, #tpu.memory_space<vmem>>, vector<2000x4xf32>
    tpu.vector_store %arg5[%swap3A, %swap3A_24], %sub3A_23 {strides = array<i32>} : memref<2000x4xf32, #tpu.memory_space<vmem>>, vector<2000x4xf32>,
    return
  }
  func.func @transform_0(%arg0: i32) -> (i32, i32) {
    %c0_i32 = arith.constant 0 : i32
    %c0_i32_0 = arith.constant 0 : i32
    return %arg0, %c0_i32 : i32, i32
  }
  func.func @transform_1(%arg0: i32) -> (i32, i32) {
    %c0_i32 = arith.constant 0 : i32
    %c0_i32_0 = arith.constant 0 : i32
    return %arg0, %c0_i32 : i32, i32
  }
  func.func @transform_2(%arg0: i32) -> (i32, i32) {
    %c0_i32 = arith.constant 0 : i32
    %c0_i32_0 = arith.constant 0 : i32
    %c0_i32_1 = arith.constant 0 : i32
    return %c0_i32, %c0_i32_0 : i32, i32
  }
  func.func @transform_3(%arg0: i32) -> (i32, i32) {
    %c0_i32 = arith.constant 0 : i32
    %c0_i32_0 = arith.constant 0 : i32
    %c0_i32_1 = arith.constant 0 : i32
    return %c0_i32, %c0_i32_0 : i32, i32
  }
  func.func @transform_4(%arg0: i32) -> (i32, i32) {
    %c0_i32 = arith.constant 0 : i32
    %c0_i32_0 = arith.constant 0 : i32
    return %arg0, %c0_i32 : i32, i32
  }
}

</mosaic_0001>

<sc_bundles>
// kernel: kernel.14.cloned.1.call-start
scs
__scs_entry_jumppad:
0x0: {  	(pc) =	sbr.rel $0x88, $3  }
0x1: {  	(tag) =	ssettag $0x0;
	lr =	simm.s32 $0x1  }
0x2: {  	[smem:$0x3F93] =	sst lr;
	_ =	strace $0xD0000000  }
0x3: {  	_ = 	snop  }
0x4: {  	_ = 	snop  }
0x5: {  	_ = 	snop  }
0x6: {  	_ = 	snop  }
0x7: {  	_ = 	snop  }
__scs_overlays_trampoline_lowered:
0x8: {  	[smem:$0x3FA2] =	sst s0  }
0x9: {  	[smem:$0x3FA3] =	sst s1  }
0xa: {  	[smem:$0x3FA4] =	sst s2  }
0xb: {  	[smem:$0x3FA5] =	sst s3  }
0xc: {  	[smem:$0x3FA6] =	sst s4  }
0xd: {  	[smem:$0x3FA7] =	sst s5  }
0xe: {  	[smem:$0x3FA8] =	sst s6  }
0xf: {  	[smem:$0x3FA9] =	sst s7  }
0x10: {  	[smem:$0x3FAA] =	sst s8  }
0x11: {  	[smem:$0x3FAB] =	sst s9;
	s0 =	simm.s32 @!p0 $0x0  }
0x12: {  	s1 =	sld [smem:$0x3F91];
	s0 =	simm.s32 @p0 $0x1  }
0x13: {  	[smem:$0x3FAC] =	sst s0;
	s0 =	simm.s32 @!p1 $0x0  }
0x14: {  	s2 =	sld [smem:$0x3F90];
	s0 =	simm.s32 @p1 $0x1  }
0x15: {  	[smem:$0x3FAD] =	sst s0;
	s0 =	simm.s32 @!p2 $0x0  }
0x16: {  	s3 =	sld [smem:$0x3FDB];
	s0 =	simm.s32 @p2 $0x1  }
0x17: {  	s4 =	simm.s32 $0x1BF5;
	[smem:$0x3FAF] =	sst s0  }
0x18: {  	s0 =	sld [smem:$0x3F92];
	_ =	swait.ge [sflag:s4], $0x0  }
0x19: {  	s7 =	sld [smem:$0x3F93]  }
0x1a: {  	s8 =	sadd.s32 $0xFFFFE003, lr  }
0x1b: {  	s9 =	sadd.s32 $0xFFFFFEF7, lr;
	s5 =	simm.s32 $0xFFFFFFFF;
	p2 =	slt.u32 s8, $0xFFFFF086  }
0x1c: {  	p1 =	slt.u32 s9, $0xF7A;
	s5 =	simm.s32 @!p2 $0x0  }
0x1d: {  	s5 =	simm.s32 @p1 $0x1;
	p0 =	seq.s32 s7, s2  }
0x1e: {  	s7 =	smul.u32 @!p0 $0xF7A, s2;
	p2 =	seq.s32 @!p0 s5, $0x0  }
0x1f: {  	s9 =	smul.u32 $0xF7A, s1;
	s8 =	simm.s32 @!p0 $0x1BF5;
	p2 =	por !p2, p0  }
0x20: {  	[sflag:s8] =	ssyncset.s32 @!p0 $0xFFFFF086;
	s6 =	sadd.s32 @!p0 s3, s7;
	s7 =	simm.s32 @!p0 $0x108  }
0x21: {  	s3 =	sadd.s32 s3, s9;
	s6 =	sadd.s32 @!p0 $0x88, s6;
	s7 =	simm.s32 @p2 $0x1082  }
0x22: {  	[simem:s7], [sflag:s8] =	dma.local @!p0 [hbm:s6], $0xF7A  }
0x23: {  	s9 =	sor.u32 $0xD0000000, s2;
	s6 =	simm.s32 $0x108;
	_ =	swait.ge @!p0 [sflag:s8], $0x0  }
0x24: {  	s3 =	sadd.s32 $0x88, s3;
	s6 =	simm.s32 @!p1 $0x1082;
	[sflag:s4] =	ssyncset.s32 $0xFFFFF086  }
0x25: {  	[simem:s6], [sflag:s4] =	dma.local [hbm:s3], $0xF7A  }
0x26: {  	[smem:$0x3F93] =	sst s1;
	(tag) =	ssettag s2;
	_ =	strace s9  }
0x27: {  	s1 =	sld [smem:$0x3FA3]  }
0x28: {  	s2 =	sld [smem:$0x3FA4]  }
0x29: {  	s4 =	sld [smem:$0x3FA6]  }
0x2a: {  	p0 =	seq.s32 s5, $0x0;
	s5 =	sld [smem:$0x3FA7]  }
0x2b: {  	s6 =	sld [smem:$0x3FA8]  }
0x2c: {  	s7 =	sld [smem:$0x3FA9]  }
0x2d: {  	s3 =	simm.s32 $0x108;
	s8 =	sld [smem:$0x3FAA]  }
0x2e: {  	s3 =	simm.s32 @!p0 $0x1082;
	s9 =	sld [smem:$0x3FAB]  }
0x2f: {  	lr =	sadd.s32 s0, s3;
	s0 =	sld [smem:$0x3FA2]  }
0x30: {  	s3 =	sld [smem:$0x3FA5]  }
0x31: {  	[smem:$0x3FAE] =	sst s10  }
0x32: {  	s10 =	sld [smem:$0x3FAC];
	_ =	sdelay $0x3  }
0x33: {  	p0 =	seq.s32 s10, $0x1;
	s10 =	sld [smem:$0x3FAE];
	_ =	sdelay $0x3  }
0x34: {  	[smem:$0x3FAE] =	sst s10  }
0x35: {  	s10 =	sld [smem:$0x3FAD];
	_ =	sdelay $0x3  }
0x36: {  	p1 =	seq.s32 s10, $0x1;
	s10 =	sld [smem:$0x3FAE];
	_ =	sdelay $0x3  }
0x37: {  	[smem:$0x3FAE] =	sst s10  }
0x38: {  	s10 =	sld [smem:$0x3FAF]  }
0x39: {  	_ = 	snop;
	(pc) =	sbr.ind lr, $3  }
0x3a: {  	_ = 	snop  }
0x3b: {  	_ = 	snop  }
0x3c: {  	p2 =	seq.s32 s10, $0x1;
	s10 =	sld [smem:$0x3FAE]  }
0x3d: {  	_ =	shalt  }
0x3e: {  	_ =	shalt  }
0x3f: {  	_ =	shalt  }
0x40: {  	_ =	shalt  }
0x41: {  	_ =	shalt  }
0x42: {  	_ =	shalt  }
0x43: {  	_ =	shalt  }
0x44: {  	_ =	shalt  }
0x45: {  	_ =	shalt  }
0x46: {  	_ =	shalt  }
0x47: {  	_ =	shalt  }
0x48: {  	_ =	shalt  }
0x49: {  	_ =	shalt  }
0x4a: {  	_ =	shalt  }
0x4b: {  	_ =	shalt  }
0x4c: {  	_ =	shalt  }
0x4d: {  	_ =	shalt  }
0x4e: {  	_ =	shalt  }
0x4f: {  	_ =	shalt  }
0x50: {  	_ =	shalt  }
0x51: {  	_ =	shalt  }
0x52: {  	_ =	shalt  }
0x53: {  	_ =	shalt  }
0x54: {  	_ =	shalt  }
0x55: {  	_ =	shalt  }
0x56: {  	_ =	shalt  }
0x57: {  	_ =	shalt  }
0x58: {  	_ =	shalt  }
0x59: {  	_ =	shalt  }
0x5a: {  	_ =	shalt  }
0x5b: {  	_ =	shalt  }
0x5c: {  	_ =	shalt  }
0x5d: {  	_ =	shalt  }
0x5e: {  	_ =	shalt  }
0x5f: {  	_ =	shalt  }
0x60: {  	_ =	shalt  }
0x61: {  	_ =	shalt  }
0x62: {  	_ =	shalt  }
0x63: {  	_ =	shalt  }
0x64: {  	_ =	shalt  }
0x65: {  	_ =	shalt  }
0x66: {  	_ =	shalt  }
0x67: {  	_ =	shalt  }
0x68: {  	_ =	shalt  }
0x69: {  	_ =	shalt  }
0x6a: {  	_ =	shalt  }
0x6b: {  	_ =	shalt  }
0x6c: {  	_ =	shalt  }
0x6d: {  	_ =	shalt  }
0x6e: {  	_ =	shalt  }
0x6f: {  	_ =	shalt  }
0x70: {  	_ =	shalt  }
0x71: {  	_ =	shalt  }
0x72: {  	_ =	shalt  }
0x73: {  	_ =	shalt  }
0x74: {  	_ =	shalt  }
0x75: {  	_ =	shalt  }
0x76: {  	_ =	shalt  }
0x77: {  	_ =	shalt  }
0x78: {  	_ =	shalt  }
0x79: {  	_ =	shalt  }
0x7a: {  	_ =	shalt  }
0x7b: {  	_ =	shalt  }
0x7c: {  	_ =	shalt  }
0x7d: {  	_ =	shalt  }
0x7e: {  	_ =	shalt  }
0x7f: {  	_ =	shalt  }
0x80: {  	_ =	shalt  }
0x81: {  	_ =	shalt  }
0x82: {  	_ =	shalt  }
0x83: {  	_ =	shalt  }
0x84: {  	_ =	shalt  }
0x85: {  	_ =	shalt  }
0x86: {  	_ =	shalt  }
0x87: {  	_ =	shalt  }
.Lfunc_end0:
.L_simem_size_0:
called_computation_lowered:
.L_overlay_start_0:
0x88: {  	s2 =	sld [smem:$0x3FD9]  }
0x89: {  	s3 =	sld [smem:$0x3FFE];
	_ =	sdelay $0x1  }
0x8a: {  	s1 =	srdreg.scid  }
0x8b: {  	s0 =	sand.u32 $0x1, s1  }
0x8c: {  	s17 =	sshll.u32 s0, $0xA;
	s2 =	sadd.s32 s3, s2  }
0x8d: {  	s2 =	sadd.s32 s2, s17  }
0x8e: {  	[smem:$0x3FBA] =	sst s2  }
0x8f: {  	_ = 	snop  }
0x90: {  	s2 =	sld [smem:$0x3FD0];
	(tm) =	ssettm $0x1  }
0x91: {  	s18 =	sld [smem:$0x3FFB];
	_ =	sdelay $0x3  }
0x92: {  	_ =	strace s18  }
0x93: {  	s3 =	sld [smem:$0x3FFC];
	_ =	sdelay $0x3  }
0x94: {  	_ =	strace s3  }
0x95: {  	s3 =	sld [smem:$0x3FFD];
	_ =	sdelay $0x3  }
0x96: {  	_ =	strace s3  }
0x97: {  	_ =	strace $0x8FFFFFFF  }
0x98: {  	s19 =	sld [smem:$0x3FDB];
	_ =	sdelay $0x1  }
0x99: {  	s4 =	simm.s32 $_scs_section_size  }
0x9a: {  	s5 =	simm.s32 $_size__tile_overlayer_lowered;
	s6 =	simm.s32 $_tile_overlayer_lowered  }
0x9b: {  	s22 =	simm.s32 $0x1BFF;
	s21 =	sshll.u32 s6, $0x1;
	s3 =	sadd.s32 s4, s19  }
0x9c: {  	s7 =	simm.s32 $0x0;
	s20 =	sshll.u32 s5, $0x1;
	s5 =	sadd.s32 s21, s3  }
0x9d: {  	[timem:s7], [sflag:s22] =	dma.local [hbm:s5], s20  }
0x9e: {  	_ =	swait.ge [sflag:s22], s20  }
0x9f: {  	s4 =	ssub.s32 $0x0, s20;
	[sflag:s22] =	ssyncset.done $0x0  }
0xa0: {  	[sflag:s22] =	ssyncadd.s32 s4;
	_ =	sdelay $0x1  }
0xa1: {  	s23 =	simm.s32 $0x1B8B  }
0xa2: {  	_ =	swait.ge [sflag:s23], $0x1  }
0xa3: {  	[sflag:s23] =	ssyncset.done $0x0  }
0xa4: {  	s25 =	simm.s32 $0x1B8E;
	s24 =	sld [smem:$0x3FFE];
	[sflag:s23] =	ssyncadd.s32 $0xFFFFFFFF  }
0xa5: {  	s26 =	simm.s32 $execute0_lowered;
	[smem:$0x3FD2] =	sst s25  }
0xa6: {  	s5 =	sshll.u32 s26, $0x1;
	_ =	strace $0x80000046;
	[dreg:$0x1] =	wrdreg $0xFFFFFFFF  }
0xa7: {  	s28 =	simm.s32 $_size_execute0_lowered;
	s3 =	sadd.s32 s3, s5;
	[dreg:$0x0] =	wrdreg $0x0  }
0xa8: {  	s5 =	sshll.u32 s28, $0x1;
	[dreg:$0x2] =	wrdreg s3  }
0xa9: {  	[dreg:$0x3] =	wrdreg s5  }
0xaa: {  	[dreg:$0x4] =	wrdreg $0xC0  }
0xab: {  	_ =	task [dreg:s7], $0x5FFFF  }
0xac: {  	[dreg:$0x1] =	wrdreg $0xFFFFFFFF  }
0xad: {  	[dreg:$0x0] =	wrdreg $0x60  }
0xae: {  	[dreg:$0x2] =	wrdreg s24  }
0xaf: {  	[dreg:$0x3] =	wrdreg s2  }
0xb0: {  	[dreg:$0x4] =	wrdreg $0x68000  }
0xb1: {  	[dreg:$0x5] =	wrdreg $0x9  }
0xb2: {  	_ =	task.clear_ibuf [dreg:s7], $0x6FFFF;
	_ =	strace $0x90000046  }
0xb3: {  	s29 =	simm.s32 $0x9;
	_ =	strace $0x80000048  }
0xb4: {  	_ =	swait.ge [sflag:s29], $0x1  }
0xb5: {  	[sflag:s29] =	ssyncadd.s32 $0xFFFFFFFF  }
0xb6: {  	_ =	strace $0x90000048  }
0xb7: {  	_ =	sfence  }
0xb8: {  	s30 =	sld [smem:$0x0];
	_ =	sdelay $0x2  }
0xb9: {  	s31 =	sshll.u32 s1, $0xD;
	s1 =	sshrl.u32 s1, $0x2  }
0xba: {  	s3 =	sand.u32 $0x4000, s31;
	s1 =	sadd.s32 s1, s30  }
0xbb: {  	s0 =	sor.u32 s3, s0;
	s1 =	sshll.u32 s1, $0x11  }
0xbc: {  	s0 =	sor.u32 s1, s0  }
0xbd: {  	s0 =	sadd.s32 $0x8F2B, s0  }
0xbe: {  	[sflag:s0] =	ssyncadd.remote.s32 $0x1  }
0xbf: {  	_ =	sfence.sel $0xFFFF  }
0xc0: {  	[dreg:$0x0] =	wrdreg $0xFFFFFFFF;
	(pc) =	sbr.abs _section_cstart, $3  }
0xc1: {  	[dreg:$0x1] =	wrdreg $0xFFFFFFFF  }
0xc2: {  	_ =	task.clear_ibuf [dreg:s7], $0x2FFFF;
	_ =	strace $0x9FFFFFFF  }
0xc3: {  	(tm) =	ssettm $0x7FFFFFFF  }
tec
execute0_lowered:
.L_overlay_start_1:
0x0: {  	(tag) =	ssettag $0x1  }
0x1: {  	s5 =	rddreg [dreg:$0x0]  }
0x2: {  	s6 =	rddreg [dreg:$0x1]  }
0x3: {  	s2 =	rddreg [dreg:$0x2];
	s1 =	srdreg.scid  }
0x4: {  	s0 =	rddreg [dreg:$0x3];
	s3 =	simm.s32 $0x0;
	s14 =	simm.s32 $0x1  }
0x5: {  	s15 =	simm.s32 $0x2;
	s16 =	simm.s32 $0x3;
	s7 =	sand.u32 $0x1, s1  }
0x6: {  	s17 =	simm.s32 $0x4;
	s1 =	stileid.u32;
	s8 =	smul.u32 $0x138800, s7  }
0x7: {  	s18 =	simm.s32 $0x0;
	[smem:$0x7FF] =	sst s3;
	s9 =	smul.u32 $0x1F400, s1  }
0x8: {  	s4 =	sshll.u32 s7, $0x4;
	_ =	strace $0x80000047;
	s10 =	smul.u32 $0x7D000, s1  }
0x9: {  	s31 =	ssub.s32 $0x2, s7;
	s11 =	smul.u32 $0x3E80, s1;
	s4 =	sor.u32 s1, s4  }
0xa: {  	p0 =	sgt.u32 s1, $0x9;
	s7 =	sshrl.u32 s31, $0x1;
	s4 =	smul.u32 $0x500, s4  }
0xb: {  	s8 =	sadd.s32 s9, s8;
	s10 =	sshrl.u32 s10, $0x2;
	s12 =	ssub.s32 s31, s7  }
0xc: {  	s6 =	sadd.s32 s6, s11;
	s9 =	simm.s32 $0x2800;
	s11 =	sshll.u32 @!p0 s1, $0x6  }
0xd: {  	s8 =	sshrl.u32 s8, $0x3;
	s13 =	sadd.s32 s10, s2;
	s10 =	simm.s32 $0x5  }
0xe: {  	s11 =	sor.u32 @!p0 $0x1C05, s11;
	s30 =	sadd.s32 s4, s5;
	s8 =	sadd.s32 s8, s5  }
0xf: {  	s4 =	sadd.s32 $0xF400, s5;
	s5 =	sadd.s32 $0x5400, s30;
	s7 =	sadd.s32 $0xFC00, s8  }
0x10: {  	s8 =	smax.u32 s12, $0x1;
	s12 =	sshrl.u32 @!p0 s13, $0x3;
	s13 =	simm.s32 $0x80  }
.LBB2_1:
0x11: {  	[tilespmem:s9], [sflag:$0x5] =	stream.linear.gather [hbm4b:s4+s3], $0x4000, $0x38;
	[tilespmem:$0x1A0C0] =	vst v63  }
0x12: {  	_ =	swait.ge [sflag:s10], $0x4000  }
0x13: {  	[sflag:s10] =	ssyncset.done $0x0  }
0x14: {  	[sflag:s10] =	ssyncadd.s32 $0xFFFFC000  }
0x15: {  	[tilespmem:s3], [sflag:$0x5] =	stream.linear.gather [hbm4b:s5+s3], $0x2800, $0x38;
	[tilespmem:$0x1A0C0] =	vst v63  }
0x16: {  	_ =	swait.ge [sflag:s10], $0x2800  }
0x17: {  	[sflag:s10] =	ssyncset.done $0x0  }
0x18: {  	s19 =	simm.s32 @!p0 $0x5;
	[sflag:s10] =	ssyncadd.s32 $0xFFFFD800  }
0x19: {  	[spmem:s12], [sflag:s11] =	dma.local @!p0 [hbm:s6], $0x3E80  }
0x1a: {  	_ =	swait.ge @!p0 [sflag:s19], $0x3E80  }
0x1b: {  	[sflag:s19] =	ssyncset.done @!p0 $0x0  }
0x1c: {  	[sflag:s19] =	ssyncadd.s32 @!p0 $0xFFFFC180  }
0x1d: {  	s28 =	simm.s32 $0x0;
	[bflag:$0x0] =	sbarrier.arrive $0xFFFF  }
0x1e: {  	[spmem:s2] =	stream.indirect.scatter.add.f32 [tilespmem:s9], [sflag:$0x1], $0x80, s28, s13, $0xb8;
	[tilespmem:$0x1A0C0] =	vst v63  }
0x1f: {  	s29 =	simm.s32 $0x80  }
0x20: {  	[spmem:s2] =	stream.indirect.scatter.add.f32 [tilespmem:s9], [sflag:$0x2], $0x80, s29, s13, $0xb8;
	[tilespmem:$0x1A0C0] =	vst v63  }
0x21: {  	s30 =	simm.s32 $0x100  }
0x22: {  	[spmem:s2] =	stream.indirect.scatter.add.f32 [tilespmem:s9], [sflag:$0x3], $0x80, s30, s13, $0xb8;
	[tilespmem:$0x1A0C0] =	vst v63  }
0x23: {  	s31 =	simm.s32 $0x180  }
0x24: {  	[spmem:s2] =	stream.indirect.scatter.add.f32 [tilespmem:s9], [sflag:$0x4], $0x80, s31, s13, $0xb8;
	[tilespmem:$0x1A0C0] =	vst v63  }
0x25: {  	_ =	swait.ge [sflag:s14], $0x4000  }
0x26: {  	[sflag:s14] =	ssyncset.done $0x0  }
0x27: {  	[sflag:s14] =	ssyncadd.s32 $0xFFFFC000  }
0x28: {  	_ =	swait.ge [sflag:s15], $0x4000  }
0x29: {  	[sflag:s15] =	ssyncset.done $0x0  }
0x2a: {  	[sflag:s15] =	ssyncadd.s32 $0xFFFFC000  }
0x2b: {  	_ =	swait.ge [sflag:s16], $0x4000  }
0x2c: {  	[sflag:s16] =	ssyncset.done $0x0  }
0x2d: {  	[sflag:s16] =	ssyncadd.s32 $0xFFFFC000  }
0x2e: {  	_ =	swait.ge [sflag:s17], $0x4000  }
0x2f: {  	s20 =	simm.s32 $0x1000;
	s19 =	simm.s32 $0x800;
	[sflag:s17] =	ssyncset.done $0x0  }
.LBB2_2:
0x30: {  	s21 =	sshra.s32 s19, $0x2  }
0x31: {  	[sflag:s17] =	ssyncadd.s32 $0xFFFFC000;
	s19 =	smov.u32 s20;
	s22 =	sadd.s32 $0x800, s20  }
0x32: {  	[spmem:s2] =	stream.indirect.scatter.add.f32 [tilespmem:s9], [sflag:$0x1], $0x80, s21, s13, $0xb8;
	[tilespmem:$0x1A0C0] =	vst v63  }
0x33: {  	p1 =	sne.s32 s20, $0x9800;
	s20 =	sadd.s32 $0x80, s21  }
0x34: {  	[spmem:s2] =	stream.indirect.scatter.add.f32 [tilespmem:s9], [sflag:$0x2], $0x80, s20, s13, $0xb8;
	[tilespmem:$0x1A0C0] =	vst v63  }
0x35: {  	s20 =	sadd.s32 $0x100, s21  }
0x36: {  	[spmem:s2] =	stream.indirect.scatter.add.f32 [tilespmem:s9], [sflag:$0x3], $0x80, s20, s13, $0xb8;
	[tilespmem:$0x1A0C0] =	vst v63  }
0x37: {  	s20 =	sadd.s32 $0x180, s21  }
0x38: {  	[spmem:s2] =	stream.indirect.scatter.add.f32 [tilespmem:s9], [sflag:$0x4], $0x80, s20, s13, $0xb8;
	[tilespmem:$0x1A0C0] =	vst v63  }
0x39: {  	_ =	swait.ge [sflag:s14], $0x4000  }
0x3a: {  	[sflag:s14] =	ssyncset.done $0x0  }
0x3b: {  	[sflag:s14] =	ssyncadd.s32 $0xFFFFC000  }
0x3c: {  	_ =	swait.ge [sflag:s15], $0x4000  }
0x3d: {  	[sflag:s15] =	ssyncset.done $0x0  }
0x3e: {  	[sflag:s15] =	ssyncadd.s32 $0xFFFFC000  }
.Ltmp0:
0x3f: {  	_ =	swait.ge [sflag:s16], $0x4000;
	(pc) =	sbr.rel @p1 .LBB2_2-.Ltmp0, $4  }
0x40: {  	[sflag:s16] =	ssyncset.done $0x0  }
0x41: {  	[sflag:s16] =	ssyncadd.s32 $0xFFFFC000  }
0x42: {  	_ =	swait.ge [sflag:s17], $0x4000  }
0x43: {  	s20 =	smov.u32 s22;
	[sflag:s17] =	ssyncset.done $0x0  }
0x44: {  	s19 =	sshra.s32 s19, $0x2;
	[sflag:s17] =	ssyncadd.s32 $0xFFFFC000  }
0x45: {  	[spmem:s2] =	stream.indirect.scatter.add.f32 [tilespmem:s9], [sflag:$0x1], $0x80, s19, s13, $0xb8;
	[tilespmem:$0x1A0C0] =	vst v63  }
0x46: {  	s20 =	sadd.s32 $0x80, s19  }
0x47: {  	[spmem:s2] =	stream.indirect.scatter.add.f32 [tilespmem:s9], [sflag:$0x2], $0x80, s20, s13, $0xb8;
	[tilespmem:$0x1A0C0] =	vst v63  }
0x48: {  	s31 =	sadd.s32 $0x100, s19  }
0x49: {  	[spmem:s2] =	stream.indirect.scatter.add.f32 [tilespmem:s9], [sflag:$0x3], $0x80, s31, s13, $0xb8;
	[tilespmem:$0x1A0C0] =	vst v63  }
0x4a: {  	s19 =	sadd.s32 $0x180, s19  }
0x4b: {  	[spmem:s2] =	stream.indirect.scatter.add.f32 [tilespmem:s9], [sflag:$0x4], $0x80, s19, s13, $0xb8;
	[tilespmem:$0x1A0C0] =	vst v63  }
0x4c: {  	_ =	swait.ge [sflag:s14], $0x4000  }
0x4d: {  	[sflag:s14] =	ssyncset.done $0x0  }
0x4e: {  	[sflag:s14] =	ssyncadd.s32 $0xFFFFC000  }
0x4f: {  	_ =	swait.ge [sflag:s15], $0x4000  }
0x50: {  	[sflag:s15] =	ssyncset.done $0x0  }
0x51: {  	[sflag:s15] =	ssyncadd.s32 $0xFFFFC000  }
0x52: {  	_ =	swait.ge [sflag:s16], $0x4000  }
0x53: {  	[sflag:s16] =	ssyncset.done $0x0  }
0x54: {  	[sflag:s16] =	ssyncadd.s32 $0xFFFFC000  }
0x55: {  	_ =	swait.ge [sflag:s17], $0x4000  }
0x56: {  	s18 =	sadd.s32 $0x1, s18;
	[sflag:s17] =	ssyncset.done $0x0  }
0x57: {  	p1 =	sne.s32 s18, s8;
	[sflag:s17] =	ssyncadd.s32 $0xFFFFC000  }
.Ltmp1:
0x58: {  	s19 =	simm.s32 @!p0 $0x5;
	[bflag:$0x0] =	sbarrier.arrive $0xFFFF;
	(pc) =	sbr.rel @p1 .LBB2_1-.Ltmp1, $4  }
0x59: {  	[hbm:s7], [sflag:s11] =	dma.local @!p0 [spmem:s12], $0x3E80  }
0x5a: {  	_ =	swait.ge @!p0 [sflag:s19], $0x3E80  }
0x5b: {  	[sflag:s19] =	ssyncset.done @!p0 $0x0  }
0x5c: {  	[sflag:s19] =	ssyncadd.s32 @!p0 $0xFFFFC180  }
0x5d: {  	_ =	sfence.sel $0x180000  }
0x5e: {  	[bflag:$0x0] =	sbarrier.arrive $0xFFFF  }
0x5f: {  	p0 =	sne.s32 s1, $0x0;
	_ =	strace $0x90000047  }
0x60: {  	s0 =	sadd.s32 @!p0 $0x100000, s0;
	[bflag:$0x2] =	sbarrier.arrive $0xFFFF  }
0x61: {  	[sflag:s0] =	ssyncadd.tile.s32 @!p0 $0x1;
	_ =	shalt  }
.Lfunc_end2:
_tile_overlayer_lowered:
.L_overlay_start_2:
0x62: {  	(tag) =	ssettag $0x2  }
0x63: {  	s0 =	rddreg [dreg:$0x0];
	s2 =	stileid.u32  }
0x64: {  	s1 =	rddreg [dreg:$0x1];
	p0 =	sne.s32 s2, $0x0  }
0x65: {  	s3 =	rddreg [dreg:$0x2];
	[bflag:$0x3] =	sbarrier.arrive $0xFFFF;
	s2 =	simm.s32 @!p0 $0x1C05  }
0x66: {  	[timem:s3], [sflag:s2] =	dma.local @!p0 [hbm:s0], s1  }
0x67: {  	s0 =	simm.s32 @!p0 $0x5  }
0x68: {  	_ =	swait.ge @!p0 [sflag:s0], s1  }
0x69: {  	s1 =	ssub.s32 @!p0 $0x0, s1;
	[sflag:s0] =	ssyncset.done @!p0 $0x0  }
0x6a: {  	[sflag:s0] =	ssyncadd.s32 @!p0 s1  }
0x6b: {  	[bflag:$0x3] =	sbarrier.arrive $0xFFFF  }
0x6c: {  	_ =	shalt  }

// kernel: kernel.17.cloned.1.call-start
scs
__scs_entry_jumppad:
0x0: {  	(pc) =	sbr.rel $0x88, $3  }
0x1: {  	(tag) =	ssettag $0x0;
	lr =	simm.s32 $0x1  }
0x2: {  	[smem:$0x3F93] =	sst lr;
	_ =	strace $0xD0000000  }
0x3: {  	_ = 	snop  }
0x4: {  	_ = 	snop  }
0x5: {  	_ = 	snop  }
0x6: {  	_ = 	snop  }
0x7: {  	_ = 	snop  }
__scs_overlays_trampoline_lowered:
0x8: {  	[smem:$0x3FA2] =	sst s0  }
0x9: {  	[smem:$0x3FA3] =	sst s1  }
0xa: {  	[smem:$0x3FA4] =	sst s2  }
0xb: {  	[smem:$0x3FA5] =	sst s3  }
0xc: {  	[smem:$0x3FA6] =	sst s4  }
0xd: {  	[smem:$0x3FA7] =	sst s5  }
0xe: {  	[smem:$0x3FA8] =	sst s6  }
0xf: {  	[smem:$0x3FA9] =	sst s7  }
0x10: {  	[smem:$0x3FAA] =	sst s8  }
0x11: {  	[smem:$0x3FAB] =	sst s9;
	s0 =	simm.s32 @!p0 $0x0  }
0x12: {  	s1 =	sld [smem:$0x3F91];
	s0 =	simm.s32 @p0 $0x1  }
0x13: {  	[smem:$0x3FAC] =	sst s0;
	s0 =	simm.s32 @!p1 $0x0  }
0x14: {  	s2 =	sld [smem:$0x3F90];
	s0 =	simm.s32 @p1 $0x1  }
0x15: {  	[smem:$0x3FAD] =	sst s0;
	s0 =	simm.s32 @!p2 $0x0  }
0x16: {  	s3 =	sld [smem:$0x3FDB];
	s0 =	simm.s32 @p2 $0x1  }
0x17: {  	s4 =	simm.s32 $0x1BF5;
	[smem:$0x3FAF] =	sst s0  }
0x18: {  	s0 =	sld [smem:$0x3F92];
	_ =	swait.ge [sflag:s4], $0x0  }
0x19: {  	s7 =	sld [smem:$0x3F93]  }
0x1a: {  	s8 =	sadd.s32 $0xFFFFE003, lr  }
0x1b: {  	s9 =	sadd.s32 $0xFFFFFEF7, lr;
	s5 =	simm.s32 $0xFFFFFFFF;
	p2 =	slt.u32 s8, $0xFFFFF086  }
0x1c: {  	p1 =	slt.u32 s9, $0xF7A;
	s5 =	simm.s32 @!p2 $0x0  }
0x1d: {  	s5 =	simm.s32 @p1 $0x1;
	p0 =	seq.s32 s7, s2  }
0x1e: {  	s7 =	smul.u32 @!p0 $0xF7A, s2;
	p2 =	seq.s32 @!p0 s5, $0x0  }
0x1f: {  	s9 =	smul.u32 $0xF7A, s1;
	s8 =	simm.s32 @!p0 $0x1BF5;
	p2 =	por !p2, p0  }
0x20: {  	[sflag:s8] =	ssyncset.s32 @!p0 $0xFFFFF086;
	s6 =	sadd.s32 @!p0 s3, s7;
	s7 =	simm.s32 @!p0 $0x108  }
0x21: {  	s3 =	sadd.s32 s3, s9;
	s6 =	sadd.s32 @!p0 $0x88, s6;
	s7 =	simm.s32 @p2 $0x1082  }
0x22: {  	[simem:s7], [sflag:s8] =	dma.local @!p0 [hbm:s6], $0xF7A  }
0x23: {  	s9 =	sor.u32 $0xD0000000, s2;
	s6 =	simm.s32 $0x108;
	_ =	swait.ge @!p0 [sflag:s8], $0x0  }
0x24: {  	s3 =	sadd.s32 $0x88, s3;
	s6 =	simm.s32 @!p1 $0x1082;
	[sflag:s4] =	ssyncset.s32 $0xFFFFF086  }
0x25: {  	[simem:s6], [sflag:s4] =	dma.local [hbm:s3], $0xF7A  }
0x26: {  	[smem:$0x3F93] =	sst s1;
	(tag) =	ssettag s2;
	_ =	strace s9  }
0x27: {  	s1 =	sld [smem:$0x3FA3]  }
0x28: {  	s2 =	sld [smem:$0x3FA4]  }
0x29: {  	s4 =	sld [smem:$0x3FA6]  }
0x2a: {  	p0 =	seq.s32 s5, $0x0;
	s5 =	sld [smem:$0x3FA7]  }
0x2b: {  	s6 =	sld [smem:$0x3FA8]  }
0x2c: {  	s7 =	sld [smem:$0x3FA9]  }
0x2d: {  	s3 =	simm.s32 $0x108;
	s8 =	sld [smem:$0x3FAA]  }
0x2e: {  	s3 =	simm.s32 @!p0 $0x1082;
	s9 =	sld [smem:$0x3FAB]  }
0x2f: {  	lr =	sadd.s32 s0, s3;
	s0 =	sld [smem:$0x3FA2]  }
0x30: {  	s3 =	sld [smem:$0x3FA5]  }
0x31: {  	[smem:$0x3FAE] =	sst s10  }
0x32: {  	s10 =	sld [smem:$0x3FAC];
	_ =	sdelay $0x3  }
0x33: {  	p0 =	seq.s32 s10, $0x1;
	s10 =	sld [smem:$0x3FAE];
	_ =	sdelay $0x3  }
0x34: {  	[smem:$0x3FAE] =	sst s10  }
0x35: {  	s10 =	sld [smem:$0x3FAD];
	_ =	sdelay $0x3  }
0x36: {  	p1 =	seq.s32 s10, $0x1;
	s10 =	sld [smem:$0x3FAE];
	_ =	sdelay $0x3  }
0x37: {  	[smem:$0x3FAE] =	sst s10  }
0x38: {  	s10 =	sld [smem:$0x3FAF]  }
0x39: {  	_ = 	snop;
	(pc) =	sbr.ind lr, $3  }
0x3a: {  	_ = 	snop  }
0x3b: {  	_ = 	snop  }
0x3c: {  	p2 =	seq.s32 s10, $0x1;
	s10 =	sld [smem:$0x3FAE]  }
0x3d: {  	_ =	shalt  }
0x3e: {  	_ =	shalt  }
0x3f: {  	_ =	shalt  }
0x40: {  	_ =	shalt  }
0x41: {  	_ =	shalt  }
0x42: {  	_ =	shalt  }
0x43: {  	_ =	shalt  }
0x44: {  	_ =	shalt  }
0x45: {  	_ =	shalt  }
0x46: {  	_ =	shalt  }
0x47: {  	_ =	shalt  }
0x48: {  	_ =	shalt  }
0x49: {  	_ =	shalt  }
0x4a: {  	_ =	shalt  }
0x4b: {  	_ =	shalt  }
0x4c: {  	_ =	shalt  }
0x4d: {  	_ =	shalt  }
0x4e: {  	_ =	shalt  }
0x4f: {  	_ =	shalt  }
0x50: {  	_ =	shalt  }
0x51: {  	_ =	shalt  }
0x52: {  	_ =	shalt  }
0x53: {  	_ =	shalt  }
0x54: {  	_ =	shalt  }
0x55: {  	_ =	shalt  }
0x56: {  	_ =	shalt  }
0x57: {  	_ =	shalt  }
0x58: {  	_ =	shalt  }
0x59: {  	_ =	shalt  }
0x5a: {  	_ =	shalt  }
0x5b: {  	_ =	shalt  }
0x5c: {  	_ =	shalt  }
0x5d: {  	_ =	shalt  }
0x5e: {  	_ =	shalt  }
0x5f: {  	_ =	shalt  }
0x60: {  	_ =	shalt  }
0x61: {  	_ =	shalt  }
0x62: {  	_ =	shalt  }
0x63: {  	_ =	shalt  }
0x64: {  	_ =	shalt  }
0x65: {  	_ =	shalt  }
0x66: {  	_ =	shalt  }
0x67: {  	_ =	shalt  }
0x68: {  	_ =	shalt  }
0x69: {  	_ =	shalt  }
0x6a: {  	_ =	shalt  }
0x6b: {  	_ =	shalt  }
0x6c: {  	_ =	shalt  }
0x6d: {  	_ =	shalt  }
0x6e: {  	_ =	shalt  }
0x6f: {  	_ =	shalt  }
0x70: {  	_ =	shalt  }
0x71: {  	_ =	shalt  }
0x72: {  	_ =	shalt  }
0x73: {  	_ =	shalt  }
0x74: {  	_ =	shalt  }
0x75: {  	_ =	shalt  }
0x76: {  	_ =	shalt  }
0x77: {  	_ =	shalt  }
0x78: {  	_ =	shalt  }
0x79: {  	_ =	shalt  }
0x7a: {  	_ =	shalt  }
0x7b: {  	_ =	shalt  }
0x7c: {  	_ =	shalt  }
0x7d: {  	_ =	shalt  }
0x7e: {  	_ =	shalt  }
0x7f: {  	_ =	shalt  }
0x80: {  	_ =	shalt  }
0x81: {  	_ =	shalt  }
0x82: {  	_ =	shalt  }
0x83: {  	_ =	shalt  }
0x84: {  	_ =	shalt  }
0x85: {  	_ =	shalt  }
0x86: {  	_ =	shalt  }
0x87: {  	_ =	shalt  }
.Lfunc_end0:
.L_simem_size_0:
called_computation.1_lowered:
.L_overlay_start_0:
0x88: {  	s2 =	sld [smem:$0x3FD9]  }
0x89: {  	s3 =	sld [smem:$0x3FFE];
	_ =	sdelay $0x1  }
0x8a: {  	s1 =	srdreg.scid  }
0x8b: {  	s0 =	sand.u32 $0x1, s1  }
0x8c: {  	s17 =	sshll.u32 s0, $0xA;
	s2 =	sadd.s32 s3, s2  }
0x8d: {  	s2 =	sadd.s32 s2, s17  }
0x8e: {  	[smem:$0x3FBA] =	sst s2  }
0x8f: {  	_ = 	snop  }
0x90: {  	s2 =	sld [smem:$0x3FD0];
	(tm) =	ssettm $0x1  }
0x91: {  	s18 =	sld [smem:$0x3FFB];
	_ =	sdelay $0x3  }
0x92: {  	_ =	strace s18  }
0x93: {  	s3 =	sld [smem:$0x3FFC];
	_ =	sdelay $0x3  }
0x94: {  	_ =	strace s3  }
0x95: {  	s3 =	sld [smem:$0x3FFD];
	_ =	sdelay $0x3  }
0x96: {  	_ =	strace s3  }
0x97: {  	_ =	strace $0x8FFFFFFF  }
0x98: {  	s19 =	sld [smem:$0x3FDB];
	_ =	sdelay $0x1  }
0x99: {  	s4 =	simm.s32 $_scs_section_size  }
0x9a: {  	s5 =	simm.s32 $_size__tile_overlayer_lowered;
	s6 =	simm.s32 $_tile_overlayer_lowered  }
0x9b: {  	s22 =	simm.s32 $0x1BFF;
	s21 =	sshll.u32 s6, $0x1;
	s3 =	sadd.s32 s4, s19  }
0x9c: {  	s7 =	simm.s32 $0x0;
	s20 =	sshll.u32 s5, $0x1;
	s5 =	sadd.s32 s21, s3  }
0x9d: {  	[timem:s7], [sflag:s22] =	dma.local [hbm:s5], s20  }
0x9e: {  	_ =	swait.ge [sflag:s22], s20  }
0x9f: {  	s4 =	ssub.s32 $0x0, s20;
	[sflag:s22] =	ssyncset.done $0x0  }
0xa0: {  	[sflag:s22] =	ssyncadd.s32 s4;
	_ =	sdelay $0x1  }
0xa1: {  	s23 =	simm.s32 $0x1B8B  }
0xa2: {  	_ =	swait.ge [sflag:s23], $0x1  }
0xa3: {  	[sflag:s23] =	ssyncset.done $0x0  }
0xa4: {  	s25 =	simm.s32 $0x1B8E;
	s24 =	sld [smem:$0x3FFE];
	[sflag:s23] =	ssyncadd.s32 $0xFFFFFFFF  }
0xa5: {  	s26 =	simm.s32 $execute0_lowered;
	[smem:$0x3FD2] =	sst s25  }
0xa6: {  	s5 =	sshll.u32 s26, $0x1;
	_ =	strace $0x80000049;
	[dreg:$0x1] =	wrdreg $0xFFFFFFFF  }
0xa7: {  	s28 =	simm.s32 $_size_execute0_lowered;
	s3 =	sadd.s32 s3, s5;
	[dreg:$0x0] =	wrdreg $0x0  }
0xa8: {  	s5 =	sshll.u32 s28, $0x1;
	[dreg:$0x2] =	wrdreg s3  }
0xa9: {  	[dreg:$0x3] =	wrdreg s5  }
0xaa: {  	[dreg:$0x4] =	wrdreg $0xC0  }
0xab: {  	_ =	task [dreg:s7], $0x5FFFF  }
0xac: {  	[dreg:$0x1] =	wrdreg $0xFFFFFFFF  }
0xad: {  	[dreg:$0x0] =	wrdreg $0x60  }
0xae: {  	[dreg:$0x2] =	wrdreg s24  }
0xaf: {  	[dreg:$0x3] =	wrdreg s2  }
0xb0: {  	[dreg:$0x4] =	wrdreg $0xAC000  }
0xb1: {  	[dreg:$0x5] =	wrdreg $0x9  }
0xb2: {  	_ =	task.clear_ibuf [dreg:s7], $0x6FFFF;
	_ =	strace $0x90000049  }
0xb3: {  	s29 =	simm.s32 $0x9;
	_ =	strace $0x8000004B  }
0xb4: {  	_ =	swait.ge [sflag:s29], $0x1  }
0xb5: {  	[sflag:s29] =	ssyncadd.s32 $0xFFFFFFFF  }
0xb6: {  	_ =	strace $0x9000004B  }
0xb7: {  	_ =	sfence  }
0xb8: {  	s30 =	sld [smem:$0x0];
	_ =	sdelay $0x2  }
0xb9: {  	s31 =	sshll.u32 s1, $0xD;
	s1 =	sshrl.u32 s1, $0x2  }
0xba: {  	s3 =	sand.u32 $0x4000, s31;
	s1 =	sadd.s32 s1, s30  }
0xbb: {  	s0 =	sor.u32 s3, s0;
	s1 =	sshll.u32 s1, $0x11  }
0xbc: {  	s0 =	sor.u32 s1, s0  }
0xbd: {  	s0 =	sadd.s32 $0x8F2B, s0  }
0xbe: {  	[sflag:s0] =	ssyncadd.remote.s32 $0x1  }
0xbf: {  	_ =	sfence.sel $0xFFFF  }
0xc0: {  	[dreg:$0x0] =	wrdreg $0xFFFFFFFF;
	(pc) =	sbr.abs _section_cstart, $3  }
0xc1: {  	[dreg:$0x1] =	wrdreg $0xFFFFFFFF  }
0xc2: {  	_ =	task.clear_ibuf [dreg:s7], $0x2FFFF;
	_ =	strace $0x9FFFFFFF  }
0xc3: {  	(tm) =	ssettm $0x7FFFFFFF  }
tec
execute0_lowered:
.L_overlay_start_1:
0x0: {  	(tag) =	ssettag $0x1  }
0x1: {  	s0 =	rddreg [dreg:$0x0]  }
0x2: {  	s6 =	rddreg [dreg:$0x1]  }
0x3: {  	s2 =	rddreg [dreg:$0x2];
	s1 =	srdreg.scid  }
0x4: {  	s3 =	simm.s32 $0x0;
	s14 =	simm.s32 $0x80;
	s15 =	simm.s32 $0x2C00  }
0x5: {  	s16 =	simm.s32 $0x6C00;
	s17 =	simm.s32 $0x1;
	s18 =	simm.s32 $0x3  }
0x6: {  	s19 =	simm.s32 $0x2;
	s20 =	simm.s32 $0x2880;
	s5 =	sand.u32 $0x1, s1  }
0x7: {  	s21 =	simm.s32 $0x4;
	s1 =	stileid.u32;
	s7 =	smul.u32 $0x28000, s5  }
0x8: {  	s22 =	simm.s32 $0x2900;
	s23 =	simm.s32 $0x2980;
	s8 =	smul.u32 $0x2800, s1  }
0x9: {  	s28 =	simm.s32 $0x2B80;
	s29 =	simm.s32 $0x0;
	s24 =	smul.u32 $0x138800, s5  }
0xa: {  	[smem:$0x7FF] =	sst s3;
	s4 =	sshll.u32 s5, $0x4;
	s10 =	smul.u32 $0x1F400, s1  }
0xb: {  	_ =	strace $0x8000004A;
	s5 =	ssub.s32 $0x2, s5;
	s26 =	smul.u32 $0x7D000, s1  }
0xc: {  	s12 =	smul.u32 $0x3E80, s1;
	p0 =	sgt.u32 s1, $0x9;
	s4 =	sor.u32 s1, s4  }
0xd: {  	s30 =	sshrl.u32 s5, $0x1;
	s4 =	smul.u32 $0x2800, s4;
	s7 =	sadd.s32 s8, s7  }
0xe: {  	s25 =	sadd.s32 s10, s24;
	s10 =	ssub.s32 s5, s30;
	s31 =	sshrl.u32 s26, $0x2  }
0xf: {  	s6 =	sadd.s32 s6, s12;
	s24 =	simm.s32 $0x2A00;
	s26 =	simm.s32 $0x2B00  }
0x10: {  	s7 =	sshrl.u32 s7, $0x3;
	s13 =	sadd.s32 s31, s2;
	s8 =	smax.u32 s10, $0x1  }
0x11: {  	s10 =	simm.s32 $0x5;
	s9 =	sshrl.u32 s4, $0x3;
	s4 =	sadd.s32 $0xF400, s0  }
0x12: {  	s11 =	sadd.s32 s7, s0;
	s7 =	sshrl.u32 s25, $0x3;
	s12 =	sshrl.u32 @!p0 s13, $0x3  }
0x13: {  	s13 =	simm.s32 $0x2800;
	s9 =	sadd.s32 s9, s0;
	s0 =	sadd.s32 s7, s0  }
0x14: {  	s25 =	simm.s32 $0x2A80;
	s7 =	sadd.s32 $0x67E00, s0;
	s0 =	sshll.u32 @!p0 s1, $0x6  }
0x15: {  	s5 =	sadd.s32 $0x5DE00, s9;
	s9 =	sadd.s32 $0x5400, s11;
	s11 =	sor.u32 @!p0 $0x1C05, s0  }
.LBB2_1:
0x16: {  	[tilespmem:s3], [sflag:$0x5] =	stream.linear.gather [hbm4b:s5+s3], $0x2800, $0x38;
	[tilespmem:$0x1E4C0] =	vst v63  }
0x17: {  	_ =	swait.ge [sflag:s10], $0x2800  }
0x18: {  	[sflag:s10] =	ssyncset.done $0x0  }
0x19: {  	s0 =	simm.s32 @!p0 $0x5;
	[sflag:s10] =	ssyncadd.s32 $0xFFFFD800  }
0x1a: {  	[spmem:s12], [sflag:s11] =	dma.local @!p0 [hbm:s6], $0x3E80  }
0x1b: {  	_ =	swait.ge @!p0 [sflag:s0], $0x3E80  }
0x1c: {  	[sflag:s0] =	ssyncset.done @!p0 $0x0  }
0x1d: {  	[sflag:s0] =	ssyncadd.s32 @!p0 $0xFFFFC180  }
0x1e: {  	[bflag:$0x0] =	sbarrier.arrive $0xFFFF  }
0x1f: {  	[tilespmem:s13], [sflag:$0x5] =	stream.linear.gather [hbm4b:s9+s3], $0x400, $0x38;
	[tilespmem:$0x1E4C0] =	vst v63  }
0x20: {  	_ =	swait.ge [sflag:s10], $0x400  }
0x21: {  	[sflag:s10] =	ssyncset.done $0x0  }
0x22: {  	s1 =	simm.s32 $0x0;
	[sflag:s10] =	ssyncadd.s32 $0xFFFFFC00  }
0x23: {  	[tilespmem:s15], [sflag:$0x1] =	stream.indirect.gather [hbm4b:s4+s14], $0x80, s1, s14, $0xb8;
	[tilespmem:$0x1E4C0] =	vst v63  }
0x24: {  	s1 =	simm.s32 $0x80  }
0x25: {  	[tilespmem:s16], [sflag:$0x2] =	stream.indirect.gather [hbm4b:s4+s14], $0x80, s1, s14, $0xb8;
	[tilespmem:$0x1E4C0] =	vst v63  }
0x26: {  	_ =	swait.ge [sflag:s17], $0x4000  }
0x27: {  	[sflag:s17] =	ssyncset.done $0x0  }
0x28: {  	[sflag:s17] =	ssyncadd.s32 $0xFFFFC000  }
0x29: {  	[spmem:s2] =	stream.indirect.scatter.add.f32 [tilespmem:s15], [sflag:$0x3], $0x80, s13, s14, $0xb8;
	[tilespmem:$0x1E4C0] =	vst v63  }
0x2a: {  	_ =	swait.ge [sflag:s18], $0x4000  }
0x2b: {  	[sflag:s18] =	ssyncset.done $0x0  }
0x2c: {  	s1 =	simm.s32 $0x100;
	[sflag:s18] =	ssyncadd.s32 $0xFFFFC000  }
0x2d: {  	[tilespmem:s15], [sflag:$0x1] =	stream.indirect.gather [hbm4b:s4+s14], $0x80, s1, s14, $0xb8;
	[tilespmem:$0x1E4C0] =	vst v63  }
0x2e: {  	_ =	swait.ge [sflag:s19], $0x4000  }
0x2f: {  	[sflag:s19] =	ssyncset.done $0x0  }
0x30: {  	[sflag:s19] =	ssyncadd.s32 $0xFFFFC000  }
0x31: {  	[spmem:s2] =	stream.indirect.scatter.add.f32 [tilespmem:s16], [sflag:$0x4], $0x80, s20, s14, $0xb8;
	[tilespmem:$0x1E4C0] =	vst v63  }
0x32: {  	_ =	swait.ge [sflag:s21], $0x4000  }
0x33: {  	[sflag:s21] =	ssyncset.done $0x0  }
0x34: {  	s1 =	simm.s32 $0x180;
	[sflag:s21] =	ssyncadd.s32 $0xFFFFC000  }
0x35: {  	[tilespmem:s16], [sflag:$0x2] =	stream.indirect.gather [hbm4b:s4+s14], $0x80, s1, s14, $0xb8;
	[tilespmem:$0x1E4C0] =	vst v63  }
0x36: {  	_ =	swait.ge [sflag:s17], $0x4000  }
0x37: {  	[sflag:s17] =	ssyncset.done $0x0  }
0x38: {  	[sflag:s17] =	ssyncadd.s32 $0xFFFFC000  }
0x39: {  	[spmem:s2] =	stream.indirect.scatter.add.f32 [tilespmem:s15], [sflag:$0x3], $0x80, s22, s14, $0xb8;
	[tilespmem:$0x1E4C0] =	vst v63  }
0x3a: {  	_ =	swait.ge [sflag:s18], $0x4000  }
0x3b: {  	[sflag:s18] =	ssyncset.done $0x0  }
0x3c: {  	s1 =	simm.s32 $0x200;
	[sflag:s18] =	ssyncadd.s32 $0xFFFFC000  }
0x3d: {  	[tilespmem:s15], [sflag:$0x1] =	stream.indirect.gather [hbm4b:s4+s14], $0x80, s1, s14, $0xb8;
	[tilespmem:$0x1E4C0] =	vst v63  }
0x3e: {  	_ =	swait.ge [sflag:s19], $0x4000  }
0x3f: {  	[sflag:s19] =	ssyncset.done $0x0  }
0x40: {  	[sflag:s19] =	ssyncadd.s32 $0xFFFFC000  }
0x41: {  	[spmem:s2] =	stream.indirect.scatter.add.f32 [tilespmem:s16], [sflag:$0x4], $0x80, s23, s14, $0xb8;
	[tilespmem:$0x1E4C0] =	vst v63  }
0x42: {  	_ =	swait.ge [sflag:s21], $0x4000  }
0x43: {  	[sflag:s21] =	ssyncset.done $0x0  }
0x44: {  	s1 =	simm.s32 $0x280;
	[sflag:s21] =	ssyncadd.s32 $0xFFFFC000  }
0x45: {  	[tilespmem:s16], [sflag:$0x2] =	stream.indirect.gather [hbm4b:s4+s14], $0x80, s1, s14, $0xb8;
	[tilespmem:$0x1E4C0] =	vst v63  }
0x46: {  	_ =	swait.ge [sflag:s17], $0x4000  }
0x47: {  	[sflag:s17] =	ssyncset.done $0x0  }
0x48: {  	[sflag:s17] =	ssyncadd.s32 $0xFFFFC000  }
0x49: {  	[spmem:s2] =	stream.indirect.scatter.add.f32 [tilespmem:s15], [sflag:$0x3], $0x80, s24, s14, $0xb8;
	[tilespmem:$0x1E4C0] =	vst v63  }
0x4a: {  	_ =	swait.ge [sflag:s18], $0x4000  }
0x4b: {  	[sflag:s18] =	ssyncset.done $0x0  }
0x4c: {  	s1 =	simm.s32 $0x300;
	[sflag:s18] =	ssyncadd.s32 $0xFFFFC000  }
0x4d: {  	[tilespmem:s15], [sflag:$0x1] =	stream.indirect.gather [hbm4b:s4+s14], $0x80, s1, s14, $0xb8;
	[tilespmem:$0x1E4C0] =	vst v63  }
0x4e: {  	_ =	swait.ge [sflag:s19], $0x4000  }
0x4f: {  	[sflag:s19] =	ssyncset.done $0x0  }
0x50: {  	[sflag:s19] =	ssyncadd.s32 $0xFFFFC000  }
0x51: {  	[spmem:s2] =	stream.indirect.scatter.add.f32 [tilespmem:s16], [sflag:$0x4], $0x80, s25, s14, $0xb8;
	[tilespmem:$0x1E4C0] =	vst v63  }
0x52: {  	_ =	swait.ge [sflag:s21], $0x4000  }
0x53: {  	[sflag:s21] =	ssyncset.done $0x0  }
0x54: {  	s1 =	simm.s32 $0x380;
	[sflag:s21] =	ssyncadd.s32 $0xFFFFC000  }
0x55: {  	[tilespmem:s16], [sflag:$0x2] =	stream.indirect.gather [hbm4b:s4+s14], $0x80, s1, s14, $0xb8;
	[tilespmem:$0x1E4C0] =	vst v63  }
0x56: {  	_ =	swait.ge [sflag:s17], $0x4000  }
0x57: {  	[sflag:s17] =	ssyncset.done $0x0  }
0x58: {  	[sflag:s17] =	ssyncadd.s32 $0xFFFFC000  }
0x59: {  	[spmem:s2] =	stream.indirect.scatter.add.f32 [tilespmem:s15], [sflag:$0x3], $0x80, s26, s14, $0xb8;
	[tilespmem:$0x1E4C0] =	vst v63  }
0x5a: {  	_ =	swait.ge [sflag:s19], $0x4000  }
0x5b: {  	[sflag:s19] =	ssyncset.done $0x0  }
0x5c: {  	[sflag:s19] =	ssyncadd.s32 $0xFFFFC000  }
0x5d: {  	[spmem:s2] =	stream.indirect.scatter.add.f32 [tilespmem:s16], [sflag:$0x4], $0x80, s28, s14, $0xb8;
	[tilespmem:$0x1E4C0] =	vst v63  }
0x5e: {  	_ =	swait.ge [sflag:s18], $0x4000  }
0x5f: {  	[sflag:s18] =	ssyncset.done $0x0  }
0x60: {  	[sflag:s18] =	ssyncadd.s32 $0xFFFFC000  }
0x61: {  	_ =	swait.ge [sflag:s21], $0x4000  }
0x62: {  	s30 =	simm.s32 $0x1000;
	s31 =	smov.u32 s9;
	[sflag:s21] =	ssyncset.done $0x0  }
.LBB2_2:
0x63: {  	p1 =	sne.s32 s30, $0x9000;
	[sflag:s21] =	ssyncadd.s32 $0xFFFFC000;
	s31 =	sadd.s32 $0x80, s31  }
0x64: {  	[tilespmem:s13], [sflag:$0x5] =	stream.linear.gather [hbm4b:s31+s3], $0x400, $0x38;
	[tilespmem:$0x1E4C0] =	vst v63  }
0x65: {  	s0 =	smov.u32 s30;
	s30 =	sadd.s32 $0x1000, s30;
	_ =	swait.ge [sflag:s10], $0x400  }
0x66: {  	[sflag:s10] =	ssyncset.done $0x0  }
0x67: {  	s0 =	sshra.s32 s0, $0x2;
	[sflag:s10] =	ssyncadd.s32 $0xFFFFFC00  }
0x68: {  	[tilespmem:s15], [sflag:$0x1] =	stream.indirect.gather [hbm4b:s4+s14], $0x80, s0, s14, $0xb8;
	[tilespmem:$0x1E4C0] =	vst v63  }
0x69: {  	s1 =	sadd.s32 $0x80, s0  }
0x6a: {  	[tilespmem:s16], [sflag:$0x2] =	stream.indirect.gather [hbm4b:s4+s14], $0x80, s1, s14, $0xb8;
	[tilespmem:$0x1E4C0] =	vst v63  }
0x6b: {  	_ =	swait.ge [sflag:s17], $0x4000  }
0x6c: {  	[sflag:s17] =	ssyncset.done $0x0  }
0x6d: {  	[sflag:s17] =	ssyncadd.s32 $0xFFFFC000  }
0x6e: {  	[spmem:s2] =	stream.indirect.scatter.add.f32 [tilespmem:s15], [sflag:$0x3], $0x80, s13, s14, $0xb8;
	[tilespmem:$0x1E4C0] =	vst v63  }
0x6f: {  	_ =	swait.ge [sflag:s18], $0x4000  }
0x70: {  	[sflag:s18] =	ssyncset.done $0x0  }
0x71: {  	s1 =	sadd.s32 $0x100, s0;
	[sflag:s18] =	ssyncadd.s32 $0xFFFFC000  }
0x72: {  	[tilespmem:s15], [sflag:$0x1] =	stream.indirect.gather [hbm4b:s4+s14], $0x80, s1, s14, $0xb8;
	[tilespmem:$0x1E4C0] =	vst v63  }
0x73: {  	_ =	swait.ge [sflag:s19], $0x4000  }
0x74: {  	[sflag:s19] =	ssyncset.done $0x0  }
0x75: {  	[sflag:s19] =	ssyncadd.s32 $0xFFFFC000  }
0x76: {  	[spmem:s2] =	stream.indirect.scatter.add.f32 [tilespmem:s16], [sflag:$0x4], $0x80, s20, s14, $0xb8;
	[tilespmem:$0x1E4C0] =	vst v63  }
0x77: {  	_ =	swait.ge [sflag:s21], $0x4000  }
0x78: {  	[sflag:s21] =	ssyncset.done $0x0  }
0x79: {  	s1 =	sadd.s32 $0x180, s0;
	[sflag:s21] =	ssyncadd.s32 $0xFFFFC000  }
0x7a: {  	[tilespmem:s16], [sflag:$0x2] =	stream.indirect.gather [hbm4b:s4+s14], $0x80, s1, s14, $0xb8;
	[tilespmem:$0x1E4C0] =	vst v63  }
0x7b: {  	_ =	swait.ge [sflag:s17], $0x4000  }
0x7c: {  	[sflag:s17] =	ssyncset.done $0x0  }
0x7d: {  	[sflag:s17] =	ssyncadd.s32 $0xFFFFC000  }
0x7e: {  	[spmem:s2] =	stream.indirect.scatter.add.f32 [tilespmem:s15], [sflag:$0x3], $0x80, s22, s14, $0xb8;
	[tilespmem:$0x1E4C0] =	vst v63  }
0x7f: {  	_ =	swait.ge [sflag:s18], $0x4000  }
0x80: {  	[sflag:s18] =	ssyncset.done $0x0  }
0x81: {  	s1 =	sadd.s32 $0x200, s0;
	[sflag:s18] =	ssyncadd.s32 $0xFFFFC000  }
0x82: {  	[tilespmem:s15], [sflag:$0x1] =	stream.indirect.gather [hbm4b:s4+s14], $0x80, s1, s14, $0xb8;
	[tilespmem:$0x1E4C0] =	vst v63  }
0x83: {  	_ =	swait.ge [sflag:s19], $0x4000  }
0x84: {  	[sflag:s19] =	ssyncset.done $0x0  }
0x85: {  	[sflag:s19] =	ssyncadd.s32 $0xFFFFC000  }
0x86: {  	[spmem:s2] =	stream.indirect.scatter.add.f32 [tilespmem:s16], [sflag:$0x4], $0x80, s23, s14, $0xb8;
	[tilespmem:$0x1E4C0] =	vst v63  }
0x87: {  	_ =	swait.ge [sflag:s21], $0x4000  }
0x88: {  	[sflag:s21] =	ssyncset.done $0x0  }
0x89: {  	s1 =	sadd.s32 $0x280, s0;
	[sflag:s21] =	ssyncadd.s32 $0xFFFFC000  }
0x8a: {  	[tilespmem:s16], [sflag:$0x2] =	stream.indirect.gather [hbm4b:s4+s14], $0x80, s1, s14, $0xb8;
	[tilespmem:$0x1E4C0] =	vst v63  }
0x8b: {  	_ =	swait.ge [sflag:s17], $0x4000  }
0x8c: {  	[sflag:s17] =	ssyncset.done $0x0  }
0x8d: {  	[sflag:s17] =	ssyncadd.s32 $0xFFFFC000  }
0x8e: {  	[spmem:s2] =	stream.indirect.scatter.add.f32 [tilespmem:s15], [sflag:$0x3], $0x80, s24, s14, $0xb8;
	[tilespmem:$0x1E4C0] =	vst v63  }
0x8f: {  	_ =	swait.ge [sflag:s18], $0x4000  }
0x90: {  	[sflag:s18] =	ssyncset.done $0x0  }
0x91: {  	s1 =	sadd.s32 $0x300, s0;
	[sflag:s18] =	ssyncadd.s32 $0xFFFFC000  }
0x92: {  	[tilespmem:s15], [sflag:$0x1] =	stream.indirect.gather [hbm4b:s4+s14], $0x80, s1, s14, $0xb8;
	[tilespmem:$0x1E4C0] =	vst v63  }
0x93: {  	_ =	swait.ge [sflag:s19], $0x4000  }
0x94: {  	[sflag:s19] =	ssyncset.done $0x0  }
0x95: {  	[sflag:s19] =	ssyncadd.s32 $0xFFFFC000  }
0x96: {  	[spmem:s2] =	stream.indirect.scatter.add.f32 [tilespmem:s16], [sflag:$0x4], $0x80, s25, s14, $0xb8;
	[tilespmem:$0x1E4C0] =	vst v63  }
0x97: {  	_ =	swait.ge [sflag:s21], $0x4000  }
0x98: {  	[sflag:s21] =	ssyncset.done $0x0  }
0x99: {  	s0 =	sadd.s32 $0x380, s0;
	[sflag:s21] =	ssyncadd.s32 $0xFFFFC000  }
0x9a: {  	[tilespmem:s16], [sflag:$0x2] =	stream.indirect.gather [hbm4b:s4+s14], $0x80, s0, s14, $0xb8;
	[tilespmem:$0x1E4C0] =	vst v63  }
0x9b: {  	_ =	swait.ge [sflag:s17], $0x4000  }
0x9c: {  	[sflag:s17] =	ssyncset.done $0x0  }
0x9d: {  	[sflag:s17] =	ssyncadd.s32 $0xFFFFC000  }
0x9e: {  	[spmem:s2] =	stream.indirect.scatter.add.f32 [tilespmem:s15], [sflag:$0x3], $0x80, s26, s14, $0xb8;
	[tilespmem:$0x1E4C0] =	vst v63  }
0x9f: {  	_ =	swait.ge [sflag:s19], $0x4000  }
0xa0: {  	[sflag:s19] =	ssyncset.done $0x0  }
0xa1: {  	[sflag:s19] =	ssyncadd.s32 $0xFFFFC000  }
0xa2: {  	[spmem:s2] =	stream.indirect.scatter.add.f32 [tilespmem:s16], [sflag:$0x4], $0x80, s28, s14, $0xb8;
	[tilespmem:$0x1E4C0] =	vst v63  }
.Ltmp0:
0xa3: {  	_ =	swait.ge [sflag:s18], $0x4000;
	(pc) =	sbr.rel @p1 .LBB2_2-.Ltmp0, $4  }
0xa4: {  	[sflag:s18] =	ssyncset.done $0x0  }
0xa5: {  	[sflag:s18] =	ssyncadd.s32 $0xFFFFC000  }
0xa6: {  	_ =	swait.ge [sflag:s21], $0x4000  }
0xa7: {  	[sflag:s21] =	ssyncset.done $0x0  }
0xa8: {  	s29 =	sadd.s32 $0x1, s29  }
0xa9: {  	[sflag:s21] =	ssyncadd.s32 $0xFFFFC000;
	p1 =	sne.s32 s29, s8  }
.Ltmp1:
0xaa: {  	s0 =	simm.s32 @!p0 $0x5;
	[bflag:$0x0] =	sbarrier.arrive $0xFFFF;
	(pc) =	sbr.rel @p1 .LBB2_1-.Ltmp1, $4  }
0xab: {  	[hbm:s7], [sflag:s11] =	dma.local @!p0 [spmem:s12], $0x3E80  }
0xac: {  	_ =	swait.ge @!p0 [sflag:s0], $0x3E80  }
0xad: {  	[sflag:s0] =	ssyncset.done @!p0 $0x0  }
0xae: {  	[sflag:s0] =	ssyncadd.s32 @!p0 $0xFFFFC180  }
0xaf: {  	_ =	sfence.sel $0x180000  }
0xb0: {  	[bflag:$0x0] =	sbarrier.arrive $0xFFFF  }
0xb1: {  	_ =	strace $0x9000004A  }
0xb2: {  	s0 =	stileid.u32;
	[bflag:$0x2] =	sbarrier.arrive $0xFFFF  }
0xb3: {  	p0 =	sne.s32 s0, $0x0;
	s0 =	rddreg [dreg:$0x3]  }
0xb4: {  	s0 =	sadd.s32 @!p0 $0x100000, s0  }
0xb5: {  	[sflag:s0] =	ssyncadd.tile.s32 @!p0 $0x1;
	_ =	shalt  }
.Lfunc_end2:
_tile_overlayer_lowered:
.L_overlay_start_2:
0xb6: {  	(tag) =	ssettag $0x2  }
0xb7: {  	s0 =	rddreg [dreg:$0x0];
	s2 =	stileid.u32  }
0xb8: {  	s1 =	rddreg [dreg:$0x1];
	p0 =	sne.s32 s2, $0x0  }
0xb9: {  	s3 =	rddreg [dreg:$0x2];
	[bflag:$0x3] =	sbarrier.arrive $0xFFFF;
	s2 =	simm.s32 @!p0 $0x1C05  }
0xba: {  	[timem:s3], [sflag:s2] =	dma.local @!p0 [hbm:s0], s1  }
0xbb: {  	s0 =	simm.s32 @!p0 $0x5  }
0xbc: {  	_ =	swait.ge @!p0 [sflag:s0], s1  }
0xbd: {  	s1 =	ssub.s32 @!p0 $0x0, s1;
	[sflag:s0] =	ssyncset.done @!p0 $0x0  }
0xbe: {  	[sflag:s0] =	ssyncadd.s32 @!p0 s1  }
0xbf: {  	[bflag:$0x3] =	sbarrier.arrive $0xFFFF  }
0xc0: {  	_ =	shalt  }

// kernel: kernel.20.cloned.1.call-start
scs
__scs_entry_jumppad:
0x0: {  	(pc) =	sbr.rel $0x88, $3  }
0x1: {  	(tag) =	ssettag $0x0;
	lr =	simm.s32 $0x1  }
0x2: {  	[smem:$0x3F93] =	sst lr;
	_ =	strace $0xD0000000  }
0x3: {  	_ = 	snop  }
0x4: {  	_ = 	snop  }
0x5: {  	_ = 	snop  }
0x6: {  	_ = 	snop  }
0x7: {  	_ = 	snop  }
__scs_overlays_trampoline_lowered:
0x8: {  	[smem:$0x3FA2] =	sst s0  }
0x9: {  	[smem:$0x3FA3] =	sst s1  }
0xa: {  	[smem:$0x3FA4] =	sst s2  }
0xb: {  	[smem:$0x3FA5] =	sst s3  }
0xc: {  	[smem:$0x3FA6] =	sst s4  }
0xd: {  	[smem:$0x3FA7] =	sst s5  }
0xe: {  	[smem:$0x3FA8] =	sst s6  }
0xf: {  	[smem:$0x3FA9] =	sst s7  }
0x10: {  	[smem:$0x3FAA] =	sst s8  }
0x11: {  	[smem:$0x3FAB] =	sst s9;
	s0 =	simm.s32 @!p0 $0x0  }
0x12: {  	s1 =	sld [smem:$0x3F91];
	s0 =	simm.s32 @p0 $0x1  }
0x13: {  	[smem:$0x3FAC] =	sst s0;
	s0 =	simm.s32 @!p1 $0x0  }
0x14: {  	s2 =	sld [smem:$0x3F90];
	s0 =	simm.s32 @p1 $0x1  }
0x15: {  	[smem:$0x3FAD] =	sst s0;
	s0 =	simm.s32 @!p2 $0x0  }
0x16: {  	s3 =	sld [smem:$0x3FDB];
	s0 =	simm.s32 @p2 $0x1  }
0x17: {  	s4 =	simm.s32 $0x1BF5;
	[smem:$0x3FAF] =	sst s0  }
0x18: {  	s0 =	sld [smem:$0x3F92];
	_ =	swait.ge [sflag:s4], $0x0  }
0x19: {  	s7 =	sld [smem:$0x3F93]  }
0x1a: {  	s8 =	sadd.s32 $0xFFFFE003, lr  }
0x1b: {  	s9 =	sadd.s32 $0xFFFFFEF7, lr;
	s5 =	simm.s32 $0xFFFFFFFF;
	p2 =	slt.u32 s8, $0xFFFFF086  }
0x1c: {  	p1 =	slt.u32 s9, $0xF7A;
	s5 =	simm.s32 @!p2 $0x0  }
0x1d: {  	s5 =	simm.s32 @p1 $0x1;
	p0 =	seq.s32 s7, s2  }
0x1e: {  	s7 =	smul.u32 @!p0 $0xF7A, s2;
	p2 =	seq.s32 @!p0 s5, $0x0  }
0x1f: {  	s9 =	smul.u32 $0xF7A, s1;
	s8 =	simm.s32 @!p0 $0x1BF5;
	p2 =	por !p2, p0  }
0x20: {  	[sflag:s8] =	ssyncset.s32 @!p0 $0xFFFFF086;
	s6 =	sadd.s32 @!p0 s3, s7;
	s7 =	simm.s32 @!p0 $0x108  }
0x21: {  	s3 =	sadd.s32 s3, s9;
	s6 =	sadd.s32 @!p0 $0x88, s6;
	s7 =	simm.s32 @p2 $0x1082  }
0x22: {  	[simem:s7], [sflag:s8] =	dma.local @!p0 [hbm:s6], $0xF7A  }
0x23: {  	s9 =	sor.u32 $0xD0000000, s2;
	s6 =	simm.s32 $0x108;
	_ =	swait.ge @!p0 [sflag:s8], $0x0  }
0x24: {  	s3 =	sadd.s32 $0x88, s3;
	s6 =	simm.s32 @!p1 $0x1082;
	[sflag:s4] =	ssyncset.s32 $0xFFFFF086  }
0x25: {  	[simem:s6], [sflag:s4] =	dma.local [hbm:s3], $0xF7A  }
0x26: {  	[smem:$0x3F93] =	sst s1;
	(tag) =	ssettag s2;
	_ =	strace s9  }
0x27: {  	s1 =	sld [smem:$0x3FA3]  }
0x28: {  	s2 =	sld [smem:$0x3FA4]  }
0x29: {  	s4 =	sld [smem:$0x3FA6]  }
0x2a: {  	p0 =	seq.s32 s5, $0x0;
	s5 =	sld [smem:$0x3FA7]  }
0x2b: {  	s6 =	sld [smem:$0x3FA8]  }
0x2c: {  	s7 =	sld [smem:$0x3FA9]  }
0x2d: {  	s3 =	simm.s32 $0x108;
	s8 =	sld [smem:$0x3FAA]  }
0x2e: {  	s3 =	simm.s32 @!p0 $0x1082;
	s9 =	sld [smem:$0x3FAB]  }
0x2f: {  	lr =	sadd.s32 s0, s3;
	s0 =	sld [smem:$0x3FA2]  }
0x30: {  	s3 =	sld [smem:$0x3FA5]  }
0x31: {  	[smem:$0x3FAE] =	sst s10  }
0x32: {  	s10 =	sld [smem:$0x3FAC];
	_ =	sdelay $0x3  }
0x33: {  	p0 =	seq.s32 s10, $0x1;
	s10 =	sld [smem:$0x3FAE];
	_ =	sdelay $0x3  }
0x34: {  	[smem:$0x3FAE] =	sst s10  }
0x35: {  	s10 =	sld [smem:$0x3FAD];
	_ =	sdelay $0x3  }
0x36: {  	p1 =	seq.s32 s10, $0x1;
	s10 =	sld [smem:$0x3FAE];
	_ =	sdelay $0x3  }
0x37: {  	[smem:$0x3FAE] =	sst s10  }
0x38: {  	s10 =	sld [smem:$0x3FAF]  }
0x39: {  	_ = 	snop;
	(pc) =	sbr.ind lr, $3  }
0x3a: {  	_ = 	snop  }
0x3b: {  	_ = 	snop  }
0x3c: {  	p2 =	seq.s32 s10, $0x1;
	s10 =	sld [smem:$0x3FAE]  }
0x3d: {  	_ =	shalt  }
0x3e: {  	_ =	shalt  }
0x3f: {  	_ =	shalt  }
0x40: {  	_ =	shalt  }
0x41: {  	_ =	shalt  }
0x42: {  	_ =	shalt  }
0x43: {  	_ =	shalt  }
0x44: {  	_ =	shalt  }
0x45: {  	_ =	shalt  }
0x46: {  	_ =	shalt  }
0x47: {  	_ =	shalt  }
0x48: {  	_ =	shalt  }
0x49: {  	_ =	shalt  }
0x4a: {  	_ =	shalt  }
0x4b: {  	_ =	shalt  }
0x4c: {  	_ =	shalt  }
0x4d: {  	_ =	shalt  }
0x4e: {  	_ =	shalt  }
0x4f: {  	_ =	shalt  }
0x50: {  	_ =	shalt  }
0x51: {  	_ =	shalt  }
0x52: {  	_ =	shalt  }
0x53: {  	_ =	shalt  }
0x54: {  	_ =	shalt  }
0x55: {  	_ =	shalt  }
0x56: {  	_ =	shalt  }
0x57: {  	_ =	shalt  }
0x58: {  	_ =	shalt  }
0x59: {  	_ =	shalt  }
0x5a: {  	_ =	shalt  }
0x5b: {  	_ =	shalt  }
0x5c: {  	_ =	shalt  }
0x5d: {  	_ =	shalt  }
0x5e: {  	_ =	shalt  }
0x5f: {  	_ =	shalt  }
0x60: {  	_ =	shalt  }
0x61: {  	_ =	shalt  }
0x62: {  	_ =	shalt  }
0x63: {  	_ =	shalt  }
0x64: {  	_ =	shalt  }
0x65: {  	_ =	shalt  }
0x66: {  	_ =	shalt  }
0x67: {  	_ =	shalt  }
0x68: {  	_ =	shalt  }
0x69: {  	_ =	shalt  }
0x6a: {  	_ =	shalt  }
0x6b: {  	_ =	shalt  }
0x6c: {  	_ =	shalt  }
0x6d: {  	_ =	shalt  }
0x6e: {  	_ =	shalt  }
0x6f: {  	_ =	shalt  }
0x70: {  	_ =	shalt  }
0x71: {  	_ =	shalt  }
0x72: {  	_ =	shalt  }
0x73: {  	_ =	shalt  }
0x74: {  	_ =	shalt  }
0x75: {  	_ =	shalt  }
0x76: {  	_ =	shalt  }
0x77: {  	_ =	shalt  }
0x78: {  	_ =	shalt  }
0x79: {  	_ =	shalt  }
0x7a: {  	_ =	shalt  }
0x7b: {  	_ =	shalt  }
0x7c: {  	_ =	shalt  }
0x7d: {  	_ =	shalt  }
0x7e: {  	_ =	shalt  }
0x7f: {  	_ =	shalt  }
0x80: {  	_ =	shalt  }
0x81: {  	_ =	shalt  }
0x82: {  	_ =	shalt  }
0x83: {  	_ =	shalt  }
0x84: {  	_ =	shalt  }
0x85: {  	_ =	shalt  }
0x86: {  	_ =	shalt  }
0x87: {  	_ =	shalt  }
.Lfunc_end0:
.L_simem_size_0:
called_computation.2_lowered:
.L_overlay_start_0:
0x88: {  	s2 =	sld [smem:$0x3FD9]  }
0x89: {  	s3 =	sld [smem:$0x3FFE];
	_ =	sdelay $0x1  }
0x8a: {  	s1 =	srdreg.scid  }
0x8b: {  	s0 =	sand.u32 $0x1, s1  }
0x8c: {  	s17 =	sshll.u32 s0, $0xA;
	s2 =	sadd.s32 s3, s2  }
0x8d: {  	s2 =	sadd.s32 s2, s17  }
0x8e: {  	[smem:$0x3FBA] =	sst s2  }
0x8f: {  	_ = 	snop  }
0x90: {  	s2 =	sld [smem:$0x3FD0];
	(tm) =	ssettm $0x1  }
0x91: {  	s18 =	sld [smem:$0x3FFB];
	_ =	sdelay $0x3  }
0x92: {  	_ =	strace s18  }
0x93: {  	s3 =	sld [smem:$0x3FFC];
	_ =	sdelay $0x3  }
0x94: {  	_ =	strace s3  }
0x95: {  	s3 =	sld [smem:$0x3FFD];
	_ =	sdelay $0x3  }
0x96: {  	_ =	strace s3  }
0x97: {  	_ =	strace $0x8FFFFFFF  }
0x98: {  	s19 =	sld [smem:$0x3FDB];
	_ =	sdelay $0x1  }
0x99: {  	s4 =	simm.s32 $_scs_section_size  }
0x9a: {  	s5 =	simm.s32 $_size__tile_overlayer_lowered;
	s6 =	simm.s32 $_tile_overlayer_lowered  }
0x9b: {  	s22 =	simm.s32 $0x1BFF;
	s21 =	sshll.u32 s6, $0x1;
	s3 =	sadd.s32 s4, s19  }
0x9c: {  	s7 =	simm.s32 $0x0;
	s20 =	sshll.u32 s5, $0x1;
	s5 =	sadd.s32 s21, s3  }
0x9d: {  	[timem:s7], [sflag:s22] =	dma.local [hbm:s5], s20  }
0x9e: {  	_ =	swait.ge [sflag:s22], s20  }
0x9f: {  	s4 =	ssub.s32 $0x0, s20;
	[sflag:s22] =	ssyncset.done $0x0  }
0xa0: {  	[sflag:s22] =	ssyncadd.s32 s4;
	_ =	sdelay $0x1  }
0xa1: {  	s23 =	simm.s32 $0x1B8B  }
0xa2: {  	_ =	swait.ge [sflag:s23], $0x1  }
0xa3: {  	[sflag:s23] =	ssyncset.done $0x0  }
0xa4: {  	s25 =	simm.s32 $0x1B8E;
	s24 =	sld [smem:$0x3FFE];
	[sflag:s23] =	ssyncadd.s32 $0xFFFFFFFF  }
0xa5: {  	s26 =	simm.s32 $execute0_lowered;
	[smem:$0x3FD2] =	sst s25  }
0xa6: {  	s5 =	sshll.u32 s26, $0x1;
	_ =	strace $0x8000004C;
	[dreg:$0x1] =	wrdreg $0xFFFFFFFF  }
0xa7: {  	s28 =	simm.s32 $_size_execute0_lowered;
	s3 =	sadd.s32 s3, s5;
	[dreg:$0x0] =	wrdreg $0x0  }
0xa8: {  	s5 =	sshll.u32 s28, $0x1;
	[dreg:$0x2] =	wrdreg s3  }
0xa9: {  	[dreg:$0x3] =	wrdreg s5  }
0xaa: {  	[dreg:$0x4] =	wrdreg $0xC0  }
0xab: {  	_ =	task [dreg:s7], $0x5FFFF  }
0xac: {  	[dreg:$0x1] =	wrdreg $0xFFFFFFFF  }
0xad: {  	[dreg:$0x0] =	wrdreg $0x60  }
0xae: {  	[dreg:$0x2] =	wrdreg s24  }
0xaf: {  	[dreg:$0x3] =	wrdreg s2  }
0xb0: {  	[dreg:$0x4] =	wrdreg $0xAC000  }
0xb1: {  	[dreg:$0x5] =	wrdreg $0x9  }
0xb2: {  	_ =	task.clear_ibuf [dreg:s7], $0x6FFFF;
	_ =	strace $0x9000004C  }
0xb3: {  	s29 =	simm.s32 $0x9;
	_ =	strace $0x8000004E  }
0xb4: {  	_ =	swait.ge [sflag:s29], $0x1  }
0xb5: {  	[sflag:s29] =	ssyncadd.s32 $0xFFFFFFFF  }
0xb6: {  	_ =	strace $0x9000004E  }
0xb7: {  	_ =	sfence  }
0xb8: {  	s30 =	sld [smem:$0x0];
	_ =	sdelay $0x2  }
0xb9: {  	s31 =	sshll.u32 s1, $0xD;
	s1 =	sshrl.u32 s1, $0x2  }
0xba: {  	s3 =	sand.u32 $0x4000, s31;
	s1 =	sadd.s32 s1, s30  }
0xbb: {  	s0 =	sor.u32 s3, s0;
	s1 =	sshll.u32 s1, $0x11  }
0xbc: {  	s0 =	sor.u32 s1, s0  }
0xbd: {  	s0 =	sadd.s32 $0x8F2B, s0  }
0xbe: {  	[sflag:s0] =	ssyncadd.remote.s32 $0x1  }
0xbf: {  	_ =	sfence.sel $0xFFFF  }
0xc0: {  	[dreg:$0x0] =	wrdreg $0xFFFFFFFF;
	(pc) =	sbr.abs _section_cstart, $3  }
0xc1: {  	[dreg:$0x1] =	wrdreg $0xFFFFFFFF  }
0xc2: {  	_ =	task.clear_ibuf [dreg:s7], $0x2FFFF;
	_ =	strace $0x9FFFFFFF  }
0xc3: {  	(tm) =	ssettm $0x7FFFFFFF  }
tec
execute0_lowered:
.L_overlay_start_1:
0x0: {  	(tag) =	ssettag $0x1  }
0x1: {  	s0 =	rddreg [dreg:$0x0]  }
0x2: {  	s6 =	rddreg [dreg:$0x1]  }
0x3: {  	s2 =	rddreg [dreg:$0x2];
	s1 =	srdreg.scid  }
0x4: {  	s3 =	simm.s32 $0x0;
	s14 =	simm.s32 $0x80;
	s15 =	simm.s32 $0x2C00  }
0x5: {  	s16 =	simm.s32 $0x6C00;
	s17 =	simm.s32 $0x1;
	s18 =	simm.s32 $0x3  }
0x6: {  	s19 =	simm.s32 $0x2;
	s20 =	simm.s32 $0x2880;
	s5 =	sand.u32 $0x1, s1  }
0x7: {  	s21 =	simm.s32 $0x4;
	s1 =	stileid.u32;
	s7 =	smul.u32 $0x28000, s5  }
0x8: {  	s22 =	simm.s32 $0x2900;
	s23 =	simm.s32 $0x2980;
	s8 =	smul.u32 $0x2800, s1  }
0x9: {  	s28 =	simm.s32 $0x2B80;
	s29 =	simm.s32 $0x0;
	s24 =	smul.u32 $0x138800, s5  }
0xa: {  	[smem:$0x7FF] =	sst s3;
	s4 =	sshll.u32 s5, $0x4;
	s10 =	smul.u32 $0x1F400, s1  }
0xb: {  	_ =	strace $0x8000004D;
	s5 =	ssub.s32 $0x2, s5;
	s26 =	smul.u32 $0x7D000, s1  }
0xc: {  	s12 =	smul.u32 $0x3E80, s1;
	p0 =	sgt.u32 s1, $0x9;
	s4 =	sor.u32 s1, s4  }
0xd: {  	s30 =	sshrl.u32 s5, $0x1;
	s4 =	smul.u32 $0x2800, s4;
	s7 =	sadd.s32 s8, s7  }
0xe: {  	s25 =	sadd.s32 s10, s24;
	s10 =	ssub.s32 s5, s30;
	s31 =	sshrl.u32 s26, $0x2  }
0xf: {  	s6 =	sadd.s32 s6, s12;
	s24 =	simm.s32 $0x2A00;
	s26 =	simm.s32 $0x2B00  }
0x10: {  	s7 =	sshrl.u32 s7, $0x3;
	s13 =	sadd.s32 s31, s2;
	s8 =	smax.u32 s10, $0x1  }
0x11: {  	s10 =	simm.s32 $0x5;
	s9 =	sshrl.u32 s4, $0x3;
	s4 =	sadd.s32 $0xF400, s0  }
0x12: {  	s11 =	sadd.s32 s7, s0;
	s7 =	sshrl.u32 s25, $0x3;
	s12 =	sshrl.u32 @!p0 s13, $0x3  }
0x13: {  	s13 =	simm.s32 $0x2800;
	s9 =	sadd.s32 s9, s0;
	s0 =	sadd.s32 s7, s0  }
0x14: {  	s25 =	simm.s32 $0x2A80;
	s7 =	sadd.s32 $0x67E00, s0;
	s0 =	sshll.u32 @!p0 s1, $0x6  }
0x15: {  	s5 =	sadd.s32 $0x5DE00, s9;
	s9 =	sadd.s32 $0x5400, s11;
	s11 =	sor.u32 @!p0 $0x1C05, s0  }
.LBB2_1:
0x16: {  	[tilespmem:s3], [sflag:$0x5] =	stream.linear.gather [hbm4b:s5+s3], $0x2800, $0x38;
	[tilespmem:$0x1E4C0] =	vst v63  }
0x17: {  	_ =	swait.ge [sflag:s10], $0x2800  }
0x18: {  	[sflag:s10] =	ssyncset.done $0x0  }
0x19: {  	s0 =	simm.s32 @!p0 $0x5;
	[sflag:s10] =	ssyncadd.s32 $0xFFFFD800  }
0x1a: {  	[spmem:s12], [sflag:s11] =	dma.local @!p0 [hbm:s6], $0x3E80  }
0x1b: {  	_ =	swait.ge @!p0 [sflag:s0], $0x3E80  }
0x1c: {  	[sflag:s0] =	ssyncset.done @!p0 $0x0  }
0x1d: {  	[sflag:s0] =	ssyncadd.s32 @!p0 $0xFFFFC180  }
0x1e: {  	[bflag:$0x0] =	sbarrier.arrive $0xFFFF  }
0x1f: {  	[tilespmem:s13], [sflag:$0x5] =	stream.linear.gather [hbm4b:s9+s3], $0x400, $0x38;
	[tilespmem:$0x1E4C0] =	vst v63  }
0x20: {  	_ =	swait.ge [sflag:s10], $0x400  }
0x21: {  	[sflag:s10] =	ssyncset.done $0x0  }
0x22: {  	s1 =	simm.s32 $0x0;
	[sflag:s10] =	ssyncadd.s32 $0xFFFFFC00  }
0x23: {  	[tilespmem:s15], [sflag:$0x1] =	stream.indirect.gather [hbm4b:s4+s14], $0x80, s1, s14, $0xb8;
	[tilespmem:$0x1E4C0] =	vst v63  }
0x24: {  	s1 =	simm.s32 $0x80  }
0x25: {  	[tilespmem:s16], [sflag:$0x2] =	stream.indirect.gather [hbm4b:s4+s14], $0x80, s1, s14, $0xb8;
	[tilespmem:$0x1E4C0] =	vst v63  }
0x26: {  	_ =	swait.ge [sflag:s17], $0x4000  }
0x27: {  	[sflag:s17] =	ssyncset.done $0x0  }
0x28: {  	[sflag:s17] =	ssyncadd.s32 $0xFFFFC000  }
0x29: {  	[spmem:s2] =	stream.indirect.scatter.add.f32 [tilespmem:s15], [sflag:$0x3], $0x80, s13, s14, $0xb8;
	[tilespmem:$0x1E4C0] =	vst v63  }
0x2a: {  	_ =	swait.ge [sflag:s18], $0x4000  }
0x2b: {  	[sflag:s18] =	ssyncset.done $0x0  }
0x2c: {  	s1 =	simm.s32 $0x100;
	[sflag:s18] =	ssyncadd.s32 $0xFFFFC000  }
0x2d: {  	[tilespmem:s15], [sflag:$0x1] =	stream.indirect.gather [hbm4b:s4+s14], $0x80, s1, s14, $0xb8;
	[tilespmem:$0x1E4C0] =	vst v63  }
0x2e: {  	_ =	swait.ge [sflag:s19], $0x4000  }
0x2f: {  	[sflag:s19] =	ssyncset.done $0x0  }
0x30: {  	[sflag:s19] =	ssyncadd.s32 $0xFFFFC000  }
0x31: {  	[spmem:s2] =	stream.indirect.scatter.add.f32 [tilespmem:s16], [sflag:$0x4], $0x80, s20, s14, $0xb8;
	[tilespmem:$0x1E4C0] =	vst v63  }
0x32: {  	_ =	swait.ge [sflag:s21], $0x4000  }
0x33: {  	[sflag:s21] =	ssyncset.done $0x0  }
0x34: {  	s1 =	simm.s32 $0x180;
	[sflag:s21] =	ssyncadd.s32 $0xFFFFC000  }
0x35: {  	[tilespmem:s16], [sflag:$0x2] =	stream.indirect.gather [hbm4b:s4+s14], $0x80, s1, s14, $0xb8;
	[tilespmem:$0x1E4C0] =	vst v63  }
0x36: {  	_ =	swait.ge [sflag:s17], $0x4000  }
0x37: {  	[sflag:s17] =	ssyncset.done $0x0  }
0x38: {  	[sflag:s17] =	ssyncadd.s32 $0xFFFFC000  }
0x39: {  	[spmem:s2] =	stream.indirect.scatter.add.f32 [tilespmem:s15], [sflag:$0x3], $0x80, s22, s14, $0xb8;
	[tilespmem:$0x1E4C0] =	vst v63  }
0x3a: {  	_ =	swait.ge [sflag:s18], $0x4000  }
0x3b: {  	[sflag:s18] =	ssyncset.done $0x0  }
0x3c: {  	s1 =	simm.s32 $0x200;
	[sflag:s18] =	ssyncadd.s32 $0xFFFFC000  }
0x3d: {  	[tilespmem:s15], [sflag:$0x1] =	stream.indirect.gather [hbm4b:s4+s14], $0x80, s1, s14, $0xb8;
	[tilespmem:$0x1E4C0] =	vst v63  }
0x3e: {  	_ =	swait.ge [sflag:s19], $0x4000  }
0x3f: {  	[sflag:s19] =	ssyncset.done $0x0  }
0x40: {  	[sflag:s19] =	ssyncadd.s32 $0xFFFFC000  }
0x41: {  	[spmem:s2] =	stream.indirect.scatter.add.f32 [tilespmem:s16], [sflag:$0x4], $0x80, s23, s14, $0xb8;
	[tilespmem:$0x1E4C0] =	vst v63  }
0x42: {  	_ =	swait.ge [sflag:s21], $0x4000  }
0x43: {  	[sflag:s21] =	ssyncset.done $0x0  }
0x44: {  	s1 =	simm.s32 $0x280;
	[sflag:s21] =	ssyncadd.s32 $0xFFFFC000  }
0x45: {  	[tilespmem:s16], [sflag:$0x2] =	stream.indirect.gather [hbm4b:s4+s14], $0x80, s1, s14, $0xb8;
	[tilespmem:$0x1E4C0] =	vst v63  }
0x46: {  	_ =	swait.ge [sflag:s17], $0x4000  }
0x47: {  	[sflag:s17] =	ssyncset.done $0x0  }
0x48: {  	[sflag:s17] =	ssyncadd.s32 $0xFFFFC000  }
0x49: {  	[spmem:s2] =	stream.indirect.scatter.add.f32 [tilespmem:s15], [sflag:$0x3], $0x80, s24, s14, $0xb8;
	[tilespmem:$0x1E4C0] =	vst v63  }
0x4a: {  	_ =	swait.ge [sflag:s18], $0x4000  }
0x4b: {  	[sflag:s18] =	ssyncset.done $0x0  }
0x4c: {  	s1 =	simm.s32 $0x300;
	[sflag:s18] =	ssyncadd.s32 $0xFFFFC000  }
0x4d: {  	[tilespmem:s15], [sflag:$0x1] =	stream.indirect.gather [hbm4b:s4+s14], $0x80, s1, s14, $0xb8;
	[tilespmem:$0x1E4C0] =	vst v63  }
0x4e: {  	_ =	swait.ge [sflag:s19], $0x4000  }
0x4f: {  	[sflag:s19] =	ssyncset.done $0x0  }
0x50: {  	[sflag:s19] =	ssyncadd.s32 $0xFFFFC000  }
0x51: {  	[spmem:s2] =	stream.indirect.scatter.add.f32 [tilespmem:s16], [sflag:$0x4], $0x80, s25, s14, $0xb8;
	[tilespmem:$0x1E4C0] =	vst v63  }
0x52: {  	_ =	swait.ge [sflag:s21], $0x4000  }
0x53: {  	[sflag:s21] =	ssyncset.done $0x0  }
0x54: {  	s1 =	simm.s32 $0x380;
	[sflag:s21] =	ssyncadd.s32 $0xFFFFC000  }
0x55: {  	[tilespmem:s16], [sflag:$0x2] =	stream.indirect.gather [hbm4b:s4+s14], $0x80, s1, s14, $0xb8;
	[tilespmem:$0x1E4C0] =	vst v63  }
0x56: {  	_ =	swait.ge [sflag:s17], $0x4000  }
0x57: {  	[sflag:s17] =	ssyncset.done $0x0  }
0x58: {  	[sflag:s17] =	ssyncadd.s32 $0xFFFFC000  }
0x59: {  	[spmem:s2] =	stream.indirect.scatter.add.f32 [tilespmem:s15], [sflag:$0x3], $0x80, s26, s14, $0xb8;
	[tilespmem:$0x1E4C0] =	vst v63  }
0x5a: {  	_ =	swait.ge [sflag:s19], $0x4000  }
0x5b: {  	[sflag:s19] =	ssyncset.done $0x0  }
0x5c: {  	[sflag:s19] =	ssyncadd.s32 $0xFFFFC000  }
0x5d: {  	[spmem:s2] =	stream.indirect.scatter.add.f32 [tilespmem:s16], [sflag:$0x4], $0x80, s28, s14, $0xb8;
	[tilespmem:$0x1E4C0] =	vst v63  }
0x5e: {  	_ =	swait.ge [sflag:s18], $0x4000  }
0x5f: {  	[sflag:s18] =	ssyncset.done $0x0  }
0x60: {  	[sflag:s18] =	ssyncadd.s32 $0xFFFFC000  }
0x61: {  	_ =	swait.ge [sflag:s21], $0x4000  }
0x62: {  	s30 =	simm.s32 $0x1000;
	s31 =	smov.u32 s9;
	[sflag:s21] =	ssyncset.done $0x0  }
.LBB2_2:
0x63: {  	p1 =	sne.s32 s30, $0x9000;
	[sflag:s21] =	ssyncadd.s32 $0xFFFFC000;
	s31 =	sadd.s32 $0x80, s31  }
0x64: {  	[tilespmem:s13], [sflag:$0x5] =	stream.linear.gather [hbm4b:s31+s3], $0x400, $0x38;
	[tilespmem:$0x1E4C0] =	vst v63  }
0x65: {  	s0 =	smov.u32 s30;
	s30 =	sadd.s32 $0x1000, s30;
	_ =	swait.ge [sflag:s10], $0x400  }
0x66: {  	[sflag:s10] =	ssyncset.done $0x0  }
0x67: {  	s0 =	sshra.s32 s0, $0x2;
	[sflag:s10] =	ssyncadd.s32 $0xFFFFFC00  }
0x68: {  	[tilespmem:s15], [sflag:$0x1] =	stream.indirect.gather [hbm4b:s4+s14], $0x80, s0, s14, $0xb8;
	[tilespmem:$0x1E4C0] =	vst v63  }
0x69: {  	s1 =	sadd.s32 $0x80, s0  }
0x6a: {  	[tilespmem:s16], [sflag:$0x2] =	stream.indirect.gather [hbm4b:s4+s14], $0x80, s1, s14, $0xb8;
	[tilespmem:$0x1E4C0] =	vst v63  }
0x6b: {  	_ =	swait.ge [sflag:s17], $0x4000  }
0x6c: {  	[sflag:s17] =	ssyncset.done $0x0  }
0x6d: {  	[sflag:s17] =	ssyncadd.s32 $0xFFFFC000  }
0x6e: {  	[spmem:s2] =	stream.indirect.scatter.add.f32 [tilespmem:s15], [sflag:$0x3], $0x80, s13, s14, $0xb8;
	[tilespmem:$0x1E4C0] =	vst v63  }
0x6f: {  	_ =	swait.ge [sflag:s18], $0x4000  }
0x70: {  	[sflag:s18] =	ssyncset.done $0x0  }
0x71: {  	s1 =	sadd.s32 $0x100, s0;
	[sflag:s18] =	ssyncadd.s32 $0xFFFFC000  }
0x72: {  	[tilespmem:s15], [sflag:$0x1] =	stream.indirect.gather [hbm4b:s4+s14], $0x80, s1, s14, $0xb8;
	[tilespmem:$0x1E4C0] =	vst v63  }
0x73: {  	_ =	swait.ge [sflag:s19], $0x4000  }
0x74: {  	[sflag:s19] =	ssyncset.done $0x0  }
0x75: {  	[sflag:s19] =	ssyncadd.s32 $0xFFFFC000  }
0x76: {  	[spmem:s2] =	stream.indirect.scatter.add.f32 [tilespmem:s16], [sflag:$0x4], $0x80, s20, s14, $0xb8;
	[tilespmem:$0x1E4C0] =	vst v63  }
0x77: {  	_ =	swait.ge [sflag:s21], $0x4000  }
0x78: {  	[sflag:s21] =	ssyncset.done $0x0  }
0x79: {  	s1 =	sadd.s32 $0x180, s0;
	[sflag:s21] =	ssyncadd.s32 $0xFFFFC000  }
0x7a: {  	[tilespmem:s16], [sflag:$0x2] =	stream.indirect.gather [hbm4b:s4+s14], $0x80, s1, s14, $0xb8;
	[tilespmem:$0x1E4C0] =	vst v63  }
0x7b: {  	_ =	swait.ge [sflag:s17], $0x4000  }
0x7c: {  	[sflag:s17] =	ssyncset.done $0x0  }
0x7d: {  	[sflag:s17] =	ssyncadd.s32 $0xFFFFC000  }
0x7e: {  	[spmem:s2] =	stream.indirect.scatter.add.f32 [tilespmem:s15], [sflag:$0x3], $0x80, s22, s14, $0xb8;
	[tilespmem:$0x1E4C0] =	vst v63  }
0x7f: {  	_ =	swait.ge [sflag:s18], $0x4000  }
0x80: {  	[sflag:s18] =	ssyncset.done $0x0  }
0x81: {  	s1 =	sadd.s32 $0x200, s0;
	[sflag:s18] =	ssyncadd.s32 $0xFFFFC000  }
0x82: {  	[tilespmem:s15], [sflag:$0x1] =	stream.indirect.gather [hbm4b:s4+s14], $0x80, s1, s14, $0xb8;
	[tilespmem:$0x1E4C0] =	vst v63  }
0x83: {  	_ =	swait.ge [sflag:s19], $0x4000  }
0x84: {  	[sflag:s19] =	ssyncset.done $0x0  }
0x85: {  	[sflag:s19] =	ssyncadd.s32 $0xFFFFC000  }
0x86: {  	[spmem:s2] =	stream.indirect.scatter.add.f32 [tilespmem:s16], [sflag:$0x4], $0x80, s23, s14, $0xb8;
	[tilespmem:$0x1E4C0] =	vst v63  }
0x87: {  	_ =	swait.ge [sflag:s21], $0x4000  }
0x88: {  	[sflag:s21] =	ssyncset.done $0x0  }
0x89: {  	s1 =	sadd.s32 $0x280, s0;
	[sflag:s21] =	ssyncadd.s32 $0xFFFFC000  }
0x8a: {  	[tilespmem:s16], [sflag:$0x2] =	stream.indirect.gather [hbm4b:s4+s14], $0x80, s1, s14, $0xb8;
	[tilespmem:$0x1E4C0] =	vst v63  }
0x8b: {  	_ =	swait.ge [sflag:s17], $0x4000  }
0x8c: {  	[sflag:s17] =	ssyncset.done $0x0  }
0x8d: {  	[sflag:s17] =	ssyncadd.s32 $0xFFFFC000  }
0x8e: {  	[spmem:s2] =	stream.indirect.scatter.add.f32 [tilespmem:s15], [sflag:$0x3], $0x80, s24, s14, $0xb8;
	[tilespmem:$0x1E4C0] =	vst v63  }
0x8f: {  	_ =	swait.ge [sflag:s18], $0x4000  }
0x90: {  	[sflag:s18] =	ssyncset.done $0x0  }
0x91: {  	s1 =	sadd.s32 $0x300, s0;
	[sflag:s18] =	ssyncadd.s32 $0xFFFFC000  }
0x92: {  	[tilespmem:s15], [sflag:$0x1] =	stream.indirect.gather [hbm4b:s4+s14], $0x80, s1, s14, $0xb8;
	[tilespmem:$0x1E4C0] =	vst v63  }
0x93: {  	_ =	swait.ge [sflag:s19], $0x4000  }
0x94: {  	[sflag:s19] =	ssyncset.done $0x0  }
0x95: {  	[sflag:s19] =	ssyncadd.s32 $0xFFFFC000  }
0x96: {  	[spmem:s2] =	stream.indirect.scatter.add.f32 [tilespmem:s16], [sflag:$0x4], $0x80, s25, s14, $0xb8;
	[tilespmem:$0x1E4C0] =	vst v63  }
0x97: {  	_ =	swait.ge [sflag:s21], $0x4000  }
0x98: {  	[sflag:s21] =	ssyncset.done $0x0  }
0x99: {  	s0 =	sadd.s32 $0x380, s0;
	[sflag:s21] =	ssyncadd.s32 $0xFFFFC000  }
0x9a: {  	[tilespmem:s16], [sflag:$0x2] =	stream.indirect.gather [hbm4b:s4+s14], $0x80, s0, s14, $0xb8;
	[tilespmem:$0x1E4C0] =	vst v63  }
0x9b: {  	_ =	swait.ge [sflag:s17], $0x4000  }
0x9c: {  	[sflag:s17] =	ssyncset.done $0x0  }
0x9d: {  	[sflag:s17] =	ssyncadd.s32 $0xFFFFC000  }
0x9e: {  	[spmem:s2] =	stream.indirect.scatter.add.f32 [tilespmem:s15], [sflag:$0x3], $0x80, s26, s14, $0xb8;
	[tilespmem:$0x1E4C0] =	vst v63  }
0x9f: {  	_ =	swait.ge [sflag:s19], $0x4000  }
0xa0: {  	[sflag:s19] =	ssyncset.done $0x0  }
0xa1: {  	[sflag:s19] =	ssyncadd.s32 $0xFFFFC000  }
0xa2: {  	[spmem:s2] =	stream.indirect.scatter.add.f32 [tilespmem:s16], [sflag:$0x4], $0x80, s28, s14, $0xb8;
	[tilespmem:$0x1E4C0] =	vst v63  }
.Ltmp0:
0xa3: {  	_ =	swait.ge [sflag:s18], $0x4000;
	(pc) =	sbr.rel @p1 .LBB2_2-.Ltmp0, $4  }
0xa4: {  	[sflag:s18] =	ssyncset.done $0x0  }
0xa5: {  	[sflag:s18] =	ssyncadd.s32 $0xFFFFC000  }
0xa6: {  	_ =	swait.ge [sflag:s21], $0x4000  }
0xa7: {  	[sflag:s21] =	ssyncset.done $0x0  }
0xa8: {  	s29 =	sadd.s32 $0x1, s29  }
0xa9: {  	[sflag:s21] =	ssyncadd.s32 $0xFFFFC000;
	p1 =	sne.s32 s29, s8  }
.Ltmp1:
0xaa: {  	s0 =	simm.s32 @!p0 $0x5;
	[bflag:$0x0] =	sbarrier.arrive $0xFFFF;
	(pc) =	sbr.rel @p1 .LBB2_1-.Ltmp1, $4  }
0xab: {  	[hbm:s7], [sflag:s11] =	dma.local @!p0 [spmem:s12], $0x3E80  }
0xac: {  	_ =	swait.ge @!p0 [sflag:s0], $0x3E80  }
0xad: {  	[sflag:s0] =	ssyncset.done @!p0 $0x0  }
0xae: {  	[sflag:s0] =	ssyncadd.s32 @!p0 $0xFFFFC180  }
0xaf: {  	_ =	sfence.sel $0x180000  }
0xb0: {  	[bflag:$0x0] =	sbarrier.arrive $0xFFFF  }
0xb1: {  	_ =	strace $0x9000004D  }
0xb2: {  	s0 =	stileid.u32;
	[bflag:$0x2] =	sbarrier.arrive $0xFFFF  }
0xb3: {  	p0 =	sne.s32 s0, $0x0;
	s0 =	rddreg [dreg:$0x3]  }
0xb4: {  	s0 =	sadd.s32 @!p0 $0x100000, s0  }
0xb5: {  	[sflag:s0] =	ssyncadd.tile.s32 @!p0 $0x1;
	_ =	shalt  }
.Lfunc_end2:
_tile_overlayer_lowered:
.L_overlay_start_2:
0xb6: {  	(tag) =	ssettag $0x2  }
0xb7: {  	s0 =	rddreg [dreg:$0x0];
	s2 =	stileid.u32  }
0xb8: {  	s1 =	rddreg [dreg:$0x1];
	p0 =	sne.s32 s2, $0x0  }
0xb9: {  	s3 =	rddreg [dreg:$0x2];
	[bflag:$0x3] =	sbarrier.arrive $0xFFFF;
	s2 =	simm.s32 @!p0 $0x1C05  }
0xba: {  	[timem:s3], [sflag:s2] =	dma.local @!p0 [hbm:s0], s1  }
0xbb: {  	s0 =	simm.s32 @!p0 $0x5  }
0xbc: {  	_ =	swait.ge @!p0 [sflag:s0], s1  }
0xbd: {  	s1 =	ssub.s32 @!p0 $0x0, s1;
	[sflag:s0] =	ssyncset.done @!p0 $0x0  }
0xbe: {  	[sflag:s0] =	ssyncadd.s32 @!p0 s1  }
0xbf: {  	[bflag:$0x3] =	sbarrier.arrive $0xFFFF  }
0xc0: {  	_ =	shalt  }

// kernel: kernel.23.cloned.1.call-start
scs
__scs_entry_jumppad:
0x0: {  	(pc) =	sbr.rel $0x88, $3  }
0x1: {  	(tag) =	ssettag $0x0;
	lr =	simm.s32 $0x1  }
0x2: {  	[smem:$0x3F93] =	sst lr;
	_ =	strace $0xD0000000  }
0x3: {  	_ = 	snop  }
0x4: {  	_ = 	snop  }
0x5: {  	_ = 	snop  }
0x6: {  	_ = 	snop  }
0x7: {  	_ = 	snop  }
__scs_overlays_trampoline_lowered:
0x8: {  	[smem:$0x3FA2] =	sst s0  }
0x9: {  	[smem:$0x3FA3] =	sst s1  }
0xa: {  	[smem:$0x3FA4] =	sst s2  }
0xb: {  	[smem:$0x3FA5] =	sst s3  }
0xc: {  	[smem:$0x3FA6] =	sst s4  }
0xd: {  	[smem:$0x3FA7] =	sst s5  }
0xe: {  	[smem:$0x3FA8] =	sst s6  }
0xf: {  	[smem:$0x3FA9] =	sst s7  }
0x10: {  	[smem:$0x3FAA] =	sst s8  }
0x11: {  	[smem:$0x3FAB] =	sst s9;
	s0 =	simm.s32 @!p0 $0x0  }
0x12: {  	s1 =	sld [smem:$0x3F91];
	s0 =	simm.s32 @p0 $0x1  }
0x13: {  	[smem:$0x3FAC] =	sst s0;
	s0 =	simm.s32 @!p1 $0x0  }
0x14: {  	s2 =	sld [smem:$0x3F90];
	s0 =	simm.s32 @p1 $0x1  }
0x15: {  	[smem:$0x3FAD] =	sst s0;
	s0 =	simm.s32 @!p2 $0x0  }
0x16: {  	s3 =	sld [smem:$0x3FDB];
	s0 =	simm.s32 @p2 $0x1  }
0x17: {  	s4 =	simm.s32 $0x1BF5;
	[smem:$0x3FAF] =	sst s0  }
0x18: {  	s0 =	sld [smem:$0x3F92];
	_ =	swait.ge [sflag:s4], $0x0  }
0x19: {  	s7 =	sld [smem:$0x3F93]  }
0x1a: {  	s8 =	sadd.s32 $0xFFFFE003, lr  }
0x1b: {  	s9 =	sadd.s32 $0xFFFFFEF7, lr;
	s5 =	simm.s32 $0xFFFFFFFF;
	p2 =	slt.u32 s8, $0xFFFFF086  }
0x1c: {  	p1 =	slt.u32 s9, $0xF7A;
	s5 =	simm.s32 @!p2 $0x0  }
0x1d: {  	s5 =	simm.s32 @p1 $0x1;
	p0 =	seq.s32 s7, s2  }
0x1e: {  	s7 =	smul.u32 @!p0 $0xF7A, s2;
	p2 =	seq.s32 @!p0 s5, $0x0  }
0x1f: {  	s9 =	smul.u32 $0xF7A, s1;
	s8 =	simm.s32 @!p0 $0x1BF5;
	p2 =	por !p2, p0  }
0x20: {  	[sflag:s8] =	ssyncset.s32 @!p0 $0xFFFFF086;
	s6 =	sadd.s32 @!p0 s3, s7;
	s7 =	simm.s32 @!p0 $0x108  }
0x21: {  	s3 =	sadd.s32 s3, s9;
	s6 =	sadd.s32 @!p0 $0x88, s6;
	s7 =	simm.s32 @p2 $0x1082  }
0x22: {  	[simem:s7], [sflag:s8] =	dma.local @!p0 [hbm:s6], $0xF7A  }
0x23: {  	s9 =	sor.u32 $0xD0000000, s2;
	s6 =	simm.s32 $0x108;
	_ =	swait.ge @!p0 [sflag:s8], $0x0  }
0x24: {  	s3 =	sadd.s32 $0x88, s3;
	s6 =	simm.s32 @!p1 $0x1082;
	[sflag:s4] =	ssyncset.s32 $0xFFFFF086  }
0x25: {  	[simem:s6], [sflag:s4] =	dma.local [hbm:s3], $0xF7A  }
0x26: {  	[smem:$0x3F93] =	sst s1;
	(tag) =	ssettag s2;
	_ =	strace s9  }
0x27: {  	s1 =	sld [smem:$0x3FA3]  }
0x28: {  	s2 =	sld [smem:$0x3FA4]  }
0x29: {  	s4 =	sld [smem:$0x3FA6]  }
0x2a: {  	p0 =	seq.s32 s5, $0x0;
	s5 =	sld [smem:$0x3FA7]  }
0x2b: {  	s6 =	sld [smem:$0x3FA8]  }
0x2c: {  	s7 =	sld [smem:$0x3FA9]  }
0x2d: {  	s3 =	simm.s32 $0x108;
	s8 =	sld [smem:$0x3FAA]  }
0x2e: {  	s3 =	simm.s32 @!p0 $0x1082;
	s9 =	sld [smem:$0x3FAB]  }
0x2f: {  	lr =	sadd.s32 s0, s3;
	s0 =	sld [smem:$0x3FA2]  }
0x30: {  	s3 =	sld [smem:$0x3FA5]  }
0x31: {  	[smem:$0x3FAE] =	sst s10  }
0x32: {  	s10 =	sld [smem:$0x3FAC];
	_ =	sdelay $0x3  }
0x33: {  	p0 =	seq.s32 s10, $0x1;
	s10 =	sld [smem:$0x3FAE];
	_ =	sdelay $0x3  }
0x34: {  	[smem:$0x3FAE] =	sst s10  }
0x35: {  	s10 =	sld [smem:$0x3FAD];
	_ =	sdelay $0x3  }
0x36: {  	p1 =	seq.s32 s10, $0x1;
	s10 =	sld [smem:$0x3FAE];
	_ =	sdelay $0x3  }
0x37: {  	[smem:$0x3FAE] =	sst s10  }
0x38: {  	s10 =	sld [smem:$0x3FAF]  }
0x39: {  	_ = 	snop;
	(pc) =	sbr.ind lr, $3  }
0x3a: {  	_ = 	snop  }
0x3b: {  	_ = 	snop  }
0x3c: {  	p2 =	seq.s32 s10, $0x1;
	s10 =	sld [smem:$0x3FAE]  }
0x3d: {  	_ =	shalt  }
0x3e: {  	_ =	shalt  }
0x3f: {  	_ =	shalt  }
0x40: {  	_ =	shalt  }
0x41: {  	_ =	shalt  }
0x42: {  	_ =	shalt  }
0x43: {  	_ =	shalt  }
0x44: {  	_ =	shalt  }
0x45: {  	_ =	shalt  }
0x46: {  	_ =	shalt  }
0x47: {  	_ =	shalt  }
0x48: {  	_ =	shalt  }
0x49: {  	_ =	shalt  }
0x4a: {  	_ =	shalt  }
0x4b: {  	_ =	shalt  }
0x4c: {  	_ =	shalt  }
0x4d: {  	_ =	shalt  }
0x4e: {  	_ =	shalt  }
0x4f: {  	_ =	shalt  }
0x50: {  	_ =	shalt  }
0x51: {  	_ =	shalt  }
0x52: {  	_ =	shalt  }
0x53: {  	_ =	shalt  }
0x54: {  	_ =	shalt  }
0x55: {  	_ =	shalt  }
0x56: {  	_ =	shalt  }
0x57: {  	_ =	shalt  }
0x58: {  	_ =	shalt  }
0x59: {  	_ =	shalt  }
0x5a: {  	_ =	shalt  }
0x5b: {  	_ =	shalt  }
0x5c: {  	_ =	shalt  }
0x5d: {  	_ =	shalt  }
0x5e: {  	_ =	shalt  }
0x5f: {  	_ =	shalt  }
0x60: {  	_ =	shalt  }
0x61: {  	_ =	shalt  }
0x62: {  	_ =	shalt  }
0x63: {  	_ =	shalt  }
0x64: {  	_ =	shalt  }
0x65: {  	_ =	shalt  }
0x66: {  	_ =	shalt  }
0x67: {  	_ =	shalt  }
0x68: {  	_ =	shalt  }
0x69: {  	_ =	shalt  }
0x6a: {  	_ =	shalt  }
0x6b: {  	_ =	shalt  }
0x6c: {  	_ =	shalt  }
0x6d: {  	_ =	shalt  }
0x6e: {  	_ =	shalt  }
0x6f: {  	_ =	shalt  }
0x70: {  	_ =	shalt  }
0x71: {  	_ =	shalt  }
0x72: {  	_ =	shalt  }
0x73: {  	_ =	shalt  }
0x74: {  	_ =	shalt  }
0x75: {  	_ =	shalt  }
0x76: {  	_ =	shalt  }
0x77: {  	_ =	shalt  }
0x78: {  	_ =	shalt  }
0x79: {  	_ =	shalt  }
0x7a: {  	_ =	shalt  }
0x7b: {  	_ =	shalt  }
0x7c: {  	_ =	shalt  }
0x7d: {  	_ =	shalt  }
0x7e: {  	_ =	shalt  }
0x7f: {  	_ =	shalt  }
0x80: {  	_ =	shalt  }
0x81: {  	_ =	shalt  }
0x82: {  	_ =	shalt  }
0x83: {  	_ =	shalt  }
0x84: {  	_ =	shalt  }
0x85: {  	_ =	shalt  }
0x86: {  	_ =	shalt  }
0x87: {  	_ =	shalt  }
.Lfunc_end0:
.L_simem_size_0:
called_computation.3_lowered:
.L_overlay_start_0:
0x88: {  	s2 =	sld [smem:$0x3FD9]  }
0x89: {  	s3 =	sld [smem:$0x3FFE];
	_ =	sdelay $0x1  }
0x8a: {  	s1 =	srdreg.scid  }
0x8b: {  	s0 =	sand.u32 $0x1, s1  }
0x8c: {  	s17 =	sshll.u32 s0, $0xA;
	s2 =	sadd.s32 s3, s2  }
0x8d: {  	s2 =	sadd.s32 s2, s17  }
0x8e: {  	[smem:$0x3FBA] =	sst s2  }
0x8f: {  	_ = 	snop  }
0x90: {  	s2 =	sld [smem:$0x3FD0];
	(tm) =	ssettm $0x1  }
0x91: {  	s18 =	sld [smem:$0x3FFB];
	_ =	sdelay $0x3  }
0x92: {  	_ =	strace s18  }
0x93: {  	s3 =	sld [smem:$0x3FFC];
	_ =	sdelay $0x3  }
0x94: {  	_ =	strace s3  }
0x95: {  	s3 =	sld [smem:$0x3FFD];
	_ =	sdelay $0x3  }
0x96: {  	_ =	strace s3  }
0x97: {  	_ =	strace $0x8FFFFFFF  }
0x98: {  	s19 =	sld [smem:$0x3FDB];
	_ =	sdelay $0x1  }
0x99: {  	s4 =	simm.s32 $_scs_section_size  }
0x9a: {  	s5 =	simm.s32 $_size__tile_overlayer_lowered;
	s6 =	simm.s32 $_tile_overlayer_lowered  }
0x9b: {  	s22 =	simm.s32 $0x1BFF;
	s21 =	sshll.u32 s6, $0x1;
	s3 =	sadd.s32 s4, s19  }
0x9c: {  	s7 =	simm.s32 $0x0;
	s20 =	sshll.u32 s5, $0x1;
	s5 =	sadd.s32 s21, s3  }
0x9d: {  	[timem:s7], [sflag:s22] =	dma.local [hbm:s5], s20  }
0x9e: {  	_ =	swait.ge [sflag:s22], s20  }
0x9f: {  	s4 =	ssub.s32 $0x0, s20;
	[sflag:s22] =	ssyncset.done $0x0  }
0xa0: {  	[sflag:s22] =	ssyncadd.s32 s4;
	_ =	sdelay $0x1  }
0xa1: {  	s23 =	simm.s32 $0x1B8B  }
0xa2: {  	_ =	swait.ge [sflag:s23], $0x1  }
0xa3: {  	[sflag:s23] =	ssyncset.done $0x0  }
0xa4: {  	s25 =	simm.s32 $0x1B8E;
	s24 =	sld [smem:$0x3FFE];
	[sflag:s23] =	ssyncadd.s32 $0xFFFFFFFF  }
0xa5: {  	s26 =	simm.s32 $execute0_lowered;
	[smem:$0x3FD2] =	sst s25  }
0xa6: {  	s5 =	sshll.u32 s26, $0x1;
	_ =	strace $0x8000004F;
	[dreg:$0x1] =	wrdreg $0xFFFFFFFF  }
0xa7: {  	s28 =	simm.s32 $_size_execute0_lowered;
	s3 =	sadd.s32 s3, s5;
	[dreg:$0x0] =	wrdreg $0x0  }
0xa8: {  	s5 =	sshll.u32 s28, $0x1;
	[dreg:$0x2] =	wrdreg s3  }
0xa9: {  	[dreg:$0x3] =	wrdreg s5  }
0xaa: {  	[dreg:$0x4] =	wrdreg $0xC0  }
0xab: {  	_ =	task [dreg:s7], $0x5FFFF  }
0xac: {  	[dreg:$0x1] =	wrdreg $0xFFFFFFFF  }
0xad: {  	[dreg:$0x0] =	wrdreg $0x60  }
0xae: {  	[dreg:$0x2] =	wrdreg s24  }
0xaf: {  	[dreg:$0x3] =	wrdreg s2  }
0xb0: {  	[dreg:$0x4] =	wrdreg $0xAC000  }
0xb1: {  	[dreg:$0x5] =	wrdreg $0x9  }
0xb2: {  	_ =	task.clear_ibuf [dreg:s7], $0x6FFFF;
	_ =	strace $0x9000004F  }
0xb3: {  	s29 =	simm.s32 $0x9;
	_ =	strace $0x80000051  }
0xb4: {  	_ =	swait.ge [sflag:s29], $0x1  }
0xb5: {  	[sflag:s29] =	ssyncadd.s32 $0xFFFFFFFF  }
0xb6: {  	_ =	strace $0x90000051  }
0xb7: {  	_ =	sfence  }
0xb8: {  	s30 =	sld [smem:$0x0];
	_ =	sdelay $0x2  }
0xb9: {  	s31 =	sshll.u32 s1, $0xD;
	s1 =	sshrl.u32 s1, $0x2  }
0xba: {  	s3 =	sand.u32 $0x4000, s31;
	s1 =	sadd.s32 s1, s30  }
0xbb: {  	s0 =	sor.u32 s3, s0;
	s1 =	sshll.u32 s1, $0x11  }
0xbc: {  	s0 =	sor.u32 s1, s0  }
0xbd: {  	s0 =	sadd.s32 $0x8F2B, s0  }
0xbe: {  	[sflag:s0] =	ssyncadd.remote.s32 $0x1  }
0xbf: {  	_ =	sfence.sel $0xFFFF  }
0xc0: {  	[dreg:$0x0] =	wrdreg $0xFFFFFFFF;
	(pc) =	sbr.abs _section_cstart, $3  }
0xc1: {  	[dreg:$0x1] =	wrdreg $0xFFFFFFFF  }
0xc2: {  	_ =	task.clear_ibuf [dreg:s7], $0x2FFFF;
	_ =	strace $0x9FFFFFFF  }
0xc3: {  	(tm) =	ssettm $0x7FFFFFFF  }
tec
execute0_lowered:
.L_overlay_start_1:
0x0: {  	(tag) =	ssettag $0x1  }
0x1: {  	s0 =	rddreg [dreg:$0x0]  }
0x2: {  	s6 =	rddreg [dreg:$0x1]  }
0x3: {  	s2 =	rddreg [dreg:$0x2];
	s1 =	srdreg.scid  }
0x4: {  	s3 =	simm.s32 $0x0;
	s14 =	simm.s32 $0x80;
	s15 =	simm.s32 $0x2C00  }
0x5: {  	s16 =	simm.s32 $0x6C00;
	s17 =	simm.s32 $0x1;
	s18 =	simm.s32 $0x3  }
0x6: {  	s19 =	simm.s32 $0x2;
	s20 =	simm.s32 $0x2880;
	s5 =	sand.u32 $0x1, s1  }
0x7: {  	s21 =	simm.s32 $0x4;
	s1 =	stileid.u32;
	s7 =	smul.u32 $0x28000, s5  }
0x8: {  	s22 =	simm.s32 $0x2900;
	s23 =	simm.s32 $0x2980;
	s8 =	smul.u32 $0x2800, s1  }
0x9: {  	s28 =	simm.s32 $0x2B80;
	s29 =	simm.s32 $0x0;
	s24 =	smul.u32 $0x138800, s5  }
0xa: {  	[smem:$0x7FF] =	sst s3;
	s4 =	sshll.u32 s5, $0x4;
	s10 =	smul.u32 $0x1F400, s1  }
0xb: {  	_ =	strace $0x80000050;
	s5 =	ssub.s32 $0x2, s5;
	s26 =	smul.u32 $0x7D000, s1  }
0xc: {  	s12 =	smul.u32 $0x3E80, s1;
	p0 =	sgt.u32 s1, $0x9;
	s4 =	sor.u32 s1, s4  }
0xd: {  	s30 =	sshrl.u32 s5, $0x1;
	s4 =	smul.u32 $0x2800, s4;
	s7 =	sadd.s32 s8, s7  }
0xe: {  	s25 =	sadd.s32 s10, s24;
	s10 =	ssub.s32 s5, s30;
	s31 =	sshrl.u32 s26, $0x2  }
0xf: {  	s6 =	sadd.s32 s6, s12;
	s24 =	simm.s32 $0x2A00;
	s26 =	simm.s32 $0x2B00  }
0x10: {  	s7 =	sshrl.u32 s7, $0x3;
	s13 =	sadd.s32 s31, s2;
	s8 =	smax.u32 s10, $0x1  }
0x11: {  	s10 =	simm.s32 $0x5;
	s9 =	sshrl.u32 s4, $0x3;
	s4 =	sadd.s32 $0xF400, s0  }
0x12: {  	s11 =	sadd.s32 s7, s0;
	s7 =	sshrl.u32 s25, $0x3;
	s12 =	sshrl.u32 @!p0 s13, $0x3  }
0x13: {  	s13 =	simm.s32 $0x2800;
	s9 =	sadd.s32 s9, s0;
	s0 =	sadd.s32 s7, s0  }
0x14: {  	s25 =	simm.s32 $0x2A80;
	s7 =	sadd.s32 $0x67E00, s0;
	s0 =	sshll.u32 @!p0 s1, $0x6  }
0x15: {  	s5 =	sadd.s32 $0x5DE00, s9;
	s9 =	sadd.s32 $0x5400, s11;
	s11 =	sor.u32 @!p0 $0x1C05, s0  }
.LBB2_1:
0x16: {  	[tilespmem:s3], [sflag:$0x5] =	stream.linear.gather [hbm4b:s5+s3], $0x2800, $0x38;
	[tilespmem:$0x1E4C0] =	vst v63  }
0x17: {  	_ =	swait.ge [sflag:s10], $0x2800  }
0x18: {  	[sflag:s10] =	ssyncset.done $0x0  }
0x19: {  	s0 =	simm.s32 @!p0 $0x5;
	[sflag:s10] =	ssyncadd.s32 $0xFFFFD800  }
0x1a: {  	[spmem:s12], [sflag:s11] =	dma.local @!p0 [hbm:s6], $0x3E80  }
0x1b: {  	_ =	swait.ge @!p0 [sflag:s0], $0x3E80  }
0x1c: {  	[sflag:s0] =	ssyncset.done @!p0 $0x0  }
0x1d: {  	[sflag:s0] =	ssyncadd.s32 @!p0 $0xFFFFC180  }
0x1e: {  	[bflag:$0x0] =	sbarrier.arrive $0xFFFF  }
0x1f: {  	[tilespmem:s13], [sflag:$0x5] =	stream.linear.gather [hbm4b:s9+s3], $0x400, $0x38;
	[tilespmem:$0x1E4C0] =	vst v63  }
0x20: {  	_ =	swait.ge [sflag:s10], $0x400  }
0x21: {  	[sflag:s10] =	ssyncset.done $0x0  }
0x22: {  	s1 =	simm.s32 $0x0;
	[sflag:s10] =	ssyncadd.s32 $0xFFFFFC00  }
0x23: {  	[tilespmem:s15], [sflag:$0x1] =	stream.indirect.gather [hbm4b:s4+s14], $0x80, s1, s14, $0xb8;
	[tilespmem:$0x1E4C0] =	vst v63  }
0x24: {  	s1 =	simm.s32 $0x80  }
0x25: {  	[tilespmem:s16], [sflag:$0x2] =	stream.indirect.gather [hbm4b:s4+s14], $0x80, s1, s14, $0xb8;
	[tilespmem:$0x1E4C0] =	vst v63  }
0x26: {  	_ =	swait.ge [sflag:s17], $0x4000  }
0x27: {  	[sflag:s17] =	ssyncset.done $0x0  }
0x28: {  	[sflag:s17] =	ssyncadd.s32 $0xFFFFC000  }
0x29: {  	[spmem:s2] =	stream.indirect.scatter.add.f32 [tilespmem:s15], [sflag:$0x3], $0x80, s13, s14, $0xb8;
	[tilespmem:$0x1E4C0] =	vst v63  }
0x2a: {  	_ =	swait.ge [sflag:s18], $0x4000  }
0x2b: {  	[sflag:s18] =	ssyncset.done $0x0  }
0x2c: {  	s1 =	simm.s32 $0x100;
	[sflag:s18] =	ssyncadd.s32 $0xFFFFC000  }
0x2d: {  	[tilespmem:s15], [sflag:$0x1] =	stream.indirect.gather [hbm4b:s4+s14], $0x80, s1, s14, $0xb8;
	[tilespmem:$0x1E4C0] =	vst v63  }
0x2e: {  	_ =	swait.ge [sflag:s19], $0x4000  }
0x2f: {  	[sflag:s19] =	ssyncset.done $0x0  }
0x30: {  	[sflag:s19] =	ssyncadd.s32 $0xFFFFC000  }
0x31: {  	[spmem:s2] =	stream.indirect.scatter.add.f32 [tilespmem:s16], [sflag:$0x4], $0x80, s20, s14, $0xb8;
	[tilespmem:$0x1E4C0] =	vst v63  }
0x32: {  	_ =	swait.ge [sflag:s21], $0x4000  }
0x33: {  	[sflag:s21] =	ssyncset.done $0x0  }
0x34: {  	s1 =	simm.s32 $0x180;
	[sflag:s21] =	ssyncadd.s32 $0xFFFFC000  }
0x35: {  	[tilespmem:s16], [sflag:$0x2] =	stream.indirect.gather [hbm4b:s4+s14], $0x80, s1, s14, $0xb8;
	[tilespmem:$0x1E4C0] =	vst v63  }
0x36: {  	_ =	swait.ge [sflag:s17], $0x4000  }
0x37: {  	[sflag:s17] =	ssyncset.done $0x0  }
0x38: {  	[sflag:s17] =	ssyncadd.s32 $0xFFFFC000  }
0x39: {  	[spmem:s2] =	stream.indirect.scatter.add.f32 [tilespmem:s15], [sflag:$0x3], $0x80, s22, s14, $0xb8;
	[tilespmem:$0x1E4C0] =	vst v63  }
0x3a: {  	_ =	swait.ge [sflag:s18], $0x4000  }
0x3b: {  	[sflag:s18] =	ssyncset.done $0x0  }
0x3c: {  	s1 =	simm.s32 $0x200;
	[sflag:s18] =	ssyncadd.s32 $0xFFFFC000  }
0x3d: {  	[tilespmem:s15], [sflag:$0x1] =	stream.indirect.gather [hbm4b:s4+s14], $0x80, s1, s14, $0xb8;
	[tilespmem:$0x1E4C0] =	vst v63  }
0x3e: {  	_ =	swait.ge [sflag:s19], $0x4000  }
0x3f: {  	[sflag:s19] =	ssyncset.done $0x0  }
0x40: {  	[sflag:s19] =	ssyncadd.s32 $0xFFFFC000  }
0x41: {  	[spmem:s2] =	stream.indirect.scatter.add.f32 [tilespmem:s16], [sflag:$0x4], $0x80, s23, s14, $0xb8;
	[tilespmem:$0x1E4C0] =	vst v63  }
0x42: {  	_ =	swait.ge [sflag:s21], $0x4000  }
0x43: {  	[sflag:s21] =	ssyncset.done $0x0  }
0x44: {  	s1 =	simm.s32 $0x280;
	[sflag:s21] =	ssyncadd.s32 $0xFFFFC000  }
0x45: {  	[tilespmem:s16], [sflag:$0x2] =	stream.indirect.gather [hbm4b:s4+s14], $0x80, s1, s14, $0xb8;
	[tilespmem:$0x1E4C0] =	vst v63  }
0x46: {  	_ =	swait.ge [sflag:s17], $0x4000  }
0x47: {  	[sflag:s17] =	ssyncset.done $0x0  }
0x48: {  	[sflag:s17] =	ssyncadd.s32 $0xFFFFC000  }
0x49: {  	[spmem:s2] =	stream.indirect.scatter.add.f32 [tilespmem:s15], [sflag:$0x3], $0x80, s24, s14, $0xb8;
	[tilespmem:$0x1E4C0] =	vst v63  }
0x4a: {  	_ =	swait.ge [sflag:s18], $0x4000  }
0x4b: {  	[sflag:s18] =	ssyncset.done $0x0  }
0x4c: {  	s1 =	simm.s32 $0x300;
	[sflag:s18] =	ssyncadd.s32 $0xFFFFC000  }
0x4d: {  	[tilespmem:s15], [sflag:$0x1] =	stream.indirect.gather [hbm4b:s4+s14], $0x80, s1, s14, $0xb8;
	[tilespmem:$0x1E4C0] =	vst v63  }
0x4e: {  	_ =	swait.ge [sflag:s19], $0x4000  }
0x4f: {  	[sflag:s19] =	ssyncset.done $0x0  }
0x50: {  	[sflag:s19] =	ssyncadd.s32 $0xFFFFC000  }
0x51: {  	[spmem:s2] =	stream.indirect.scatter.add.f32 [tilespmem:s16], [sflag:$0x4], $0x80, s25, s14, $0xb8;
	[tilespmem:$0x1E4C0] =	vst v63  }
0x52: {  	_ =	swait.ge [sflag:s21], $0x4000  }
0x53: {  	[sflag:s21] =	ssyncset.done $0x0  }
0x54: {  	s1 =	simm.s32 $0x380;
	[sflag:s21] =	ssyncadd.s32 $0xFFFFC000  }
0x55: {  	[tilespmem:s16], [sflag:$0x2] =	stream.indirect.gather [hbm4b:s4+s14], $0x80, s1, s14, $0xb8;
	[tilespmem:$0x1E4C0] =	vst v63  }
0x56: {  	_ =	swait.ge [sflag:s17], $0x4000  }
0x57: {  	[sflag:s17] =	ssyncset.done $0x0  }
0x58: {  	[sflag:s17] =	ssyncadd.s32 $0xFFFFC000  }
0x59: {  	[spmem:s2] =	stream.indirect.scatter.add.f32 [tilespmem:s15], [sflag:$0x3], $0x80, s26, s14, $0xb8;
	[tilespmem:$0x1E4C0] =	vst v63  }
0x5a: {  	_ =	swait.ge [sflag:s19], $0x4000  }
0x5b: {  	[sflag:s19] =	ssyncset.done $0x0  }
0x5c: {  	[sflag:s19] =	ssyncadd.s32 $0xFFFFC000  }
0x5d: {  	[spmem:s2] =	stream.indirect.scatter.add.f32 [tilespmem:s16], [sflag:$0x4], $0x80, s28, s14, $0xb8;
	[tilespmem:$0x1E4C0] =	vst v63  }
0x5e: {  	_ =	swait.ge [sflag:s18], $0x4000  }
0x5f: {  	[sflag:s18] =	ssyncset.done $0x0  }
0x60: {  	[sflag:s18] =	ssyncadd.s32 $0xFFFFC000  }
0x61: {  	_ =	swait.ge [sflag:s21], $0x4000  }
0x62: {  	s30 =	simm.s32 $0x1000;
	s31 =	smov.u32 s9;
	[sflag:s21] =	ssyncset.done $0x0  }
.LBB2_2:
0x63: {  	p1 =	sne.s32 s30, $0x9000;
	[sflag:s21] =	ssyncadd.s32 $0xFFFFC000;
	s31 =	sadd.s32 $0x80, s31  }
0x64: {  	[tilespmem:s13], [sflag:$0x5] =	stream.linear.gather [hbm4b:s31+s3], $0x400, $0x38;
	[tilespmem:$0x1E4C0] =	vst v63  }
0x65: {  	s0 =	smov.u32 s30;
	s30 =	sadd.s32 $0x1000, s30;
	_ =	swait.ge [sflag:s10], $0x400  }
0x66: {  	[sflag:s10] =	ssyncset.done $0x0  }
0x67: {  	s0 =	sshra.s32 s0, $0x2;
	[sflag:s10] =	ssyncadd.s32 $0xFFFFFC00  }
0x68: {  	[tilespmem:s15], [sflag:$0x1] =	stream.indirect.gather [hbm4b:s4+s14], $0x80, s0, s14, $0xb8;
	[tilespmem:$0x1E4C0] =	vst v63  }
0x69: {  	s1 =	sadd.s32 $0x80, s0  }
0x6a: {  	[tilespmem:s16], [sflag:$0x2] =	stream.indirect.gather [hbm4b:s4+s14], $0x80, s1, s14, $0xb8;
	[tilespmem:$0x1E4C0] =	vst v63  }
0x6b: {  	_ =	swait.ge [sflag:s17], $0x4000  }
0x6c: {  	[sflag:s17] =	ssyncset.done $0x0  }
0x6d: {  	[sflag:s17] =	ssyncadd.s32 $0xFFFFC000  }
0x6e: {  	[spmem:s2] =	stream.indirect.scatter.add.f32 [tilespmem:s15], [sflag:$0x3], $0x80, s13, s14, $0xb8;
	[tilespmem:$0x1E4C0] =	vst v63  }
0x6f: {  	_ =	swait.ge [sflag:s18], $0x4000  }
0x70: {  	[sflag:s18] =	ssyncset.done $0x0  }
0x71: {  	s1 =	sadd.s32 $0x100, s0;
	[sflag:s18] =	ssyncadd.s32 $0xFFFFC000  }
0x72: {  	[tilespmem:s15], [sflag:$0x1] =	stream.indirect.gather [hbm4b:s4+s14], $0x80, s1, s14, $0xb8;
	[tilespmem:$0x1E4C0] =	vst v63  }
0x73: {  	_ =	swait.ge [sflag:s19], $0x4000  }
0x74: {  	[sflag:s19] =	ssyncset.done $0x0  }
0x75: {  	[sflag:s19] =	ssyncadd.s32 $0xFFFFC000  }
0x76: {  	[spmem:s2] =	stream.indirect.scatter.add.f32 [tilespmem:s16], [sflag:$0x4], $0x80, s20, s14, $0xb8;
	[tilespmem:$0x1E4C0] =	vst v63  }
0x77: {  	_ =	swait.ge [sflag:s21], $0x4000  }
0x78: {  	[sflag:s21] =	ssyncset.done $0x0  }
0x79: {  	s1 =	sadd.s32 $0x180, s0;
	[sflag:s21] =	ssyncadd.s32 $0xFFFFC000  }
0x7a: {  	[tilespmem:s16], [sflag:$0x2] =	stream.indirect.gather [hbm4b:s4+s14], $0x80, s1, s14, $0xb8;
	[tilespmem:$0x1E4C0] =	vst v63  }
0x7b: {  	_ =	swait.ge [sflag:s17], $0x4000  }
0x7c: {  	[sflag:s17] =	ssyncset.done $0x0  }
0x7d: {  	[sflag:s17] =	ssyncadd.s32 $0xFFFFC000  }
0x7e: {  	[spmem:s2] =	stream.indirect.scatter.add.f32 [tilespmem:s15], [sflag:$0x3], $0x80, s22, s14, $0xb8;
	[tilespmem:$0x1E4C0] =	vst v63  }
0x7f: {  	_ =	swait.ge [sflag:s18], $0x4000  }
0x80: {  	[sflag:s18] =	ssyncset.done $0x0  }
0x81: {  	s1 =	sadd.s32 $0x200, s0;
	[sflag:s18] =	ssyncadd.s32 $0xFFFFC000  }
0x82: {  	[tilespmem:s15], [sflag:$0x1] =	stream.indirect.gather [hbm4b:s4+s14], $0x80, s1, s14, $0xb8;
	[tilespmem:$0x1E4C0] =	vst v63  }
0x83: {  	_ =	swait.ge [sflag:s19], $0x4000  }
0x84: {  	[sflag:s19] =	ssyncset.done $0x0  }
0x85: {  	[sflag:s19] =	ssyncadd.s32 $0xFFFFC000  }
0x86: {  	[spmem:s2] =	stream.indirect.scatter.add.f32 [tilespmem:s16], [sflag:$0x4], $0x80, s23, s14, $0xb8;
	[tilespmem:$0x1E4C0] =	vst v63  }
0x87: {  	_ =	swait.ge [sflag:s21], $0x4000  }
0x88: {  	[sflag:s21] =	ssyncset.done $0x0  }
0x89: {  	s1 =	sadd.s32 $0x280, s0;
	[sflag:s21] =	ssyncadd.s32 $0xFFFFC000  }
0x8a: {  	[tilespmem:s16], [sflag:$0x2] =	stream.indirect.gather [hbm4b:s4+s14], $0x80, s1, s14, $0xb8;
	[tilespmem:$0x1E4C0] =	vst v63  }
0x8b: {  	_ =	swait.ge [sflag:s17], $0x4000  }
0x8c: {  	[sflag:s17] =	ssyncset.done $0x0  }
0x8d: {  	[sflag:s17] =	ssyncadd.s32 $0xFFFFC000  }
0x8e: {  	[spmem:s2] =	stream.indirect.scatter.add.f32 [tilespmem:s15], [sflag:$0x3], $0x80, s24, s14, $0xb8;
	[tilespmem:$0x1E4C0] =	vst v63  }
0x8f: {  	_ =	swait.ge [sflag:s18], $0x4000  }
0x90: {  	[sflag:s18] =	ssyncset.done $0x0  }
0x91: {  	s1 =	sadd.s32 $0x300, s0;
	[sflag:s18] =	ssyncadd.s32 $0xFFFFC000  }
0x92: {  	[tilespmem:s15], [sflag:$0x1] =	stream.indirect.gather [hbm4b:s4+s14], $0x80, s1, s14, $0xb8;
	[tilespmem:$0x1E4C0] =	vst v63  }
0x93: {  	_ =	swait.ge [sflag:s19], $0x4000  }
0x94: {  	[sflag:s19] =	ssyncset.done $0x0  }
0x95: {  	[sflag:s19] =	ssyncadd.s32 $0xFFFFC000  }
0x96: {  	[spmem:s2] =	stream.indirect.scatter.add.f32 [tilespmem:s16], [sflag:$0x4], $0x80, s25, s14, $0xb8;
	[tilespmem:$0x1E4C0] =	vst v63  }
0x97: {  	_ =	swait.ge [sflag:s21], $0x4000  }
0x98: {  	[sflag:s21] =	ssyncset.done $0x0  }
0x99: {  	s0 =	sadd.s32 $0x380, s0;
	[sflag:s21] =	ssyncadd.s32 $0xFFFFC000  }
0x9a: {  	[tilespmem:s16], [sflag:$0x2] =	stream.indirect.gather [hbm4b:s4+s14], $0x80, s0, s14, $0xb8;
	[tilespmem:$0x1E4C0] =	vst v63  }
0x9b: {  	_ =	swait.ge [sflag:s17], $0x4000  }
0x9c: {  	[sflag:s17] =	ssyncset.done $0x0  }
0x9d: {  	[sflag:s17] =	ssyncadd.s32 $0xFFFFC000  }
0x9e: {  	[spmem:s2] =	stream.indirect.scatter.add.f32 [tilespmem:s15], [sflag:$0x3], $0x80, s26, s14, $0xb8;
	[tilespmem:$0x1E4C0] =	vst v63  }
0x9f: {  	_ =	swait.ge [sflag:s19], $0x4000  }
0xa0: {  	[sflag:s19] =	ssyncset.done $0x0  }
0xa1: {  	[sflag:s19] =	ssyncadd.s32 $0xFFFFC000  }
0xa2: {  	[spmem:s2] =	stream.indirect.scatter.add.f32 [tilespmem:s16], [sflag:$0x4], $0x80, s28, s14, $0xb8;
	[tilespmem:$0x1E4C0] =	vst v63  }
.Ltmp0:
0xa3: {  	_ =	swait.ge [sflag:s18], $0x4000;
	(pc) =	sbr.rel @p1 .LBB2_2-.Ltmp0, $4  }
0xa4: {  	[sflag:s18] =	ssyncset.done $0x0  }
0xa5: {  	[sflag:s18] =	ssyncadd.s32 $0xFFFFC000  }
0xa6: {  	_ =	swait.ge [sflag:s21], $0x4000  }
0xa7: {  	[sflag:s21] =	ssyncset.done $0x0  }
0xa8: {  	s29 =	sadd.s32 $0x1, s29  }
0xa9: {  	[sflag:s21] =	ssyncadd.s32 $0xFFFFC000;
	p1 =	sne.s32 s29, s8  }
.Ltmp1:
0xaa: {  	s0 =	simm.s32 @!p0 $0x5;
	[bflag:$0x0] =	sbarrier.arrive $0xFFFF;
	(pc) =	sbr.rel @p1 .LBB2_1-.Ltmp1, $4  }
0xab: {  	[hbm:s7], [sflag:s11] =	dma.local @!p0 [spmem:s12], $0x3E80  }
0xac: {  	_ =	swait.ge @!p0 [sflag:s0], $0x3E80  }
0xad: {  	[sflag:s0] =	ssyncset.done @!p0 $0x0  }
0xae: {  	[sflag:s0] =	ssyncadd.s32 @!p0 $0xFFFFC180  }
0xaf: {  	_ =	sfence.sel $0x180000  }
0xb0: {  	[bflag:$0x0] =	sbarrier.arrive $0xFFFF  }
0xb1: {  	_ =	strace $0x90000050  }
0xb2: {  	s0 =	stileid.u32;
	[bflag:$0x2] =	sbarrier.arrive $0xFFFF  }
0xb3: {  	p0 =	sne.s32 s0, $0x0;
	s0 =	rddreg [dreg:$0x3]  }
0xb4: {  	s0 =	sadd.s32 @!p0 $0x100000, s0  }
0xb5: {  	[sflag:s0] =	ssyncadd.tile.s32 @!p0 $0x1;
	_ =	shalt  }
.Lfunc_end2:
_tile_overlayer_lowered:
.L_overlay_start_2:
0xb6: {  	(tag) =	ssettag $0x2  }
0xb7: {  	s0 =	rddreg [dreg:$0x0];
	s2 =	stileid.u32  }
0xb8: {  	s1 =	rddreg [dreg:$0x1];
	p0 =	sne.s32 s2, $0x0  }
0xb9: {  	s3 =	rddreg [dreg:$0x2];
	[bflag:$0x3] =	sbarrier.arrive $0xFFFF;
	s2 =	simm.s32 @!p0 $0x1C05  }
0xba: {  	[timem:s3], [sflag:s2] =	dma.local @!p0 [hbm:s0], s1  }
0xbb: {  	s0 =	simm.s32 @!p0 $0x5  }
0xbc: {  	_ =	swait.ge @!p0 [sflag:s0], s1  }
0xbd: {  	s1 =	ssub.s32 @!p0 $0x0, s1;
	[sflag:s0] =	ssyncset.done @!p0 $0x0  }
0xbe: {  	[sflag:s0] =	ssyncadd.s32 @!p0 s1  }
0xbf: {  	[bflag:$0x3] =	sbarrier.arrive $0xFFFF  }
0xc0: {  	_ =	shalt  }

// kernel: kernel.26.cloned.1.call-start
scs
__scs_entry_jumppad:
0x0: {  	(pc) =	sbr.rel $0x88, $3  }
0x1: {  	(tag) =	ssettag $0x0;
	lr =	simm.s32 $0x1  }
0x2: {  	[smem:$0x3F93] =	sst lr;
	_ =	strace $0xD0000000  }
0x3: {  	_ = 	snop  }
0x4: {  	_ = 	snop  }
0x5: {  	_ = 	snop  }
0x6: {  	_ = 	snop  }
0x7: {  	_ = 	snop  }
__scs_overlays_trampoline_lowered:
0x8: {  	[smem:$0x3FA2] =	sst s0  }
0x9: {  	[smem:$0x3FA3] =	sst s1  }
0xa: {  	[smem:$0x3FA4] =	sst s2  }
0xb: {  	[smem:$0x3FA5] =	sst s3  }
0xc: {  	[smem:$0x3FA6] =	sst s4  }
0xd: {  	[smem:$0x3FA7] =	sst s5  }
0xe: {  	[smem:$0x3FA8] =	sst s6  }
0xf: {  	[smem:$0x3FA9] =	sst s7  }
0x10: {  	[smem:$0x3FAA] =	sst s8  }
0x11: {  	[smem:$0x3FAB] =	sst s9;
	s0 =	simm.s32 @!p0 $0x0  }
0x12: {  	s1 =	sld [smem:$0x3F91];
	s0 =	simm.s32 @p0 $0x1  }
0x13: {  	[smem:$0x3FAC] =	sst s0;
	s0 =	simm.s32 @!p1 $0x0  }
0x14: {  	s2 =	sld [smem:$0x3F90];
	s0 =	simm.s32 @p1 $0x1  }
0x15: {  	[smem:$0x3FAD] =	sst s0;
	s0 =	simm.s32 @!p2 $0x0  }
0x16: {  	s3 =	sld [smem:$0x3FDB];
	s0 =	simm.s32 @p2 $0x1  }
0x17: {  	s4 =	simm.s32 $0x1BF5;
	[smem:$0x3FAF] =	sst s0  }
0x18: {  	s0 =	sld [smem:$0x3F92];
	_ =	swait.ge [sflag:s4], $0x0  }
0x19: {  	s7 =	sld [smem:$0x3F93]  }
0x1a: {  	s8 =	sadd.s32 $0xFFFFE003, lr  }
0x1b: {  	s9 =	sadd.s32 $0xFFFFFEF7, lr;
	s5 =	simm.s32 $0xFFFFFFFF;
	p2 =	slt.u32 s8, $0xFFFFF086  }
0x1c: {  	p1 =	slt.u32 s9, $0xF7A;
	s5 =	simm.s32 @!p2 $0x0  }
0x1d: {  	s5 =	simm.s32 @p1 $0x1;
	p0 =	seq.s32 s7, s2  }
0x1e: {  	s7 =	smul.u32 @!p0 $0xF7A, s2;
	p2 =	seq.s32 @!p0 s5, $0x0  }
0x1f: {  	s9 =	smul.u32 $0xF7A, s1;
	s8 =	simm.s32 @!p0 $0x1BF5;
	p2 =	por !p2, p0  }
0x20: {  	[sflag:s8] =	ssyncset.s32 @!p0 $0xFFFFF086;
	s6 =	sadd.s32 @!p0 s3, s7;
	s7 =	simm.s32 @!p0 $0x108  }
0x21: {  	s3 =	sadd.s32 s3, s9;
	s6 =	sadd.s32 @!p0 $0x88, s6;
	s7 =	simm.s32 @p2 $0x1082  }
0x22: {  	[simem:s7], [sflag:s8] =	dma.local @!p0 [hbm:s6], $0xF7A  }
0x23: {  	s9 =	sor.u32 $0xD0000000, s2;
	s6 =	simm.s32 $0x108;
	_ =	swait.ge @!p0 [sflag:s8], $0x0  }
0x24: {  	s3 =	sadd.s32 $0x88, s3;
	s6 =	simm.s32 @!p1 $0x1082;
	[sflag:s4] =	ssyncset.s32 $0xFFFFF086  }
0x25: {  	[simem:s6], [sflag:s4] =	dma.local [hbm:s3], $0xF7A  }
0x26: {  	[smem:$0x3F93] =	sst s1;
	(tag) =	ssettag s2;
	_ =	strace s9  }
0x27: {  	s1 =	sld [smem:$0x3FA3]  }
0x28: {  	s2 =	sld [smem:$0x3FA4]  }
0x29: {  	s4 =	sld [smem:$0x3FA6]  }
0x2a: {  	p0 =	seq.s32 s5, $0x0;
	s5 =	sld [smem:$0x3FA7]  }
0x2b: {  	s6 =	sld [smem:$0x3FA8]  }
0x2c: {  	s7 =	sld [smem:$0x3FA9]  }
0x2d: {  	s3 =	simm.s32 $0x108;
	s8 =	sld [smem:$0x3FAA]  }
0x2e: {  	s3 =	simm.s32 @!p0 $0x1082;
	s9 =	sld [smem:$0x3FAB]  }
0x2f: {  	lr =	sadd.s32 s0, s3;
	s0 =	sld [smem:$0x3FA2]  }
0x30: {  	s3 =	sld [smem:$0x3FA5]  }
0x31: {  	[smem:$0x3FAE] =	sst s10  }
0x32: {  	s10 =	sld [smem:$0x3FAC];
	_ =	sdelay $0x3  }
0x33: {  	p0 =	seq.s32 s10, $0x1;
	s10 =	sld [smem:$0x3FAE];
	_ =	sdelay $0x3  }
0x34: {  	[smem:$0x3FAE] =	sst s10  }
0x35: {  	s10 =	sld [smem:$0x3FAD];
	_ =	sdelay $0x3  }
0x36: {  	p1 =	seq.s32 s10, $0x1;
	s10 =	sld [smem:$0x3FAE];
	_ =	sdelay $0x3  }
0x37: {  	[smem:$0x3FAE] =	sst s10  }
0x38: {  	s10 =	sld [smem:$0x3FAF]  }
0x39: {  	_ = 	snop;
	(pc) =	sbr.ind lr, $3  }
0x3a: {  	_ = 	snop  }
0x3b: {  	_ = 	snop  }
0x3c: {  	p2 =	seq.s32 s10, $0x1;
	s10 =	sld [smem:$0x3FAE]  }
0x3d: {  	_ =	shalt  }
0x3e: {  	_ =	shalt  }
0x3f: {  	_ =	shalt  }
0x40: {  	_ =	shalt  }
0x41: {  	_ =	shalt  }
0x42: {  	_ =	shalt  }
0x43: {  	_ =	shalt  }
0x44: {  	_ =	shalt  }
0x45: {  	_ =	shalt  }
0x46: {  	_ =	shalt  }
0x47: {  	_ =	shalt  }
0x48: {  	_ =	shalt  }
0x49: {  	_ =	shalt  }
0x4a: {  	_ =	shalt  }
0x4b: {  	_ =	shalt  }
0x4c: {  	_ =	shalt  }
0x4d: {  	_ =	shalt  }
0x4e: {  	_ =	shalt  }
0x4f: {  	_ =	shalt  }
0x50: {  	_ =	shalt  }
0x51: {  	_ =	shalt  }
0x52: {  	_ =	shalt  }
0x53: {  	_ =	shalt  }
0x54: {  	_ =	shalt  }
0x55: {  	_ =	shalt  }
0x56: {  	_ =	shalt  }
0x57: {  	_ =	shalt  }
0x58: {  	_ =	shalt  }
0x59: {  	_ =	shalt  }
0x5a: {  	_ =	shalt  }
0x5b: {  	_ =	shalt  }
0x5c: {  	_ =	shalt  }
0x5d: {  	_ =	shalt  }
0x5e: {  	_ =	shalt  }
0x5f: {  	_ =	shalt  }
0x60: {  	_ =	shalt  }
0x61: {  	_ =	shalt  }
0x62: {  	_ =	shalt  }
0x63: {  	_ =	shalt  }
0x64: {  	_ =	shalt  }
0x65: {  	_ =	shalt  }
0x66: {  	_ =	shalt  }
0x67: {  	_ =	shalt  }
0x68: {  	_ =	shalt  }
0x69: {  	_ =	shalt  }
0x6a: {  	_ =	shalt  }
0x6b: {  	_ =	shalt  }
0x6c: {  	_ =	shalt  }
0x6d: {  	_ =	shalt  }
0x6e: {  	_ =	shalt  }
0x6f: {  	_ =	shalt  }
0x70: {  	_ =	shalt  }
0x71: {  	_ =	shalt  }
0x72: {  	_ =	shalt  }
0x73: {  	_ =	shalt  }
0x74: {  	_ =	shalt  }
0x75: {  	_ =	shalt  }
0x76: {  	_ =	shalt  }
0x77: {  	_ =	shalt  }
0x78: {  	_ =	shalt  }
0x79: {  	_ =	shalt  }
0x7a: {  	_ =	shalt  }
0x7b: {  	_ =	shalt  }
0x7c: {  	_ =	shalt  }
0x7d: {  	_ =	shalt  }
0x7e: {  	_ =	shalt  }
0x7f: {  	_ =	shalt  }
0x80: {  	_ =	shalt  }
0x81: {  	_ =	shalt  }
0x82: {  	_ =	shalt  }
0x83: {  	_ =	shalt  }
0x84: {  	_ =	shalt  }
0x85: {  	_ =	shalt  }
0x86: {  	_ =	shalt  }
0x87: {  	_ =	shalt  }
.Lfunc_end0:
.L_simem_size_0:
called_computation.4_lowered:
.L_overlay_start_0:
0x88: {  	s2 =	sld [smem:$0x3FD9]  }
0x89: {  	s3 =	sld [smem:$0x3FFE];
	_ =	sdelay $0x1  }
0x8a: {  	s1 =	srdreg.scid  }
0x8b: {  	s0 =	sand.u32 $0x1, s1  }
0x8c: {  	s17 =	sshll.u32 s0, $0xA;
	s2 =	sadd.s32 s3, s2  }
0x8d: {  	s2 =	sadd.s32 s2, s17  }
0x8e: {  	[smem:$0x3FBA] =	sst s2  }
0x8f: {  	_ = 	snop  }
0x90: {  	s2 =	sld [smem:$0x3FD0];
	(tm) =	ssettm $0x1  }
0x91: {  	s18 =	sld [smem:$0x3FFB];
	_ =	sdelay $0x3  }
0x92: {  	_ =	strace s18  }
0x93: {  	s3 =	sld [smem:$0x3FFC];
	_ =	sdelay $0x3  }
0x94: {  	_ =	strace s3  }
0x95: {  	s3 =	sld [smem:$0x3FFD];
	_ =	sdelay $0x3  }
0x96: {  	_ =	strace s3  }
0x97: {  	_ =	strace $0x8FFFFFFF  }
0x98: {  	s19 =	sld [smem:$0x3FDB];
	_ =	sdelay $0x1  }
0x99: {  	s4 =	simm.s32 $_scs_section_size  }
0x9a: {  	s5 =	simm.s32 $_size__tile_overlayer_lowered;
	s6 =	simm.s32 $_tile_overlayer_lowered  }
0x9b: {  	s22 =	simm.s32 $0x1BFF;
	s21 =	sshll.u32 s6, $0x1;
	s3 =	sadd.s32 s4, s19  }
0x9c: {  	s7 =	simm.s32 $0x0;
	s20 =	sshll.u32 s5, $0x1;
	s5 =	sadd.s32 s21, s3  }
0x9d: {  	[timem:s7], [sflag:s22] =	dma.local [hbm:s5], s20  }
0x9e: {  	_ =	swait.ge [sflag:s22], s20  }
0x9f: {  	s4 =	ssub.s32 $0x0, s20;
	[sflag:s22] =	ssyncset.done $0x0  }
0xa0: {  	[sflag:s22] =	ssyncadd.s32 s4;
	_ =	sdelay $0x1  }
0xa1: {  	s23 =	simm.s32 $0x1B8B  }
0xa2: {  	_ =	swait.ge [sflag:s23], $0x1  }
0xa3: {  	[sflag:s23] =	ssyncset.done $0x0  }
0xa4: {  	s25 =	simm.s32 $0x1B8E;
	s24 =	sld [smem:$0x3FFE];
	[sflag:s23] =	ssyncadd.s32 $0xFFFFFFFF  }
0xa5: {  	s26 =	simm.s32 $execute0_lowered;
	[smem:$0x3FD2] =	sst s25  }
0xa6: {  	s5 =	sshll.u32 s26, $0x1;
	_ =	strace $0x80000052;
	[dreg:$0x1] =	wrdreg $0xFFFFFFFF  }
0xa7: {  	s28 =	simm.s32 $_size_execute0_lowered;
	s3 =	sadd.s32 s3, s5;
	[dreg:$0x0] =	wrdreg $0x0  }
0xa8: {  	s5 =	sshll.u32 s28, $0x1;
	[dreg:$0x2] =	wrdreg s3  }
0xa9: {  	[dreg:$0x3] =	wrdreg s5  }
0xaa: {  	[dreg:$0x4] =	wrdreg $0xC0  }
0xab: {  	_ =	task [dreg:s7], $0x5FFFF  }
0xac: {  	[dreg:$0x1] =	wrdreg $0xFFFFFFFF  }
0xad: {  	[dreg:$0x0] =	wrdreg $0x60  }
0xae: {  	[dreg:$0x2] =	wrdreg s24  }
0xaf: {  	[dreg:$0x3] =	wrdreg s2  }
0xb0: {  	[dreg:$0x4] =	wrdreg $0xAC000  }
0xb1: {  	[dreg:$0x5] =	wrdreg $0x9  }
0xb2: {  	_ =	task.clear_ibuf [dreg:s7], $0x6FFFF;
	_ =	strace $0x90000052  }
0xb3: {  	s29 =	simm.s32 $0x9;
	_ =	strace $0x80000054  }
0xb4: {  	_ =	swait.ge [sflag:s29], $0x1  }
0xb5: {  	[sflag:s29] =	ssyncadd.s32 $0xFFFFFFFF  }
0xb6: {  	_ =	strace $0x90000054  }
0xb7: {  	_ =	sfence  }
0xb8: {  	s30 =	sld [smem:$0x0];
	_ =	sdelay $0x2  }
0xb9: {  	s31 =	sshll.u32 s1, $0xD;
	s1 =	sshrl.u32 s1, $0x2  }
0xba: {  	s3 =	sand.u32 $0x4000, s31;
	s1 =	sadd.s32 s1, s30  }
0xbb: {  	s0 =	sor.u32 s3, s0;
	s1 =	sshll.u32 s1, $0x11  }
0xbc: {  	s0 =	sor.u32 s1, s0  }
0xbd: {  	s0 =	sadd.s32 $0x8F2B, s0  }
0xbe: {  	[sflag:s0] =	ssyncadd.remote.s32 $0x1  }
0xbf: {  	_ =	sfence.sel $0xFFFF  }
0xc0: {  	[dreg:$0x0] =	wrdreg $0xFFFFFFFF;
	(pc) =	sbr.abs _section_cstart, $3  }
0xc1: {  	[dreg:$0x1] =	wrdreg $0xFFFFFFFF  }
0xc2: {  	_ =	task.clear_ibuf [dreg:s7], $0x2FFFF;
	_ =	strace $0x9FFFFFFF  }
0xc3: {  	(tm) =	ssettm $0x7FFFFFFF  }
tec
execute0_lowered:
.L_overlay_start_1:
0x0: {  	(tag) =	ssettag $0x1  }
0x1: {  	s0 =	rddreg [dreg:$0x0]  }
0x2: {  	s6 =	rddreg [dreg:$0x1]  }
0x3: {  	s2 =	rddreg [dreg:$0x2];
	s1 =	srdreg.scid  }
0x4: {  	s3 =	simm.s32 $0x0;
	s14 =	simm.s32 $0x80;
	s15 =	simm.s32 $0x2C00  }
0x5: {  	s16 =	simm.s32 $0x6C00;
	s17 =	simm.s32 $0x1;
	s18 =	simm.s32 $0x3  }
0x6: {  	s19 =	simm.s32 $0x2;
	s20 =	simm.s32 $0x2880;
	s5 =	sand.u32 $0x1, s1  }
0x7: {  	s21 =	simm.s32 $0x4;
	s1 =	stileid.u32;
	s7 =	smul.u32 $0x28000, s5  }
0x8: {  	s22 =	simm.s32 $0x2900;
	s23 =	simm.s32 $0x2980;
	s8 =	smul.u32 $0x2800, s1  }
0x9: {  	s28 =	simm.s32 $0x2B80;
	s29 =	simm.s32 $0x0;
	s24 =	smul.u32 $0x138800, s5  }
0xa: {  	[smem:$0x7FF] =	sst s3;
	s4 =	sshll.u32 s5, $0x4;
	s10 =	smul.u32 $0x1F400, s1  }
0xb: {  	_ =	strace $0x80000053;
	s5 =	ssub.s32 $0x2, s5;
	s26 =	smul.u32 $0x7D000, s1  }
0xc: {  	s12 =	smul.u32 $0x3E80, s1;
	p0 =	sgt.u32 s1, $0x9;
	s4 =	sor.u32 s1, s4  }
0xd: {  	s30 =	sshrl.u32 s5, $0x1;
	s4 =	smul.u32 $0x2800, s4;
	s7 =	sadd.s32 s8, s7  }
0xe: {  	s25 =	sadd.s32 s10, s24;
	s10 =	ssub.s32 s5, s30;
	s31 =	sshrl.u32 s26, $0x2  }
0xf: {  	s6 =	sadd.s32 s6, s12;
	s24 =	simm.s32 $0x2A00;
	s26 =	simm.s32 $0x2B00  }
0x10: {  	s7 =	sshrl.u32 s7, $0x3;
	s13 =	sadd.s32 s31, s2;
	s8 =	smax.u32 s10, $0x1  }
0x11: {  	s10 =	simm.s32 $0x5;
	s9 =	sshrl.u32 s4, $0x3;
	s4 =	sadd.s32 $0xF400, s0  }
0x12: {  	s11 =	sadd.s32 s7, s0;
	s7 =	sshrl.u32 s25, $0x3;
	s12 =	sshrl.u32 @!p0 s13, $0x3  }
0x13: {  	s13 =	simm.s32 $0x2800;
	s9 =	sadd.s32 s9, s0;
	s0 =	sadd.s32 s7, s0  }
0x14: {  	s25 =	simm.s32 $0x2A80;
	s7 =	sadd.s32 $0x67E00, s0;
	s0 =	sshll.u32 @!p0 s1, $0x6  }
0x15: {  	s5 =	sadd.s32 $0x5DE00, s9;
	s9 =	sadd.s32 $0x5400, s11;
	s11 =	sor.u32 @!p0 $0x1C05, s0  }
.LBB2_1:
0x16: {  	[tilespmem:s3], [sflag:$0x5] =	stream.linear.gather [hbm4b:s5+s3], $0x2800, $0x38;
	[tilespmem:$0x1E4C0] =	vst v63  }
0x17: {  	_ =	swait.ge [sflag:s10], $0x2800  }
0x18: {  	[sflag:s10] =	ssyncset.done $0x0  }
0x19: {  	s0 =	simm.s32 @!p0 $0x5;
	[sflag:s10] =	ssyncadd.s32 $0xFFFFD800  }
0x1a: {  	[spmem:s12], [sflag:s11] =	dma.local @!p0 [hbm:s6], $0x3E80  }
0x1b: {  	_ =	swait.ge @!p0 [sflag:s0], $0x3E80  }
0x1c: {  	[sflag:s0] =	ssyncset.done @!p0 $0x0  }
0x1d: {  	[sflag:s0] =	ssyncadd.s32 @!p0 $0xFFFFC180  }
0x1e: {  	[bflag:$0x0] =	sbarrier.arrive $0xFFFF  }
0x1f: {  	[tilespmem:s13], [sflag:$0x5] =	stream.linear.gather [hbm4b:s9+s3], $0x400, $0x38;
	[tilespmem:$0x1E4C0] =	vst v63  }
0x20: {  	_ =	swait.ge [sflag:s10], $0x400  }
0x21: {  	[sflag:s10] =	ssyncset.done $0x0  }
0x22: {  	s1 =	simm.s32 $0x0;
	[sflag:s10] =	ssyncadd.s32 $0xFFFFFC00  }
0x23: {  	[tilespmem:s15], [sflag:$0x1] =	stream.indirect.gather [hbm4b:s4+s14], $0x80, s1, s14, $0xb8;
	[tilespmem:$0x1E4C0] =	vst v63  }
0x24: {  	s1 =	simm.s32 $0x80  }
0x25: {  	[tilespmem:s16], [sflag:$0x2] =	stream.indirect.gather [hbm4b:s4+s14], $0x80, s1, s14, $0xb8;
	[tilespmem:$0x1E4C0] =	vst v63  }
0x26: {  	_ =	swait.ge [sflag:s17], $0x4000  }
0x27: {  	[sflag:s17] =	ssyncset.done $0x0  }
0x28: {  	[sflag:s17] =	ssyncadd.s32 $0xFFFFC000  }
0x29: {  	[spmem:s2] =	stream.indirect.scatter.add.f32 [tilespmem:s15], [sflag:$0x3], $0x80, s13, s14, $0xb8;
	[tilespmem:$0x1E4C0] =	vst v63  }
0x2a: {  	_ =	swait.ge [sflag:s18], $0x4000  }
0x2b: {  	[sflag:s18] =	ssyncset.done $0x0  }
0x2c: {  	s1 =	simm.s32 $0x100;
	[sflag:s18] =	ssyncadd.s32 $0xFFFFC000  }
0x2d: {  	[tilespmem:s15], [sflag:$0x1] =	stream.indirect.gather [hbm4b:s4+s14], $0x80, s1, s14, $0xb8;
	[tilespmem:$0x1E4C0] =	vst v63  }
0x2e: {  	_ =	swait.ge [sflag:s19], $0x4000  }
0x2f: {  	[sflag:s19] =	ssyncset.done $0x0  }
0x30: {  	[sflag:s19] =	ssyncadd.s32 $0xFFFFC000  }
0x31: {  	[spmem:s2] =	stream.indirect.scatter.add.f32 [tilespmem:s16], [sflag:$0x4], $0x80, s20, s14, $0xb8;
	[tilespmem:$0x1E4C0] =	vst v63  }
0x32: {  	_ =	swait.ge [sflag:s21], $0x4000  }
0x33: {  	[sflag:s21] =	ssyncset.done $0x0  }
0x34: {  	s1 =	simm.s32 $0x180;
	[sflag:s21] =	ssyncadd.s32 $0xFFFFC000  }
0x35: {  	[tilespmem:s16], [sflag:$0x2] =	stream.indirect.gather [hbm4b:s4+s14], $0x80, s1, s14, $0xb8;
	[tilespmem:$0x1E4C0] =	vst v63  }
0x36: {  	_ =	swait.ge [sflag:s17], $0x4000  }
0x37: {  	[sflag:s17] =	ssyncset.done $0x0  }
0x38: {  	[sflag:s17] =	ssyncadd.s32 $0xFFFFC000  }
0x39: {  	[spmem:s2] =	stream.indirect.scatter.add.f32 [tilespmem:s15], [sflag:$0x3], $0x80, s22, s14, $0xb8;
	[tilespmem:$0x1E4C0] =	vst v63  }
0x3a: {  	_ =	swait.ge [sflag:s18], $0x4000  }
0x3b: {  	[sflag:s18] =	ssyncset.done $0x0  }
0x3c: {  	s1 =	simm.s32 $0x200;
	[sflag:s18] =	ssyncadd.s32 $0xFFFFC000  }
0x3d: {  	[tilespmem:s15], [sflag:$0x1] =	stream.indirect.gather [hbm4b:s4+s14], $0x80, s1, s14, $0xb8;
	[tilespmem:$0x1E4C0] =	vst v63  }
0x3e: {  	_ =	swait.ge [sflag:s19], $0x4000  }
0x3f: {  	[sflag:s19] =	ssyncset.done $0x0  }
0x40: {  	[sflag:s19] =	ssyncadd.s32 $0xFFFFC000  }
0x41: {  	[spmem:s2] =	stream.indirect.scatter.add.f32 [tilespmem:s16], [sflag:$0x4], $0x80, s23, s14, $0xb8;
	[tilespmem:$0x1E4C0] =	vst v63  }
0x42: {  	_ =	swait.ge [sflag:s21], $0x4000  }
0x43: {  	[sflag:s21] =	ssyncset.done $0x0  }
0x44: {  	s1 =	simm.s32 $0x280;
	[sflag:s21] =	ssyncadd.s32 $0xFFFFC000  }
0x45: {  	[tilespmem:s16], [sflag:$0x2] =	stream.indirect.gather [hbm4b:s4+s14], $0x80, s1, s14, $0xb8;
	[tilespmem:$0x1E4C0] =	vst v63  }
0x46: {  	_ =	swait.ge [sflag:s17], $0x4000  }
0x47: {  	[sflag:s17] =	ssyncset.done $0x0  }
0x48: {  	[sflag:s17] =	ssyncadd.s32 $0xFFFFC000  }
0x49: {  	[spmem:s2] =	stream.indirect.scatter.add.f32 [tilespmem:s15], [sflag:$0x3], $0x80, s24, s14, $0xb8;
	[tilespmem:$0x1E4C0] =	vst v63  }
0x4a: {  	_ =	swait.ge [sflag:s18], $0x4000  }
0x4b: {  	[sflag:s18] =	ssyncset.done $0x0  }
0x4c: {  	s1 =	simm.s32 $0x300;
	[sflag:s18] =	ssyncadd.s32 $0xFFFFC000  }
0x4d: {  	[tilespmem:s15], [sflag:$0x1] =	stream.indirect.gather [hbm4b:s4+s14], $0x80, s1, s14, $0xb8;
	[tilespmem:$0x1E4C0] =	vst v63  }
0x4e: {  	_ =	swait.ge [sflag:s19], $0x4000  }
0x4f: {  	[sflag:s19] =	ssyncset.done $0x0  }
0x50: {  	[sflag:s19] =	ssyncadd.s32 $0xFFFFC000  }
0x51: {  	[spmem:s2] =	stream.indirect.scatter.add.f32 [tilespmem:s16], [sflag:$0x4], $0x80, s25, s14, $0xb8;
	[tilespmem:$0x1E4C0] =	vst v63  }
0x52: {  	_ =	swait.ge [sflag:s21], $0x4000  }
0x53: {  	[sflag:s21] =	ssyncset.done $0x0  }
0x54: {  	s1 =	simm.s32 $0x380;
	[sflag:s21] =	ssyncadd.s32 $0xFFFFC000  }
0x55: {  	[tilespmem:s16], [sflag:$0x2] =	stream.indirect.gather [hbm4b:s4+s14], $0x80, s1, s14, $0xb8;
	[tilespmem:$0x1E4C0] =	vst v63  }
0x56: {  	_ =	swait.ge [sflag:s17], $0x4000  }
0x57: {  	[sflag:s17] =	ssyncset.done $0x0  }
0x58: {  	[sflag:s17] =	ssyncadd.s32 $0xFFFFC000  }
0x59: {  	[spmem:s2] =	stream.indirect.scatter.add.f32 [tilespmem:s15], [sflag:$0x3], $0x80, s26, s14, $0xb8;
	[tilespmem:$0x1E4C0] =	vst v63  }
0x5a: {  	_ =	swait.ge [sflag:s19], $0x4000  }
0x5b: {  	[sflag:s19] =	ssyncset.done $0x0  }
0x5c: {  	[sflag:s19] =	ssyncadd.s32 $0xFFFFC000  }
0x5d: {  	[spmem:s2] =	stream.indirect.scatter.add.f32 [tilespmem:s16], [sflag:$0x4], $0x80, s28, s14, $0xb8;
	[tilespmem:$0x1E4C0] =	vst v63  }
0x5e: {  	_ =	swait.ge [sflag:s18], $0x4000  }
0x5f: {  	[sflag:s18] =	ssyncset.done $0x0  }
0x60: {  	[sflag:s18] =	ssyncadd.s32 $0xFFFFC000  }
0x61: {  	_ =	swait.ge [sflag:s21], $0x4000  }
0x62: {  	s30 =	simm.s32 $0x1000;
	s31 =	smov.u32 s9;
	[sflag:s21] =	ssyncset.done $0x0  }
.LBB2_2:
0x63: {  	p1 =	sne.s32 s30, $0x9000;
	[sflag:s21] =	ssyncadd.s32 $0xFFFFC000;
	s31 =	sadd.s32 $0x80, s31  }
0x64: {  	[tilespmem:s13], [sflag:$0x5] =	stream.linear.gather [hbm4b:s31+s3], $0x400, $0x38;
	[tilespmem:$0x1E4C0] =	vst v63  }
0x65: {  	s0 =	smov.u32 s30;
	s30 =	sadd.s32 $0x1000, s30;
	_ =	swait.ge [sflag:s10], $0x400  }
0x66: {  	[sflag:s10] =	ssyncset.done $0x0  }
0x67: {  	s0 =	sshra.s32 s0, $0x2;
	[sflag:s10] =	ssyncadd.s32 $0xFFFFFC00  }
0x68: {  	[tilespmem:s15], [sflag:$0x1] =	stream.indirect.gather [hbm4b:s4+s14], $0x80, s0, s14, $0xb8;
	[tilespmem:$0x1E4C0] =	vst v63  }
0x69: {  	s1 =	sadd.s32 $0x80, s0  }
0x6a: {  	[tilespmem:s16], [sflag:$0x2] =	stream.indirect.gather [hbm4b:s4+s14], $0x80, s1, s14, $0xb8;
	[tilespmem:$0x1E4C0] =	vst v63  }
0x6b: {  	_ =	swait.ge [sflag:s17], $0x4000  }
0x6c: {  	[sflag:s17] =	ssyncset.done $0x0  }
0x6d: {  	[sflag:s17] =	ssyncadd.s32 $0xFFFFC000  }
0x6e: {  	[spmem:s2] =	stream.indirect.scatter.add.f32 [tilespmem:s15], [sflag:$0x3], $0x80, s13, s14, $0xb8;
	[tilespmem:$0x1E4C0] =	vst v63  }
0x6f: {  	_ =	swait.ge [sflag:s18], $0x4000  }
0x70: {  	[sflag:s18] =	ssyncset.done $0x0  }
0x71: {  	s1 =	sadd.s32 $0x100, s0;
	[sflag:s18] =	ssyncadd.s32 $0xFFFFC000  }
0x72: {  	[tilespmem:s15], [sflag:$0x1] =	stream.indirect.gather [hbm4b:s4+s14], $0x80, s1, s14, $0xb8;
	[tilespmem:$0x1E4C0] =	vst v63  }
0x73: {  	_ =	swait.ge [sflag:s19], $0x4000  }
0x74: {  	[sflag:s19] =	ssyncset.done $0x0  }
0x75: {  	[sflag:s19] =	ssyncadd.s32 $0xFFFFC000  }
0x76: {  	[spmem:s2] =	stream.indirect.scatter.add.f32 [tilespmem:s16], [sflag:$0x4], $0x80, s20, s14, $0xb8;
	[tilespmem:$0x1E4C0] =	vst v63  }
0x77: {  	_ =	swait.ge [sflag:s21], $0x4000  }
0x78: {  	[sflag:s21] =	ssyncset.done $0x0  }
0x79: {  	s1 =	sadd.s32 $0x180, s0;
	[sflag:s21] =	ssyncadd.s32 $0xFFFFC000  }
0x7a: {  	[tilespmem:s16], [sflag:$0x2] =	stream.indirect.gather [hbm4b:s4+s14], $0x80, s1, s14, $0xb8;
	[tilespmem:$0x1E4C0] =	vst v63  }
0x7b: {  	_ =	swait.ge [sflag:s17], $0x4000  }
0x7c: {  	[sflag:s17] =	ssyncset.done $0x0  }
0x7d: {  	[sflag:s17] =	ssyncadd.s32 $0xFFFFC000  }
0x7e: {  	[spmem:s2] =	stream.indirect.scatter.add.f32 [tilespmem:s15], [sflag:$0x3], $0x80, s22, s14, $0xb8;
	[tilespmem:$0x1E4C0] =	vst v63  }
0x7f: {  	_ =	swait.ge [sflag:s18], $0x4000  }
0x80: {  	[sflag:s18] =	ssyncset.done $0x0  }
0x81: {  	s1 =	sadd.s32 $0x200, s0;
	[sflag:s18] =	ssyncadd.s32 $0xFFFFC000  }
0x82: {  	[tilespmem:s15], [sflag:$0x1] =	stream.indirect.gather [hbm4b:s4+s14], $0x80, s1, s14, $0xb8;
	[tilespmem:$0x1E4C0] =	vst v63  }
0x83: {  	_ =	swait.ge [sflag:s19], $0x4000  }
0x84: {  	[sflag:s19] =	ssyncset.done $0x0  }
0x85: {  	[sflag:s19] =	ssyncadd.s32 $0xFFFFC000  }
0x86: {  	[spmem:s2] =	stream.indirect.scatter.add.f32 [tilespmem:s16], [sflag:$0x4], $0x80, s23, s14, $0xb8;
	[tilespmem:$0x1E4C0] =	vst v63  }
0x87: {  	_ =	swait.ge [sflag:s21], $0x4000  }
0x88: {  	[sflag:s21] =	ssyncset.done $0x0  }
0x89: {  	s1 =	sadd.s32 $0x280, s0;
	[sflag:s21] =	ssyncadd.s32 $0xFFFFC000  }
0x8a: {  	[tilespmem:s16], [sflag:$0x2] =	stream.indirect.gather [hbm4b:s4+s14], $0x80, s1, s14, $0xb8;
	[tilespmem:$0x1E4C0] =	vst v63  }
0x8b: {  	_ =	swait.ge [sflag:s17], $0x4000  }
0x8c: {  	[sflag:s17] =	ssyncset.done $0x0  }
0x8d: {  	[sflag:s17] =	ssyncadd.s32 $0xFFFFC000  }
0x8e: {  	[spmem:s2] =	stream.indirect.scatter.add.f32 [tilespmem:s15], [sflag:$0x3], $0x80, s24, s14, $0xb8;
	[tilespmem:$0x1E4C0] =	vst v63  }
0x8f: {  	_ =	swait.ge [sflag:s18], $0x4000  }
0x90: {  	[sflag:s18] =	ssyncset.done $0x0  }
0x91: {  	s1 =	sadd.s32 $0x300, s0;
	[sflag:s18] =	ssyncadd.s32 $0xFFFFC000  }
0x92: {  	[tilespmem:s15], [sflag:$0x1] =	stream.indirect.gather [hbm4b:s4+s14], $0x80, s1, s14, $0xb8;
	[tilespmem:$0x1E4C0] =	vst v63  }
0x93: {  	_ =	swait.ge [sflag:s19], $0x4000  }
0x94: {  	[sflag:s19] =	ssyncset.done $0x0  }
0x95: {  	[sflag:s19] =	ssyncadd.s32 $0xFFFFC000  }
0x96: {  	[spmem:s2] =	stream.indirect.scatter.add.f32 [tilespmem:s16], [sflag:$0x4], $0x80, s25, s14, $0xb8;
	[tilespmem:$0x1E4C0] =	vst v63  }
0x97: {  	_ =	swait.ge [sflag:s21], $0x4000  }
0x98: {  	[sflag:s21] =	ssyncset.done $0x0  }
0x99: {  	s0 =	sadd.s32 $0x380, s0;
	[sflag:s21] =	ssyncadd.s32 $0xFFFFC000  }
0x9a: {  	[tilespmem:s16], [sflag:$0x2] =	stream.indirect.gather [hbm4b:s4+s14], $0x80, s0, s14, $0xb8;
	[tilespmem:$0x1E4C0] =	vst v63  }
0x9b: {  	_ =	swait.ge [sflag:s17], $0x4000  }
0x9c: {  	[sflag:s17] =	ssyncset.done $0x0  }
0x9d: {  	[sflag:s17] =	ssyncadd.s32 $0xFFFFC000  }
0x9e: {  	[spmem:s2] =	stream.indirect.scatter.add.f32 [tilespmem:s15], [sflag:$0x3], $0x80, s26, s14, $0xb8;
	[tilespmem:$0x1E4C0] =	vst v63  }
0x9f: {  	_ =	swait.ge [sflag:s19], $0x4000  }
0xa0: {  	[sflag:s19] =	ssyncset.done $0x0  }
0xa1: {  	[sflag:s19] =	ssyncadd.s32 $0xFFFFC000  }
0xa2: {  	[spmem:s2] =	stream.indirect.scatter.add.f32 [tilespmem:s16], [sflag:$0x4], $0x80, s28, s14, $0xb8;
	[tilespmem:$0x1E4C0] =	vst v63  }
.Ltmp0:
0xa3: {  	_ =	swait.ge [sflag:s18], $0x4000;
	(pc) =	sbr.rel @p1 .LBB2_2-.Ltmp0, $4  }
0xa4: {  	[sflag:s18] =	ssyncset.done $0x0  }
0xa5: {  	[sflag:s18] =	ssyncadd.s32 $0xFFFFC000  }
0xa6: {  	_ =	swait.ge [sflag:s21], $0x4000  }
0xa7: {  	[sflag:s21] =	ssyncset.done $0x0  }
0xa8: {  	s29 =	sadd.s32 $0x1, s29  }
0xa9: {  	[sflag:s21] =	ssyncadd.s32 $0xFFFFC000;
	p1 =	sne.s32 s29, s8  }
.Ltmp1:
0xaa: {  	s0 =	simm.s32 @!p0 $0x5;
	[bflag:$0x0] =	sbarrier.arrive $0xFFFF;
	(pc) =	sbr.rel @p1 .LBB2_1-.Ltmp1, $4  }
0xab: {  	[hbm:s7], [sflag:s11] =	dma.local @!p0 [spmem:s12], $0x3E80  }
0xac: {  	_ =	swait.ge @!p0 [sflag:s0], $0x3E80  }
0xad: {  	[sflag:s0] =	ssyncset.done @!p0 $0x0  }
0xae: {  	[sflag:s0] =	ssyncadd.s32 @!p0 $0xFFFFC180  }
0xaf: {  	_ =	sfence.sel $0x180000  }
0xb0: {  	[bflag:$0x0] =	sbarrier.arrive $0xFFFF  }
0xb1: {  	_ =	strace $0x90000053  }
0xb2: {  	s0 =	stileid.u32;
	[bflag:$0x2] =	sbarrier.arrive $0xFFFF  }
0xb3: {  	p0 =	sne.s32 s0, $0x0;
	s0 =	rddreg [dreg:$0x3]  }
0xb4: {  	s0 =	sadd.s32 @!p0 $0x100000, s0  }
0xb5: {  	[sflag:s0] =	ssyncadd.tile.s32 @!p0 $0x1;
	_ =	shalt  }
.Lfunc_end2:
_tile_overlayer_lowered:
.L_overlay_start_2:
0xb6: {  	(tag) =	ssettag $0x2  }
0xb7: {  	s0 =	rddreg [dreg:$0x0];
	s2 =	stileid.u32  }
0xb8: {  	s1 =	rddreg [dreg:$0x1];
	p0 =	sne.s32 s2, $0x0  }
0xb9: {  	s3 =	rddreg [dreg:$0x2];
	[bflag:$0x3] =	sbarrier.arrive $0xFFFF;
	s2 =	simm.s32 @!p0 $0x1C05  }
0xba: {  	[timem:s3], [sflag:s2] =	dma.local @!p0 [hbm:s0], s1  }
0xbb: {  	s0 =	simm.s32 @!p0 $0x5  }
0xbc: {  	_ =	swait.ge @!p0 [sflag:s0], s1  }
0xbd: {  	s1 =	ssub.s32 @!p0 $0x0, s1;
	[sflag:s0] =	ssyncset.done @!p0 $0x0  }
0xbe: {  	[sflag:s0] =	ssyncadd.s32 @!p0 s1  }
0xbf: {  	[bflag:$0x3] =	sbarrier.arrive $0xFFFF  }
0xc0: {  	_ =	shalt  }

// kernel: kernel.29.cloned.1.call-start
scs
__scs_entry_jumppad:
0x0: {  	(pc) =	sbr.rel $0x88, $3  }
0x1: {  	(tag) =	ssettag $0x0;
	lr =	simm.s32 $0x1  }
0x2: {  	[smem:$0x3F93] =	sst lr;
	_ =	strace $0xD0000000  }
0x3: {  	_ = 	snop  }
0x4: {  	_ = 	snop  }
0x5: {  	_ = 	snop  }
0x6: {  	_ = 	snop  }
0x7: {  	_ = 	snop  }
__scs_overlays_trampoline_lowered:
0x8: {  	[smem:$0x3FA2] =	sst s0  }
0x9: {  	[smem:$0x3FA3] =	sst s1  }
0xa: {  	[smem:$0x3FA4] =	sst s2  }
0xb: {  	[smem:$0x3FA5] =	sst s3  }
0xc: {  	[smem:$0x3FA6] =	sst s4  }
0xd: {  	[smem:$0x3FA7] =	sst s5  }
0xe: {  	[smem:$0x3FA8] =	sst s6  }
0xf: {  	[smem:$0x3FA9] =	sst s7  }
0x10: {  	[smem:$0x3FAA] =	sst s8  }
0x11: {  	[smem:$0x3FAB] =	sst s9;
	s0 =	simm.s32 @!p0 $0x0  }
0x12: {  	s1 =	sld [smem:$0x3F91];
	s0 =	simm.s32 @p0 $0x1  }
0x13: {  	[smem:$0x3FAC] =	sst s0;
	s0 =	simm.s32 @!p1 $0x0  }
0x14: {  	s2 =	sld [smem:$0x3F90];
	s0 =	simm.s32 @p1 $0x1  }
0x15: {  	[smem:$0x3FAD] =	sst s0;
	s0 =	simm.s32 @!p2 $0x0  }
0x16: {  	s3 =	sld [smem:$0x3FDB];
	s0 =	simm.s32 @p2 $0x1  }
0x17: {  	s4 =	simm.s32 $0x1BF5;
	[smem:$0x3FAF] =	sst s0  }
0x18: {  	s0 =	sld [smem:$0x3F92];
	_ =	swait.ge [sflag:s4], $0x0  }
0x19: {  	s7 =	sld [smem:$0x3F93]  }
0x1a: {  	s8 =	sadd.s32 $0xFFFFE003, lr  }
0x1b: {  	s9 =	sadd.s32 $0xFFFFFEF7, lr;
	s5 =	simm.s32 $0xFFFFFFFF;
	p2 =	slt.u32 s8, $0xFFFFF086  }
0x1c: {  	p1 =	slt.u32 s9, $0xF7A;
	s5 =	simm.s32 @!p2 $0x0  }
0x1d: {  	s5 =	simm.s32 @p1 $0x1;
	p0 =	seq.s32 s7, s2  }
0x1e: {  	s7 =	smul.u32 @!p0 $0xF7A, s2;
	p2 =	seq.s32 @!p0 s5, $0x0  }
0x1f: {  	s9 =	smul.u32 $0xF7A, s1;
	s8 =	simm.s32 @!p0 $0x1BF5;
	p2 =	por !p2, p0  }
0x20: {  	[sflag:s8] =	ssyncset.s32 @!p0 $0xFFFFF086;
	s6 =	sadd.s32 @!p0 s3, s7;
	s7 =	simm.s32 @!p0 $0x108  }
0x21: {  	s3 =	sadd.s32 s3, s9;
	s6 =	sadd.s32 @!p0 $0x88, s6;
	s7 =	simm.s32 @p2 $0x1082  }
0x22: {  	[simem:s7], [sflag:s8] =	dma.local @!p0 [hbm:s6], $0xF7A  }
0x23: {  	s9 =	sor.u32 $0xD0000000, s2;
	s6 =	simm.s32 $0x108;
	_ =	swait.ge @!p0 [sflag:s8], $0x0  }
0x24: {  	s3 =	sadd.s32 $0x88, s3;
	s6 =	simm.s32 @!p1 $0x1082;
	[sflag:s4] =	ssyncset.s32 $0xFFFFF086  }
0x25: {  	[simem:s6], [sflag:s4] =	dma.local [hbm:s3], $0xF7A  }
0x26: {  	[smem:$0x3F93] =	sst s1;
	(tag) =	ssettag s2;
	_ =	strace s9  }
0x27: {  	s1 =	sld [smem:$0x3FA3]  }
0x28: {  	s2 =	sld [smem:$0x3FA4]  }
0x29: {  	s4 =	sld [smem:$0x3FA6]  }
0x2a: {  	p0 =	seq.s32 s5, $0x0;
	s5 =	sld [smem:$0x3FA7]  }
0x2b: {  	s6 =	sld [smem:$0x3FA8]  }
0x2c: {  	s7 =	sld [smem:$0x3FA9]  }
0x2d: {  	s3 =	simm.s32 $0x108;
	s8 =	sld [smem:$0x3FAA]  }
0x2e: {  	s3 =	simm.s32 @!p0 $0x1082;
	s9 =	sld [smem:$0x3FAB]  }
0x2f: {  	lr =	sadd.s32 s0, s3;
	s0 =	sld [smem:$0x3FA2]  }
0x30: {  	s3 =	sld [smem:$0x3FA5]  }
0x31: {  	[smem:$0x3FAE] =	sst s10  }
0x32: {  	s10 =	sld [smem:$0x3FAC];
	_ =	sdelay $0x3  }
0x33: {  	p0 =	seq.s32 s10, $0x1;
	s10 =	sld [smem:$0x3FAE];
	_ =	sdelay $0x3  }
0x34: {  	[smem:$0x3FAE] =	sst s10  }
0x35: {  	s10 =	sld [smem:$0x3FAD];
	_ =	sdelay $0x3  }
0x36: {  	p1 =	seq.s32 s10, $0x1;
	s10 =	sld [smem:$0x3FAE];
	_ =	sdelay $0x3  }
0x37: {  	[smem:$0x3FAE] =	sst s10  }
0x38: {  	s10 =	sld [smem:$0x3FAF]  }
0x39: {  	_ = 	snop;
	(pc) =	sbr.ind lr, $3  }
0x3a: {  	_ = 	snop  }
0x3b: {  	_ = 	snop  }
0x3c: {  	p2 =	seq.s32 s10, $0x1;
	s10 =	sld [smem:$0x3FAE]  }
0x3d: {  	_ =	shalt  }
0x3e: {  	_ =	shalt  }
0x3f: {  	_ =	shalt  }
0x40: {  	_ =	shalt  }
0x41: {  	_ =	shalt  }
0x42: {  	_ =	shalt  }
0x43: {  	_ =	shalt  }
0x44: {  	_ =	shalt  }
0x45: {  	_ =	shalt  }
0x46: {  	_ =	shalt  }
0x47: {  	_ =	shalt  }
0x48: {  	_ =	shalt  }
0x49: {  	_ =	shalt  }
0x4a: {  	_ =	shalt  }
0x4b: {  	_ =	shalt  }
0x4c: {  	_ =	shalt  }
0x4d: {  	_ =	shalt  }
0x4e: {  	_ =	shalt  }
0x4f: {  	_ =	shalt  }
0x50: {  	_ =	shalt  }
0x51: {  	_ =	shalt  }
0x52: {  	_ =	shalt  }
0x53: {  	_ =	shalt  }
0x54: {  	_ =	shalt  }
0x55: {  	_ =	shalt  }
0x56: {  	_ =	shalt  }
0x57: {  	_ =	shalt  }
0x58: {  	_ =	shalt  }
0x59: {  	_ =	shalt  }
0x5a: {  	_ =	shalt  }
0x5b: {  	_ =	shalt  }
0x5c: {  	_ =	shalt  }
0x5d: {  	_ =	shalt  }
0x5e: {  	_ =	shalt  }
0x5f: {  	_ =	shalt  }
0x60: {  	_ =	shalt  }
0x61: {  	_ =	shalt  }
0x62: {  	_ =	shalt  }
0x63: {  	_ =	shalt  }
0x64: {  	_ =	shalt  }
0x65: {  	_ =	shalt  }
0x66: {  	_ =	shalt  }
0x67: {  	_ =	shalt  }
0x68: {  	_ =	shalt  }
0x69: {  	_ =	shalt  }
0x6a: {  	_ =	shalt  }
0x6b: {  	_ =	shalt  }
0x6c: {  	_ =	shalt  }
0x6d: {  	_ =	shalt  }
0x6e: {  	_ =	shalt  }
0x6f: {  	_ =	shalt  }
0x70: {  	_ =	shalt  }
0x71: {  	_ =	shalt  }
0x72: {  	_ =	shalt  }
0x73: {  	_ =	shalt  }
0x74: {  	_ =	shalt  }
0x75: {  	_ =	shalt  }
0x76: {  	_ =	shalt  }
0x77: {  	_ =	shalt  }
0x78: {  	_ =	shalt  }
0x79: {  	_ =	shalt  }
0x7a: {  	_ =	shalt  }
0x7b: {  	_ =	shalt  }
0x7c: {  	_ =	shalt  }
0x7d: {  	_ =	shalt  }
0x7e: {  	_ =	shalt  }
0x7f: {  	_ =	shalt  }
0x80: {  	_ =	shalt  }
0x81: {  	_ =	shalt  }
0x82: {  	_ =	shalt  }
0x83: {  	_ =	shalt  }
0x84: {  	_ =	shalt  }
0x85: {  	_ =	shalt  }
0x86: {  	_ =	shalt  }
0x87: {  	_ =	shalt  }
.Lfunc_end0:
.L_simem_size_0:
called_computation.5_lowered:
.L_overlay_start_0:
0x88: {  	s2 =	sld [smem:$0x3FD9]  }
0x89: {  	s3 =	sld [smem:$0x3FFE];
	_ =	sdelay $0x1  }
0x8a: {  	s1 =	srdreg.scid  }
0x8b: {  	s0 =	sand.u32 $0x1, s1  }
0x8c: {  	s17 =	sshll.u32 s0, $0xA;
	s2 =	sadd.s32 s3, s2  }
0x8d: {  	s2 =	sadd.s32 s2, s17  }
0x8e: {  	[smem:$0x3FBA] =	sst s2  }
0x8f: {  	_ = 	snop  }
0x90: {  	s2 =	sld [smem:$0x3FD0];
	(tm) =	ssettm $0x1  }
0x91: {  	s18 =	sld [smem:$0x3FFB];
	_ =	sdelay $0x3  }
0x92: {  	_ =	strace s18  }
0x93: {  	s3 =	sld [smem:$0x3FFC];
	_ =	sdelay $0x3  }
0x94: {  	_ =	strace s3  }
0x95: {  	s3 =	sld [smem:$0x3FFD];
	_ =	sdelay $0x3  }
0x96: {  	_ =	strace s3  }
0x97: {  	_ =	strace $0x8FFFFFFF  }
0x98: {  	s19 =	sld [smem:$0x3FDB];
	_ =	sdelay $0x1  }
0x99: {  	s4 =	simm.s32 $_scs_section_size  }
0x9a: {  	s5 =	simm.s32 $_size__tile_overlayer_lowered;
	s6 =	simm.s32 $_tile_overlayer_lowered  }
0x9b: {  	s22 =	simm.s32 $0x1BFF;
	s21 =	sshll.u32 s6, $0x1;
	s3 =	sadd.s32 s4, s19  }
0x9c: {  	s7 =	simm.s32 $0x0;
	s20 =	sshll.u32 s5, $0x1;
	s5 =	sadd.s32 s21, s3  }
0x9d: {  	[timem:s7], [sflag:s22] =	dma.local [hbm:s5], s20  }
0x9e: {  	_ =	swait.ge [sflag:s22], s20  }
0x9f: {  	s4 =	ssub.s32 $0x0, s20;
	[sflag:s22] =	ssyncset.done $0x0  }
0xa0: {  	[sflag:s22] =	ssyncadd.s32 s4;
	_ =	sdelay $0x1  }
0xa1: {  	s23 =	simm.s32 $0x1B8B  }
0xa2: {  	_ =	swait.ge [sflag:s23], $0x1  }
0xa3: {  	[sflag:s23] =	ssyncset.done $0x0  }
0xa4: {  	s25 =	simm.s32 $0x1B8E;
	s24 =	sld [smem:$0x3FFE];
	[sflag:s23] =	ssyncadd.s32 $0xFFFFFFFF  }
0xa5: {  	s26 =	simm.s32 $execute0_lowered;
	[smem:$0x3FD2] =	sst s25  }
0xa6: {  	s5 =	sshll.u32 s26, $0x1;
	_ =	strace $0x80000055;
	[dreg:$0x1] =	wrdreg $0xFFFFFFFF  }
0xa7: {  	s28 =	simm.s32 $_size_execute0_lowered;
	s3 =	sadd.s32 s3, s5;
	[dreg:$0x0] =	wrdreg $0x0  }
0xa8: {  	s5 =	sshll.u32 s28, $0x1;
	[dreg:$0x2] =	wrdreg s3  }
0xa9: {  	[dreg:$0x3] =	wrdreg s5  }
0xaa: {  	[dreg:$0x4] =	wrdreg $0xC0  }
0xab: {  	_ =	task [dreg:s7], $0x5FFFF  }
0xac: {  	[dreg:$0x1] =	wrdreg $0xFFFFFFFF  }
0xad: {  	[dreg:$0x0] =	wrdreg $0x60  }
0xae: {  	[dreg:$0x2] =	wrdreg s2  }
0xaf: {  	[dreg:$0x3] =	wrdreg s24  }
0xb0: {  	[dreg:$0x4] =	wrdreg $0x9  }
0xb1: {  	_ =	task.clear_ibuf [dreg:s7], $0x5FFFF;
	_ =	strace $0x90000055  }
0xb2: {  	s29 =	simm.s32 $0x9;
	_ =	strace $0x80000057  }
0xb3: {  	_ =	swait.ge [sflag:s29], $0x1  }
0xb4: {  	[sflag:s29] =	ssyncadd.s32 $0xFFFFFFFF  }
0xb5: {  	_ =	strace $0x90000057  }
0xb6: {  	_ =	sfence  }
0xb7: {  	s30 =	sld [smem:$0x0];
	_ =	sdelay $0x2  }
0xb8: {  	s31 =	sshll.u32 s1, $0xD;
	s1 =	sshrl.u32 s1, $0x2  }
0xb9: {  	s3 =	sand.u32 $0x4000, s31;
	s1 =	sadd.s32 s1, s30  }
0xba: {  	s0 =	sor.u32 s3, s0;
	s1 =	sshll.u32 s1, $0x11  }
0xbb: {  	s0 =	sor.u32 s1, s0  }
0xbc: {  	s0 =	sadd.s32 $0x8F2B, s0  }
0xbd: {  	[sflag:s0] =	ssyncadd.remote.s32 $0x1  }
0xbe: {  	_ =	sfence.sel $0xFFFF  }
0xbf: {  	[dreg:$0x0] =	wrdreg $0xFFFFFFFF;
	(pc) =	sbr.abs _section_cstart, $3  }
0xc0: {  	[dreg:$0x1] =	wrdreg $0xFFFFFFFF  }
0xc1: {  	_ =	task.clear_ibuf [dreg:s7], $0x2FFFF;
	_ =	strace $0x9FFFFFFF  }
0xc2: {  	(tm) =	ssettm $0x7FFFFFFF  }
0xc3: {  	_ =	shalt  }
tec
execute0_lowered:
.L_overlay_start_1:
0x0: {  	(tag) =	ssettag $0x1  }
0x1: {  	s1 =	rddreg [dreg:$0x0]  }
0x2: {  	s5 =	rddreg [dreg:$0x1]  }
0x3: {  	s0 =	rddreg [dreg:$0x2];
	s3 =	simm.s32 $0x0  }
0x4: {  	s4 =	srdreg.scid;
	s2 =	stileid.u32;
	s12 =	simm.s32 $0x8000  }
0x5: {  	s13 =	simm.s32 $0xA800;
	s14 =	simm.s32 $0xD000;
	s15 =	simm.s32 $0xF800  }
0x6: {  	s16 =	simm.s32 $0x12000;
	s17 =	simm.s32 $0x1;
	s18 =	simm.s32 $0x2  }
0x7: {  	s19 =	simm.s32 $0x3;
	s20 =	simm.s32 $0x4;
	s21 =	simm.s32 $0x5  }
0x8: {  	s22 =	simm.s32 $0x0;
	[smem:$0x7FF] =	sst s3;
	s6 =	sand.u32 $0x1, s4  }
0x9: {  	s7 =	sshll.u32 s2, $0xC;
	s8 =	smul.u32 $0x4E200, s2;
	s4 =	sadd.s32 $0x5400, s5  }
.Ltmp0:
0xa: {  	_ =	strace $0x80000056;
	s9 =	ssub.s32 $0x2, s6;
	(pc) =	sbr.rel .LBB2_1-.Ltmp0, $4  }
0xb: {  	s7 =	sadd.s32 s7, s5;
	p0 =	seq.s32 s6, $0x1;
	s10 =	sshrl.u32 s9, $0x1  }
0xc: {  	s11 =	sadd.s32 s8, s5;
	s5 =	sadd.s32 $0x36600, s7;
	s6 =	sadd.s32 $0x46600, s7  }
0xd: {  	s31 =	ssub.s32 s9, s10;
	s8 =	sadd.s32 $0x56600, s11;
	s9 =	sadd.s32 $0x538600, s11  }
0xe: {  	s10 =	simm.s32 $0x6;
	s11 =	simm.s32 $0x50;
	s7 =	smax.u32 s31, $0x1  }
.LBB2_7:
0xf: {  	[sflag:s10] =	ssyncadd.s32 $0xFFFFD800  }
.LBB2_8:
0x10: {  	s22 =	sadd.s32 $0x1, s22  }
0x11: {  	p1 =	sne.s32 s22, s7  }
.Ltmp1:
0x12: {  	_ = 	snop;
	(pc) =	sbr.rel @!p1 .LBB2_9-.Ltmp1, $1  }
0x13: {  	_ =	sdelay $0x3  }
.LBB2_1:
.Ltmp2:
0x14: {  	(pc) =	sbr.rel @!p0 .LBB2_2-.Ltmp2, $2  }
0x15: {  	_ =	sdelay $0x2  }
0x16: {  	s23 =	simm.s32 $0x0  }
0x17: {  	[tilespmem:s23], [sflag:$0x6] =	stream.linear.gather [hbm4b:s6+s23], $0x7D00, $0x38;
	[tilespmem:$0x14800] =	vst v63  }
0x18: {  	_ =	swait.ge [sflag:s10], $0x7D00  }
0x19: {  	[sflag:s10] =	ssyncset.done $0x0  }
0x1a: {  	[sflag:s10] =	ssyncadd.s32 $0xFFFF8300  }
0x1b: {  	[tilespmem:s12], [sflag:$0x1] =	stream.indirect.gather [hbm4b:s4+s11], $0x80, s23, s11, $0xb8;
	[tilespmem:$0x14800] =	vst v63  }
0x1c: {  	s24 =	simm.s32 $0x80  }
0x1d: {  	[tilespmem:s13], [sflag:$0x2] =	stream.indirect.gather [hbm4b:s4+s11], $0x80, s24, s11, $0xb8;
	[tilespmem:$0x14800] =	vst v63  }
0x1e: {  	s25 =	simm.s32 $0x100  }
0x1f: {  	[tilespmem:s14], [sflag:$0x3] =	stream.indirect.gather [hbm4b:s4+s11], $0x80, s25, s11, $0xb8;
	[tilespmem:$0x14800] =	vst v63  }
0x20: {  	s26 =	simm.s32 $0x180  }
0x21: {  	[tilespmem:s15], [sflag:$0x4] =	stream.indirect.gather [hbm4b:s4+s11], $0x80, s26, s11, $0xb8;
	[tilespmem:$0x14800] =	vst v63  }
0x22: {  	s28 =	simm.s32 $0x200  }
0x23: {  	[tilespmem:s16], [sflag:$0x5] =	stream.indirect.gather [hbm4b:s4+s11], $0x80, s28, s11, $0xb8;
	[tilespmem:$0x14800] =	vst v63  }
0x24: {  	_ =	swait.ge [sflag:s17], $0x2800  }
0x25: {  	[sflag:s17] =	ssyncset.done $0x0  }
0x26: {  	s29 =	sadd.s32 $0x0, s9;
	[sflag:s17] =	ssyncadd.s32 $0xFFFFD800  }
0x27: {  	[hbm4b:s29+s3] =	stream.linear.scatter [tilespmem:s12], [sflag:$0x6], $0x2800, $0x38;
	[tilespmem:$0x14800] =	vst v63  }
0x28: {  	_ =	swait.ge [sflag:s10], $0x2800  }
0x29: {  	[sflag:s10] =	ssyncset.done $0x0  }
0x2a: {  	[sflag:s10] =	ssyncadd.s32 $0xFFFFD800  }
0x2b: {  	_ =	swait.ge [sflag:s18], $0x2800  }
0x2c: {  	[sflag:s18] =	ssyncset.done $0x0  }
0x2d: {  	s25 =	sadd.s32 $0x500, s29;
	[sflag:s18] =	ssyncadd.s32 $0xFFFFD800  }
0x2e: {  	[hbm4b:s25+s3] =	stream.linear.scatter [tilespmem:s13], [sflag:$0x6], $0x2800, $0x38;
	[tilespmem:$0x14800] =	vst v63  }
0x2f: {  	_ =	swait.ge [sflag:s10], $0x2800  }
0x30: {  	[sflag:s10] =	ssyncset.done $0x0  }
0x31: {  	[sflag:s10] =	ssyncadd.s32 $0xFFFFD800  }
0x32: {  	_ =	swait.ge [sflag:s19], $0x2800  }
0x33: {  	[sflag:s19] =	ssyncset.done $0x0  }
0x34: {  	s30 =	sadd.s32 $0xA00, s29;
	[sflag:s19] =	ssyncadd.s32 $0xFFFFD800  }
0x35: {  	[hbm4b:s30+s3] =	stream.linear.scatter [tilespmem:s14], [sflag:$0x6], $0x2800, $0x38;
	[tilespmem:$0x14800] =	vst v63  }
0x36: {  	_ =	swait.ge [sflag:s10], $0x2800  }
0x37: {  	[sflag:s10] =	ssyncset.done $0x0  }
0x38: {  	[sflag:s10] =	ssyncadd.s32 $0xFFFFD800  }
0x39: {  	_ =	swait.ge [sflag:s20], $0x2800  }
0x3a: {  	[sflag:s20] =	ssyncset.done $0x0  }
0x3b: {  	s31 =	sadd.s32 $0xF00, s29;
	[sflag:s20] =	ssyncadd.s32 $0xFFFFD800  }
0x3c: {  	[hbm4b:s31+s3] =	stream.linear.scatter [tilespmem:s15], [sflag:$0x6], $0x2800, $0x38;
	[tilespmem:$0x14800] =	vst v63  }
0x3d: {  	_ =	swait.ge [sflag:s10], $0x2800  }
0x3e: {  	[sflag:s10] =	ssyncset.done $0x0  }
0x3f: {  	[sflag:s10] =	ssyncadd.s32 $0xFFFFD800  }
0x40: {  	_ =	swait.ge [sflag:s21], $0x2800  }
0x41: {  	[sflag:s21] =	ssyncset.done $0x0  }
0x42: {  	s24 =	sadd.s32 $0x1400, s29;
	[sflag:s21] =	ssyncadd.s32 $0xFFFFD800  }
0x43: {  	[hbm4b:s24+s3] =	stream.linear.scatter [tilespmem:s16], [sflag:$0x6], $0x2800, $0x38;
	[tilespmem:$0x14800] =	vst v63  }
0x44: {  	_ =	swait.ge [sflag:s10], $0x2800  }
0x45: {  	s24 =	simm.s32 $0x1900;
	[sflag:s10] =	ssyncset.done $0x0  }
.LBB2_6:
0x46: {  	p1 =	sne.s32 s24, $0x4C900;
	[sflag:s10] =	ssyncadd.s32 $0xFFFFD800;
	s23 =	sadd.s32 $0x280, s23  }
0x47: {  	[tilespmem:s12], [sflag:$0x1] =	stream.indirect.gather [hbm4b:s4+s11], $0x80, s23, s11, $0xb8;
	[tilespmem:$0x14800] =	vst v63  }
0x48: {  	s26 =	smov.u32 s24;
	s24 =	sadd.s32 $0x1900, s24;
	s25 =	sadd.s32 $0x80, s23  }
0x49: {  	[tilespmem:s13], [sflag:$0x2] =	stream.indirect.gather [hbm4b:s4+s11], $0x80, s25, s11, $0xb8;
	[tilespmem:$0x14800] =	vst v63  }
0x4a: {  	s25 =	sadd.s32 $0x100, s23  }
0x4b: {  	[tilespmem:s14], [sflag:$0x3] =	stream.indirect.gather [hbm4b:s4+s11], $0x80, s25, s11, $0xb8;
	[tilespmem:$0x14800] =	vst v63  }
0x4c: {  	s25 =	sadd.s32 $0x180, s23  }
0x4d: {  	[tilespmem:s15], [sflag:$0x4] =	stream.indirect.gather [hbm4b:s4+s11], $0x80, s25, s11, $0xb8;
	[tilespmem:$0x14800] =	vst v63  }
0x4e: {  	s25 =	sadd.s32 $0x200, s23  }
0x4f: {  	[tilespmem:s16], [sflag:$0x5] =	stream.indirect.gather [hbm4b:s4+s11], $0x80, s25, s11, $0xb8;
	[tilespmem:$0x14800] =	vst v63  }
0x50: {  	_ =	swait.ge [sflag:s17], $0x2800  }
0x51: {  	[sflag:s17] =	ssyncset.done $0x0  }
0x52: {  	s25 =	sadd.s32 s26, s9;
	[sflag:s17] =	ssyncadd.s32 $0xFFFFD800  }
0x53: {  	[hbm4b:s25+s3] =	stream.linear.scatter [tilespmem:s12], [sflag:$0x6], $0x2800, $0x38;
	[tilespmem:$0x14800] =	vst v63  }
0x54: {  	_ =	swait.ge [sflag:s10], $0x2800  }
0x55: {  	[sflag:s10] =	ssyncset.done $0x0  }
0x56: {  	[sflag:s10] =	ssyncadd.s32 $0xFFFFD800  }
0x57: {  	_ =	swait.ge [sflag:s18], $0x2800  }
0x58: {  	[sflag:s18] =	ssyncset.done $0x0  }
0x59: {  	s26 =	sadd.s32 $0x500, s25;
	[sflag:s18] =	ssyncadd.s32 $0xFFFFD800  }
0x5a: {  	[hbm4b:s26+s3] =	stream.linear.scatter [tilespmem:s13], [sflag:$0x6], $0x2800, $0x38;
	[tilespmem:$0x14800] =	vst v63  }
0x5b: {  	_ =	swait.ge [sflag:s10], $0x2800  }
0x5c: {  	[sflag:s10] =	ssyncset.done $0x0  }
0x5d: {  	[sflag:s10] =	ssyncadd.s32 $0xFFFFD800  }
0x5e: {  	_ =	swait.ge [sflag:s19], $0x2800  }
0x5f: {  	[sflag:s19] =	ssyncset.done $0x0  }
0x60: {  	s26 =	sadd.s32 $0xA00, s25;
	[sflag:s19] =	ssyncadd.s32 $0xFFFFD800  }
0x61: {  	[hbm4b:s26+s3] =	stream.linear.scatter [tilespmem:s14], [sflag:$0x6], $0x2800, $0x38;
	[tilespmem:$0x14800] =	vst v63  }
0x62: {  	_ =	swait.ge [sflag:s10], $0x2800  }
0x63: {  	[sflag:s10] =	ssyncset.done $0x0  }
0x64: {  	[sflag:s10] =	ssyncadd.s32 $0xFFFFD800  }
0x65: {  	_ =	swait.ge [sflag:s20], $0x2800  }
0x66: {  	[sflag:s20] =	ssyncset.done $0x0  }
0x67: {  	s26 =	sadd.s32 $0xF00, s25;
	[sflag:s20] =	ssyncadd.s32 $0xFFFFD800  }
0x68: {  	[hbm4b:s26+s3] =	stream.linear.scatter [tilespmem:s15], [sflag:$0x6], $0x2800, $0x38;
	[tilespmem:$0x14800] =	vst v63  }
0x69: {  	_ =	swait.ge [sflag:s10], $0x2800  }
0x6a: {  	[sflag:s10] =	ssyncset.done $0x0  }
0x6b: {  	[sflag:s10] =	ssyncadd.s32 $0xFFFFD800  }
0x6c: {  	_ =	swait.ge [sflag:s21], $0x2800  }
.Ltmp3:
0x6d: {  	[sflag:s21] =	ssyncset.done $0x0;
	(pc) =	sbr.rel @p1 .LBB2_6-.Ltmp3, $4  }
0x6e: {  	s25 =	sadd.s32 $0x1400, s25;
	[sflag:s21] =	ssyncadd.s32 $0xFFFFD800  }
0x6f: {  	[hbm4b:s25+s3] =	stream.linear.scatter [tilespmem:s16], [sflag:$0x6], $0x2800, $0x38;
	[tilespmem:$0x14800] =	vst v63  }
0x70: {  	_ =	swait.ge [sflag:s10], $0x2800  }
0x71: {  	[sflag:s10] =	ssyncset.done $0x0  }
.Ltmp4:
0x72: {  	_ = 	snop;
	(pc) =	sbr.rel .LBB2_7-.Ltmp4, $1  }
0x73: {  	_ =	sdelay $0x3  }
.LBB2_2:
0x74: {  	[tilespmem:s23], [sflag:$0x6] =	stream.linear.gather [hbm4b:s5+s23], $0x7D00, $0x38;
	[tilespmem:$0x14800] =	vst v63  }
0x75: {  	_ =	swait.ge [sflag:s10], $0x7D00  }
0x76: {  	[sflag:s10] =	ssyncset.done $0x0  }
0x77: {  	[sflag:s10] =	ssyncadd.s32 $0xFFFF8300  }
0x78: {  	[tilespmem:s12], [sflag:$0x1] =	stream.indirect.gather [hbm4b:s1+s11], $0x80, s23, s11, $0xb8;
	[tilespmem:$0x14800] =	vst v63  }
0x79: {  	s24 =	simm.s32 $0x80  }
0x7a: {  	[tilespmem:s13], [sflag:$0x2] =	stream.indirect.gather [hbm4b:s1+s11], $0x80, s24, s11, $0xb8;
	[tilespmem:$0x14800] =	vst v63  }
0x7b: {  	s25 =	simm.s32 $0x100  }
0x7c: {  	[tilespmem:s14], [sflag:$0x3] =	stream.indirect.gather [hbm4b:s1+s11], $0x80, s25, s11, $0xb8;
	[tilespmem:$0x14800] =	vst v63  }
0x7d: {  	s26 =	simm.s32 $0x180  }
0x7e: {  	[tilespmem:s15], [sflag:$0x4] =	stream.indirect.gather [hbm4b:s1+s11], $0x80, s26, s11, $0xb8;
	[tilespmem:$0x14800] =	vst v63  }
0x7f: {  	s28 =	simm.s32 $0x200  }
0x80: {  	[tilespmem:s16], [sflag:$0x5] =	stream.indirect.gather [hbm4b:s1+s11], $0x80, s28, s11, $0xb8;
	[tilespmem:$0x14800] =	vst v63  }
0x81: {  	_ =	swait.ge [sflag:s17], $0x2800  }
0x82: {  	[sflag:s17] =	ssyncset.done $0x0  }
0x83: {  	s29 =	sadd.s32 $0x0, s8;
	[sflag:s17] =	ssyncadd.s32 $0xFFFFD800  }
0x84: {  	[hbm4b:s29+s3] =	stream.linear.scatter [tilespmem:s12], [sflag:$0x6], $0x2800, $0x38;
	[tilespmem:$0x14800] =	vst v63  }
0x85: {  	_ =	swait.ge [sflag:s10], $0x2800  }
0x86: {  	[sflag:s10] =	ssyncset.done $0x0  }
0x87: {  	[sflag:s10] =	ssyncadd.s32 $0xFFFFD800  }
0x88: {  	_ =	swait.ge [sflag:s18], $0x2800  }
0x89: {  	[sflag:s18] =	ssyncset.done $0x0  }
0x8a: {  	s25 =	sadd.s32 $0x500, s29;
	[sflag:s18] =	ssyncadd.s32 $0xFFFFD800  }
0x8b: {  	[hbm4b:s25+s3] =	stream.linear.scatter [tilespmem:s13], [sflag:$0x6], $0x2800, $0x38;
	[tilespmem:$0x14800] =	vst v63  }
0x8c: {  	_ =	swait.ge [sflag:s10], $0x2800  }
0x8d: {  	[sflag:s10] =	ssyncset.done $0x0  }
0x8e: {  	[sflag:s10] =	ssyncadd.s32 $0xFFFFD800  }
0x8f: {  	_ =	swait.ge [sflag:s19], $0x2800  }
0x90: {  	[sflag:s19] =	ssyncset.done $0x0  }
0x91: {  	s30 =	sadd.s32 $0xA00, s29;
	[sflag:s19] =	ssyncadd.s32 $0xFFFFD800  }
0x92: {  	[hbm4b:s30+s3] =	stream.linear.scatter [tilespmem:s14], [sflag:$0x6], $0x2800, $0x38;
	[tilespmem:$0x14800] =	vst v63  }
0x93: {  	_ =	swait.ge [sflag:s10], $0x2800  }
0x94: {  	[sflag:s10] =	ssyncset.done $0x0  }
0x95: {  	[sflag:s10] =	ssyncadd.s32 $0xFFFFD800  }
0x96: {  	_ =	swait.ge [sflag:s20], $0x2800  }
0x97: {  	[sflag:s20] =	ssyncset.done $0x0  }
0x98: {  	s31 =	sadd.s32 $0xF00, s29;
	[sflag:s20] =	ssyncadd.s32 $0xFFFFD800  }
0x99: {  	[hbm4b:s31+s3] =	stream.linear.scatter [tilespmem:s15], [sflag:$0x6], $0x2800, $0x38;
	[tilespmem:$0x14800] =	vst v63  }
0x9a: {  	_ =	swait.ge [sflag:s10], $0x2800  }
0x9b: {  	[sflag:s10] =	ssyncset.done $0x0  }
0x9c: {  	[sflag:s10] =	ssyncadd.s32 $0xFFFFD800  }
0x9d: {  	_ =	swait.ge [sflag:s21], $0x2800  }
0x9e: {  	[sflag:s21] =	ssyncset.done $0x0  }
0x9f: {  	s24 =	sadd.s32 $0x1400, s29;
	[sflag:s21] =	ssyncadd.s32 $0xFFFFD800  }
0xa0: {  	[hbm4b:s24+s3] =	stream.linear.scatter [tilespmem:s16], [sflag:$0x6], $0x2800, $0x38;
	[tilespmem:$0x14800] =	vst v63  }
0xa1: {  	_ =	swait.ge [sflag:s10], $0x2800  }
0xa2: {  	s24 =	simm.s32 $0x1900;
	[sflag:s10] =	ssyncset.done $0x0  }
.LBB2_3:
0xa3: {  	p1 =	seq.s32 s24, $0x4C900;
	[sflag:s10] =	ssyncadd.s32 $0xFFFFD800;
	s23 =	sadd.s32 $0x280, s23  }
0xa4: {  	[tilespmem:s12], [sflag:$0x1] =	stream.indirect.gather [hbm4b:s1+s11], $0x80, s23, s11, $0xb8;
	[tilespmem:$0x14800] =	vst v63  }
0xa5: {  	s26 =	smov.u32 s24;
	s24 =	sadd.s32 $0x1900, s24;
	s25 =	sadd.s32 $0x80, s23  }
0xa6: {  	[tilespmem:s13], [sflag:$0x2] =	stream.indirect.gather [hbm4b:s1+s11], $0x80, s25, s11, $0xb8;
	[tilespmem:$0x14800] =	vst v63  }
0xa7: {  	s25 =	sadd.s32 $0x100, s23  }
0xa8: {  	[tilespmem:s14], [sflag:$0x3] =	stream.indirect.gather [hbm4b:s1+s11], $0x80, s25, s11, $0xb8;
	[tilespmem:$0x14800] =	vst v63  }
0xa9: {  	s25 =	sadd.s32 $0x180, s23  }
0xaa: {  	[tilespmem:s15], [sflag:$0x4] =	stream.indirect.gather [hbm4b:s1+s11], $0x80, s25, s11, $0xb8;
	[tilespmem:$0x14800] =	vst v63  }
0xab: {  	s25 =	sadd.s32 $0x200, s23  }
0xac: {  	[tilespmem:s16], [sflag:$0x5] =	stream.indirect.gather [hbm4b:s1+s11], $0x80, s25, s11, $0xb8;
	[tilespmem:$0x14800] =	vst v63  }
0xad: {  	_ =	swait.ge [sflag:s17], $0x2800  }
0xae: {  	[sflag:s17] =	ssyncset.done $0x0  }
0xaf: {  	s25 =	sadd.s32 s26, s8;
	[sflag:s17] =	ssyncadd.s32 $0xFFFFD800  }
0xb0: {  	[hbm4b:s25+s3] =	stream.linear.scatter [tilespmem:s12], [sflag:$0x6], $0x2800, $0x38;
	[tilespmem:$0x14800] =	vst v63  }
0xb1: {  	_ =	swait.ge [sflag:s10], $0x2800  }
0xb2: {  	[sflag:s10] =	ssyncset.done $0x0  }
0xb3: {  	[sflag:s10] =	ssyncadd.s32 $0xFFFFD800  }
0xb4: {  	_ =	swait.ge [sflag:s18], $0x2800  }
0xb5: {  	[sflag:s18] =	ssyncset.done $0x0  }
0xb6: {  	s26 =	sadd.s32 $0x500, s25;
	[sflag:s18] =	ssyncadd.s32 $0xFFFFD800  }
0xb7: {  	[hbm4b:s26+s3] =	stream.linear.scatter [tilespmem:s13], [sflag:$0x6], $0x2800, $0x38;
	[tilespmem:$0x14800] =	vst v63  }
0xb8: {  	_ =	swait.ge [sflag:s10], $0x2800  }
0xb9: {  	[sflag:s10] =	ssyncset.done $0x0  }
0xba: {  	[sflag:s10] =	ssyncadd.s32 $0xFFFFD800  }
0xbb: {  	_ =	swait.ge [sflag:s19], $0x2800  }
0xbc: {  	[sflag:s19] =	ssyncset.done $0x0  }
0xbd: {  	s26 =	sadd.s32 $0xA00, s25;
	[sflag:s19] =	ssyncadd.s32 $0xFFFFD800  }
0xbe: {  	[hbm4b:s26+s3] =	stream.linear.scatter [tilespmem:s14], [sflag:$0x6], $0x2800, $0x38;
	[tilespmem:$0x14800] =	vst v63  }
0xbf: {  	_ =	swait.ge [sflag:s10], $0x2800  }
0xc0: {  	[sflag:s10] =	ssyncset.done $0x0  }
0xc1: {  	[sflag:s10] =	ssyncadd.s32 $0xFFFFD800  }
0xc2: {  	_ =	swait.ge [sflag:s20], $0x2800  }
0xc3: {  	[sflag:s20] =	ssyncset.done $0x0  }
0xc4: {  	s26 =	sadd.s32 $0xF00, s25;
	[sflag:s20] =	ssyncadd.s32 $0xFFFFD800  }
0xc5: {  	[hbm4b:s26+s3] =	stream.linear.scatter [tilespmem:s15], [sflag:$0x6], $0x2800, $0x38;
	[tilespmem:$0x14800] =	vst v63  }
0xc6: {  	_ =	swait.ge [sflag:s10], $0x2800  }
0xc7: {  	[sflag:s10] =	ssyncset.done $0x0  }
0xc8: {  	[sflag:s10] =	ssyncadd.s32 $0xFFFFD800  }
0xc9: {  	_ =	swait.ge [sflag:s21], $0x2800  }
.Ltmp5:
0xca: {  	[sflag:s21] =	ssyncset.done $0x0;
	(pc) =	sbr.rel @!p1 .LBB2_3-.Ltmp5, $4  }
0xcb: {  	s25 =	sadd.s32 $0x1400, s25;
	[sflag:s21] =	ssyncadd.s32 $0xFFFFD800  }
0xcc: {  	[hbm4b:s25+s3] =	stream.linear.scatter [tilespmem:s16], [sflag:$0x6], $0x2800, $0x38;
	[tilespmem:$0x14800] =	vst v63  }
0xcd: {  	_ =	swait.ge [sflag:s10], $0x2800  }
0xce: {  	[sflag:s10] =	ssyncset.done $0x0  }
.Ltmp6:
0xcf: {  	(pc) =	sbr.rel .LBB2_8-.Ltmp6, $2  }
0xd0: {  	_ =	sdelay $0x2  }
0xd1: {  	[sflag:s10] =	ssyncadd.s32 $0xFFFFD800  }
.LBB2_9:
0xd2: {  	_ =	sfence.sel $0x180000  }
0xd3: {  	[bflag:$0x0] =	sbarrier.arrive $0xFFFF  }
0xd4: {  	p0 =	sne.s32 s2, $0x0;
	_ =	strace $0x90000056  }
0xd5: {  	s0 =	sadd.s32 @!p0 $0x100000, s0;
	[bflag:$0x2] =	sbarrier.arrive $0xFFFF  }
0xd6: {  	[sflag:s0] =	ssyncadd.tile.s32 @!p0 $0x1;
	_ =	shalt  }
.Lfunc_end2:
_tile_overlayer_lowered:
.L_overlay_start_2:
0xd7: {  	(tag) =	ssettag $0x2  }
0xd8: {  	s0 =	rddreg [dreg:$0x0];
	s2 =	stileid.u32  }
0xd9: {  	s1 =	rddreg [dreg:$0x1];
	p0 =	sne.s32 s2, $0x0  }
0xda: {  	s3 =	rddreg [dreg:$0x2];
	[bflag:$0x3] =	sbarrier.arrive $0xFFFF;
	s2 =	simm.s32 @!p0 $0x1C06  }
0xdb: {  	[timem:s3], [sflag:s2] =	dma.local @!p0 [hbm:s0], s1  }
0xdc: {  	s0 =	simm.s32 @!p0 $0x6  }
0xdd: {  	_ =	swait.ge @!p0 [sflag:s0], s1  }
0xde: {  	s1 =	ssub.s32 @!p0 $0x0, s1;
	[sflag:s0] =	ssyncset.done @!p0 $0x0  }
0xdf: {  	[sflag:s0] =	ssyncadd.s32 @!p0 s1  }
0xe0: {  	[bflag:$0x3] =	sbarrier.arrive $0xFFFF  }
0xe1: {  	_ =	shalt  }

</sc_bundles>
